<compile_context>
chip_gen: v7x
topology: tpu7x:2x2x1
jax: 0.10.2.dev20260603
libtpu: 0.0.44.dev20260713+nightly
codegen_flags: <defaults>
</compile_context>

<pallas_src>
import functools

import jax
import jax.numpy as jnp
from jax import lax
from jax.experimental import pallas as pl
from jax.experimental.pallas import tpu as pltpu
from jax.experimental.pallas import tpu_sc as plsc

NUM_CHARS = 96
MAXW = 11
MAXL = MAXW + 1
BSZ, SEQ, NUM_WORDS = 4, 8, 1024
NBS = BSZ * SEQ
NWORKERS = 32
WPW = NUM_WORDS // NWORKERS
LANES = 16
GROUPS = WPW // LANES
D = MAXW + 2
RS = D * LANES


def _dl_body(x_hbm, wt_hbm, wl_hbm, out_hbm, x_v, wt_v, wl_v, swl_v, dtab0,
             dtab1, res_v):
    wid = lax.axis_index("s") * 2 + lax.axis_index("c")
    pltpu.sync_copy(x_hbm, x_v.at[pl.ds(0, NBS * MAXL)])
    pltpu.sync_copy(wt_hbm.at[pl.ds(wid * WPW * MAXW, WPW * MAXW)], wt_v)
    pltpu.sync_copy(wl_hbm.at[pl.ds(wid * WPW, WPW)], wl_v)
    lanes = lax.broadcasted_iota(jnp.int32, (LANES,), 0)
    zi = jnp.zeros((LANES,), jnp.int32)
    lanesj = [lanes + LANES * j for j in range(MAXL)]
    mask12 = lanes < jnp.int32(MAXL)
    dtabs = (dtab0, dtab1)

    for bs in range(NBS):
        xvecf = jnp.where(mask12,
                          x_v[pl.ds(bs * MAXL, LANES)].astype(jnp.float32),
                          jnp.float32(-1))
        m = jnp.max(xvecf)
        swl_v[bs, :] = plsc.all_reduce_ffs(xvecf == jnp.full((LANES,), m))

    big = jnp.full((LANES,), 1e9, jnp.float32)
    mtwo = jnp.full((LANES,), -2.0, jnp.float32)
    wl_g, wlf_g, outl_g, wchf_g = [], [], [], []
    for g in range(GROUPS):
        dt_g = dtabs[g]
        goff = g * LANES
        wl_vec = wl_v[pl.ds(goff, LANES)]
        wl_g.append(wl_vec)
        wlf_g.append(wl_vec.astype(jnp.float32))
        outl_g.append((wl_vec + 1) * LANES + lanes)
        wchf_g.append((lanes + goff) * MAXW)
        for r in range(D):
            dt_g[pl.ds(r * RS, LANES)] = big
        for c in range(1, D):
            dt_g[pl.ds(c * LANES, LANES)] = big
        for r in range(1, D):
            dt_g[pl.ds(r * RS + LANES, LANES)] = mtwo
        for c in range(2, D):
            dt_g[pl.ds(RS + c * LANES, LANES)] = jnp.where(
                c - 1 <= wl_vec, jnp.float32(-2), jnp.float32(-(c + 1)))

    def task_body(bs, carry):
        swl_vec = swl_v[bs, :]
        swl_s = swl_vec[0]
        swlf = swl_vec.astype(jnp.float32)
        xbase = bs * MAXL - 1

        def row_body(i, kd):
            kd0 = list(kd[0])
            kd1 = list(kd[1])
            xcv = plsc.load_gather(x_v, [jnp.full((LANES,), xbase + i)])
            row = i * RS
            idv = jnp.full((LANES,), row)
            prev0 = mtwo
            prev1 = mtwo
            topleft0 = mtwo
            topleft1 = mtwo
            dbil0 = lanes
            dbil1 = lanes
            for j in range(1, MAXL):
                jv = jnp.full((LANES,), j - 1)
                wch0 = plsc.load_gather(wt_v, [wchf_g[0] + jv])
                wch1 = plsc.load_gather(wt_v, [wchf_g[1] + jv])
                top0 = dtab0[pl.ds(row + (j + 1) * LANES, LANES)]
                top1 = dtab1[pl.ds(row + (j + 1) * LANES, LANES)]
                meq0 = wch0 == xcv
                meq1 = wch1 == xcv
                dt0 = plsc.load_gather(dtab0, [kd0[j] + dbil0])
                dt1 = plsc.load_gather(dtab1, [kd1[j] + dbil1])
                c30 = topleft0 + jnp.where(meq0, jnp.float32(-2),
                                           jnp.float32(-1))
                c31 = topleft1 + jnp.where(meq1, jnp.float32(-2),
                                           jnp.float32(-1))
                val0 = jnp.minimum(jnp.minimum(jnp.minimum(top0, c30),
                                               dt0 - 3.0), prev0)
                val1 = jnp.minimum(jnp.minimum(jnp.minimum(top1, c31),
                                               dt1 - 3.0), prev1)
                dtab0[pl.ds(row + RS + (j + 1) * LANES, LANES)] = val0
                dtab1[pl.ds(row + RS + (j + 1) * LANES, LANES)] = val1
                kd0[j] = jnp.where(meq0, idv, kd0[j])
                kd1[j] = jnp.where(meq1, idv, kd1[j])
                dbil0 = jnp.where(meq0, lanesj[j], dbil0)
                dbil1 = jnp.where(meq1, lanesj[j], dbil1)
                prev0 = val0
                prev1 = val1
                topleft0 = top0
                topleft1 = top1
            return (tuple(kd0), tuple(kd1))

        lax.fori_loop(1, swl_s + 1, row_body,
                      (tuple([zi] * MAXL), tuple([zi] * MAXL)))

        out0 = plsc.load_gather(dtab0, [(swl_vec + 1) * RS + outl_g[0]])
        out1 = plsc.load_gather(dtab1, [(swl_vec + 1) * RS + outl_g[1]])
        b = bs // SEQ
        s = bs - b * SEQ
        res_v[b, s, pl.ds(0, LANES)] = out0 + wlf_g[0] + swlf + 2.0
        res_v[b, s, pl.ds(LANES, LANES)] = out1 + wlf_g[1] + swlf + 2.0
        return carry

    lax.fori_loop(0, NBS, task_body, 0)

    pltpu.sync_copy(res_v, out_hbm.at[:, :, pl.ds(wid * WPW, WPW)])


@functools.lru_cache(maxsize=1)
def _build():
    mesh = plsc.VectorSubcoreMesh(
        core_axis_name="c", subcore_axis_name="s", num_cores=2, num_subcores=16)
    return pl.kernel(
        _dl_body,
        out_type=jax.ShapeDtypeStruct((BSZ, SEQ, NUM_WORDS), jnp.float32),
        mesh=mesh,
        scratch_types=[
            pltpu.VMEM((NBS * MAXL + LANES,), jnp.int32),
            pltpu.VMEM((WPW * MAXW,), jnp.int32),
            pltpu.VMEM((WPW,), jnp.int32),
            pltpu.VMEM((NBS, LANES), jnp.int32),
            pltpu.VMEM((D * D * LANES,), jnp.float32),
            pltpu.VMEM((D * D * LANES,), jnp.float32),
            pltpu.VMEM((BSZ, SEQ, WPW), jnp.float32),
        ],
        compiler_params=pltpu.CompilerParams(
            needs_layout_passes=False, use_tc_tiling_on_sc=False),
    )


def kernel(x, words, word_lengths):
    return _build()(x.reshape(-1), words.reshape(-1), word_lengths)

# --- scband reference (transcript-rebuilt; emitter-appended) ---
"""Pipeline reference for scband-damerau-levenshtein-68616397521353 (READ-ONLY COPY).

The authoritative reference and input builder live on the scoring server;
editing this copy changes nothing except your own understanding.
"""

import jax, jax.numpy as jnp
import numpy as np

NUM_CHARS = 96
MAXW = 11
BSZ, SEQ, NUM_WORDS = 4, 8, 1024


def setup_inputs(seed: int = 0):
    key = jax.random.key(seed)
    k1, k2, k3 = jax.random.split(key, 3)
    x = jax.random.randint(k1, (BSZ, SEQ, MAXW + 1), 0, NUM_CHARS + 1, dtype=jnp.int32)
    words = jax.random.randint(k2, (NUM_WORDS, MAXW), 0, NUM_CHARS + 1, dtype=jnp.int32)
    word_lengths = jax.random.randint(k3, (NUM_WORDS,), 1, MAXW + 1, dtype=jnp.int32)
    word_lengths = word_lengths.at[0].set(MAXW)  # guarantee max(word_lengths) == MAXW so the assert holds
    return {"x": x, "words": words, "word_lengths": word_lengths}


def _forward(x, words, word_lengths):
    num_chars = NUM_CHARS
    num_words = words.shape[0]
    bsz, seq, max_len = x.shape
    maxw = MAXW
    assert max_len - 1 == maxw, "Size of the character paddings don't match"
    # word_lengths_arranged (precomputed in __init__ of the torch module)
    ir = jnp.arange(maxw + 1)
    wla = jnp.where(ir[None, :] < (word_lengths[:, None] + 1), ir[None, :], 0).astype(jnp.float32)
    # torch: m, sequence_word_lengths = x.max(dim=-1)  -> argmax indices
    swl = jnp.argmax(x, axis=-1)
    da = jnp.zeros((bsz, seq, num_chars + 2), jnp.float32)
    d = jnp.zeros((bsz, seq, num_words, maxw + 2, maxw + 2), jnp.float32)
    max_dist = (swl[:, :, None] + word_lengths[None, None, :]).astype(jnp.float32)
    d = d.at[:, :, :, 1, 1:].set(jnp.broadcast_to(wla[None, None], (bsz, seq, num_words, maxw + 1)))
    jr = jnp.arange(max_len)
    sqa = jnp.where(jr[None, None, :] < (swl[:, :, None] + 1), jr[None, None, :], 0).astype(jnp.float32)
    d = d.at[:, :, :, 1:, 1].set(jnp.broadcast_to(sqa[:, :, None, :], (bsz, seq, num_words, maxw + 1)))
    d = d.at[:, :, :, 0, :].set(jnp.broadcast_to(max_dist[..., None], (bsz, seq, num_words, maxw + 2)))
    d = d.at[:, :, :, :, 0].set(jnp.broadcast_to(max_dist[..., None], (bsz, seq, num_words, maxw + 2)))
    bi = jnp.arange(bsz)[:, None]
    si = jnp.arange(seq)[None, :]
    for i in range(1, max_len):
        db = jnp.zeros((bsz, seq, num_words), jnp.int32)
        for j in range(1, max_len):
            wchar = words[:, j - 1]
            k = da[:, :, wchar]  # gather of da by word character, (bsz, seq, num_words)
            k_idx = k.astype(jnp.int32)
            l = db
            tmp = jnp.take_along_axis(d, jnp.broadcast_to(db[:, :, :, None, None], (bsz, seq, num_words, maxw + 2, 1)), axis=4)[..., 0]
            dt = jnp.take_along_axis(tmp, k_idx[:, :, :, None], axis=3)[..., 0]
            cost = (x[:, :, i - 1][:, :, None] != wchar[None, None, :]).astype(jnp.float32)
            db = jnp.where(cost == 0, jnp.int32(j), db)
            c1 = d[:, :, :, i, j + 1] + 1.0
            c2 = d[:, :, :, i + 1, j] + 1.0
            c3 = d[:, :, :, i, j] + cost
            c4 = dt + (i - k - 1.0) + 1.0 + (j - l.astype(jnp.float32) - 1.0)
            d = d.at[:, :, :, i + 1, j + 1].set(jnp.minimum(jnp.minimum(c1, c2), jnp.minimum(c3, c4)))
        da = da.at[bi, si, x[:, :, i - 1]].set(float(i))  # scatter-overwrite
    widx = jnp.broadcast_to((word_lengths + 1).reshape(1, 1, num_words, 1, 1), (bsz, seq, num_words, maxw + 2, 1))
    lev = jnp.take_along_axis(d, widx, axis=4)[..., 0]
    sidx = jnp.broadcast_to((swl + 1).reshape(bsz, seq, 1, 1), (bsz, seq, num_words, 1))
    lev = jnp.take_along_axis(lev, sidx, axis=3)[..., 0]
    return lev


def reference(x, words, word_lengths):
    return _forward(x, words, word_lengths)

if __name__ == "__main__":
    import jax
    _d = setup_inputs()
    print(jax.jit(kernel)(*tuple(_d.values())))

</pallas_src>

<mosaic_0001>
#map = affine_map<(d0, d1) -> (0)>
#map1 = affine_map<(d0, d1) -> (0, 0, 0)>
module attributes {stable_mosaic.version = 14 : i64} {
  func.func @_dl_body(%arg0: i32, %arg1: i32, %arg2: memref<384xi32, #tpu.memory_space<hbm>>, %arg3: memref<11264xi32, #tpu.memory_space<hbm>>, %arg4: memref<1024xi32, #tpu.memory_space<hbm>>, %arg5: memref<4x8x1024xf32, #tpu.memory_space<hbm>>, %arg6: memref<400xi32, #tpu.memory_space<vmem>>, %arg7: memref<352xi32, #tpu.memory_space<vmem>>, %arg8: memref<32xi32, #tpu.memory_space<vmem>>, %arg9: memref<32x16xi32, #tpu.memory_space<vmem>>, %arg10: memref<2704xf32, #tpu.memory_space<vmem>>, %arg11: memref<2704xf32, #tpu.memory_space<vmem>>, %arg12: memref<4x8x32xf32, #tpu.memory_space<vmem>>) attributes {dimension_semantics = [#tpu.dimension_semantics<core_parallel>, #tpu.dimension_semantics<subcore_parallel>], iteration_bounds = array<i64: 2, 16>, scalar_prefetch = 0 : i64, scratch_operands = 7 : i64, tpu.core_type = #tpu.core_type<sc_vector_subcore>, window_params = [{transform_indices = #map}, {transform_indices = #map}, {transform_indices = #map}, {transform_indices = #map1}]} {
    %mul3A = arith.constant 2 : i32
    %mul3A_0 = arith.muli %arg1, %mul3A : i32
    %add3A = arith.addi %mul3A_0, %arg0 : i32
    "tpu.region"() ({
      %run_scoped3A = tpu.sem_alloc : memref<!tpu.dma_semaphore, #tpu.memory_space<semaphore_mem>>
      %dma_start3A = arith.constant 0 : i32
      %dma_start3A_992 = tpu.memref_slice %arg6[%dma_start3A] : memref<400xi32, #tpu.memory_space<vmem>> -> memref<384xi32, #tpu.memory_space<vmem>>
      %dma_start3A_993 = arith.constant 0 : i32
      %dma_start3A_994 = tpu.memref_slice %arg6[%dma_start3A_993] : memref<400xi32, #tpu.memory_space<vmem>> -> memref<384xi32, #tpu.memory_space<vmem>>
      tpu.enqueue_dma source(%arg2 : memref<384xi32, #tpu.memory_space<hbm>>) target(%dma_start3A_994 : memref<384xi32, #tpu.memory_space<vmem>>) target_semaphore(%run_scoped3A : memref<!tpu.dma_semaphore, #tpu.memory_space<semaphore_mem>>)
      %dma_wait3A = arith.constant 0 : i32
      %dma_wait3A_995 = tpu.memref_slice %arg6[%dma_wait3A] : memref<400xi32, #tpu.memory_space<vmem>> -> memref<384xi32, #tpu.memory_space<vmem>>
      %dma_wait3A_996 = arith.constant 0 : i32
      %dma_wait3A_997 = tpu.memref_slice %arg6[%dma_wait3A_996] : memref<400xi32, #tpu.memory_space<vmem>> -> memref<384xi32, #tpu.memory_space<vmem>>
      tpu.wait_dma2 semaphore(%run_scoped3A : memref<!tpu.dma_semaphore, #tpu.memory_space<semaphore_mem>>) src(%arg2 : memref<384xi32, #tpu.memory_space<hbm>>) dst(%dma_wait3A_997 : memref<384xi32, #tpu.memory_space<vmem>>)
      tpu.yield
    }) : () -> ()
    %mul3A_1 = arith.constant 32 : i32
    %mul3A_2 = arith.muli %add3A, %mul3A_1 : i32
    %mul3A_3 = arith.constant 11 : i32
    %mul3A_4 = arith.muli %mul3A_2, %mul3A_3 : i32
    "tpu.region"() ({
      %run_scoped3A = tpu.sem_alloc : memref<!tpu.dma_semaphore, #tpu.memory_space<semaphore_mem>>
      %dma_start3A = tpu.memref_slice %arg3[%mul3A_4] : memref<11264xi32, #tpu.memory_space<hbm>> -> memref<352xi32, #tpu.memory_space<hbm>>
      %dma_start3A_992 = tpu.memref_slice %arg3[%mul3A_4] : memref<11264xi32, #tpu.memory_space<hbm>> -> memref<352xi32, #tpu.memory_space<hbm>>
      tpu.enqueue_dma source(%dma_start3A_992 : memref<352xi32, #tpu.memory_space<hbm>>) target(%arg7 : memref<352xi32, #tpu.memory_space<vmem>>) target_semaphore(%run_scoped3A : memref<!tpu.dma_semaphore, #tpu.memory_space<semaphore_mem>>)
      %dma_wait3A = tpu.memref_slice %arg3[%mul3A_4] : memref<11264xi32, #tpu.memory_space<hbm>> -> memref<352xi32, #tpu.memory_space<hbm>>
      %dma_wait3A_993 = tpu.memref_slice %arg3[%mul3A_4] : memref<11264xi32, #tpu.memory_space<hbm>> -> memref<352xi32, #tpu.memory_space<hbm>>
      tpu.wait_dma2 semaphore(%run_scoped3A : memref<!tpu.dma_semaphore, #tpu.memory_space<semaphore_mem>>) src(%dma_wait3A_993 : memref<352xi32, #tpu.memory_space<hbm>>) dst(%arg7 : memref<352xi32, #tpu.memory_space<vmem>>)
      tpu.yield
    }) : () -> ()
    %mul3A_5 = arith.constant 32 : i32
    %mul3A_6 = arith.muli %add3A, %mul3A_5 : i32
    "tpu.region"() ({
      %run_scoped3A = tpu.sem_alloc : memref<!tpu.dma_semaphore, #tpu.memory_space<semaphore_mem>>
      %dma_start3A = tpu.memref_slice %arg4[%mul3A_6] : memref<1024xi32, #tpu.memory_space<hbm>> -> memref<32xi32, #tpu.memory_space<hbm>>
      %dma_start3A_992 = tpu.memref_slice %arg4[%mul3A_6] : memref<1024xi32, #tpu.memory_space<hbm>> -> memref<32xi32, #tpu.memory_space<hbm>>
      tpu.enqueue_dma source(%dma_start3A_992 : memref<32xi32, #tpu.memory_space<hbm>>) target(%arg8 : memref<32xi32, #tpu.memory_space<vmem>>) target_semaphore(%run_scoped3A : memref<!tpu.dma_semaphore, #tpu.memory_space<semaphore_mem>>)
      %dma_wait3A = tpu.memref_slice %arg4[%mul3A_6] : memref<1024xi32, #tpu.memory_space<hbm>> -> memref<32xi32, #tpu.memory_space<hbm>>
      %dma_wait3A_993 = tpu.memref_slice %arg4[%mul3A_6] : memref<1024xi32, #tpu.memory_space<hbm>> -> memref<32xi32, #tpu.memory_space<hbm>>
      tpu.wait_dma2 semaphore(%run_scoped3A : memref<!tpu.dma_semaphore, #tpu.memory_space<semaphore_mem>>) src(%dma_wait3A_993 : memref<32xi32, #tpu.memory_space<hbm>>) dst(%arg8 : memref<32xi32, #tpu.memory_space<vmem>>)
      tpu.yield
    }) : () -> ()
    %iota3A = tpu.iota {dimensions = array<i32: 0>} : vector<16xi32>
    %broadcast_in_dim3A = arith.constant 0 : i32
    %broadcast_in_dim3A_7 = vector.broadcast %broadcast_in_dim3A : i32 to vector<16xi32>
    %add3A_8 = arith.constant 0 : i32
    %add3A_9 = vector.broadcast %add3A_8 : i32 to vector<16xi32>
    %add3A_10 = arith.addi %iota3A, %add3A_9 : vector<16xi32>
    %add3A_11 = arith.constant 16 : i32
    %add3A_12 = vector.broadcast %add3A_11 : i32 to vector<16xi32>
    %add3A_13 = arith.addi %iota3A, %add3A_12 : vector<16xi32>
    %add3A_14 = arith.constant 32 : i32
    %add3A_15 = vector.broadcast %add3A_14 : i32 to vector<16xi32>
    %add3A_16 = arith.addi %iota3A, %add3A_15 : vector<16xi32>
    %add3A_17 = arith.constant 48 : i32
    %add3A_18 = vector.broadcast %add3A_17 : i32 to vector<16xi32>
    %add3A_19 = arith.addi %iota3A, %add3A_18 : vector<16xi32>
    %add3A_20 = arith.constant 64 : i32
    %add3A_21 = vector.broadcast %add3A_20 : i32 to vector<16xi32>
    %add3A_22 = arith.addi %iota3A, %add3A_21 : vector<16xi32>
    %add3A_23 = arith.constant 80 : i32
    %add3A_24 = vector.broadcast %add3A_23 : i32 to vector<16xi32>
    %add3A_25 = arith.addi %iota3A, %add3A_24 : vector<16xi32>
    %add3A_26 = arith.constant 96 : i32
    %add3A_27 = vector.broadcast %add3A_26 : i32 to vector<16xi32>
    %add3A_28 = arith.addi %iota3A, %add3A_27 : vector<16xi32>
    %add3A_29 = arith.constant 112 : i32
    %add3A_30 = vector.broadcast %add3A_29 : i32 to vector<16xi32>
    %add3A_31 = arith.addi %iota3A, %add3A_30 : vector<16xi32>
    %add3A_32 = arith.constant 128 : i32
    %add3A_33 = vector.broadcast %add3A_32 : i32 to vector<16xi32>
    %add3A_34 = arith.addi %iota3A, %add3A_33 : vector<16xi32>
    %add3A_35 = arith.constant 144 : i32
    %add3A_36 = vector.broadcast %add3A_35 : i32 to vector<16xi32>
    %add3A_37 = arith.addi %iota3A, %add3A_36 : vector<16xi32>
    %add3A_38 = arith.constant 160 : i32
    %add3A_39 = vector.broadcast %add3A_38 : i32 to vector<16xi32>
    %add3A_40 = arith.addi %iota3A, %add3A_39 : vector<16xi32>
    %add3A_41 = arith.constant 176 : i32
    %add3A_42 = vector.broadcast %add3A_41 : i32 to vector<16xi32>
    %add3A_43 = arith.addi %iota3A, %add3A_42 : vector<16xi32>
    %lt3A = arith.constant 12 : i32
    %lt3A_44 = vector.broadcast %lt3A : i32 to vector<16xi32>
    %lt3A_45 = arith.cmpi slt, %iota3A, %lt3A_44 : vector<16xi32>
    %get3A = arith.constant 0 : index
    %get3A_46 = tpu.vector_load %arg6[%get3A] {strides = array<i32>} : memref<400xi32, #tpu.memory_space<vmem>>, vector<16xi32>,
    %convert_element_type3A = arith.sitofp %get3A_46 : vector<16xi32> to vector<16xf32>
    %jit3A = arith.constant -1.000000e+00 : f32
    %broadcast_in_dim3A_47 = vector.broadcast %jit3A : f32 to vector<16xf32>
    %select_n3A = arith.select %lt3A_45, %convert_element_type3A, %broadcast_in_dim3A_47 : vector<16xi1>, vector<16xf32>
    %reduce_max3A = arith.constant true
    %reduce_max3A_48 = vector.broadcast %reduce_max3A : i1 to vector<16xi1>
    %reduce_max3A_49 = tpu.scan <max>, %select_n3A masked %reduce_max3A_48 : vector<16xf32>, vector<16xi1> -> vector<16xf32>
    %reduce_max3A_50 = vector.extract %reduce_max3A_49[15] : f32 from vector<16xf32>
    %broadcast_in_dim3A_51 = vector.broadcast %reduce_max3A_50 : f32 to vector<16xf32>
    %eq3A = arith.cmpf oeq, %select_n3A, %broadcast_in_dim3A_51 : vector<16xf32>
    %all_reduce_ffs3A = tpu.all_reduce %eq3A {dim = 0 : i64, kind = #tpu.reduction_kind<find_first_set>} : vector<16xi1> -> vector<16xi32>
    %swap3A = arith.constant 0 : i32
    %swap3A_52 = arith.index_cast %swap3A : i32 to index
    %swap3A_53 = arith.constant 0 : index
    %swap3A_54 = tpu.vector_load %arg9[%swap3A_52, %swap3A_53] {strides = array<i32>} : memref<32x16xi32, #tpu.memory_space<vmem>>, vector<16xi32>,
    tpu.vector_store %arg9[%swap3A_52, %swap3A_53], %all_reduce_ffs3A {strides = array<i32>} : memref<32x16xi32, #tpu.memory_space<vmem>>, vector<16xi32>,
    %get3A_55 = arith.constant 12 : index
    %get3A_56 = tpu.vector_load %arg6[%get3A_55] {strides = array<i32>} : memref<400xi32, #tpu.memory_space<vmem>>, vector<16xi32>,
    %convert_element_type3A_57 = arith.sitofp %get3A_56 : vector<16xi32> to vector<16xf32>
    %jit3A_58 = arith.constant -1.000000e+00 : f32
    %broadcast_in_dim3A_59 = vector.broadcast %jit3A_58 : f32 to vector<16xf32>
    %select_n3A_60 = arith.select %lt3A_45, %convert_element_type3A_57, %broadcast_in_dim3A_59 : vector<16xi1>, vector<16xf32>
    %reduce_max3A_61 = arith.constant true
    %reduce_max3A_62 = vector.broadcast %reduce_max3A_61 : i1 to vector<16xi1>
    %reduce_max3A_63 = tpu.scan <max>, %select_n3A_60 masked %reduce_max3A_62 : vector<16xf32>, vector<16xi1> -> vector<16xf32>
    %reduce_max3A_64 = vector.extract %reduce_max3A_63[15] : f32 from vector<16xf32>
    %broadcast_in_dim3A_65 = vector.broadcast %reduce_max3A_64 : f32 to vector<16xf32>
    %eq3A_66 = arith.cmpf oeq, %select_n3A_60, %broadcast_in_dim3A_65 : vector<16xf32>
    %all_reduce_ffs3A_67 = tpu.all_reduce %eq3A_66 {dim = 0 : i64, kind = #tpu.reduction_kind<find_first_set>} : vector<16xi1> -> vector<16xi32>
    %swap3A_68 = arith.constant 1 : i32
    %swap3A_69 = arith.index_cast %swap3A_68 : i32 to index
    %swap3A_70 = arith.constant 0 : index
    %swap3A_71 = tpu.vector_load %arg9[%swap3A_69, %swap3A_70] {strides = array<i32>} : memref<32x16xi32, #tpu.memory_space<vmem>>, vector<16xi32>,
    tpu.vector_store %arg9[%swap3A_69, %swap3A_70], %all_reduce_ffs3A_67 {strides = array<i32>} : memref<32x16xi32, #tpu.memory_space<vmem>>, vector<16xi32>,
    %get3A_72 = arith.constant 24 : index
    %get3A_73 = tpu.vector_load %arg6[%get3A_72] {strides = array<i32>} : memref<400xi32, #tpu.memory_space<vmem>>, vector<16xi32>,
    %convert_element_type3A_74 = arith.sitofp %get3A_73 : vector<16xi32> to vector<16xf32>
    %jit3A_75 = arith.constant -1.000000e+00 : f32
    %broadcast_in_dim3A_76 = vector.broadcast %jit3A_75 : f32 to vector<16xf32>
    %select_n3A_77 = arith.select %lt3A_45, %convert_element_type3A_74, %broadcast_in_dim3A_76 : vector<16xi1>, vector<16xf32>
    %reduce_max3A_78 = arith.constant true
    %reduce_max3A_79 = vector.broadcast %reduce_max3A_78 : i1 to vector<16xi1>
    %reduce_max3A_80 = tpu.scan <max>, %select_n3A_77 masked %reduce_max3A_79 : vector<16xf32>, vector<16xi1> -> vector<16xf32>
    %reduce_max3A_81 = vector.extract %reduce_max3A_80[15] : f32 from vector<16xf32>
    %broadcast_in_dim3A_82 = vector.broadcast %reduce_max3A_81 : f32 to vector<16xf32>
    %eq3A_83 = arith.cmpf oeq, %select_n3A_77, %broadcast_in_dim3A_82 : vector<16xf32>
    %all_reduce_ffs3A_84 = tpu.all_reduce %eq3A_83 {dim = 0 : i64, kind = #tpu.reduction_kind<find_first_set>} : vector<16xi1> -> vector<16xi32>
    %swap3A_85 = arith.constant 2 : i32
    %swap3A_86 = arith.index_cast %swap3A_85 : i32 to index
    %swap3A_87 = arith.constant 0 : index
    %swap3A_88 = tpu.vector_load %arg9[%swap3A_86, %swap3A_87] {strides = array<i32>} : memref<32x16xi32, #tpu.memory_space<vmem>>, vector<16xi32>,
    tpu.vector_store %arg9[%swap3A_86, %swap3A_87], %all_reduce_ffs3A_84 {strides = array<i32>} : memref<32x16xi32, #tpu.memory_space<vmem>>, vector<16xi32>,
    %get3A_89 = arith.constant 36 : index
    %get3A_90 = tpu.vector_load %arg6[%get3A_89] {strides = array<i32>} : memref<400xi32, #tpu.memory_space<vmem>>, vector<16xi32>,
    %convert_element_type3A_91 = arith.sitofp %get3A_90 : vector<16xi32> to vector<16xf32>
    %jit3A_92 = arith.constant -1.000000e+00 : f32
    %broadcast_in_dim3A_93 = vector.broadcast %jit3A_92 : f32 to vector<16xf32>
    %select_n3A_94 = arith.select %lt3A_45, %convert_element_type3A_91, %broadcast_in_dim3A_93 : vector<16xi1>, vector<16xf32>
    %reduce_max3A_95 = arith.constant true
    %reduce_max3A_96 = vector.broadcast %reduce_max3A_95 : i1 to vector<16xi1>
    %reduce_max3A_97 = tpu.scan <max>, %select_n3A_94 masked %reduce_max3A_96 : vector<16xf32>, vector<16xi1> -> vector<16xf32>
    %reduce_max3A_98 = vector.extract %reduce_max3A_97[15] : f32 from vector<16xf32>
    %broadcast_in_dim3A_99 = vector.broadcast %reduce_max3A_98 : f32 to vector<16xf32>
    %eq3A_100 = arith.cmpf oeq, %select_n3A_94, %broadcast_in_dim3A_99 : vector<16xf32>
    %all_reduce_ffs3A_101 = tpu.all_reduce %eq3A_100 {dim = 0 : i64, kind = #tpu.reduction_kind<find_first_set>} : vector<16xi1> -> vector<16xi32>
    %swap3A_102 = arith.constant 3 : i32
    %swap3A_103 = arith.index_cast %swap3A_102 : i32 to index
    %swap3A_104 = arith.constant 0 : index
    %swap3A_105 = tpu.vector_load %arg9[%swap3A_103, %swap3A_104] {strides = array<i32>} : memref<32x16xi32, #tpu.memory_space<vmem>>, vector<16xi32>,
    tpu.vector_store %arg9[%swap3A_103, %swap3A_104], %all_reduce_ffs3A_101 {strides = array<i32>} : memref<32x16xi32, #tpu.memory_space<vmem>>, vector<16xi32>,
    %get3A_106 = arith.constant 48 : index
    %get3A_107 = tpu.vector_load %arg6[%get3A_106] {strides = array<i32>} : memref<400xi32, #tpu.memory_space<vmem>>, vector<16xi32>,
    %convert_element_type3A_108 = arith.sitofp %get3A_107 : vector<16xi32> to vector<16xf32>
    %jit3A_109 = arith.constant -1.000000e+00 : f32
    %broadcast_in_dim3A_110 = vector.broadcast %jit3A_109 : f32 to vector<16xf32>
    %select_n3A_111 = arith.select %lt3A_45, %convert_element_type3A_108, %broadcast_in_dim3A_110 : vector<16xi1>, vector<16xf32>
    %reduce_max3A_112 = arith.constant true
    %reduce_max3A_113 = vector.broadcast %reduce_max3A_112 : i1 to vector<16xi1>
    %reduce_max3A_114 = tpu.scan <max>, %select_n3A_111 masked %reduce_max3A_113 : vector<16xf32>, vector<16xi1> -> vector<16xf32>
    %reduce_max3A_115 = vector.extract %reduce_max3A_114[15] : f32 from vector<16xf32>
    %broadcast_in_dim3A_116 = vector.broadcast %reduce_max3A_115 : f32 to vector<16xf32>
    %eq3A_117 = arith.cmpf oeq, %select_n3A_111, %broadcast_in_dim3A_116 : vector<16xf32>
    %all_reduce_ffs3A_118 = tpu.all_reduce %eq3A_117 {dim = 0 : i64, kind = #tpu.reduction_kind<find_first_set>} : vector<16xi1> -> vector<16xi32>
    %swap3A_119 = arith.constant 4 : i32
    %swap3A_120 = arith.index_cast %swap3A_119 : i32 to index
    %swap3A_121 = arith.constant 0 : index
    %swap3A_122 = tpu.vector_load %arg9[%swap3A_120, %swap3A_121] {strides = array<i32>} : memref<32x16xi32, #tpu.memory_space<vmem>>, vector<16xi32>,
    tpu.vector_store %arg9[%swap3A_120, %swap3A_121], %all_reduce_ffs3A_118 {strides = array<i32>} : memref<32x16xi32, #tpu.memory_space<vmem>>, vector<16xi32>,
    %get3A_123 = arith.constant 60 : index
    %get3A_124 = tpu.vector_load %arg6[%get3A_123] {strides = array<i32>} : memref<400xi32, #tpu.memory_space<vmem>>, vector<16xi32>,
    %convert_element_type3A_125 = arith.sitofp %get3A_124 : vector<16xi32> to vector<16xf32>
    %jit3A_126 = arith.constant -1.000000e+00 : f32
    %broadcast_in_dim3A_127 = vector.broadcast %jit3A_126 : f32 to vector<16xf32>
    %select_n3A_128 = arith.select %lt3A_45, %convert_element_type3A_125, %broadcast_in_dim3A_127 : vector<16xi1>, vector<16xf32>
    %reduce_max3A_129 = arith.constant true
    %reduce_max3A_130 = vector.broadcast %reduce_max3A_129 : i1 to vector<16xi1>
    %reduce_max3A_131 = tpu.scan <max>, %select_n3A_128 masked %reduce_max3A_130 : vector<16xf32>, vector<16xi1> -> vector<16xf32>
    %reduce_max3A_132 = vector.extract %reduce_max3A_131[15] : f32 from vector<16xf32>
    %broadcast_in_dim3A_133 = vector.broadcast %reduce_max3A_132 : f32 to vector<16xf32>
    %eq3A_134 = arith.cmpf oeq, %select_n3A_128, %broadcast_in_dim3A_133 : vector<16xf32>
    %all_reduce_ffs3A_135 = tpu.all_reduce %eq3A_134 {dim = 0 : i64, kind = #tpu.reduction_kind<find_first_set>} : vector<16xi1> -> vector<16xi32>
    %swap3A_136 = arith.constant 5 : i32
    %swap3A_137 = arith.index_cast %swap3A_136 : i32 to index
    %swap3A_138 = arith.constant 0 : index
    %swap3A_139 = tpu.vector_load %arg9[%swap3A_137, %swap3A_138] {strides = array<i32>} : memref<32x16xi32, #tpu.memory_space<vmem>>, vector<16xi32>,
    tpu.vector_store %arg9[%swap3A_137, %swap3A_138], %all_reduce_ffs3A_135 {strides = array<i32>} : memref<32x16xi32, #tpu.memory_space<vmem>>, vector<16xi32>,
    %get3A_140 = arith.constant 72 : index
    %get3A_141 = tpu.vector_load %arg6[%get3A_140] {strides = array<i32>} : memref<400xi32, #tpu.memory_space<vmem>>, vector<16xi32>,
    %convert_element_type3A_142 = arith.sitofp %get3A_141 : vector<16xi32> to vector<16xf32>
    %jit3A_143 = arith.constant -1.000000e+00 : f32
    %broadcast_in_dim3A_144 = vector.broadcast %jit3A_143 : f32 to vector<16xf32>
    %select_n3A_145 = arith.select %lt3A_45, %convert_element_type3A_142, %broadcast_in_dim3A_144 : vector<16xi1>, vector<16xf32>
    %reduce_max3A_146 = arith.constant true
    %reduce_max3A_147 = vector.broadcast %reduce_max3A_146 : i1 to vector<16xi1>
    %reduce_max3A_148 = tpu.scan <max>, %select_n3A_145 masked %reduce_max3A_147 : vector<16xf32>, vector<16xi1> -> vector<16xf32>
    %reduce_max3A_149 = vector.extract %reduce_max3A_148[15] : f32 from vector<16xf32>
    %broadcast_in_dim3A_150 = vector.broadcast %reduce_max3A_149 : f32 to vector<16xf32>
    %eq3A_151 = arith.cmpf oeq, %select_n3A_145, %broadcast_in_dim3A_150 : vector<16xf32>
    %all_reduce_ffs3A_152 = tpu.all_reduce %eq3A_151 {dim = 0 : i64, kind = #tpu.reduction_kind<find_first_set>} : vector<16xi1> -> vector<16xi32>
    %swap3A_153 = arith.constant 6 : i32
    %swap3A_154 = arith.index_cast %swap3A_153 : i32 to index
    %swap3A_155 = arith.constant 0 : index
    %swap3A_156 = tpu.vector_load %arg9[%swap3A_154, %swap3A_155] {strides = array<i32>} : memref<32x16xi32, #tpu.memory_space<vmem>>, vector<16xi32>,
    tpu.vector_store %arg9[%swap3A_154, %swap3A_155], %all_reduce_ffs3A_152 {strides = array<i32>} : memref<32x16xi32, #tpu.memory_space<vmem>>, vector<16xi32>,
    %get3A_157 = arith.constant 84 : index
    %get3A_158 = tpu.vector_load %arg6[%get3A_157] {strides = array<i32>} : memref<400xi32, #tpu.memory_space<vmem>>, vector<16xi32>,
    %convert_element_type3A_159 = arith.sitofp %get3A_158 : vector<16xi32> to vector<16xf32>
    %jit3A_160 = arith.constant -1.000000e+00 : f32
    %broadcast_in_dim3A_161 = vector.broadcast %jit3A_160 : f32 to vector<16xf32>
    %select_n3A_162 = arith.select %lt3A_45, %convert_element_type3A_159, %broadcast_in_dim3A_161 : vector<16xi1>, vector<16xf32>
    %reduce_max3A_163 = arith.constant true
    %reduce_max3A_164 = vector.broadcast %reduce_max3A_163 : i1 to vector<16xi1>
    %reduce_max3A_165 = tpu.scan <max>, %select_n3A_162 masked %reduce_max3A_164 : vector<16xf32>, vector<16xi1> -> vector<16xf32>
    %reduce_max3A_166 = vector.extract %reduce_max3A_165[15] : f32 from vector<16xf32>
    %broadcast_in_dim3A_167 = vector.broadcast %reduce_max3A_166 : f32 to vector<16xf32>
    %eq3A_168 = arith.cmpf oeq, %select_n3A_162, %broadcast_in_dim3A_167 : vector<16xf32>
    %all_reduce_ffs3A_169 = tpu.all_reduce %eq3A_168 {dim = 0 : i64, kind = #tpu.reduction_kind<find_first_set>} : vector<16xi1> -> vector<16xi32>
    %swap3A_170 = arith.constant 7 : i32
    %swap3A_171 = arith.index_cast %swap3A_170 : i32 to index
    %swap3A_172 = arith.constant 0 : index
    %swap3A_173 = tpu.vector_load %arg9[%swap3A_171, %swap3A_172] {strides = array<i32>} : memref<32x16xi32, #tpu.memory_space<vmem>>, vector<16xi32>,
    tpu.vector_store %arg9[%swap3A_171, %swap3A_172], %all_reduce_ffs3A_169 {strides = array<i32>} : memref<32x16xi32, #tpu.memory_space<vmem>>, vector<16xi32>,
    %get3A_174 = arith.constant 96 : index
    %get3A_175 = tpu.vector_load %arg6[%get3A_174] {strides = array<i32>} : memref<400xi32, #tpu.memory_space<vmem>>, vector<16xi32>,
    %convert_element_type3A_176 = arith.sitofp %get3A_175 : vector<16xi32> to vector<16xf32>
    %jit3A_177 = arith.constant -1.000000e+00 : f32
    %broadcast_in_dim3A_178 = vector.broadcast %jit3A_177 : f32 to vector<16xf32>
    %select_n3A_179 = arith.select %lt3A_45, %convert_element_type3A_176, %broadcast_in_dim3A_178 : vector<16xi1>, vector<16xf32>
    %reduce_max3A_180 = arith.constant true
    %reduce_max3A_181 = vector.broadcast %reduce_max3A_180 : i1 to vector<16xi1>
    %reduce_max3A_182 = tpu.scan <max>, %select_n3A_179 masked %reduce_max3A_181 : vector<16xf32>, vector<16xi1> -> vector<16xf32>
    %reduce_max3A_183 = vector.extract %reduce_max3A_182[15] : f32 from vector<16xf32>
    %broadcast_in_dim3A_184 = vector.broadcast %reduce_max3A_183 : f32 to vector<16xf32>
    %eq3A_185 = arith.cmpf oeq, %select_n3A_179, %broadcast_in_dim3A_184 : vector<16xf32>
    %all_reduce_ffs3A_186 = tpu.all_reduce %eq3A_185 {dim = 0 : i64, kind = #tpu.reduction_kind<find_first_set>} : vector<16xi1> -> vector<16xi32>
    %swap3A_187 = arith.constant 8 : i32
    %swap3A_188 = arith.index_cast %swap3A_187 : i32 to index
    %swap3A_189 = arith.constant 0 : index
    %swap3A_190 = tpu.vector_load %arg9[%swap3A_188, %swap3A_189] {strides = array<i32>} : memref<32x16xi32, #tpu.memory_space<vmem>>, vector<16xi32>,
    tpu.vector_store %arg9[%swap3A_188, %swap3A_189], %all_reduce_ffs3A_186 {strides = array<i32>} : memref<32x16xi32, #tpu.memory_space<vmem>>, vector<16xi32>,
    %get3A_191 = arith.constant 108 : index
    %get3A_192 = tpu.vector_load %arg6[%get3A_191] {strides = array<i32>} : memref<400xi32, #tpu.memory_space<vmem>>, vector<16xi32>,
    %convert_element_type3A_193 = arith.sitofp %get3A_192 : vector<16xi32> to vector<16xf32>
    %jit3A_194 = arith.constant -1.000000e+00 : f32
    %broadcast_in_dim3A_195 = vector.broadcast %jit3A_194 : f32 to vector<16xf32>
    %select_n3A_196 = arith.select %lt3A_45, %convert_element_type3A_193, %broadcast_in_dim3A_195 : vector<16xi1>, vector<16xf32>
    %reduce_max3A_197 = arith.constant true
    %reduce_max3A_198 = vector.broadcast %reduce_max3A_197 : i1 to vector<16xi1>
    %reduce_max3A_199 = tpu.scan <max>, %select_n3A_196 masked %reduce_max3A_198 : vector<16xf32>, vector<16xi1> -> vector<16xf32>
    %reduce_max3A_200 = vector.extract %reduce_max3A_199[15] : f32 from vector<16xf32>
    %broadcast_in_dim3A_201 = vector.broadcast %reduce_max3A_200 : f32 to vector<16xf32>
    %eq3A_202 = arith.cmpf oeq, %select_n3A_196, %broadcast_in_dim3A_201 : vector<16xf32>
    %all_reduce_ffs3A_203 = tpu.all_reduce %eq3A_202 {dim = 0 : i64, kind = #tpu.reduction_kind<find_first_set>} : vector<16xi1> -> vector<16xi32>
    %swap3A_204 = arith.constant 9 : i32
    %swap3A_205 = arith.index_cast %swap3A_204 : i32 to index
    %swap3A_206 = arith.constant 0 : index
    %swap3A_207 = tpu.vector_load %arg9[%swap3A_205, %swap3A_206] {strides = array<i32>} : memref<32x16xi32, #tpu.memory_space<vmem>>, vector<16xi32>,
    tpu.vector_store %arg9[%swap3A_205, %swap3A_206], %all_reduce_ffs3A_203 {strides = array<i32>} : memref<32x16xi32, #tpu.memory_space<vmem>>, vector<16xi32>,
    %get3A_208 = arith.constant 120 : index
    %get3A_209 = tpu.vector_load %arg6[%get3A_208] {strides = array<i32>} : memref<400xi32, #tpu.memory_space<vmem>>, vector<16xi32>,
    %convert_element_type3A_210 = arith.sitofp %get3A_209 : vector<16xi32> to vector<16xf32>
    %jit3A_211 = arith.constant -1.000000e+00 : f32
    %broadcast_in_dim3A_212 = vector.broadcast %jit3A_211 : f32 to vector<16xf32>
    %select_n3A_213 = arith.select %lt3A_45, %convert_element_type3A_210, %broadcast_in_dim3A_212 : vector<16xi1>, vector<16xf32>
    %reduce_max3A_214 = arith.constant true
    %reduce_max3A_215 = vector.broadcast %reduce_max3A_214 : i1 to vector<16xi1>
    %reduce_max3A_216 = tpu.scan <max>, %select_n3A_213 masked %reduce_max3A_215 : vector<16xf32>, vector<16xi1> -> vector<16xf32>
    %reduce_max3A_217 = vector.extract %reduce_max3A_216[15] : f32 from vector<16xf32>
    %broadcast_in_dim3A_218 = vector.broadcast %reduce_max3A_217 : f32 to vector<16xf32>
    %eq3A_219 = arith.cmpf oeq, %select_n3A_213, %broadcast_in_dim3A_218 : vector<16xf32>
    %all_reduce_ffs3A_220 = tpu.all_reduce %eq3A_219 {dim = 0 : i64, kind = #tpu.reduction_kind<find_first_set>} : vector<16xi1> -> vector<16xi32>
    %swap3A_221 = arith.constant 10 : i32
    %swap3A_222 = arith.index_cast %swap3A_221 : i32 to index
    %swap3A_223 = arith.constant 0 : index
    %swap3A_224 = tpu.vector_load %arg9[%swap3A_222, %swap3A_223] {strides = array<i32>} : memref<32x16xi32, #tpu.memory_space<vmem>>, vector<16xi32>,
    tpu.vector_store %arg9[%swap3A_222, %swap3A_223], %all_reduce_ffs3A_220 {strides = array<i32>} : memref<32x16xi32, #tpu.memory_space<vmem>>, vector<16xi32>,
    %get3A_225 = arith.constant 132 : index
    %get3A_226 = tpu.vector_load %arg6[%get3A_225] {strides = array<i32>} : memref<400xi32, #tpu.memory_space<vmem>>, vector<16xi32>,
    %convert_element_type3A_227 = arith.sitofp %get3A_226 : vector<16xi32> to vector<16xf32>
    %jit3A_228 = arith.constant -1.000000e+00 : f32
    %broadcast_in_dim3A_229 = vector.broadcast %jit3A_228 : f32 to vector<16xf32>
    %select_n3A_230 = arith.select %lt3A_45, %convert_element_type3A_227, %broadcast_in_dim3A_229 : vector<16xi1>, vector<16xf32>
    %reduce_max3A_231 = arith.constant true
    %reduce_max3A_232 = vector.broadcast %reduce_max3A_231 : i1 to vector<16xi1>
    %reduce_max3A_233 = tpu.scan <max>, %select_n3A_230 masked %reduce_max3A_232 : vector<16xf32>, vector<16xi1> -> vector<16xf32>
    %reduce_max3A_234 = vector.extract %reduce_max3A_233[15] : f32 from vector<16xf32>
    %broadcast_in_dim3A_235 = vector.broadcast %reduce_max3A_234 : f32 to vector<16xf32>
    %eq3A_236 = arith.cmpf oeq, %select_n3A_230, %broadcast_in_dim3A_235 : vector<16xf32>
    %all_reduce_ffs3A_237 = tpu.all_reduce %eq3A_236 {dim = 0 : i64, kind = #tpu.reduction_kind<find_first_set>} : vector<16xi1> -> vector<16xi32>
    %swap3A_238 = arith.constant 11 : i32
    %swap3A_239 = arith.index_cast %swap3A_238 : i32 to index
    %swap3A_240 = arith.constant 0 : index
    %swap3A_241 = tpu.vector_load %arg9[%swap3A_239, %swap3A_240] {strides = array<i32>} : memref<32x16xi32, #tpu.memory_space<vmem>>, vector<16xi32>,
    tpu.vector_store %arg9[%swap3A_239, %swap3A_240], %all_reduce_ffs3A_237 {strides = array<i32>} : memref<32x16xi32, #tpu.memory_space<vmem>>, vector<16xi32>,
    %get3A_242 = arith.constant 144 : index
    %get3A_243 = tpu.vector_load %arg6[%get3A_242] {strides = array<i32>} : memref<400xi32, #tpu.memory_space<vmem>>, vector<16xi32>,
    %convert_element_type3A_244 = arith.sitofp %get3A_243 : vector<16xi32> to vector<16xf32>
    %jit3A_245 = arith.constant -1.000000e+00 : f32
    %broadcast_in_dim3A_246 = vector.broadcast %jit3A_245 : f32 to vector<16xf32>
    %select_n3A_247 = arith.select %lt3A_45, %convert_element_type3A_244, %broadcast_in_dim3A_246 : vector<16xi1>, vector<16xf32>
    %reduce_max3A_248 = arith.constant true
    %reduce_max3A_249 = vector.broadcast %reduce_max3A_248 : i1 to vector<16xi1>
    %reduce_max3A_250 = tpu.scan <max>, %select_n3A_247 masked %reduce_max3A_249 : vector<16xf32>, vector<16xi1> -> vector<16xf32>
    %reduce_max3A_251 = vector.extract %reduce_max3A_250[15] : f32 from vector<16xf32>
    %broadcast_in_dim3A_252 = vector.broadcast %reduce_max3A_251 : f32 to vector<16xf32>
    %eq3A_253 = arith.cmpf oeq, %select_n3A_247, %broadcast_in_dim3A_252 : vector<16xf32>
    %all_reduce_ffs3A_254 = tpu.all_reduce %eq3A_253 {dim = 0 : i64, kind = #tpu.reduction_kind<find_first_set>} : vector<16xi1> -> vector<16xi32>
    %swap3A_255 = arith.constant 12 : i32
    %swap3A_256 = arith.index_cast %swap3A_255 : i32 to index
    %swap3A_257 = arith.constant 0 : index
    %swap3A_258 = tpu.vector_load %arg9[%swap3A_256, %swap3A_257] {strides = array<i32>} : memref<32x16xi32, #tpu.memory_space<vmem>>, vector<16xi32>,
    tpu.vector_store %arg9[%swap3A_256, %swap3A_257], %all_reduce_ffs3A_254 {strides = array<i32>} : memref<32x16xi32, #tpu.memory_space<vmem>>, vector<16xi32>,
    %get3A_259 = arith.constant 156 : index
    %get3A_260 = tpu.vector_load %arg6[%get3A_259] {strides = array<i32>} : memref<400xi32, #tpu.memory_space<vmem>>, vector<16xi32>,
    %convert_element_type3A_261 = arith.sitofp %get3A_260 : vector<16xi32> to vector<16xf32>
    %jit3A_262 = arith.constant -1.000000e+00 : f32
    %broadcast_in_dim3A_263 = vector.broadcast %jit3A_262 : f32 to vector<16xf32>
    %select_n3A_264 = arith.select %lt3A_45, %convert_element_type3A_261, %broadcast_in_dim3A_263 : vector<16xi1>, vector<16xf32>
    %reduce_max3A_265 = arith.constant true
    %reduce_max3A_266 = vector.broadcast %reduce_max3A_265 : i1 to vector<16xi1>
    %reduce_max3A_267 = tpu.scan <max>, %select_n3A_264 masked %reduce_max3A_266 : vector<16xf32>, vector<16xi1> -> vector<16xf32>
    %reduce_max3A_268 = vector.extract %reduce_max3A_267[15] : f32 from vector<16xf32>
    %broadcast_in_dim3A_269 = vector.broadcast %reduce_max3A_268 : f32 to vector<16xf32>
    %eq3A_270 = arith.cmpf oeq, %select_n3A_264, %broadcast_in_dim3A_269 : vector<16xf32>
    %all_reduce_ffs3A_271 = tpu.all_reduce %eq3A_270 {dim = 0 : i64, kind = #tpu.reduction_kind<find_first_set>} : vector<16xi1> -> vector<16xi32>
    %swap3A_272 = arith.constant 13 : i32
    %swap3A_273 = arith.index_cast %swap3A_272 : i32 to index
    %swap3A_274 = arith.constant 0 : index
    %swap3A_275 = tpu.vector_load %arg9[%swap3A_273, %swap3A_274] {strides = array<i32>} : memref<32x16xi32, #tpu.memory_space<vmem>>, vector<16xi32>,
    tpu.vector_store %arg9[%swap3A_273, %swap3A_274], %all_reduce_ffs3A_271 {strides = array<i32>} : memref<32x16xi32, #tpu.memory_space<vmem>>, vector<16xi32>,
    %get3A_276 = arith.constant 168 : index
    %get3A_277 = tpu.vector_load %arg6[%get3A_276] {strides = array<i32>} : memref<400xi32, #tpu.memory_space<vmem>>, vector<16xi32>,
    %convert_element_type3A_278 = arith.sitofp %get3A_277 : vector<16xi32> to vector<16xf32>
    %jit3A_279 = arith.constant -1.000000e+00 : f32
    %broadcast_in_dim3A_280 = vector.broadcast %jit3A_279 : f32 to vector<16xf32>
    %select_n3A_281 = arith.select %lt3A_45, %convert_element_type3A_278, %broadcast_in_dim3A_280 : vector<16xi1>, vector<16xf32>
    %reduce_max3A_282 = arith.constant true
    %reduce_max3A_283 = vector.broadcast %reduce_max3A_282 : i1 to vector<16xi1>
    %reduce_max3A_284 = tpu.scan <max>, %select_n3A_281 masked %reduce_max3A_283 : vector<16xf32>, vector<16xi1> -> vector<16xf32>
    %reduce_max3A_285 = vector.extract %reduce_max3A_284[15] : f32 from vector<16xf32>
    %broadcast_in_dim3A_286 = vector.broadcast %reduce_max3A_285 : f32 to vector<16xf32>
    %eq3A_287 = arith.cmpf oeq, %select_n3A_281, %broadcast_in_dim3A_286 : vector<16xf32>
    %all_reduce_ffs3A_288 = tpu.all_reduce %eq3A_287 {dim = 0 : i64, kind = #tpu.reduction_kind<find_first_set>} : vector<16xi1> -> vector<16xi32>
    %swap3A_289 = arith.constant 14 : i32
    %swap3A_290 = arith.index_cast %swap3A_289 : i32 to index
    %swap3A_291 = arith.constant 0 : index
    %swap3A_292 = tpu.vector_load %arg9[%swap3A_290, %swap3A_291] {strides = array<i32>} : memref<32x16xi32, #tpu.memory_space<vmem>>, vector<16xi32>,
    tpu.vector_store %arg9[%swap3A_290, %swap3A_291], %all_reduce_ffs3A_288 {strides = array<i32>} : memref<32x16xi32, #tpu.memory_space<vmem>>, vector<16xi32>,
    %get3A_293 = arith.constant 180 : index
    %get3A_294 = tpu.vector_load %arg6[%get3A_293] {strides = array<i32>} : memref<400xi32, #tpu.memory_space<vmem>>, vector<16xi32>,
    %convert_element_type3A_295 = arith.sitofp %get3A_294 : vector<16xi32> to vector<16xf32>
    %jit3A_296 = arith.constant -1.000000e+00 : f32
    %broadcast_in_dim3A_297 = vector.broadcast %jit3A_296 : f32 to vector<16xf32>
    %select_n3A_298 = arith.select %lt3A_45, %convert_element_type3A_295, %broadcast_in_dim3A_297 : vector<16xi1>, vector<16xf32>
    %reduce_max3A_299 = arith.constant true
    %reduce_max3A_300 = vector.broadcast %reduce_max3A_299 : i1 to vector<16xi1>
    %reduce_max3A_301 = tpu.scan <max>, %select_n3A_298 masked %reduce_max3A_300 : vector<16xf32>, vector<16xi1> -> vector<16xf32>
    %reduce_max3A_302 = vector.extract %reduce_max3A_301[15] : f32 from vector<16xf32>
    %broadcast_in_dim3A_303 = vector.broadcast %reduce_max3A_302 : f32 to vector<16xf32>
    %eq3A_304 = arith.cmpf oeq, %select_n3A_298, %broadcast_in_dim3A_303 : vector<16xf32>
    %all_reduce_ffs3A_305 = tpu.all_reduce %eq3A_304 {dim = 0 : i64, kind = #tpu.reduction_kind<find_first_set>} : vector<16xi1> -> vector<16xi32>
    %swap3A_306 = arith.constant 15 : i32
    %swap3A_307 = arith.index_cast %swap3A_306 : i32 to index
    %swap3A_308 = arith.constant 0 : index
    %swap3A_309 = tpu.vector_load %arg9[%swap3A_307, %swap3A_308] {strides = array<i32>} : memref<32x16xi32, #tpu.memory_space<vmem>>, vector<16xi32>,
    tpu.vector_store %arg9[%swap3A_307, %swap3A_308], %all_reduce_ffs3A_305 {strides = array<i32>} : memref<32x16xi32, #tpu.memory_space<vmem>>, vector<16xi32>,
    %get3A_310 = arith.constant 192 : index
    %get3A_311 = tpu.vector_load %arg6[%get3A_310] {strides = array<i32>} : memref<400xi32, #tpu.memory_space<vmem>>, vector<16xi32>,
    %convert_element_type3A_312 = arith.sitofp %get3A_311 : vector<16xi32> to vector<16xf32>
    %jit3A_313 = arith.constant -1.000000e+00 : f32
    %broadcast_in_dim3A_314 = vector.broadcast %jit3A_313 : f32 to vector<16xf32>
    %select_n3A_315 = arith.select %lt3A_45, %convert_element_type3A_312, %broadcast_in_dim3A_314 : vector<16xi1>, vector<16xf32>
    %reduce_max3A_316 = arith.constant true
    %reduce_max3A_317 = vector.broadcast %reduce_max3A_316 : i1 to vector<16xi1>
    %reduce_max3A_318 = tpu.scan <max>, %select_n3A_315 masked %reduce_max3A_317 : vector<16xf32>, vector<16xi1> -> vector<16xf32>
    %reduce_max3A_319 = vector.extract %reduce_max3A_318[15] : f32 from vector<16xf32>
    %broadcast_in_dim3A_320 = vector.broadcast %reduce_max3A_319 : f32 to vector<16xf32>
    %eq3A_321 = arith.cmpf oeq, %select_n3A_315, %broadcast_in_dim3A_320 : vector<16xf32>
    %all_reduce_ffs3A_322 = tpu.all_reduce %eq3A_321 {dim = 0 : i64, kind = #tpu.reduction_kind<find_first_set>} : vector<16xi1> -> vector<16xi32>
    %swap3A_323 = arith.constant 16 : i32
    %swap3A_324 = arith.index_cast %swap3A_323 : i32 to index
    %swap3A_325 = arith.constant 0 : index
    %swap3A_326 = tpu.vector_load %arg9[%swap3A_324, %swap3A_325] {strides = array<i32>} : memref<32x16xi32, #tpu.memory_space<vmem>>, vector<16xi32>,
    tpu.vector_store %arg9[%swap3A_324, %swap3A_325], %all_reduce_ffs3A_322 {strides = array<i32>} : memref<32x16xi32, #tpu.memory_space<vmem>>, vector<16xi32>,
    %get3A_327 = arith.constant 204 : index
    %get3A_328 = tpu.vector_load %arg6[%get3A_327] {strides = array<i32>} : memref<400xi32, #tpu.memory_space<vmem>>, vector<16xi32>,
    %convert_element_type3A_329 = arith.sitofp %get3A_328 : vector<16xi32> to vector<16xf32>
    %jit3A_330 = arith.constant -1.000000e+00 : f32
    %broadcast_in_dim3A_331 = vector.broadcast %jit3A_330 : f32 to vector<16xf32>
    %select_n3A_332 = arith.select %lt3A_45, %convert_element_type3A_329, %broadcast_in_dim3A_331 : vector<16xi1>, vector<16xf32>
    %reduce_max3A_333 = arith.constant true
    %reduce_max3A_334 = vector.broadcast %reduce_max3A_333 : i1 to vector<16xi1>
    %reduce_max3A_335 = tpu.scan <max>, %select_n3A_332 masked %reduce_max3A_334 : vector<16xf32>, vector<16xi1> -> vector<16xf32>
    %reduce_max3A_336 = vector.extract %reduce_max3A_335[15] : f32 from vector<16xf32>
    %broadcast_in_dim3A_337 = vector.broadcast %reduce_max3A_336 : f32 to vector<16xf32>
    %eq3A_338 = arith.cmpf oeq, %select_n3A_332, %broadcast_in_dim3A_337 : vector<16xf32>
    %all_reduce_ffs3A_339 = tpu.all_reduce %eq3A_338 {dim = 0 : i64, kind = #tpu.reduction_kind<find_first_set>} : vector<16xi1> -> vector<16xi32>
    %swap3A_340 = arith.constant 17 : i32
    %swap3A_341 = arith.index_cast %swap3A_340 : i32 to index
    %swap3A_342 = arith.constant 0 : index
    %swap3A_343 = tpu.vector_load %arg9[%swap3A_341, %swap3A_342] {strides = array<i32>} : memref<32x16xi32, #tpu.memory_space<vmem>>, vector<16xi32>,
    tpu.vector_store %arg9[%swap3A_341, %swap3A_342], %all_reduce_ffs3A_339 {strides = array<i32>} : memref<32x16xi32, #tpu.memory_space<vmem>>, vector<16xi32>,
    %get3A_344 = arith.constant 216 : index
    %get3A_345 = tpu.vector_load %arg6[%get3A_344] {strides = array<i32>} : memref<400xi32, #tpu.memory_space<vmem>>, vector<16xi32>,
    %convert_element_type3A_346 = arith.sitofp %get3A_345 : vector<16xi32> to vector<16xf32>
    %jit3A_347 = arith.constant -1.000000e+00 : f32
    %broadcast_in_dim3A_348 = vector.broadcast %jit3A_347 : f32 to vector<16xf32>
    %select_n3A_349 = arith.select %lt3A_45, %convert_element_type3A_346, %broadcast_in_dim3A_348 : vector<16xi1>, vector<16xf32>
    %reduce_max3A_350 = arith.constant true
    %reduce_max3A_351 = vector.broadcast %reduce_max3A_350 : i1 to vector<16xi1>
    %reduce_max3A_352 = tpu.scan <max>, %select_n3A_349 masked %reduce_max3A_351 : vector<16xf32>, vector<16xi1> -> vector<16xf32>
    %reduce_max3A_353 = vector.extract %reduce_max3A_352[15] : f32 from vector<16xf32>
    %broadcast_in_dim3A_354 = vector.broadcast %reduce_max3A_353 : f32 to vector<16xf32>
    %eq3A_355 = arith.cmpf oeq, %select_n3A_349, %broadcast_in_dim3A_354 : vector<16xf32>
    %all_reduce_ffs3A_356 = tpu.all_reduce %eq3A_355 {dim = 0 : i64, kind = #tpu.reduction_kind<find_first_set>} : vector<16xi1> -> vector<16xi32>
    %swap3A_357 = arith.constant 18 : i32
    %swap3A_358 = arith.index_cast %swap3A_357 : i32 to index
    %swap3A_359 = arith.constant 0 : index
    %swap3A_360 = tpu.vector_load %arg9[%swap3A_358, %swap3A_359] {strides = array<i32>} : memref<32x16xi32, #tpu.memory_space<vmem>>, vector<16xi32>,
    tpu.vector_store %arg9[%swap3A_358, %swap3A_359], %all_reduce_ffs3A_356 {strides = array<i32>} : memref<32x16xi32, #tpu.memory_space<vmem>>, vector<16xi32>,
    %get3A_361 = arith.constant 228 : index
    %get3A_362 = tpu.vector_load %arg6[%get3A_361] {strides = array<i32>} : memref<400xi32, #tpu.memory_space<vmem>>, vector<16xi32>,
    %convert_element_type3A_363 = arith.sitofp %get3A_362 : vector<16xi32> to vector<16xf32>
    %jit3A_364 = arith.constant -1.000000e+00 : f32
    %broadcast_in_dim3A_365 = vector.broadcast %jit3A_364 : f32 to vector<16xf32>
    %select_n3A_366 = arith.select %lt3A_45, %convert_element_type3A_363, %broadcast_in_dim3A_365 : vector<16xi1>, vector<16xf32>
    %reduce_max3A_367 = arith.constant true
    %reduce_max3A_368 = vector.broadcast %reduce_max3A_367 : i1 to vector<16xi1>
    %reduce_max3A_369 = tpu.scan <max>, %select_n3A_366 masked %reduce_max3A_368 : vector<16xf32>, vector<16xi1> -> vector<16xf32>
    %reduce_max3A_370 = vector.extract %reduce_max3A_369[15] : f32 from vector<16xf32>
    %broadcast_in_dim3A_371 = vector.broadcast %reduce_max3A_370 : f32 to vector<16xf32>
    %eq3A_372 = arith.cmpf oeq, %select_n3A_366, %broadcast_in_dim3A_371 : vector<16xf32>
    %all_reduce_ffs3A_373 = tpu.all_reduce %eq3A_372 {dim = 0 : i64, kind = #tpu.reduction_kind<find_first_set>} : vector<16xi1> -> vector<16xi32>
    %swap3A_374 = arith.constant 19 : i32
    %swap3A_375 = arith.index_cast %swap3A_374 : i32 to index
    %swap3A_376 = arith.constant 0 : index
    %swap3A_377 = tpu.vector_load %arg9[%swap3A_375, %swap3A_376] {strides = array<i32>} : memref<32x16xi32, #tpu.memory_space<vmem>>, vector<16xi32>,
    tpu.vector_store %arg9[%swap3A_375, %swap3A_376], %all_reduce_ffs3A_373 {strides = array<i32>} : memref<32x16xi32, #tpu.memory_space<vmem>>, vector<16xi32>,
    %get3A_378 = arith.constant 240 : index
    %get3A_379 = tpu.vector_load %arg6[%get3A_378] {strides = array<i32>} : memref<400xi32, #tpu.memory_space<vmem>>, vector<16xi32>,
    %convert_element_type3A_380 = arith.sitofp %get3A_379 : vector<16xi32> to vector<16xf32>
    %jit3A_381 = arith.constant -1.000000e+00 : f32
    %broadcast_in_dim3A_382 = vector.broadcast %jit3A_381 : f32 to vector<16xf32>
    %select_n3A_383 = arith.select %lt3A_45, %convert_element_type3A_380, %broadcast_in_dim3A_382 : vector<16xi1>, vector<16xf32>
    %reduce_max3A_384 = arith.constant true
    %reduce_max3A_385 = vector.broadcast %reduce_max3A_384 : i1 to vector<16xi1>
    %reduce_max3A_386 = tpu.scan <max>, %select_n3A_383 masked %reduce_max3A_385 : vector<16xf32>, vector<16xi1> -> vector<16xf32>
    %reduce_max3A_387 = vector.extract %reduce_max3A_386[15] : f32 from vector<16xf32>
    %broadcast_in_dim3A_388 = vector.broadcast %reduce_max3A_387 : f32 to vector<16xf32>
    %eq3A_389 = arith.cmpf oeq, %select_n3A_383, %broadcast_in_dim3A_388 : vector<16xf32>
    %all_reduce_ffs3A_390 = tpu.all_reduce %eq3A_389 {dim = 0 : i64, kind = #tpu.reduction_kind<find_first_set>} : vector<16xi1> -> vector<16xi32>
    %swap3A_391 = arith.constant 20 : i32
    %swap3A_392 = arith.index_cast %swap3A_391 : i32 to index
    %swap3A_393 = arith.constant 0 : index
    %swap3A_394 = tpu.vector_load %arg9[%swap3A_392, %swap3A_393] {strides = array<i32>} : memref<32x16xi32, #tpu.memory_space<vmem>>, vector<16xi32>,
    tpu.vector_store %arg9[%swap3A_392, %swap3A_393], %all_reduce_ffs3A_390 {strides = array<i32>} : memref<32x16xi32, #tpu.memory_space<vmem>>, vector<16xi32>,
    %get3A_395 = arith.constant 252 : index
    %get3A_396 = tpu.vector_load %arg6[%get3A_395] {strides = array<i32>} : memref<400xi32, #tpu.memory_space<vmem>>, vector<16xi32>,
    %convert_element_type3A_397 = arith.sitofp %get3A_396 : vector<16xi32> to vector<16xf32>
    %jit3A_398 = arith.constant -1.000000e+00 : f32
    %broadcast_in_dim3A_399 = vector.broadcast %jit3A_398 : f32 to vector<16xf32>
    %select_n3A_400 = arith.select %lt3A_45, %convert_element_type3A_397, %broadcast_in_dim3A_399 : vector<16xi1>, vector<16xf32>
    %reduce_max3A_401 = arith.constant true
    %reduce_max3A_402 = vector.broadcast %reduce_max3A_401 : i1 to vector<16xi1>
    %reduce_max3A_403 = tpu.scan <max>, %select_n3A_400 masked %reduce_max3A_402 : vector<16xf32>, vector<16xi1> -> vector<16xf32>
    %reduce_max3A_404 = vector.extract %reduce_max3A_403[15] : f32 from vector<16xf32>
    %broadcast_in_dim3A_405 = vector.broadcast %reduce_max3A_404 : f32 to vector<16xf32>
    %eq3A_406 = arith.cmpf oeq, %select_n3A_400, %broadcast_in_dim3A_405 : vector<16xf32>
    %all_reduce_ffs3A_407 = tpu.all_reduce %eq3A_406 {dim = 0 : i64, kind = #tpu.reduction_kind<find_first_set>} : vector<16xi1> -> vector<16xi32>
    %swap3A_408 = arith.constant 21 : i32
    %swap3A_409 = arith.index_cast %swap3A_408 : i32 to index
    %swap3A_410 = arith.constant 0 : index
    %swap3A_411 = tpu.vector_load %arg9[%swap3A_409, %swap3A_410] {strides = array<i32>} : memref<32x16xi32, #tpu.memory_space<vmem>>, vector<16xi32>,
    tpu.vector_store %arg9[%swap3A_409, %swap3A_410], %all_reduce_ffs3A_407 {strides = array<i32>} : memref<32x16xi32, #tpu.memory_space<vmem>>, vector<16xi32>,
    %get3A_412 = arith.constant 264 : index
    %get3A_413 = tpu.vector_load %arg6[%get3A_412] {strides = array<i32>} : memref<400xi32, #tpu.memory_space<vmem>>, vector<16xi32>,
    %convert_element_type3A_414 = arith.sitofp %get3A_413 : vector<16xi32> to vector<16xf32>
    %jit3A_415 = arith.constant -1.000000e+00 : f32
    %broadcast_in_dim3A_416 = vector.broadcast %jit3A_415 : f32 to vector<16xf32>
    %select_n3A_417 = arith.select %lt3A_45, %convert_element_type3A_414, %broadcast_in_dim3A_416 : vector<16xi1>, vector<16xf32>
    %reduce_max3A_418 = arith.constant true
    %reduce_max3A_419 = vector.broadcast %reduce_max3A_418 : i1 to vector<16xi1>
    %reduce_max3A_420 = tpu.scan <max>, %select_n3A_417 masked %reduce_max3A_419 : vector<16xf32>, vector<16xi1> -> vector<16xf32>
    %reduce_max3A_421 = vector.extract %reduce_max3A_420[15] : f32 from vector<16xf32>
    %broadcast_in_dim3A_422 = vector.broadcast %reduce_max3A_421 : f32 to vector<16xf32>
    %eq3A_423 = arith.cmpf oeq, %select_n3A_417, %broadcast_in_dim3A_422 : vector<16xf32>
    %all_reduce_ffs3A_424 = tpu.all_reduce %eq3A_423 {dim = 0 : i64, kind = #tpu.reduction_kind<find_first_set>} : vector<16xi1> -> vector<16xi32>
    %swap3A_425 = arith.constant 22 : i32
    %swap3A_426 = arith.index_cast %swap3A_425 : i32 to index
    %swap3A_427 = arith.constant 0 : index
    %swap3A_428 = tpu.vector_load %arg9[%swap3A_426, %swap3A_427] {strides = array<i32>} : memref<32x16xi32, #tpu.memory_space<vmem>>, vector<16xi32>,
    tpu.vector_store %arg9[%swap3A_426, %swap3A_427], %all_reduce_ffs3A_424 {strides = array<i32>} : memref<32x16xi32, #tpu.memory_space<vmem>>, vector<16xi32>,
    %get3A_429 = arith.constant 276 : index
    %get3A_430 = tpu.vector_load %arg6[%get3A_429] {strides = array<i32>} : memref<400xi32, #tpu.memory_space<vmem>>, vector<16xi32>,
    %convert_element_type3A_431 = arith.sitofp %get3A_430 : vector<16xi32> to vector<16xf32>
    %jit3A_432 = arith.constant -1.000000e+00 : f32
    %broadcast_in_dim3A_433 = vector.broadcast %jit3A_432 : f32 to vector<16xf32>
    %select_n3A_434 = arith.select %lt3A_45, %convert_element_type3A_431, %broadcast_in_dim3A_433 : vector<16xi1>, vector<16xf32>
    %reduce_max3A_435 = arith.constant true
    %reduce_max3A_436 = vector.broadcast %reduce_max3A_435 : i1 to vector<16xi1>
    %reduce_max3A_437 = tpu.scan <max>, %select_n3A_434 masked %reduce_max3A_436 : vector<16xf32>, vector<16xi1> -> vector<16xf32>
    %reduce_max3A_438 = vector.extract %reduce_max3A_437[15] : f32 from vector<16xf32>
    %broadcast_in_dim3A_439 = vector.broadcast %reduce_max3A_438 : f32 to vector<16xf32>
    %eq3A_440 = arith.cmpf oeq, %select_n3A_434, %broadcast_in_dim3A_439 : vector<16xf32>
    %all_reduce_ffs3A_441 = tpu.all_reduce %eq3A_440 {dim = 0 : i64, kind = #tpu.reduction_kind<find_first_set>} : vector<16xi1> -> vector<16xi32>
    %swap3A_442 = arith.constant 23 : i32
    %swap3A_443 = arith.index_cast %swap3A_442 : i32 to index
    %swap3A_444 = arith.constant 0 : index
    %swap3A_445 = tpu.vector_load %arg9[%swap3A_443, %swap3A_444] {strides = array<i32>} : memref<32x16xi32, #tpu.memory_space<vmem>>, vector<16xi32>,
    tpu.vector_store %arg9[%swap3A_443, %swap3A_444], %all_reduce_ffs3A_441 {strides = array<i32>} : memref<32x16xi32, #tpu.memory_space<vmem>>, vector<16xi32>,
    %get3A_446 = arith.constant 288 : index
    %get3A_447 = tpu.vector_load %arg6[%get3A_446] {strides = array<i32>} : memref<400xi32, #tpu.memory_space<vmem>>, vector<16xi32>,
    %convert_element_type3A_448 = arith.sitofp %get3A_447 : vector<16xi32> to vector<16xf32>
    %jit3A_449 = arith.constant -1.000000e+00 : f32
    %broadcast_in_dim3A_450 = vector.broadcast %jit3A_449 : f32 to vector<16xf32>
    %select_n3A_451 = arith.select %lt3A_45, %convert_element_type3A_448, %broadcast_in_dim3A_450 : vector<16xi1>, vector<16xf32>
    %reduce_max3A_452 = arith.constant true
    %reduce_max3A_453 = vector.broadcast %reduce_max3A_452 : i1 to vector<16xi1>
    %reduce_max3A_454 = tpu.scan <max>, %select_n3A_451 masked %reduce_max3A_453 : vector<16xf32>, vector<16xi1> -> vector<16xf32>
    %reduce_max3A_455 = vector.extract %reduce_max3A_454[15] : f32 from vector<16xf32>
    %broadcast_in_dim3A_456 = vector.broadcast %reduce_max3A_455 : f32 to vector<16xf32>
    %eq3A_457 = arith.cmpf oeq, %select_n3A_451, %broadcast_in_dim3A_456 : vector<16xf32>
    %all_reduce_ffs3A_458 = tpu.all_reduce %eq3A_457 {dim = 0 : i64, kind = #tpu.reduction_kind<find_first_set>} : vector<16xi1> -> vector<16xi32>
    %swap3A_459 = arith.constant 24 : i32
    %swap3A_460 = arith.index_cast %swap3A_459 : i32 to index
    %swap3A_461 = arith.constant 0 : index
    %swap3A_462 = tpu.vector_load %arg9[%swap3A_460, %swap3A_461] {strides = array<i32>} : memref<32x16xi32, #tpu.memory_space<vmem>>, vector<16xi32>,
    tpu.vector_store %arg9[%swap3A_460, %swap3A_461], %all_reduce_ffs3A_458 {strides = array<i32>} : memref<32x16xi32, #tpu.memory_space<vmem>>, vector<16xi32>,
    %get3A_463 = arith.constant 300 : index
    %get3A_464 = tpu.vector_load %arg6[%get3A_463] {strides = array<i32>} : memref<400xi32, #tpu.memory_space<vmem>>, vector<16xi32>,
    %convert_element_type3A_465 = arith.sitofp %get3A_464 : vector<16xi32> to vector<16xf32>
    %jit3A_466 = arith.constant -1.000000e+00 : f32
    %broadcast_in_dim3A_467 = vector.broadcast %jit3A_466 : f32 to vector<16xf32>
    %select_n3A_468 = arith.select %lt3A_45, %convert_element_type3A_465, %broadcast_in_dim3A_467 : vector<16xi1>, vector<16xf32>
    %reduce_max3A_469 = arith.constant true
    %reduce_max3A_470 = vector.broadcast %reduce_max3A_469 : i1 to vector<16xi1>
    %reduce_max3A_471 = tpu.scan <max>, %select_n3A_468 masked %reduce_max3A_470 : vector<16xf32>, vector<16xi1> -> vector<16xf32>
    %reduce_max3A_472 = vector.extract %reduce_max3A_471[15] : f32 from vector<16xf32>
    %broadcast_in_dim3A_473 = vector.broadcast %reduce_max3A_472 : f32 to vector<16xf32>
    %eq3A_474 = arith.cmpf oeq, %select_n3A_468, %broadcast_in_dim3A_473 : vector<16xf32>
    %all_reduce_ffs3A_475 = tpu.all_reduce %eq3A_474 {dim = 0 : i64, kind = #tpu.reduction_kind<find_first_set>} : vector<16xi1> -> vector<16xi32>
    %swap3A_476 = arith.constant 25 : i32
    %swap3A_477 = arith.index_cast %swap3A_476 : i32 to index
    %swap3A_478 = arith.constant 0 : index
    %swap3A_479 = tpu.vector_load %arg9[%swap3A_477, %swap3A_478] {strides = array<i32>} : memref<32x16xi32, #tpu.memory_space<vmem>>, vector<16xi32>,
    tpu.vector_store %arg9[%swap3A_477, %swap3A_478], %all_reduce_ffs3A_475 {strides = array<i32>} : memref<32x16xi32, #tpu.memory_space<vmem>>, vector<16xi32>,
    %get3A_480 = arith.constant 312 : index
    %get3A_481 = tpu.vector_load %arg6[%get3A_480] {strides = array<i32>} : memref<400xi32, #tpu.memory_space<vmem>>, vector<16xi32>,
    %convert_element_type3A_482 = arith.sitofp %get3A_481 : vector<16xi32> to vector<16xf32>
    %jit3A_483 = arith.constant -1.000000e+00 : f32
    %broadcast_in_dim3A_484 = vector.broadcast %jit3A_483 : f32 to vector<16xf32>
    %select_n3A_485 = arith.select %lt3A_45, %convert_element_type3A_482, %broadcast_in_dim3A_484 : vector<16xi1>, vector<16xf32>
    %reduce_max3A_486 = arith.constant true
    %reduce_max3A_487 = vector.broadcast %reduce_max3A_486 : i1 to vector<16xi1>
    %reduce_max3A_488 = tpu.scan <max>, %select_n3A_485 masked %reduce_max3A_487 : vector<16xf32>, vector<16xi1> -> vector<16xf32>
    %reduce_max3A_489 = vector.extract %reduce_max3A_488[15] : f32 from vector<16xf32>
    %broadcast_in_dim3A_490 = vector.broadcast %reduce_max3A_489 : f32 to vector<16xf32>
    %eq3A_491 = arith.cmpf oeq, %select_n3A_485, %broadcast_in_dim3A_490 : vector<16xf32>
    %all_reduce_ffs3A_492 = tpu.all_reduce %eq3A_491 {dim = 0 : i64, kind = #tpu.reduction_kind<find_first_set>} : vector<16xi1> -> vector<16xi32>
    %swap3A_493 = arith.constant 26 : i32
    %swap3A_494 = arith.index_cast %swap3A_493 : i32 to index
    %swap3A_495 = arith.constant 0 : index
    %swap3A_496 = tpu.vector_load %arg9[%swap3A_494, %swap3A_495] {strides = array<i32>} : memref<32x16xi32, #tpu.memory_space<vmem>>, vector<16xi32>,
    tpu.vector_store %arg9[%swap3A_494, %swap3A_495], %all_reduce_ffs3A_492 {strides = array<i32>} : memref<32x16xi32, #tpu.memory_space<vmem>>, vector<16xi32>,
    %get3A_497 = arith.constant 324 : index
    %get3A_498 = tpu.vector_load %arg6[%get3A_497] {strides = array<i32>} : memref<400xi32, #tpu.memory_space<vmem>>, vector<16xi32>,
    %convert_element_type3A_499 = arith.sitofp %get3A_498 : vector<16xi32> to vector<16xf32>
    %jit3A_500 = arith.constant -1.000000e+00 : f32
    %broadcast_in_dim3A_501 = vector.broadcast %jit3A_500 : f32 to vector<16xf32>
    %select_n3A_502 = arith.select %lt3A_45, %convert_element_type3A_499, %broadcast_in_dim3A_501 : vector<16xi1>, vector<16xf32>
    %reduce_max3A_503 = arith.constant true
    %reduce_max3A_504 = vector.broadcast %reduce_max3A_503 : i1 to vector<16xi1>
    %reduce_max3A_505 = tpu.scan <max>, %select_n3A_502 masked %reduce_max3A_504 : vector<16xf32>, vector<16xi1> -> vector<16xf32>
    %reduce_max3A_506 = vector.extract %reduce_max3A_505[15] : f32 from vector<16xf32>
    %broadcast_in_dim3A_507 = vector.broadcast %reduce_max3A_506 : f32 to vector<16xf32>
    %eq3A_508 = arith.cmpf oeq, %select_n3A_502, %broadcast_in_dim3A_507 : vector<16xf32>
    %all_reduce_ffs3A_509 = tpu.all_reduce %eq3A_508 {dim = 0 : i64, kind = #tpu.reduction_kind<find_first_set>} : vector<16xi1> -> vector<16xi32>
    %swap3A_510 = arith.constant 27 : i32
    %swap3A_511 = arith.index_cast %swap3A_510 : i32 to index
    %swap3A_512 = arith.constant 0 : index
    %swap3A_513 = tpu.vector_load %arg9[%swap3A_511, %swap3A_512] {strides = array<i32>} : memref<32x16xi32, #tpu.memory_space<vmem>>, vector<16xi32>,
    tpu.vector_store %arg9[%swap3A_511, %swap3A_512], %all_reduce_ffs3A_509 {strides = array<i32>} : memref<32x16xi32, #tpu.memory_space<vmem>>, vector<16xi32>,
    %get3A_514 = arith.constant 336 : index
    %get3A_515 = tpu.vector_load %arg6[%get3A_514] {strides = array<i32>} : memref<400xi32, #tpu.memory_space<vmem>>, vector<16xi32>,
    %convert_element_type3A_516 = arith.sitofp %get3A_515 : vector<16xi32> to vector<16xf32>
    %jit3A_517 = arith.constant -1.000000e+00 : f32
    %broadcast_in_dim3A_518 = vector.broadcast %jit3A_517 : f32 to vector<16xf32>
    %select_n3A_519 = arith.select %lt3A_45, %convert_element_type3A_516, %broadcast_in_dim3A_518 : vector<16xi1>, vector<16xf32>
    %reduce_max3A_520 = arith.constant true
    %reduce_max3A_521 = vector.broadcast %reduce_max3A_520 : i1 to vector<16xi1>
    %reduce_max3A_522 = tpu.scan <max>, %select_n3A_519 masked %reduce_max3A_521 : vector<16xf32>, vector<16xi1> -> vector<16xf32>
    %reduce_max3A_523 = vector.extract %reduce_max3A_522[15] : f32 from vector<16xf32>
    %broadcast_in_dim3A_524 = vector.broadcast %reduce_max3A_523 : f32 to vector<16xf32>
    %eq3A_525 = arith.cmpf oeq, %select_n3A_519, %broadcast_in_dim3A_524 : vector<16xf32>
    %all_reduce_ffs3A_526 = tpu.all_reduce %eq3A_525 {dim = 0 : i64, kind = #tpu.reduction_kind<find_first_set>} : vector<16xi1> -> vector<16xi32>
    %swap3A_527 = arith.constant 28 : i32
    %swap3A_528 = arith.index_cast %swap3A_527 : i32 to index
    %swap3A_529 = arith.constant 0 : index
    %swap3A_530 = tpu.vector_load %arg9[%swap3A_528, %swap3A_529] {strides = array<i32>} : memref<32x16xi32, #tpu.memory_space<vmem>>, vector<16xi32>,
    tpu.vector_store %arg9[%swap3A_528, %swap3A_529], %all_reduce_ffs3A_526 {strides = array<i32>} : memref<32x16xi32, #tpu.memory_space<vmem>>, vector<16xi32>,
    %get3A_531 = arith.constant 348 : index
    %get3A_532 = tpu.vector_load %arg6[%get3A_531] {strides = array<i32>} : memref<400xi32, #tpu.memory_space<vmem>>, vector<16xi32>,
    %convert_element_type3A_533 = arith.sitofp %get3A_532 : vector<16xi32> to vector<16xf32>
    %jit3A_534 = arith.constant -1.000000e+00 : f32
    %broadcast_in_dim3A_535 = vector.broadcast %jit3A_534 : f32 to vector<16xf32>
    %select_n3A_536 = arith.select %lt3A_45, %convert_element_type3A_533, %broadcast_in_dim3A_535 : vector<16xi1>, vector<16xf32>
    %reduce_max3A_537 = arith.constant true
    %reduce_max3A_538 = vector.broadcast %reduce_max3A_537 : i1 to vector<16xi1>
    %reduce_max3A_539 = tpu.scan <max>, %select_n3A_536 masked %reduce_max3A_538 : vector<16xf32>, vector<16xi1> -> vector<16xf32>
    %reduce_max3A_540 = vector.extract %reduce_max3A_539[15] : f32 from vector<16xf32>
    %broadcast_in_dim3A_541 = vector.broadcast %reduce_max3A_540 : f32 to vector<16xf32>
    %eq3A_542 = arith.cmpf oeq, %select_n3A_536, %broadcast_in_dim3A_541 : vector<16xf32>
    %all_reduce_ffs3A_543 = tpu.all_reduce %eq3A_542 {dim = 0 : i64, kind = #tpu.reduction_kind<find_first_set>} : vector<16xi1> -> vector<16xi32>
    %swap3A_544 = arith.constant 29 : i32
    %swap3A_545 = arith.index_cast %swap3A_544 : i32 to index
    %swap3A_546 = arith.constant 0 : index
    %swap3A_547 = tpu.vector_load %arg9[%swap3A_545, %swap3A_546] {strides = array<i32>} : memref<32x16xi32, #tpu.memory_space<vmem>>, vector<16xi32>,
    tpu.vector_store %arg9[%swap3A_545, %swap3A_546], %all_reduce_ffs3A_543 {strides = array<i32>} : memref<32x16xi32, #tpu.memory_space<vmem>>, vector<16xi32>,
    %get3A_548 = arith.constant 360 : index
    %get3A_549 = tpu.vector_load %arg6[%get3A_548] {strides = array<i32>} : memref<400xi32, #tpu.memory_space<vmem>>, vector<16xi32>,
    %convert_element_type3A_550 = arith.sitofp %get3A_549 : vector<16xi32> to vector<16xf32>
    %jit3A_551 = arith.constant -1.000000e+00 : f32
    %broadcast_in_dim3A_552 = vector.broadcast %jit3A_551 : f32 to vector<16xf32>
    %select_n3A_553 = arith.select %lt3A_45, %convert_element_type3A_550, %broadcast_in_dim3A_552 : vector<16xi1>, vector<16xf32>
    %reduce_max3A_554 = arith.constant true
    %reduce_max3A_555 = vector.broadcast %reduce_max3A_554 : i1 to vector<16xi1>
    %reduce_max3A_556 = tpu.scan <max>, %select_n3A_553 masked %reduce_max3A_555 : vector<16xf32>, vector<16xi1> -> vector<16xf32>
    %reduce_max3A_557 = vector.extract %reduce_max3A_556[15] : f32 from vector<16xf32>
    %broadcast_in_dim3A_558 = vector.broadcast %reduce_max3A_557 : f32 to vector<16xf32>
    %eq3A_559 = arith.cmpf oeq, %select_n3A_553, %broadcast_in_dim3A_558 : vector<16xf32>
    %all_reduce_ffs3A_560 = tpu.all_reduce %eq3A_559 {dim = 0 : i64, kind = #tpu.reduction_kind<find_first_set>} : vector<16xi1> -> vector<16xi32>
    %swap3A_561 = arith.constant 30 : i32
    %swap3A_562 = arith.index_cast %swap3A_561 : i32 to index
    %swap3A_563 = arith.constant 0 : index
    %swap3A_564 = tpu.vector_load %arg9[%swap3A_562, %swap3A_563] {strides = array<i32>} : memref<32x16xi32, #tpu.memory_space<vmem>>, vector<16xi32>,
    tpu.vector_store %arg9[%swap3A_562, %swap3A_563], %all_reduce_ffs3A_560 {strides = array<i32>} : memref<32x16xi32, #tpu.memory_space<vmem>>, vector<16xi32>,
    %get3A_565 = arith.constant 372 : index
    %get3A_566 = tpu.vector_load %arg6[%get3A_565] {strides = array<i32>} : memref<400xi32, #tpu.memory_space<vmem>>, vector<16xi32>,
    %convert_element_type3A_567 = arith.sitofp %get3A_566 : vector<16xi32> to vector<16xf32>
    %jit3A_568 = arith.constant -1.000000e+00 : f32
    %broadcast_in_dim3A_569 = vector.broadcast %jit3A_568 : f32 to vector<16xf32>
    %select_n3A_570 = arith.select %lt3A_45, %convert_element_type3A_567, %broadcast_in_dim3A_569 : vector<16xi1>, vector<16xf32>
    %reduce_max3A_571 = arith.constant true
    %reduce_max3A_572 = vector.broadcast %reduce_max3A_571 : i1 to vector<16xi1>
    %reduce_max3A_573 = tpu.scan <max>, %select_n3A_570 masked %reduce_max3A_572 : vector<16xf32>, vector<16xi1> -> vector<16xf32>
    %reduce_max3A_574 = vector.extract %reduce_max3A_573[15] : f32 from vector<16xf32>
    %broadcast_in_dim3A_575 = vector.broadcast %reduce_max3A_574 : f32 to vector<16xf32>
    %eq3A_576 = arith.cmpf oeq, %select_n3A_570, %broadcast_in_dim3A_575 : vector<16xf32>
    %all_reduce_ffs3A_577 = tpu.all_reduce %eq3A_576 {dim = 0 : i64, kind = #tpu.reduction_kind<find_first_set>} : vector<16xi1> -> vector<16xi32>
    %swap3A_578 = arith.constant 31 : i32
    %swap3A_579 = arith.index_cast %swap3A_578 : i32 to index
    %swap3A_580 = arith.constant 0 : index
    %swap3A_581 = tpu.vector_load %arg9[%swap3A_579, %swap3A_580] {strides = array<i32>} : memref<32x16xi32, #tpu.memory_space<vmem>>, vector<16xi32>,
    tpu.vector_store %arg9[%swap3A_579, %swap3A_580], %all_reduce_ffs3A_577 {strides = array<i32>} : memref<32x16xi32, #tpu.memory_space<vmem>>, vector<16xi32>,
    %broadcast_in_dim3A_582 = arith.constant 1.000000e+09 : f32
    %broadcast_in_dim3A_583 = vector.broadcast %broadcast_in_dim3A_582 : f32 to vector<16xf32>
    %broadcast_in_dim3A_584 = arith.constant -2.000000e+00 : f32
    %broadcast_in_dim3A_585 = vector.broadcast %broadcast_in_dim3A_584 : f32 to vector<16xf32>
    %get3A_586 = arith.constant 0 : index
    %get3A_587 = tpu.vector_load %arg8[%get3A_586] {strides = array<i32>} : memref<32xi32, #tpu.memory_space<vmem>>, vector<16xi32>,
    %convert_element_type3A_588 = arith.sitofp %get3A_587 : vector<16xi32> to vector<16xf32>
    %add3A_589 = arith.constant 1 : i32
    %add3A_590 = vector.broadcast %add3A_589 : i32 to vector<16xi32>
    %add3A_591 = arith.addi %get3A_587, %add3A_590 : vector<16xi32>
    %mul3A_592 = arith.constant 16 : i32
    %mul3A_593 = vector.broadcast %mul3A_592 : i32 to vector<16xi32>
    %mul3A_594 = arith.muli %add3A_591, %mul3A_593 : vector<16xi32>
    %add3A_595 = arith.addi %mul3A_594, %iota3A : vector<16xi32>
    %add3A_596 = arith.constant 0 : i32
    %add3A_597 = vector.broadcast %add3A_596 : i32 to vector<16xi32>
    %add3A_598 = arith.addi %iota3A, %add3A_597 : vector<16xi32>
    %mul3A_599 = arith.constant 11 : i32
    %mul3A_600 = vector.broadcast %mul3A_599 : i32 to vector<16xi32>
    %mul3A_601 = arith.muli %add3A_598, %mul3A_600 : vector<16xi32>
    %swap3A_602 = arith.constant 0 : index
    %swap3A_603 = tpu.vector_load %arg10[%swap3A_602] {strides = array<i32>} : memref<2704xf32, #tpu.memory_space<vmem>>, vector<16xf32>,
    tpu.vector_store %arg10[%swap3A_602], %broadcast_in_dim3A_583 {strides = array<i32>} : memref<2704xf32, #tpu.memory_space<vmem>>, vector<16xf32>,
    %swap3A_604 = arith.constant 208 : index
    %swap3A_605 = tpu.vector_load %arg10[%swap3A_604] {strides = array<i32>} : memref<2704xf32, #tpu.memory_space<vmem>>, vector<16xf32>,
    tpu.vector_store %arg10[%swap3A_604], %broadcast_in_dim3A_583 {strides = array<i32>} : memref<2704xf32, #tpu.memory_space<vmem>>, vector<16xf32>,
    %swap3A_606 = arith.constant 416 : index
    %swap3A_607 = tpu.vector_load %arg10[%swap3A_606] {strides = array<i32>} : memref<2704xf32, #tpu.memory_space<vmem>>, vector<16xf32>,
    tpu.vector_store %arg10[%swap3A_606], %broadcast_in_dim3A_583 {strides = array<i32>} : memref<2704xf32, #tpu.memory_space<vmem>>, vector<16xf32>,
    %swap3A_608 = arith.constant 624 : index
    %swap3A_609 = tpu.vector_load %arg10[%swap3A_608] {strides = array<i32>} : memref<2704xf32, #tpu.memory_space<vmem>>, vector<16xf32>,
    tpu.vector_store %arg10[%swap3A_608], %broadcast_in_dim3A_583 {strides = array<i32>} : memref<2704xf32, #tpu.memory_space<vmem>>, vector<16xf32>,
    %swap3A_610 = arith.constant 832 : index
    %swap3A_611 = tpu.vector_load %arg10[%swap3A_610] {strides = array<i32>} : memref<2704xf32, #tpu.memory_space<vmem>>, vector<16xf32>,
    tpu.vector_store %arg10[%swap3A_610], %broadcast_in_dim3A_583 {strides = array<i32>} : memref<2704xf32, #tpu.memory_space<vmem>>, vector<16xf32>,
    %swap3A_612 = arith.constant 1040 : index
    %swap3A_613 = tpu.vector_load %arg10[%swap3A_612] {strides = array<i32>} : memref<2704xf32, #tpu.memory_space<vmem>>, vector<16xf32>,
    tpu.vector_store %arg10[%swap3A_612], %broadcast_in_dim3A_583 {strides = array<i32>} : memref<2704xf32, #tpu.memory_space<vmem>>, vector<16xf32>,
    %swap3A_614 = arith.constant 1248 : index
    %swap3A_615 = tpu.vector_load %arg10[%swap3A_614] {strides = array<i32>} : memref<2704xf32, #tpu.memory_space<vmem>>, vector<16xf32>,
    tpu.vector_store %arg10[%swap3A_614], %broadcast_in_dim3A_583 {strides = array<i32>} : memref<2704xf32, #tpu.memory_space<vmem>>, vector<16xf32>,
    %swap3A_616 = arith.constant 1456 : index
    %swap3A_617 = tpu.vector_load %arg10[%swap3A_616] {strides = array<i32>} : memref<2704xf32, #tpu.memory_space<vmem>>, vector<16xf32>,
    tpu.vector_store %arg10[%swap3A_616], %broadcast_in_dim3A_583 {strides = array<i32>} : memref<2704xf32, #tpu.memory_space<vmem>>, vector<16xf32>,
    %swap3A_618 = arith.constant 1664 : index
    %swap3A_619 = tpu.vector_load %arg10[%swap3A_618] {strides = array<i32>} : memref<2704xf32, #tpu.memory_space<vmem>>, vector<16xf32>,
    tpu.vector_store %arg10[%swap3A_618], %broadcast_in_dim3A_583 {strides = array<i32>} : memref<2704xf32, #tpu.memory_space<vmem>>, vector<16xf32>,
    %swap3A_620 = arith.constant 1872 : index
    %swap3A_621 = tpu.vector_load %arg10[%swap3A_620] {strides = array<i32>} : memref<2704xf32, #tpu.memory_space<vmem>>, vector<16xf32>,
    tpu.vector_store %arg10[%swap3A_620], %broadcast_in_dim3A_583 {strides = array<i32>} : memref<2704xf32, #tpu.memory_space<vmem>>, vector<16xf32>,
    %swap3A_622 = arith.constant 2080 : index
    %swap3A_623 = tpu.vector_load %arg10[%swap3A_622] {strides = array<i32>} : memref<2704xf32, #tpu.memory_space<vmem>>, vector<16xf32>,
    tpu.vector_store %arg10[%swap3A_622], %broadcast_in_dim3A_583 {strides = array<i32>} : memref<2704xf32, #tpu.memory_space<vmem>>, vector<16xf32>,
    %swap3A_624 = arith.constant 2288 : index
    %swap3A_625 = tpu.vector_load %arg10[%swap3A_624] {strides = array<i32>} : memref<2704xf32, #tpu.memory_space<vmem>>, vector<16xf32>,
    tpu.vector_store %arg10[%swap3A_624], %broadcast_in_dim3A_583 {strides = array<i32>} : memref<2704xf32, #tpu.memory_space<vmem>>, vector<16xf32>,
    %swap3A_626 = arith.constant 2496 : index
    %swap3A_627 = tpu.vector_load %arg10[%swap3A_626] {strides = array<i32>} : memref<2704xf32, #tpu.memory_space<vmem>>, vector<16xf32>,
    tpu.vector_store %arg10[%swap3A_626], %broadcast_in_dim3A_583 {strides = array<i32>} : memref<2704xf32, #tpu.memory_space<vmem>>, vector<16xf32>,
    %swap3A_628 = arith.constant 16 : index
    %swap3A_629 = tpu.vector_load %arg10[%swap3A_628] {strides = array<i32>} : memref<2704xf32, #tpu.memory_space<vmem>>, vector<16xf32>,
    tpu.vector_store %arg10[%swap3A_628], %broadcast_in_dim3A_583 {strides = array<i32>} : memref<2704xf32, #tpu.memory_space<vmem>>, vector<16xf32>,
    %swap3A_630 = arith.constant 32 : index
    %swap3A_631 = tpu.vector_load %arg10[%swap3A_630] {strides = array<i32>} : memref<2704xf32, #tpu.memory_space<vmem>>, vector<16xf32>,
    tpu.vector_store %arg10[%swap3A_630], %broadcast_in_dim3A_583 {strides = array<i32>} : memref<2704xf32, #tpu.memory_space<vmem>>, vector<16xf32>,
    %swap3A_632 = arith.constant 48 : index
    %swap3A_633 = tpu.vector_load %arg10[%swap3A_632] {strides = array<i32>} : memref<2704xf32, #tpu.memory_space<vmem>>, vector<16xf32>,
    tpu.vector_store %arg10[%swap3A_632], %broadcast_in_dim3A_583 {strides = array<i32>} : memref<2704xf32, #tpu.memory_space<vmem>>, vector<16xf32>,
    %swap3A_634 = arith.constant 64 : index
    %swap3A_635 = tpu.vector_load %arg10[%swap3A_634] {strides = array<i32>} : memref<2704xf32, #tpu.memory_space<vmem>>, vector<16xf32>,
    tpu.vector_store %arg10[%swap3A_634], %broadcast_in_dim3A_583 {strides = array<i32>} : memref<2704xf32, #tpu.memory_space<vmem>>, vector<16xf32>,
    %swap3A_636 = arith.constant 80 : index
    %swap3A_637 = tpu.vector_load %arg10[%swap3A_636] {strides = array<i32>} : memref<2704xf32, #tpu.memory_space<vmem>>, vector<16xf32>,
    tpu.vector_store %arg10[%swap3A_636], %broadcast_in_dim3A_583 {strides = array<i32>} : memref<2704xf32, #tpu.memory_space<vmem>>, vector<16xf32>,
    %swap3A_638 = arith.constant 96 : index
    %swap3A_639 = tpu.vector_load %arg10[%swap3A_638] {strides = array<i32>} : memref<2704xf32, #tpu.memory_space<vmem>>, vector<16xf32>,
    tpu.vector_store %arg10[%swap3A_638], %broadcast_in_dim3A_583 {strides = array<i32>} : memref<2704xf32, #tpu.memory_space<vmem>>, vector<16xf32>,
    %swap3A_640 = arith.constant 112 : index
    %swap3A_641 = tpu.vector_load %arg10[%swap3A_640] {strides = array<i32>} : memref<2704xf32, #tpu.memory_space<vmem>>, vector<16xf32>,
    tpu.vector_store %arg10[%swap3A_640], %broadcast_in_dim3A_583 {strides = array<i32>} : memref<2704xf32, #tpu.memory_space<vmem>>, vector<16xf32>,
    %swap3A_642 = arith.constant 128 : index
    %swap3A_643 = tpu.vector_load %arg10[%swap3A_642] {strides = array<i32>} : memref<2704xf32, #tpu.memory_space<vmem>>, vector<16xf32>,
    tpu.vector_store %arg10[%swap3A_642], %broadcast_in_dim3A_583 {strides = array<i32>} : memref<2704xf32, #tpu.memory_space<vmem>>, vector<16xf32>,
    %swap3A_644 = arith.constant 144 : index
    %swap3A_645 = tpu.vector_load %arg10[%swap3A_644] {strides = array<i32>} : memref<2704xf32, #tpu.memory_space<vmem>>, vector<16xf32>,
    tpu.vector_store %arg10[%swap3A_644], %broadcast_in_dim3A_583 {strides = array<i32>} : memref<2704xf32, #tpu.memory_space<vmem>>, vector<16xf32>,
    %swap3A_646 = arith.constant 160 : index
    %swap3A_647 = tpu.vector_load %arg10[%swap3A_646] {strides = array<i32>} : memref<2704xf32, #tpu.memory_space<vmem>>, vector<16xf32>,
    tpu.vector_store %arg10[%swap3A_646], %broadcast_in_dim3A_583 {strides = array<i32>} : memref<2704xf32, #tpu.memory_space<vmem>>, vector<16xf32>,
    %swap3A_648 = arith.constant 176 : index
    %swap3A_649 = tpu.vector_load %arg10[%swap3A_648] {strides = array<i32>} : memref<2704xf32, #tpu.memory_space<vmem>>, vector<16xf32>,
    tpu.vector_store %arg10[%swap3A_648], %broadcast_in_dim3A_583 {strides = array<i32>} : memref<2704xf32, #tpu.memory_space<vmem>>, vector<16xf32>,
    %swap3A_650 = arith.constant 192 : index
    %swap3A_651 = tpu.vector_load %arg10[%swap3A_650] {strides = array<i32>} : memref<2704xf32, #tpu.memory_space<vmem>>, vector<16xf32>,
    tpu.vector_store %arg10[%swap3A_650], %broadcast_in_dim3A_583 {strides = array<i32>} : memref<2704xf32, #tpu.memory_space<vmem>>, vector<16xf32>,
    %swap3A_652 = arith.constant 224 : index
    %swap3A_653 = tpu.vector_load %arg10[%swap3A_652] {strides = array<i32>} : memref<2704xf32, #tpu.memory_space<vmem>>, vector<16xf32>,
    tpu.vector_store %arg10[%swap3A_652], %broadcast_in_dim3A_585 {strides = array<i32>} : memref<2704xf32, #tpu.memory_space<vmem>>, vector<16xf32>,
    %swap3A_654 = arith.constant 432 : index
    %swap3A_655 = tpu.vector_load %arg10[%swap3A_654] {strides = array<i32>} : memref<2704xf32, #tpu.memory_space<vmem>>, vector<16xf32>,
    tpu.vector_store %arg10[%swap3A_654], %broadcast_in_dim3A_585 {strides = array<i32>} : memref<2704xf32, #tpu.memory_space<vmem>>, vector<16xf32>,
    %swap3A_656 = arith.constant 640 : index
    %swap3A_657 = tpu.vector_load %arg10[%swap3A_656] {strides = array<i32>} : memref<2704xf32, #tpu.memory_space<vmem>>, vector<16xf32>,
    tpu.vector_store %arg10[%swap3A_656], %broadcast_in_dim3A_585 {strides = array<i32>} : memref<2704xf32, #tpu.memory_space<vmem>>, vector<16xf32>,
    %swap3A_658 = arith.constant 848 : index
    %swap3A_659 = tpu.vector_load %arg10[%swap3A_658] {strides = array<i32>} : memref<2704xf32, #tpu.memory_space<vmem>>, vector<16xf32>,
    tpu.vector_store %arg10[%swap3A_658], %broadcast_in_dim3A_585 {strides = array<i32>} : memref<2704xf32, #tpu.memory_space<vmem>>, vector<16xf32>,
    %swap3A_660 = arith.constant 1056 : index
    %swap3A_661 = tpu.vector_load %arg10[%swap3A_660] {strides = array<i32>} : memref<2704xf32, #tpu.memory_space<vmem>>, vector<16xf32>,
    tpu.vector_store %arg10[%swap3A_660], %broadcast_in_dim3A_585 {strides = array<i32>} : memref<2704xf32, #tpu.memory_space<vmem>>, vector<16xf32>,
    %swap3A_662 = arith.constant 1264 : index
    %swap3A_663 = tpu.vector_load %arg10[%swap3A_662] {strides = array<i32>} : memref<2704xf32, #tpu.memory_space<vmem>>, vector<16xf32>,
    tpu.vector_store %arg10[%swap3A_662], %broadcast_in_dim3A_585 {strides = array<i32>} : memref<2704xf32, #tpu.memory_space<vmem>>, vector<16xf32>,
    %swap3A_664 = arith.constant 1472 : index
    %swap3A_665 = tpu.vector_load %arg10[%swap3A_664] {strides = array<i32>} : memref<2704xf32, #tpu.memory_space<vmem>>, vector<16xf32>,
    tpu.vector_store %arg10[%swap3A_664], %broadcast_in_dim3A_585 {strides = array<i32>} : memref<2704xf32, #tpu.memory_space<vmem>>, vector<16xf32>,
    %swap3A_666 = arith.constant 1680 : index
    %swap3A_667 = tpu.vector_load %arg10[%swap3A_666] {strides = array<i32>} : memref<2704xf32, #tpu.memory_space<vmem>>, vector<16xf32>,
    tpu.vector_store %arg10[%swap3A_666], %broadcast_in_dim3A_585 {strides = array<i32>} : memref<2704xf32, #tpu.memory_space<vmem>>, vector<16xf32>,
    %swap3A_668 = arith.constant 1888 : index
    %swap3A_669 = tpu.vector_load %arg10[%swap3A_668] {strides = array<i32>} : memref<2704xf32, #tpu.memory_space<vmem>>, vector<16xf32>,
    tpu.vector_store %arg10[%swap3A_668], %broadcast_in_dim3A_585 {strides = array<i32>} : memref<2704xf32, #tpu.memory_space<vmem>>, vector<16xf32>,
    %swap3A_670 = arith.constant 2096 : index
    %swap3A_671 = tpu.vector_load %arg10[%swap3A_670] {strides = array<i32>} : memref<2704xf32, #tpu.memory_space<vmem>>, vector<16xf32>,
    tpu.vector_store %arg10[%swap3A_670], %broadcast_in_dim3A_585 {strides = array<i32>} : memref<2704xf32, #tpu.memory_space<vmem>>, vector<16xf32>,
    %swap3A_672 = arith.constant 2304 : index
    %swap3A_673 = tpu.vector_load %arg10[%swap3A_672] {strides = array<i32>} : memref<2704xf32, #tpu.memory_space<vmem>>, vector<16xf32>,
    tpu.vector_store %arg10[%swap3A_672], %broadcast_in_dim3A_585 {strides = array<i32>} : memref<2704xf32, #tpu.memory_space<vmem>>, vector<16xf32>,
    %swap3A_674 = arith.constant 2512 : index
    %swap3A_675 = tpu.vector_load %arg10[%swap3A_674] {strides = array<i32>} : memref<2704xf32, #tpu.memory_space<vmem>>, vector<16xf32>,
    tpu.vector_store %arg10[%swap3A_674], %broadcast_in_dim3A_585 {strides = array<i32>} : memref<2704xf32, #tpu.memory_space<vmem>>, vector<16xf32>,
    %ge3A = arith.constant 1 : i32
    %ge3A_676 = vector.broadcast %ge3A : i32 to vector<16xi32>
    %ge3A_677 = arith.cmpi sge, %get3A_587, %ge3A_676 : vector<16xi32>
    %jit3A_678 = arith.constant -2.000000e+00 : f32
    %jit3A_679 = arith.constant -3.000000e+00 : f32
    %broadcast_in_dim3A_680 = vector.broadcast %jit3A_678 : f32 to vector<16xf32>
    %broadcast_in_dim3A_681 = vector.broadcast %jit3A_679 : f32 to vector<16xf32>
    %select_n3A_682 = arith.select %ge3A_677, %broadcast_in_dim3A_680, %broadcast_in_dim3A_681 : vector<16xi1>, vector<16xf32>
    %swap3A_683 = arith.constant 240 : index
    %swap3A_684 = tpu.vector_load %arg10[%swap3A_683] {strides = array<i32>} : memref<2704xf32, #tpu.memory_space<vmem>>, vector<16xf32>,
    tpu.vector_store %arg10[%swap3A_683], %select_n3A_682 {strides = array<i32>} : memref<2704xf32, #tpu.memory_space<vmem>>, vector<16xf32>,
    %ge3A_685 = arith.constant 2 : i32
    %ge3A_686 = vector.broadcast %ge3A_685 : i32 to vector<16xi32>
    %ge3A_687 = arith.cmpi sge, %get3A_587, %ge3A_686 : vector<16xi32>
    %jit3A_688 = arith.constant -2.000000e+00 : f32
    %jit3A_689 = arith.constant -4.000000e+00 : f32
    %broadcast_in_dim3A_690 = vector.broadcast %jit3A_688 : f32 to vector<16xf32>
    %broadcast_in_dim3A_691 = vector.broadcast %jit3A_689 : f32 to vector<16xf32>
    %select_n3A_692 = arith.select %ge3A_687, %broadcast_in_dim3A_690, %broadcast_in_dim3A_691 : vector<16xi1>, vector<16xf32>
    %swap3A_693 = arith.constant 256 : index
    %swap3A_694 = tpu.vector_load %arg10[%swap3A_693] {strides = array<i32>} : memref<2704xf32, #tpu.memory_space<vmem>>, vector<16xf32>,
    tpu.vector_store %arg10[%swap3A_693], %select_n3A_692 {strides = array<i32>} : memref<2704xf32, #tpu.memory_space<vmem>>, vector<16xf32>,
    %ge3A_695 = arith.constant 3 : i32
    %ge3A_696 = vector.broadcast %ge3A_695 : i32 to vector<16xi32>
    %ge3A_697 = arith.cmpi sge, %get3A_587, %ge3A_696 : vector<16xi32>
    %jit3A_698 = arith.constant -2.000000e+00 : f32
    %jit3A_699 = arith.constant -5.000000e+00 : f32
    %broadcast_in_dim3A_700 = vector.broadcast %jit3A_698 : f32 to vector<16xf32>
    %broadcast_in_dim3A_701 = vector.broadcast %jit3A_699 : f32 to vector<16xf32>
    %select_n3A_702 = arith.select %ge3A_697, %broadcast_in_dim3A_700, %broadcast_in_dim3A_701 : vector<16xi1>, vector<16xf32>
    %swap3A_703 = arith.constant 272 : index
    %swap3A_704 = tpu.vector_load %arg10[%swap3A_703] {strides = array<i32>} : memref<2704xf32, #tpu.memory_space<vmem>>, vector<16xf32>,
    tpu.vector_store %arg10[%swap3A_703], %select_n3A_702 {strides = array<i32>} : memref<2704xf32, #tpu.memory_space<vmem>>, vector<16xf32>,
    %ge3A_705 = arith.constant 4 : i32
    %ge3A_706 = vector.broadcast %ge3A_705 : i32 to vector<16xi32>
    %ge3A_707 = arith.cmpi sge, %get3A_587, %ge3A_706 : vector<16xi32>
    %jit3A_708 = arith.constant -2.000000e+00 : f32
    %jit3A_709 = arith.constant -6.000000e+00 : f32
    %broadcast_in_dim3A_710 = vector.broadcast %jit3A_708 : f32 to vector<16xf32>
    %broadcast_in_dim3A_711 = vector.broadcast %jit3A_709 : f32 to vector<16xf32>
    %select_n3A_712 = arith.select %ge3A_707, %broadcast_in_dim3A_710, %broadcast_in_dim3A_711 : vector<16xi1>, vector<16xf32>
    %swap3A_713 = arith.constant 288 : index
    %swap3A_714 = tpu.vector_load %arg10[%swap3A_713] {strides = array<i32>} : memref<2704xf32, #tpu.memory_space<vmem>>, vector<16xf32>,
    tpu.vector_store %arg10[%swap3A_713], %select_n3A_712 {strides = array<i32>} : memref<2704xf32, #tpu.memory_space<vmem>>, vector<16xf32>,
    %ge3A_715 = arith.constant 5 : i32
    %ge3A_716 = vector.broadcast %ge3A_715 : i32 to vector<16xi32>
    %ge3A_717 = arith.cmpi sge, %get3A_587, %ge3A_716 : vector<16xi32>
    %jit3A_718 = arith.constant -2.000000e+00 : f32
    %jit3A_719 = arith.constant -7.000000e+00 : f32
    %broadcast_in_dim3A_720 = vector.broadcast %jit3A_718 : f32 to vector<16xf32>
    %broadcast_in_dim3A_721 = vector.broadcast %jit3A_719 : f32 to vector<16xf32>
    %select_n3A_722 = arith.select %ge3A_717, %broadcast_in_dim3A_720, %broadcast_in_dim3A_721 : vector<16xi1>, vector<16xf32>
    %swap3A_723 = arith.constant 304 : index
    %swap3A_724 = tpu.vector_load %arg10[%swap3A_723] {strides = array<i32>} : memref<2704xf32, #tpu.memory_space<vmem>>, vector<16xf32>,
    tpu.vector_store %arg10[%swap3A_723], %select_n3A_722 {strides = array<i32>} : memref<2704xf32, #tpu.memory_space<vmem>>, vector<16xf32>,
    %ge3A_725 = arith.constant 6 : i32
    %ge3A_726 = vector.broadcast %ge3A_725 : i32 to vector<16xi32>
    %ge3A_727 = arith.cmpi sge, %get3A_587, %ge3A_726 : vector<16xi32>
    %jit3A_728 = arith.constant -2.000000e+00 : f32
    %jit3A_729 = arith.constant -8.000000e+00 : f32
    %broadcast_in_dim3A_730 = vector.broadcast %jit3A_728 : f32 to vector<16xf32>
    %broadcast_in_dim3A_731 = vector.broadcast %jit3A_729 : f32 to vector<16xf32>
    %select_n3A_732 = arith.select %ge3A_727, %broadcast_in_dim3A_730, %broadcast_in_dim3A_731 : vector<16xi1>, vector<16xf32>
    %swap3A_733 = arith.constant 320 : index
    %swap3A_734 = tpu.vector_load %arg10[%swap3A_733] {strides = array<i32>} : memref<2704xf32, #tpu.memory_space<vmem>>, vector<16xf32>,
    tpu.vector_store %arg10[%swap3A_733], %select_n3A_732 {strides = array<i32>} : memref<2704xf32, #tpu.memory_space<vmem>>, vector<16xf32>,
    %ge3A_735 = arith.constant 7 : i32
    %ge3A_736 = vector.broadcast %ge3A_735 : i32 to vector<16xi32>
    %ge3A_737 = arith.cmpi sge, %get3A_587, %ge3A_736 : vector<16xi32>
    %jit3A_738 = arith.constant -2.000000e+00 : f32
    %jit3A_739 = arith.constant -9.000000e+00 : f32
    %broadcast_in_dim3A_740 = vector.broadcast %jit3A_738 : f32 to vector<16xf32>
    %broadcast_in_dim3A_741 = vector.broadcast %jit3A_739 : f32 to vector<16xf32>
    %select_n3A_742 = arith.select %ge3A_737, %broadcast_in_dim3A_740, %broadcast_in_dim3A_741 : vector<16xi1>, vector<16xf32>
    %swap3A_743 = arith.constant 336 : index
    %swap3A_744 = tpu.vector_load %arg10[%swap3A_743] {strides = array<i32>} : memref<2704xf32, #tpu.memory_space<vmem>>, vector<16xf32>,
    tpu.vector_store %arg10[%swap3A_743], %select_n3A_742 {strides = array<i32>} : memref<2704xf32, #tpu.memory_space<vmem>>, vector<16xf32>,
    %ge3A_745 = arith.constant 8 : i32
    %ge3A_746 = vector.broadcast %ge3A_745 : i32 to vector<16xi32>
    %ge3A_747 = arith.cmpi sge, %get3A_587, %ge3A_746 : vector<16xi32>
    %jit3A_748 = arith.constant -2.000000e+00 : f32
    %jit3A_749 = arith.constant -1.000000e+01 : f32
    %broadcast_in_dim3A_750 = vector.broadcast %jit3A_748 : f32 to vector<16xf32>
    %broadcast_in_dim3A_751 = vector.broadcast %jit3A_749 : f32 to vector<16xf32>
    %select_n3A_752 = arith.select %ge3A_747, %broadcast_in_dim3A_750, %broadcast_in_dim3A_751 : vector<16xi1>, vector<16xf32>
    %swap3A_753 = arith.constant 352 : index
    %swap3A_754 = tpu.vector_load %arg10[%swap3A_753] {strides = array<i32>} : memref<2704xf32, #tpu.memory_space<vmem>>, vector<16xf32>,
    tpu.vector_store %arg10[%swap3A_753], %select_n3A_752 {strides = array<i32>} : memref<2704xf32, #tpu.memory_space<vmem>>, vector<16xf32>,
    %ge3A_755 = arith.constant 9 : i32
    %ge3A_756 = vector.broadcast %ge3A_755 : i32 to vector<16xi32>
    %ge3A_757 = arith.cmpi sge, %get3A_587, %ge3A_756 : vector<16xi32>
    %jit3A_758 = arith.constant -2.000000e+00 : f32
    %jit3A_759 = arith.constant -1.100000e+01 : f32
    %broadcast_in_dim3A_760 = vector.broadcast %jit3A_758 : f32 to vector<16xf32>
    %broadcast_in_dim3A_761 = vector.broadcast %jit3A_759 : f32 to vector<16xf32>
    %select_n3A_762 = arith.select %ge3A_757, %broadcast_in_dim3A_760, %broadcast_in_dim3A_761 : vector<16xi1>, vector<16xf32>
    %swap3A_763 = arith.constant 368 : index
    %swap3A_764 = tpu.vector_load %arg10[%swap3A_763] {strides = array<i32>} : memref<2704xf32, #tpu.memory_space<vmem>>, vector<16xf32>,
    tpu.vector_store %arg10[%swap3A_763], %select_n3A_762 {strides = array<i32>} : memref<2704xf32, #tpu.memory_space<vmem>>, vector<16xf32>,
    %ge3A_765 = arith.constant 10 : i32
    %ge3A_766 = vector.broadcast %ge3A_765 : i32 to vector<16xi32>
    %ge3A_767 = arith.cmpi sge, %get3A_587, %ge3A_766 : vector<16xi32>
    %jit3A_768 = arith.constant -2.000000e+00 : f32
    %jit3A_769 = arith.constant -1.200000e+01 : f32
    %broadcast_in_dim3A_770 = vector.broadcast %jit3A_768 : f32 to vector<16xf32>
    %broadcast_in_dim3A_771 = vector.broadcast %jit3A_769 : f32 to vector<16xf32>
    %select_n3A_772 = arith.select %ge3A_767, %broadcast_in_dim3A_770, %broadcast_in_dim3A_771 : vector<16xi1>, vector<16xf32>
    %swap3A_773 = arith.constant 384 : index
    %swap3A_774 = tpu.vector_load %arg10[%swap3A_773] {strides = array<i32>} : memref<2704xf32, #tpu.memory_space<vmem>>, vector<16xf32>,
    tpu.vector_store %arg10[%swap3A_773], %select_n3A_772 {strides = array<i32>} : memref<2704xf32, #tpu.memory_space<vmem>>, vector<16xf32>,
    %ge3A_775 = arith.constant 11 : i32
    %ge3A_776 = vector.broadcast %ge3A_775 : i32 to vector<16xi32>
    %ge3A_777 = arith.cmpi sge, %get3A_587, %ge3A_776 : vector<16xi32>
    %jit3A_778 = arith.constant -2.000000e+00 : f32
    %jit3A_779 = arith.constant -1.300000e+01 : f32
    %broadcast_in_dim3A_780 = vector.broadcast %jit3A_778 : f32 to vector<16xf32>
    %broadcast_in_dim3A_781 = vector.broadcast %jit3A_779 : f32 to vector<16xf32>
    %select_n3A_782 = arith.select %ge3A_777, %broadcast_in_dim3A_780, %broadcast_in_dim3A_781 : vector<16xi1>, vector<16xf32>
    %swap3A_783 = arith.constant 400 : index
    %swap3A_784 = tpu.vector_load %arg10[%swap3A_783] {strides = array<i32>} : memref<2704xf32, #tpu.memory_space<vmem>>, vector<16xf32>,
    tpu.vector_store %arg10[%swap3A_783], %select_n3A_782 {strides = array<i32>} : memref<2704xf32, #tpu.memory_space<vmem>>, vector<16xf32>,
    %get3A_785 = arith.constant 16 : index
    %get3A_786 = tpu.vector_load %arg8[%get3A_785] {strides = array<i32>} : memref<32xi32, #tpu.memory_space<vmem>>, vector<16xi32>,
    %convert_element_type3A_787 = arith.sitofp %get3A_786 : vector<16xi32> to vector<16xf32>
    %add3A_788 = arith.constant 1 : i32
    %add3A_789 = vector.broadcast %add3A_788 : i32 to vector<16xi32>
    %add3A_790 = arith.addi %get3A_786, %add3A_789 : vector<16xi32>
    %mul3A_791 = arith.constant 16 : i32
    %mul3A_792 = vector.broadcast %mul3A_791 : i32 to vector<16xi32>
    %mul3A_793 = arith.muli %add3A_790, %mul3A_792 : vector<16xi32>
    %add3A_794 = arith.addi %mul3A_793, %iota3A : vector<16xi32>
    %add3A_795 = arith.constant 16 : i32
    %add3A_796 = vector.broadcast %add3A_795 : i32 to vector<16xi32>
    %add3A_797 = arith.addi %iota3A, %add3A_796 : vector<16xi32>
    %mul3A_798 = arith.constant 11 : i32
    %mul3A_799 = vector.broadcast %mul3A_798 : i32 to vector<16xi32>
    %mul3A_800 = arith.muli %add3A_797, %mul3A_799 : vector<16xi32>
    %swap3A_801 = arith.constant 0 : index
    %swap3A_802 = tpu.vector_load %arg11[%swap3A_801] {strides = array<i32>} : memref<2704xf32, #tpu.memory_space<vmem>>, vector<16xf32>,
    tpu.vector_store %arg11[%swap3A_801], %broadcast_in_dim3A_583 {strides = array<i32>} : memref<2704xf32, #tpu.memory_space<vmem>>, vector<16xf32>,
    %swap3A_803 = arith.constant 208 : index
    %swap3A_804 = tpu.vector_load %arg11[%swap3A_803] {strides = array<i32>} : memref<2704xf32, #tpu.memory_space<vmem>>, vector<16xf32>,
    tpu.vector_store %arg11[%swap3A_803], %broadcast_in_dim3A_583 {strides = array<i32>} : memref<2704xf32, #tpu.memory_space<vmem>>, vector<16xf32>,
    %swap3A_805 = arith.constant 416 : index
    %swap3A_806 = tpu.vector_load %arg11[%swap3A_805] {strides = array<i32>} : memref<2704xf32, #tpu.memory_space<vmem>>, vector<16xf32>,
    tpu.vector_store %arg11[%swap3A_805], %broadcast_in_dim3A_583 {strides = array<i32>} : memref<2704xf32, #tpu.memory_space<vmem>>, vector<16xf32>,
    %swap3A_807 = arith.constant 624 : index
    %swap3A_808 = tpu.vector_load %arg11[%swap3A_807] {strides = array<i32>} : memref<2704xf32, #tpu.memory_space<vmem>>, vector<16xf32>,
    tpu.vector_store %arg11[%swap3A_807], %broadcast_in_dim3A_583 {strides = array<i32>} : memref<2704xf32, #tpu.memory_space<vmem>>, vector<16xf32>,
    %swap3A_809 = arith.constant 832 : index
    %swap3A_810 = tpu.vector_load %arg11[%swap3A_809] {strides = array<i32>} : memref<2704xf32, #tpu.memory_space<vmem>>, vector<16xf32>,
    tpu.vector_store %arg11[%swap3A_809], %broadcast_in_dim3A_583 {strides = array<i32>} : memref<2704xf32, #tpu.memory_space<vmem>>, vector<16xf32>,
    %swap3A_811 = arith.constant 1040 : index
    %swap3A_812 = tpu.vector_load %arg11[%swap3A_811] {strides = array<i32>} : memref<2704xf32, #tpu.memory_space<vmem>>, vector<16xf32>,
    tpu.vector_store %arg11[%swap3A_811], %broadcast_in_dim3A_583 {strides = array<i32>} : memref<2704xf32, #tpu.memory_space<vmem>>, vector<16xf32>,
    %swap3A_813 = arith.constant 1248 : index
    %swap3A_814 = tpu.vector_load %arg11[%swap3A_813] {strides = array<i32>} : memref<2704xf32, #tpu.memory_space<vmem>>, vector<16xf32>,
    tpu.vector_store %arg11[%swap3A_813], %broadcast_in_dim3A_583 {strides = array<i32>} : memref<2704xf32, #tpu.memory_space<vmem>>, vector<16xf32>,
    %swap3A_815 = arith.constant 1456 : index
    %swap3A_816 = tpu.vector_load %arg11[%swap3A_815] {strides = array<i32>} : memref<2704xf32, #tpu.memory_space<vmem>>, vector<16xf32>,
    tpu.vector_store %arg11[%swap3A_815], %broadcast_in_dim3A_583 {strides = array<i32>} : memref<2704xf32, #tpu.memory_space<vmem>>, vector<16xf32>,
    %swap3A_817 = arith.constant 1664 : index
    %swap3A_818 = tpu.vector_load %arg11[%swap3A_817] {strides = array<i32>} : memref<2704xf32, #tpu.memory_space<vmem>>, vector<16xf32>,
    tpu.vector_store %arg11[%swap3A_817], %broadcast_in_dim3A_583 {strides = array<i32>} : memref<2704xf32, #tpu.memory_space<vmem>>, vector<16xf32>,
    %swap3A_819 = arith.constant 1872 : index
    %swap3A_820 = tpu.vector_load %arg11[%swap3A_819] {strides = array<i32>} : memref<2704xf32, #tpu.memory_space<vmem>>, vector<16xf32>,
    tpu.vector_store %arg11[%swap3A_819], %broadcast_in_dim3A_583 {strides = array<i32>} : memref<2704xf32, #tpu.memory_space<vmem>>, vector<16xf32>,
    %swap3A_821 = arith.constant 2080 : index
    %swap3A_822 = tpu.vector_load %arg11[%swap3A_821] {strides = array<i32>} : memref<2704xf32, #tpu.memory_space<vmem>>, vector<16xf32>,
    tpu.vector_store %arg11[%swap3A_821], %broadcast_in_dim3A_583 {strides = array<i32>} : memref<2704xf32, #tpu.memory_space<vmem>>, vector<16xf32>,
    %swap3A_823 = arith.constant 2288 : index
    %swap3A_824 = tpu.vector_load %arg11[%swap3A_823] {strides = array<i32>} : memref<2704xf32, #tpu.memory_space<vmem>>, vector<16xf32>,
    tpu.vector_store %arg11[%swap3A_823], %broadcast_in_dim3A_583 {strides = array<i32>} : memref<2704xf32, #tpu.memory_space<vmem>>, vector<16xf32>,
    %swap3A_825 = arith.constant 2496 : index
    %swap3A_826 = tpu.vector_load %arg11[%swap3A_825] {strides = array<i32>} : memref<2704xf32, #tpu.memory_space<vmem>>, vector<16xf32>,
    tpu.vector_store %arg11[%swap3A_825], %broadcast_in_dim3A_583 {strides = array<i32>} : memref<2704xf32, #tpu.memory_space<vmem>>, vector<16xf32>,
    %swap3A_827 = arith.constant 16 : index
    %swap3A_828 = tpu.vector_load %arg11[%swap3A_827] {strides = array<i32>} : memref<2704xf32, #tpu.memory_space<vmem>>, vector<16xf32>,
    tpu.vector_store %arg11[%swap3A_827], %broadcast_in_dim3A_583 {strides = array<i32>} : memref<2704xf32, #tpu.memory_space<vmem>>, vector<16xf32>,
    %swap3A_829 = arith.constant 32 : index
    %swap3A_830 = tpu.vector_load %arg11[%swap3A_829] {strides = array<i32>} : memref<2704xf32, #tpu.memory_space<vmem>>, vector<16xf32>,
    tpu.vector_store %arg11[%swap3A_829], %broadcast_in_dim3A_583 {strides = array<i32>} : memref<2704xf32, #tpu.memory_space<vmem>>, vector<16xf32>,
    %swap3A_831 = arith.constant 48 : index
    %swap3A_832 = tpu.vector_load %arg11[%swap3A_831] {strides = array<i32>} : memref<2704xf32, #tpu.memory_space<vmem>>, vector<16xf32>,
    tpu.vector_store %arg11[%swap3A_831], %broadcast_in_dim3A_583 {strides = array<i32>} : memref<2704xf32, #tpu.memory_space<vmem>>, vector<16xf32>,
    %swap3A_833 = arith.constant 64 : index
    %swap3A_834 = tpu.vector_load %arg11[%swap3A_833] {strides = array<i32>} : memref<2704xf32, #tpu.memory_space<vmem>>, vector<16xf32>,
    tpu.vector_store %arg11[%swap3A_833], %broadcast_in_dim3A_583 {strides = array<i32>} : memref<2704xf32, #tpu.memory_space<vmem>>, vector<16xf32>,
    %swap3A_835 = arith.constant 80 : index
    %swap3A_836 = tpu.vector_load %arg11[%swap3A_835] {strides = array<i32>} : memref<2704xf32, #tpu.memory_space<vmem>>, vector<16xf32>,
    tpu.vector_store %arg11[%swap3A_835], %broadcast_in_dim3A_583 {strides = array<i32>} : memref<2704xf32, #tpu.memory_space<vmem>>, vector<16xf32>,
    %swap3A_837 = arith.constant 96 : index
    %swap3A_838 = tpu.vector_load %arg11[%swap3A_837] {strides = array<i32>} : memref<2704xf32, #tpu.memory_space<vmem>>, vector<16xf32>,
    tpu.vector_store %arg11[%swap3A_837], %broadcast_in_dim3A_583 {strides = array<i32>} : memref<2704xf32, #tpu.memory_space<vmem>>, vector<16xf32>,
    %swap3A_839 = arith.constant 112 : index
    %swap3A_840 = tpu.vector_load %arg11[%swap3A_839] {strides = array<i32>} : memref<2704xf32, #tpu.memory_space<vmem>>, vector<16xf32>,
    tpu.vector_store %arg11[%swap3A_839], %broadcast_in_dim3A_583 {strides = array<i32>} : memref<2704xf32, #tpu.memory_space<vmem>>, vector<16xf32>,
    %swap3A_841 = arith.constant 128 : index
    %swap3A_842 = tpu.vector_load %arg11[%swap3A_841] {strides = array<i32>} : memref<2704xf32, #tpu.memory_space<vmem>>, vector<16xf32>,
    tpu.vector_store %arg11[%swap3A_841], %broadcast_in_dim3A_583 {strides = array<i32>} : memref<2704xf32, #tpu.memory_space<vmem>>, vector<16xf32>,
    %swap3A_843 = arith.constant 144 : index
    %swap3A_844 = tpu.vector_load %arg11[%swap3A_843] {strides = array<i32>} : memref<2704xf32, #tpu.memory_space<vmem>>, vector<16xf32>,
    tpu.vector_store %arg11[%swap3A_843], %broadcast_in_dim3A_583 {strides = array<i32>} : memref<2704xf32, #tpu.memory_space<vmem>>, vector<16xf32>,
    %swap3A_845 = arith.constant 160 : index
    %swap3A_846 = tpu.vector_load %arg11[%swap3A_845] {strides = array<i32>} : memref<2704xf32, #tpu.memory_space<vmem>>, vector<16xf32>,
    tpu.vector_store %arg11[%swap3A_845], %broadcast_in_dim3A_583 {strides = array<i32>} : memref<2704xf32, #tpu.memory_space<vmem>>, vector<16xf32>,
    %swap3A_847 = arith.constant 176 : index
    %swap3A_848 = tpu.vector_load %arg11[%swap3A_847] {strides = array<i32>} : memref<2704xf32, #tpu.memory_space<vmem>>, vector<16xf32>,
    tpu.vector_store %arg11[%swap3A_847], %broadcast_in_dim3A_583 {strides = array<i32>} : memref<2704xf32, #tpu.memory_space<vmem>>, vector<16xf32>,
    %swap3A_849 = arith.constant 192 : index
    %swap3A_850 = tpu.vector_load %arg11[%swap3A_849] {strides = array<i32>} : memref<2704xf32, #tpu.memory_space<vmem>>, vector<16xf32>,
    tpu.vector_store %arg11[%swap3A_849], %broadcast_in_dim3A_583 {strides = array<i32>} : memref<2704xf32, #tpu.memory_space<vmem>>, vector<16xf32>,
    %swap3A_851 = arith.constant 224 : index
    %swap3A_852 = tpu.vector_load %arg11[%swap3A_851] {strides = array<i32>} : memref<2704xf32, #tpu.memory_space<vmem>>, vector<16xf32>,
    tpu.vector_store %arg11[%swap3A_851], %broadcast_in_dim3A_585 {strides = array<i32>} : memref<2704xf32, #tpu.memory_space<vmem>>, vector<16xf32>,
    %swap3A_853 = arith.constant 432 : index
    %swap3A_854 = tpu.vector_load %arg11[%swap3A_853] {strides = array<i32>} : memref<2704xf32, #tpu.memory_space<vmem>>, vector<16xf32>,
    tpu.vector_store %arg11[%swap3A_853], %broadcast_in_dim3A_585 {strides = array<i32>} : memref<2704xf32, #tpu.memory_space<vmem>>, vector<16xf32>,
    %swap3A_855 = arith.constant 640 : index
    %swap3A_856 = tpu.vector_load %arg11[%swap3A_855] {strides = array<i32>} : memref<2704xf32, #tpu.memory_space<vmem>>, vector<16xf32>,
    tpu.vector_store %arg11[%swap3A_855], %broadcast_in_dim3A_585 {strides = array<i32>} : memref<2704xf32, #tpu.memory_space<vmem>>, vector<16xf32>,
    %swap3A_857 = arith.constant 848 : index
    %swap3A_858 = tpu.vector_load %arg11[%swap3A_857] {strides = array<i32>} : memref<2704xf32, #tpu.memory_space<vmem>>, vector<16xf32>,
    tpu.vector_store %arg11[%swap3A_857], %broadcast_in_dim3A_585 {strides = array<i32>} : memref<2704xf32, #tpu.memory_space<vmem>>, vector<16xf32>,
    %swap3A_859 = arith.constant 1056 : index
    %swap3A_860 = tpu.vector_load %arg11[%swap3A_859] {strides = array<i32>} : memref<2704xf32, #tpu.memory_space<vmem>>, vector<16xf32>,
    tpu.vector_store %arg11[%swap3A_859], %broadcast_in_dim3A_585 {strides = array<i32>} : memref<2704xf32, #tpu.memory_space<vmem>>, vector<16xf32>,
    %swap3A_861 = arith.constant 1264 : index
    %swap3A_862 = tpu.vector_load %arg11[%swap3A_861] {strides = array<i32>} : memref<2704xf32, #tpu.memory_space<vmem>>, vector<16xf32>,
    tpu.vector_store %arg11[%swap3A_861], %broadcast_in_dim3A_585 {strides = array<i32>} : memref<2704xf32, #tpu.memory_space<vmem>>, vector<16xf32>,
    %swap3A_863 = arith.constant 1472 : index
    %swap3A_864 = tpu.vector_load %arg11[%swap3A_863] {strides = array<i32>} : memref<2704xf32, #tpu.memory_space<vmem>>, vector<16xf32>,
    tpu.vector_store %arg11[%swap3A_863], %broadcast_in_dim3A_585 {strides = array<i32>} : memref<2704xf32, #tpu.memory_space<vmem>>, vector<16xf32>,
    %swap3A_865 = arith.constant 1680 : index
    %swap3A_866 = tpu.vector_load %arg11[%swap3A_865] {strides = array<i32>} : memref<2704xf32, #tpu.memory_space<vmem>>, vector<16xf32>,
    tpu.vector_store %arg11[%swap3A_865], %broadcast_in_dim3A_585 {strides = array<i32>} : memref<2704xf32, #tpu.memory_space<vmem>>, vector<16xf32>,
    %swap3A_867 = arith.constant 1888 : index
    %swap3A_868 = tpu.vector_load %arg11[%swap3A_867] {strides = array<i32>} : memref<2704xf32, #tpu.memory_space<vmem>>, vector<16xf32>,
    tpu.vector_store %arg11[%swap3A_867], %broadcast_in_dim3A_585 {strides = array<i32>} : memref<2704xf32, #tpu.memory_space<vmem>>, vector<16xf32>,
    %swap3A_869 = arith.constant 2096 : index
    %swap3A_870 = tpu.vector_load %arg11[%swap3A_869] {strides = array<i32>} : memref<2704xf32, #tpu.memory_space<vmem>>, vector<16xf32>,
    tpu.vector_store %arg11[%swap3A_869], %broadcast_in_dim3A_585 {strides = array<i32>} : memref<2704xf32, #tpu.memory_space<vmem>>, vector<16xf32>,
    %swap3A_871 = arith.constant 2304 : index
    %swap3A_872 = tpu.vector_load %arg11[%swap3A_871] {strides = array<i32>} : memref<2704xf32, #tpu.memory_space<vmem>>, vector<16xf32>,
    tpu.vector_store %arg11[%swap3A_871], %broadcast_in_dim3A_585 {strides = array<i32>} : memref<2704xf32, #tpu.memory_space<vmem>>, vector<16xf32>,
    %swap3A_873 = arith.constant 2512 : index
    %swap3A_874 = tpu.vector_load %arg11[%swap3A_873] {strides = array<i32>} : memref<2704xf32, #tpu.memory_space<vmem>>, vector<16xf32>,
    tpu.vector_store %arg11[%swap3A_873], %broadcast_in_dim3A_585 {strides = array<i32>} : memref<2704xf32, #tpu.memory_space<vmem>>, vector<16xf32>,
    %ge3A_875 = arith.constant 1 : i32
    %ge3A_876 = vector.broadcast %ge3A_875 : i32 to vector<16xi32>
    %ge3A_877 = arith.cmpi sge, %get3A_786, %ge3A_876 : vector<16xi32>
    %jit3A_878 = arith.constant -2.000000e+00 : f32
    %jit3A_879 = arith.constant -3.000000e+00 : f32
    %broadcast_in_dim3A_880 = vector.broadcast %jit3A_878 : f32 to vector<16xf32>
    %broadcast_in_dim3A_881 = vector.broadcast %jit3A_879 : f32 to vector<16xf32>
    %select_n3A_882 = arith.select %ge3A_877, %broadcast_in_dim3A_880, %broadcast_in_dim3A_881 : vector<16xi1>, vector<16xf32>
    %swap3A_883 = arith.constant 240 : index
    %swap3A_884 = tpu.vector_load %arg11[%swap3A_883] {strides = array<i32>} : memref<2704xf32, #tpu.memory_space<vmem>>, vector<16xf32>,
    tpu.vector_store %arg11[%swap3A_883], %select_n3A_882 {strides = array<i32>} : memref<2704xf32, #tpu.memory_space<vmem>>, vector<16xf32>,
    %ge3A_885 = arith.constant 2 : i32
    %ge3A_886 = vector.broadcast %ge3A_885 : i32 to vector<16xi32>
    %ge3A_887 = arith.cmpi sge, %get3A_786, %ge3A_886 : vector<16xi32>
    %jit3A_888 = arith.constant -2.000000e+00 : f32
    %jit3A_889 = arith.constant -4.000000e+00 : f32
    %broadcast_in_dim3A_890 = vector.broadcast %jit3A_888 : f32 to vector<16xf32>
    %broadcast_in_dim3A_891 = vector.broadcast %jit3A_889 : f32 to vector<16xf32>
    %select_n3A_892 = arith.select %ge3A_887, %broadcast_in_dim3A_890, %broadcast_in_dim3A_891 : vector<16xi1>, vector<16xf32>
    %swap3A_893 = arith.constant 256 : index
    %swap3A_894 = tpu.vector_load %arg11[%swap3A_893] {strides = array<i32>} : memref<2704xf32, #tpu.memory_space<vmem>>, vector<16xf32>,
    tpu.vector_store %arg11[%swap3A_893], %select_n3A_892 {strides = array<i32>} : memref<2704xf32, #tpu.memory_space<vmem>>, vector<16xf32>,
    %ge3A_895 = arith.constant 3 : i32
    %ge3A_896 = vector.broadcast %ge3A_895 : i32 to vector<16xi32>
    %ge3A_897 = arith.cmpi sge, %get3A_786, %ge3A_896 : vector<16xi32>
    %jit3A_898 = arith.constant -2.000000e+00 : f32
    %jit3A_899 = arith.constant -5.000000e+00 : f32
    %broadcast_in_dim3A_900 = vector.broadcast %jit3A_898 : f32 to vector<16xf32>
    %broadcast_in_dim3A_901 = vector.broadcast %jit3A_899 : f32 to vector<16xf32>
    %select_n3A_902 = arith.select %ge3A_897, %broadcast_in_dim3A_900, %broadcast_in_dim3A_901 : vector<16xi1>, vector<16xf32>
    %swap3A_903 = arith.constant 272 : index
    %swap3A_904 = tpu.vector_load %arg11[%swap3A_903] {strides = array<i32>} : memref<2704xf32, #tpu.memory_space<vmem>>, vector<16xf32>,
    tpu.vector_store %arg11[%swap3A_903], %select_n3A_902 {strides = array<i32>} : memref<2704xf32, #tpu.memory_space<vmem>>, vector<16xf32>,
    %ge3A_905 = arith.constant 4 : i32
    %ge3A_906 = vector.broadcast %ge3A_905 : i32 to vector<16xi32>
    %ge3A_907 = arith.cmpi sge, %get3A_786, %ge3A_906 : vector<16xi32>
    %jit3A_908 = arith.constant -2.000000e+00 : f32
    %jit3A_909 = arith.constant -6.000000e+00 : f32
    %broadcast_in_dim3A_910 = vector.broadcast %jit3A_908 : f32 to vector<16xf32>
    %broadcast_in_dim3A_911 = vector.broadcast %jit3A_909 : f32 to vector<16xf32>
    %select_n3A_912 = arith.select %ge3A_907, %broadcast_in_dim3A_910, %broadcast_in_dim3A_911 : vector<16xi1>, vector<16xf32>
    %swap3A_913 = arith.constant 288 : index
    %swap3A_914 = tpu.vector_load %arg11[%swap3A_913] {strides = array<i32>} : memref<2704xf32, #tpu.memory_space<vmem>>, vector<16xf32>,
    tpu.vector_store %arg11[%swap3A_913], %select_n3A_912 {strides = array<i32>} : memref<2704xf32, #tpu.memory_space<vmem>>, vector<16xf32>,
    %ge3A_915 = arith.constant 5 : i32
    %ge3A_916 = vector.broadcast %ge3A_915 : i32 to vector<16xi32>
    %ge3A_917 = arith.cmpi sge, %get3A_786, %ge3A_916 : vector<16xi32>
    %jit3A_918 = arith.constant -2.000000e+00 : f32
    %jit3A_919 = arith.constant -7.000000e+00 : f32
    %broadcast_in_dim3A_920 = vector.broadcast %jit3A_918 : f32 to vector<16xf32>
    %broadcast_in_dim3A_921 = vector.broadcast %jit3A_919 : f32 to vector<16xf32>
    %select_n3A_922 = arith.select %ge3A_917, %broadcast_in_dim3A_920, %broadcast_in_dim3A_921 : vector<16xi1>, vector<16xf32>
    %swap3A_923 = arith.constant 304 : index
    %swap3A_924 = tpu.vector_load %arg11[%swap3A_923] {strides = array<i32>} : memref<2704xf32, #tpu.memory_space<vmem>>, vector<16xf32>,
    tpu.vector_store %arg11[%swap3A_923], %select_n3A_922 {strides = array<i32>} : memref<2704xf32, #tpu.memory_space<vmem>>, vector<16xf32>,
    %ge3A_925 = arith.constant 6 : i32
    %ge3A_926 = vector.broadcast %ge3A_925 : i32 to vector<16xi32>
    %ge3A_927 = arith.cmpi sge, %get3A_786, %ge3A_926 : vector<16xi32>
    %jit3A_928 = arith.constant -2.000000e+00 : f32
    %jit3A_929 = arith.constant -8.000000e+00 : f32
    %broadcast_in_dim3A_930 = vector.broadcast %jit3A_928 : f32 to vector<16xf32>
    %broadcast_in_dim3A_931 = vector.broadcast %jit3A_929 : f32 to vector<16xf32>
    %select_n3A_932 = arith.select %ge3A_927, %broadcast_in_dim3A_930, %broadcast_in_dim3A_931 : vector<16xi1>, vector<16xf32>
    %swap3A_933 = arith.constant 320 : index
    %swap3A_934 = tpu.vector_load %arg11[%swap3A_933] {strides = array<i32>} : memref<2704xf32, #tpu.memory_space<vmem>>, vector<16xf32>,
    tpu.vector_store %arg11[%swap3A_933], %select_n3A_932 {strides = array<i32>} : memref<2704xf32, #tpu.memory_space<vmem>>, vector<16xf32>,
    %ge3A_935 = arith.constant 7 : i32
    %ge3A_936 = vector.broadcast %ge3A_935 : i32 to vector<16xi32>
    %ge3A_937 = arith.cmpi sge, %get3A_786, %ge3A_936 : vector<16xi32>
    %jit3A_938 = arith.constant -2.000000e+00 : f32
    %jit3A_939 = arith.constant -9.000000e+00 : f32
    %broadcast_in_dim3A_940 = vector.broadcast %jit3A_938 : f32 to vector<16xf32>
    %broadcast_in_dim3A_941 = vector.broadcast %jit3A_939 : f32 to vector<16xf32>
    %select_n3A_942 = arith.select %ge3A_937, %broadcast_in_dim3A_940, %broadcast_in_dim3A_941 : vector<16xi1>, vector<16xf32>
    %swap3A_943 = arith.constant 336 : index
    %swap3A_944 = tpu.vector_load %arg11[%swap3A_943] {strides = array<i32>} : memref<2704xf32, #tpu.memory_space<vmem>>, vector<16xf32>,
    tpu.vector_store %arg11[%swap3A_943], %select_n3A_942 {strides = array<i32>} : memref<2704xf32, #tpu.memory_space<vmem>>, vector<16xf32>,
    %ge3A_945 = arith.constant 8 : i32
    %ge3A_946 = vector.broadcast %ge3A_945 : i32 to vector<16xi32>
    %ge3A_947 = arith.cmpi sge, %get3A_786, %ge3A_946 : vector<16xi32>
    %jit3A_948 = arith.constant -2.000000e+00 : f32
    %jit3A_949 = arith.constant -1.000000e+01 : f32
    %broadcast_in_dim3A_950 = vector.broadcast %jit3A_948 : f32 to vector<16xf32>
    %broadcast_in_dim3A_951 = vector.broadcast %jit3A_949 : f32 to vector<16xf32>
    %select_n3A_952 = arith.select %ge3A_947, %broadcast_in_dim3A_950, %broadcast_in_dim3A_951 : vector<16xi1>, vector<16xf32>
    %swap3A_953 = arith.constant 352 : index
    %swap3A_954 = tpu.vector_load %arg11[%swap3A_953] {strides = array<i32>} : memref<2704xf32, #tpu.memory_space<vmem>>, vector<16xf32>,
    tpu.vector_store %arg11[%swap3A_953], %select_n3A_952 {strides = array<i32>} : memref<2704xf32, #tpu.memory_space<vmem>>, vector<16xf32>,
    %ge3A_955 = arith.constant 9 : i32
    %ge3A_956 = vector.broadcast %ge3A_955 : i32 to vector<16xi32>
    %ge3A_957 = arith.cmpi sge, %get3A_786, %ge3A_956 : vector<16xi32>
    %jit3A_958 = arith.constant -2.000000e+00 : f32
    %jit3A_959 = arith.constant -1.100000e+01 : f32
    %broadcast_in_dim3A_960 = vector.broadcast %jit3A_958 : f32 to vector<16xf32>
    %broadcast_in_dim3A_961 = vector.broadcast %jit3A_959 : f32 to vector<16xf32>
    %select_n3A_962 = arith.select %ge3A_957, %broadcast_in_dim3A_960, %broadcast_in_dim3A_961 : vector<16xi1>, vector<16xf32>
    %swap3A_963 = arith.constant 368 : index
    %swap3A_964 = tpu.vector_load %arg11[%swap3A_963] {strides = array<i32>} : memref<2704xf32, #tpu.memory_space<vmem>>, vector<16xf32>,
    tpu.vector_store %arg11[%swap3A_963], %select_n3A_962 {strides = array<i32>} : memref<2704xf32, #tpu.memory_space<vmem>>, vector<16xf32>,
    %ge3A_965 = arith.constant 10 : i32
    %ge3A_966 = vector.broadcast %ge3A_965 : i32 to vector<16xi32>
    %ge3A_967 = arith.cmpi sge, %get3A_786, %ge3A_966 : vector<16xi32>
    %jit3A_968 = arith.constant -2.000000e+00 : f32
    %jit3A_969 = arith.constant -1.200000e+01 : f32
    %broadcast_in_dim3A_970 = vector.broadcast %jit3A_968 : f32 to vector<16xf32>
    %broadcast_in_dim3A_971 = vector.broadcast %jit3A_969 : f32 to vector<16xf32>
    %select_n3A_972 = arith.select %ge3A_967, %broadcast_in_dim3A_970, %broadcast_in_dim3A_971 : vector<16xi1>, vector<16xf32>
    %swap3A_973 = arith.constant 384 : index
    %swap3A_974 = tpu.vector_load %arg11[%swap3A_973] {strides = array<i32>} : memref<2704xf32, #tpu.memory_space<vmem>>, vector<16xf32>,
    tpu.vector_store %arg11[%swap3A_973], %select_n3A_972 {strides = array<i32>} : memref<2704xf32, #tpu.memory_space<vmem>>, vector<16xf32>,
    %ge3A_975 = arith.constant 11 : i32
    %ge3A_976 = vector.broadcast %ge3A_975 : i32 to vector<16xi32>
    %ge3A_977 = arith.cmpi sge, %get3A_786, %ge3A_976 : vector<16xi32>
    %jit3A_978 = arith.constant -2.000000e+00 : f32
    %jit3A_979 = arith.constant -1.300000e+01 : f32
    %broadcast_in_dim3A_980 = vector.broadcast %jit3A_978 : f32 to vector<16xf32>
    %broadcast_in_dim3A_981 = vector.broadcast %jit3A_979 : f32 to vector<16xf32>
    %select_n3A_982 = arith.select %ge3A_977, %broadcast_in_dim3A_980, %broadcast_in_dim3A_981 : vector<16xi1>, vector<16xf32>
    %swap3A_983 = arith.constant 400 : index
    %swap3A_984 = tpu.vector_load %arg11[%swap3A_983] {strides = array<i32>} : memref<2704xf32, #tpu.memory_space<vmem>>, vector<16xf32>,
    tpu.vector_store %arg11[%swap3A_983], %select_n3A_982 {strides = array<i32>} : memref<2704xf32, #tpu.memory_space<vmem>>, vector<16xf32>,
    %scan3A = arith.constant 0 : i32
    %scan3A_985 = arith.constant 0 : i32
    %scan3A_986 = arith.constant 32 : i32
    %scan3A_987 = arith.addi %scan3A_985, %scan3A_986 : i32
    %scan3A_988 = arith.constant 1 : i32
    scf.for %scan3A_992 = %scan3A_985 to %scan3A_987 step %scan3A_988  : i32 {
      %get3A_993 = arith.index_cast %scan3A_992 : i32 to index
      %get3A_994 = arith.constant 0 : index
      %get3A_995 = tpu.vector_load %arg9[%get3A_993, %get3A_994] {strides = array<i32>} : memref<32x16xi32, #tpu.memory_space<vmem>>, vector<16xi32>,
      %slice3A = vector.extract_strided_slice %get3A_995 {offsets = [0], sizes = [1], strides = [1]} : vector<16xi32> to vector<1xi32>
      %squeeze3A = vector.extract %slice3A[0] : i32 from vector<1xi32>
      %convert_element_type3A_996 = arith.sitofp %get3A_995 : vector<16xi32> to vector<16xf32>
      %mul3A_997 = arith.constant 12 : i32
      %mul3A_998 = arith.muli %scan3A_992, %mul3A_997 : i32
      %sub3A = arith.constant 1 : i32
      %sub3A_999 = arith.subi %mul3A_998, %sub3A : i32
      %add3A_1000 = arith.constant 1 : i32
      %add3A_1001 = arith.addi %squeeze3A, %add3A_1000 : i32
      %while3A = arith.constant 1 : i32
      %while3A_1002 = arith.subi %add3A_1001, %while3A : i32
      %while3A_1003 = arith.addi %while3A, %while3A_1002 : i32
      %while3A_1004 = arith.constant 1 : i32
      %while3A_1005 = arith.divsi %while3A_1002, %while3A_1004 : i32
      %while3A_1006 = arith.muli %while3A_1005, %while3A_1004 : i32
      %while3A_1007 = arith.addi %while3A, %while3A_1006 : i32
      %while3A_1008 = arith.constant 1 : i32
      %while3A_1009:22 = scf.for %while3A_1067 = %while3A to %while3A_1007 step %while3A_1008 iter_args(%while3A_1068 = %broadcast_in_dim3A_7, %while3A_1069 = %broadcast_in_dim3A_7, %while3A_1070 = %broadcast_in_dim3A_7, %while3A_1071 = %broadcast_in_dim3A_7, %while3A_1072 = %broadcast_in_dim3A_7, %while3A_1073 = %broadcast_in_dim3A_7, %while3A_1074 = %broadcast_in_dim3A_7, %while3A_1075 = %broadcast_in_dim3A_7, %while3A_1076 = %broadcast_in_dim3A_7, %while3A_1077 = %broadcast_in_dim3A_7, %while3A_1078 = %broadcast_in_dim3A_7, %while3A_1079 = %broadcast_in_dim3A_7, %while3A_1080 = %broadcast_in_dim3A_7, %while3A_1081 = %broadcast_in_dim3A_7, %while3A_1082 = %broadcast_in_dim3A_7, %while3A_1083 = %broadcast_in_dim3A_7, %while3A_1084 = %broadcast_in_dim3A_7, %while3A_1085 = %broadcast_in_dim3A_7, %while3A_1086 = %broadcast_in_dim3A_7, %while3A_1087 = %broadcast_in_dim3A_7, %while3A_1088 = %broadcast_in_dim3A_7, %while3A_1089 = %broadcast_in_dim3A_7) -> (vector<16xi32>, vector<16xi32>, vector<16xi32>, vector<16xi32>, vector<16xi32>, vector<16xi32>, vector<16xi32>, vector<16xi32>, vector<16xi32>, vector<16xi32>, vector<16xi32>, vector<16xi32>, vector<16xi32>, vector<16xi32>, vector<16xi32>, vector<16xi32>, vector<16xi32>, vector<16xi32>, vector<16xi32>, vector<16xi32>, vector<16xi32>, vector<16xi32>)  : i32 {
        %add3A_1090 = arith.addi %sub3A_999, %while3A_1067 : i32
        %broadcast_in_dim3A_1091 = vector.broadcast %add3A_1090 : i32 to vector<16xi32>
        %gather3A_1092 = tpu.vector_load_idx %arg6[%broadcast_in_dim3A_1091] : memref<400xi32, #tpu.memory_space<vmem>>[vector<16xi32>], vector<16xi32>,
        %mul3A_1093 = arith.constant 208 : i32
        %mul3A_1094 = arith.muli %while3A_1067, %mul3A_1093 : i32
        %broadcast_in_dim3A_1095 = vector.broadcast %mul3A_1094 : i32 to vector<16xi32>
        %broadcast_in_dim3A_1096 = arith.constant 0 : i32
        %broadcast_in_dim3A_1097 = vector.broadcast %broadcast_in_dim3A_1096 : i32 to vector<16xi32>
        %add3A_1098 = arith.addi %mul3A_601, %broadcast_in_dim3A_1097 : vector<16xi32>
        %gather3A_1099 = tpu.vector_load_idx %arg7[%add3A_1098] : memref<352xi32, #tpu.memory_space<vmem>>[vector<16xi32>], vector<16xi32>,
        %add3A_1100 = arith.addi %mul3A_800, %broadcast_in_dim3A_1097 : vector<16xi32>
        %gather3A_1101 = tpu.vector_load_idx %arg7[%add3A_1100] : memref<352xi32, #tpu.memory_space<vmem>>[vector<16xi32>], vector<16xi32>,
        %add3A_1102 = arith.constant 32 : i32
        %add3A_1103 = arith.addi %mul3A_1094, %add3A_1102 : i32
        %get3A_1104 = arith.index_cast %add3A_1103 : i32 to index
        %get3A_1105 = tpu.vector_load %arg10[%get3A_1104] {strides = array<i32>} : memref<2704xf32, #tpu.memory_space<vmem>>, vector<16xf32>,
        %add3A_1106 = arith.constant 32 : i32
        %add3A_1107 = arith.addi %mul3A_1094, %add3A_1106 : i32
        %get3A_1108 = arith.index_cast %add3A_1107 : i32 to index
        %get3A_1109 = tpu.vector_load %arg11[%get3A_1108] {strides = array<i32>} : memref<2704xf32, #tpu.memory_space<vmem>>, vector<16xf32>,
        %eq3A_1110 = arith.cmpi eq, %gather3A_1099, %gather3A_1092 : vector<16xi32>
        %eq3A_1111 = arith.cmpi eq, %gather3A_1101, %gather3A_1092 : vector<16xi32>
        %add3A_1112 = arith.addi %while3A_1068, %iota3A : vector<16xi32>
        %gather3A_1113 = tpu.vector_load_idx %arg10[%add3A_1112] : memref<2704xf32, #tpu.memory_space<vmem>>[vector<16xi32>], vector<16xf32>,
        %add3A_1114 = arith.addi %while3A_1079, %iota3A : vector<16xi32>
        %gather3A_1115 = tpu.vector_load_idx %arg11[%add3A_1114] : memref<2704xf32, #tpu.memory_space<vmem>>[vector<16xi32>], vector<16xf32>,
        %jit3A_1116 = arith.constant -2.000000e+00 : f32
        %jit3A_1117 = arith.constant -1.000000e+00 : f32
        %broadcast_in_dim3A_1118 = vector.broadcast %jit3A_1116 : f32 to vector<16xf32>
        %broadcast_in_dim3A_1119 = vector.broadcast %jit3A_1117 : f32 to vector<16xf32>
        %select_n3A_1120 = arith.select %eq3A_1110, %broadcast_in_dim3A_1118, %broadcast_in_dim3A_1119 : vector<16xi1>, vector<16xf32>
        %add3A_1121 = arith.addf %broadcast_in_dim3A_585, %select_n3A_1120 : vector<16xf32>
        %jit3A_1122 = arith.constant -2.000000e+00 : f32
        %jit3A_1123 = arith.constant -1.000000e+00 : f32
        %broadcast_in_dim3A_1124 = vector.broadcast %jit3A_1122 : f32 to vector<16xf32>
        %broadcast_in_dim3A_1125 = vector.broadcast %jit3A_1123 : f32 to vector<16xf32>
        %select_n3A_1126 = arith.select %eq3A_1111, %broadcast_in_dim3A_1124, %broadcast_in_dim3A_1125 : vector<16xi1>, vector<16xf32>
        %add3A_1127 = arith.addf %broadcast_in_dim3A_585, %select_n3A_1126 : vector<16xf32>
        %min3A = arith.minimumf %get3A_1105, %add3A_1121 : vector<16xf32>
        %sub3A_1128 = arith.constant 3.000000e+00 : f32
        %sub3A_1129 = vector.broadcast %sub3A_1128 : f32 to vector<16xf32>
        %sub3A_1130 = arith.subf %gather3A_1113, %sub3A_1129 : vector<16xf32>
        %min3A_1131 = arith.minimumf %min3A, %sub3A_1130 : vector<16xf32>
        %min3A_1132 = arith.minimumf %min3A_1131, %broadcast_in_dim3A_585 : vector<16xf32>
        %min3A_1133 = arith.minimumf %get3A_1109, %add3A_1127 : vector<16xf32>
        %sub3A_1134 = arith.constant 3.000000e+00 : f32
        %sub3A_1135 = vector.broadcast %sub3A_1134 : f32 to vector<16xf32>
        %sub3A_1136 = arith.subf %gather3A_1115, %sub3A_1135 : vector<16xf32>
        %min3A_1137 = arith.minimumf %min3A_1133, %sub3A_1136 : vector<16xf32>
        %min3A_1138 = arith.minimumf %min3A_1137, %broadcast_in_dim3A_585 : vector<16xf32>
        %add3A_1139 = arith.constant 208 : i32
        %add3A_1140 = arith.addi %mul3A_1094, %add3A_1139 : i32
        %add3A_1141 = arith.constant 32 : i32
        %add3A_1142 = arith.addi %add3A_1140, %add3A_1141 : i32
        %swap3A_1143 = arith.index_cast %add3A_1142 : i32 to index
        %swap3A_1144 = tpu.vector_load %arg10[%swap3A_1143] {strides = array<i32>} : memref<2704xf32, #tpu.memory_space<vmem>>, vector<16xf32>,
        tpu.vector_store %arg10[%swap3A_1143], %min3A_1132 {strides = array<i32>} : memref<2704xf32, #tpu.memory_space<vmem>>, vector<16xf32>,
        %add3A_1145 = arith.constant 208 : i32
        %add3A_1146 = arith.addi %mul3A_1094, %add3A_1145 : i32
        %add3A_1147 = arith.constant 32 : i32
        %add3A_1148 = arith.addi %add3A_1146, %add3A_1147 : i32
        %swap3A_1149 = arith.index_cast %add3A_1148 : i32 to index
        %swap3A_1150 = tpu.vector_load %arg11[%swap3A_1149] {strides = array<i32>} : memref<2704xf32, #tpu.memory_space<vmem>>, vector<16xf32>,
        tpu.vector_store %arg11[%swap3A_1149], %min3A_1138 {strides = array<i32>} : memref<2704xf32, #tpu.memory_space<vmem>>, vector<16xf32>,
        %select_n3A_1151 = arith.select %eq3A_1110, %broadcast_in_dim3A_1095, %while3A_1068 : vector<16xi1>, vector<16xi32>
        %select_n3A_1152 = arith.select %eq3A_1111, %broadcast_in_dim3A_1095, %while3A_1079 : vector<16xi1>, vector<16xi32>
        %select_n3A_1153 = arith.select %eq3A_1110, %add3A_13, %iota3A : vector<16xi1>, vector<16xi32>
        %select_n3A_1154 = arith.select %eq3A_1111, %add3A_13, %iota3A : vector<16xi1>, vector<16xi32>
        %broadcast_in_dim3A_1155 = arith.constant 1 : i32
        %broadcast_in_dim3A_1156 = vector.broadcast %broadcast_in_dim3A_1155 : i32 to vector<16xi32>
        %add3A_1157 = arith.addi %mul3A_601, %broadcast_in_dim3A_1156 : vector<16xi32>
        %gather3A_1158 = tpu.vector_load_idx %arg7[%add3A_1157] : memref<352xi32, #tpu.memory_space<vmem>>[vector<16xi32>], vector<16xi32>,
        %add3A_1159 = arith.addi %mul3A_800, %broadcast_in_dim3A_1156 : vector<16xi32>
        %gather3A_1160 = tpu.vector_load_idx %arg7[%add3A_1159] : memref<352xi32, #tpu.memory_space<vmem>>[vector<16xi32>], vector<16xi32>,
        %add3A_1161 = arith.constant 48 : i32
        %add3A_1162 = arith.addi %mul3A_1094, %add3A_1161 : i32
        %get3A_1163 = arith.index_cast %add3A_1162 : i32 to index
        %get3A_1164 = tpu.vector_load %arg10[%get3A_1163] {strides = array<i32>} : memref<2704xf32, #tpu.memory_space<vmem>>, vector<16xf32>,
        %add3A_1165 = arith.constant 48 : i32
        %add3A_1166 = arith.addi %mul3A_1094, %add3A_1165 : i32
        %get3A_1167 = arith.index_cast %add3A_1166 : i32 to index
        %get3A_1168 = tpu.vector_load %arg11[%get3A_1167] {strides = array<i32>} : memref<2704xf32, #tpu.memory_space<vmem>>, vector<16xf32>,
        %eq3A_1169 = arith.cmpi eq, %gather3A_1158, %gather3A_1092 : vector<16xi32>
        %eq3A_1170 = arith.cmpi eq, %gather3A_1160, %gather3A_1092 : vector<16xi32>
        %add3A_1171 = arith.addi %while3A_1069, %select_n3A_1153 : vector<16xi32>
        %gather3A_1172 = tpu.vector_load_idx %arg10[%add3A_1171] : memref<2704xf32, #tpu.memory_space<vmem>>[vector<16xi32>], vector<16xf32>,
        %add3A_1173 = arith.addi %while3A_1080, %select_n3A_1154 : vector<16xi32>
        %gather3A_1174 = tpu.vector_load_idx %arg11[%add3A_1173] : memref<2704xf32, #tpu.memory_space<vmem>>[vector<16xi32>], vector<16xf32>,
        %jit3A_1175 = arith.constant -2.000000e+00 : f32
        %jit3A_1176 = arith.constant -1.000000e+00 : f32
        %broadcast_in_dim3A_1177 = vector.broadcast %jit3A_1175 : f32 to vector<16xf32>
        %broadcast_in_dim3A_1178 = vector.broadcast %jit3A_1176 : f32 to vector<16xf32>
        %select_n3A_1179 = arith.select %eq3A_1169, %broadcast_in_dim3A_1177, %broadcast_in_dim3A_1178 : vector<16xi1>, vector<16xf32>
        %add3A_1180 = arith.addf %get3A_1105, %select_n3A_1179 : vector<16xf32>
        %jit3A_1181 = arith.constant -2.000000e+00 : f32
        %jit3A_1182 = arith.constant -1.000000e+00 : f32
        %broadcast_in_dim3A_1183 = vector.broadcast %jit3A_1181 : f32 to vector<16xf32>
        %broadcast_in_dim3A_1184 = vector.broadcast %jit3A_1182 : f32 to vector<16xf32>
        %select_n3A_1185 = arith.select %eq3A_1170, %broadcast_in_dim3A_1183, %broadcast_in_dim3A_1184 : vector<16xi1>, vector<16xf32>
        %add3A_1186 = arith.addf %get3A_1109, %select_n3A_1185 : vector<16xf32>
        %min3A_1187 = arith.minimumf %get3A_1164, %add3A_1180 : vector<16xf32>
        %sub3A_1188 = arith.constant 3.000000e+00 : f32
        %sub3A_1189 = vector.broadcast %sub3A_1188 : f32 to vector<16xf32>
        %sub3A_1190 = arith.subf %gather3A_1172, %sub3A_1189 : vector<16xf32>
        %min3A_1191 = arith.minimumf %min3A_1187, %sub3A_1190 : vector<16xf32>
        %min3A_1192 = arith.minimumf %min3A_1191, %min3A_1132 : vector<16xf32>
        %min3A_1193 = arith.minimumf %get3A_1168, %add3A_1186 : vector<16xf32>
        %sub3A_1194 = arith.constant 3.000000e+00 : f32
        %sub3A_1195 = vector.broadcast %sub3A_1194 : f32 to vector<16xf32>
        %sub3A_1196 = arith.subf %gather3A_1174, %sub3A_1195 : vector<16xf32>
        %min3A_1197 = arith.minimumf %min3A_1193, %sub3A_1196 : vector<16xf32>
        %min3A_1198 = arith.minimumf %min3A_1197, %min3A_1138 : vector<16xf32>
        %add3A_1199 = arith.constant 208 : i32
        %add3A_1200 = arith.addi %mul3A_1094, %add3A_1199 : i32
        %add3A_1201 = arith.constant 48 : i32
        %add3A_1202 = arith.addi %add3A_1200, %add3A_1201 : i32
        %swap3A_1203 = arith.index_cast %add3A_1202 : i32 to index
        %swap3A_1204 = tpu.vector_load %arg10[%swap3A_1203] {strides = array<i32>} : memref<2704xf32, #tpu.memory_space<vmem>>, vector<16xf32>,
        tpu.vector_store %arg10[%swap3A_1203], %min3A_1192 {strides = array<i32>} : memref<2704xf32, #tpu.memory_space<vmem>>, vector<16xf32>,
        %add3A_1205 = arith.constant 208 : i32
        %add3A_1206 = arith.addi %mul3A_1094, %add3A_1205 : i32
        %add3A_1207 = arith.constant 48 : i32
        %add3A_1208 = arith.addi %add3A_1206, %add3A_1207 : i32
        %swap3A_1209 = arith.index_cast %add3A_1208 : i32 to index
        %swap3A_1210 = tpu.vector_load %arg11[%swap3A_1209] {strides = array<i32>} : memref<2704xf32, #tpu.memory_space<vmem>>, vector<16xf32>,
        tpu.vector_store %arg11[%swap3A_1209], %min3A_1198 {strides = array<i32>} : memref<2704xf32, #tpu.memory_space<vmem>>, vector<16xf32>,
        %select_n3A_1211 = arith.select %eq3A_1169, %broadcast_in_dim3A_1095, %while3A_1069 : vector<16xi1>, vector<16xi32>
        %select_n3A_1212 = arith.select %eq3A_1170, %broadcast_in_dim3A_1095, %while3A_1080 : vector<16xi1>, vector<16xi32>
        %select_n3A_1213 = arith.select %eq3A_1169, %add3A_16, %select_n3A_1153 : vector<16xi1>, vector<16xi32>
        %select_n3A_1214 = arith.select %eq3A_1170, %add3A_16, %select_n3A_1154 : vector<16xi1>, vector<16xi32>
        %broadcast_in_dim3A_1215 = arith.constant 2 : i32
        %broadcast_in_dim3A_1216 = vector.broadcast %broadcast_in_dim3A_1215 : i32 to vector<16xi32>
        %add3A_1217 = arith.addi %mul3A_601, %broadcast_in_dim3A_1216 : vector<16xi32>
        %gather3A_1218 = tpu.vector_load_idx %arg7[%add3A_1217] : memref<352xi32, #tpu.memory_space<vmem>>[vector<16xi32>], vector<16xi32>,
        %add3A_1219 = arith.addi %mul3A_800, %broadcast_in_dim3A_1216 : vector<16xi32>
        %gather3A_1220 = tpu.vector_load_idx %arg7[%add3A_1219] : memref<352xi32, #tpu.memory_space<vmem>>[vector<16xi32>], vector<16xi32>,
        %add3A_1221 = arith.constant 64 : i32
        %add3A_1222 = arith.addi %mul3A_1094, %add3A_1221 : i32
        %get3A_1223 = arith.index_cast %add3A_1222 : i32 to index
        %get3A_1224 = tpu.vector_load %arg10[%get3A_1223] {strides = array<i32>} : memref<2704xf32, #tpu.memory_space<vmem>>, vector<16xf32>,
        %add3A_1225 = arith.constant 64 : i32
        %add3A_1226 = arith.addi %mul3A_1094, %add3A_1225 : i32
        %get3A_1227 = arith.index_cast %add3A_1226 : i32 to index
        %get3A_1228 = tpu.vector_load %arg11[%get3A_1227] {strides = array<i32>} : memref<2704xf32, #tpu.memory_space<vmem>>, vector<16xf32>,
        %eq3A_1229 = arith.cmpi eq, %gather3A_1218, %gather3A_1092 : vector<16xi32>
        %eq3A_1230 = arith.cmpi eq, %gather3A_1220, %gather3A_1092 : vector<16xi32>
        %add3A_1231 = arith.addi %while3A_1070, %select_n3A_1213 : vector<16xi32>
        %gather3A_1232 = tpu.vector_load_idx %arg10[%add3A_1231] : memref<2704xf32, #tpu.memory_space<vmem>>[vector<16xi32>], vector<16xf32>,
        %add3A_1233 = arith.addi %while3A_1081, %select_n3A_1214 : vector<16xi32>
        %gather3A_1234 = tpu.vector_load_idx %arg11[%add3A_1233] : memref<2704xf32, #tpu.memory_space<vmem>>[vector<16xi32>], vector<16xf32>,
        %jit3A_1235 = arith.constant -2.000000e+00 : f32
        %jit3A_1236 = arith.constant -1.000000e+00 : f32
        %broadcast_in_dim3A_1237 = vector.broadcast %jit3A_1235 : f32 to vector<16xf32>
        %broadcast_in_dim3A_1238 = vector.broadcast %jit3A_1236 : f32 to vector<16xf32>
        %select_n3A_1239 = arith.select %eq3A_1229, %broadcast_in_dim3A_1237, %broadcast_in_dim3A_1238 : vector<16xi1>, vector<16xf32>
        %add3A_1240 = arith.addf %get3A_1164, %select_n3A_1239 : vector<16xf32>
        %jit3A_1241 = arith.constant -2.000000e+00 : f32
        %jit3A_1242 = arith.constant -1.000000e+00 : f32
        %broadcast_in_dim3A_1243 = vector.broadcast %jit3A_1241 : f32 to vector<16xf32>
        %broadcast_in_dim3A_1244 = vector.broadcast %jit3A_1242 : f32 to vector<16xf32>
        %select_n3A_1245 = arith.select %eq3A_1230, %broadcast_in_dim3A_1243, %broadcast_in_dim3A_1244 : vector<16xi1>, vector<16xf32>
        %add3A_1246 = arith.addf %get3A_1168, %select_n3A_1245 : vector<16xf32>
        %min3A_1247 = arith.minimumf %get3A_1224, %add3A_1240 : vector<16xf32>
        %sub3A_1248 = arith.constant 3.000000e+00 : f32
        %sub3A_1249 = vector.broadcast %sub3A_1248 : f32 to vector<16xf32>
        %sub3A_1250 = arith.subf %gather3A_1232, %sub3A_1249 : vector<16xf32>
        %min3A_1251 = arith.minimumf %min3A_1247, %sub3A_1250 : vector<16xf32>
        %min3A_1252 = arith.minimumf %min3A_1251, %min3A_1192 : vector<16xf32>
        %min3A_1253 = arith.minimumf %get3A_1228, %add3A_1246 : vector<16xf32>
        %sub3A_1254 = arith.constant 3.000000e+00 : f32
        %sub3A_1255 = vector.broadcast %sub3A_1254 : f32 to vector<16xf32>
        %sub3A_1256 = arith.subf %gather3A_1234, %sub3A_1255 : vector<16xf32>
        %min3A_1257 = arith.minimumf %min3A_1253, %sub3A_1256 : vector<16xf32>
        %min3A_1258 = arith.minimumf %min3A_1257, %min3A_1198 : vector<16xf32>
        %add3A_1259 = arith.constant 208 : i32
        %add3A_1260 = arith.addi %mul3A_1094, %add3A_1259 : i32
        %add3A_1261 = arith.constant 64 : i32
        %add3A_1262 = arith.addi %add3A_1260, %add3A_1261 : i32
        %swap3A_1263 = arith.index_cast %add3A_1262 : i32 to index
        %swap3A_1264 = tpu.vector_load %arg10[%swap3A_1263] {strides = array<i32>} : memref<2704xf32, #tpu.memory_space<vmem>>, vector<16xf32>,
        tpu.vector_store %arg10[%swap3A_1263], %min3A_1252 {strides = array<i32>} : memref<2704xf32, #tpu.memory_space<vmem>>, vector<16xf32>,
        %add3A_1265 = arith.constant 208 : i32
        %add3A_1266 = arith.addi %mul3A_1094, %add3A_1265 : i32
        %add3A_1267 = arith.constant 64 : i32
        %add3A_1268 = arith.addi %add3A_1266, %add3A_1267 : i32
        %swap3A_1269 = arith.index_cast %add3A_1268 : i32 to index
        %swap3A_1270 = tpu.vector_load %arg11[%swap3A_1269] {strides = array<i32>} : memref<2704xf32, #tpu.memory_space<vmem>>, vector<16xf32>,
        tpu.vector_store %arg11[%swap3A_1269], %min3A_1258 {strides = array<i32>} : memref<2704xf32, #tpu.memory_space<vmem>>, vector<16xf32>,
        %select_n3A_1271 = arith.select %eq3A_1229, %broadcast_in_dim3A_1095, %while3A_1070 : vector<16xi1>, vector<16xi32>
        %select_n3A_1272 = arith.select %eq3A_1230, %broadcast_in_dim3A_1095, %while3A_1081 : vector<16xi1>, vector<16xi32>
        %select_n3A_1273 = arith.select %eq3A_1229, %add3A_19, %select_n3A_1213 : vector<16xi1>, vector<16xi32>
        %select_n3A_1274 = arith.select %eq3A_1230, %add3A_19, %select_n3A_1214 : vector<16xi1>, vector<16xi32>
        %broadcast_in_dim3A_1275 = arith.constant 3 : i32
        %broadcast_in_dim3A_1276 = vector.broadcast %broadcast_in_dim3A_1275 : i32 to vector<16xi32>
        %add3A_1277 = arith.addi %mul3A_601, %broadcast_in_dim3A_1276 : vector<16xi32>
        %gather3A_1278 = tpu.vector_load_idx %arg7[%add3A_1277] : memref<352xi32, #tpu.memory_space<vmem>>[vector<16xi32>], vector<16xi32>,
        %add3A_1279 = arith.addi %mul3A_800, %broadcast_in_dim3A_1276 : vector<16xi32>
        %gather3A_1280 = tpu.vector_load_idx %arg7[%add3A_1279] : memref<352xi32, #tpu.memory_space<vmem>>[vector<16xi32>], vector<16xi32>,
        %add3A_1281 = arith.constant 80 : i32
        %add3A_1282 = arith.addi %mul3A_1094, %add3A_1281 : i32
        %get3A_1283 = arith.index_cast %add3A_1282 : i32 to index
        %get3A_1284 = tpu.vector_load %arg10[%get3A_1283] {strides = array<i32>} : memref<2704xf32, #tpu.memory_space<vmem>>, vector<16xf32>,
        %add3A_1285 = arith.constant 80 : i32
        %add3A_1286 = arith.addi %mul3A_1094, %add3A_1285 : i32
        %get3A_1287 = arith.index_cast %add3A_1286 : i32 to index
        %get3A_1288 = tpu.vector_load %arg11[%get3A_1287] {strides = array<i32>} : memref<2704xf32, #tpu.memory_space<vmem>>, vector<16xf32>,
        %eq3A_1289 = arith.cmpi eq, %gather3A_1278, %gather3A_1092 : vector<16xi32>
        %eq3A_1290 = arith.cmpi eq, %gather3A_1280, %gather3A_1092 : vector<16xi32>
        %add3A_1291 = arith.addi %while3A_1071, %select_n3A_1273 : vector<16xi32>
        %gather3A_1292 = tpu.vector_load_idx %arg10[%add3A_1291] : memref<2704xf32, #tpu.memory_space<vmem>>[vector<16xi32>], vector<16xf32>,
        %add3A_1293 = arith.addi %while3A_1082, %select_n3A_1274 : vector<16xi32>
        %gather3A_1294 = tpu.vector_load_idx %arg11[%add3A_1293] : memref<2704xf32, #tpu.memory_space<vmem>>[vector<16xi32>], vector<16xf32>,
        %jit3A_1295 = arith.constant -2.000000e+00 : f32
        %jit3A_1296 = arith.constant -1.000000e+00 : f32
        %broadcast_in_dim3A_1297 = vector.broadcast %jit3A_1295 : f32 to vector<16xf32>
        %broadcast_in_dim3A_1298 = vector.broadcast %jit3A_1296 : f32 to vector<16xf32>
        %select_n3A_1299 = arith.select %eq3A_1289, %broadcast_in_dim3A_1297, %broadcast_in_dim3A_1298 : vector<16xi1>, vector<16xf32>
        %add3A_1300 = arith.addf %get3A_1224, %select_n3A_1299 : vector<16xf32>
        %jit3A_1301 = arith.constant -2.000000e+00 : f32
        %jit3A_1302 = arith.constant -1.000000e+00 : f32
        %broadcast_in_dim3A_1303 = vector.broadcast %jit3A_1301 : f32 to vector<16xf32>
        %broadcast_in_dim3A_1304 = vector.broadcast %jit3A_1302 : f32 to vector<16xf32>
        %select_n3A_1305 = arith.select %eq3A_1290, %broadcast_in_dim3A_1303, %broadcast_in_dim3A_1304 : vector<16xi1>, vector<16xf32>
        %add3A_1306 = arith.addf %get3A_1228, %select_n3A_1305 : vector<16xf32>
        %min3A_1307 = arith.minimumf %get3A_1284, %add3A_1300 : vector<16xf32>
        %sub3A_1308 = arith.constant 3.000000e+00 : f32
        %sub3A_1309 = vector.broadcast %sub3A_1308 : f32 to vector<16xf32>
        %sub3A_1310 = arith.subf %gather3A_1292, %sub3A_1309 : vector<16xf32>
        %min3A_1311 = arith.minimumf %min3A_1307, %sub3A_1310 : vector<16xf32>
        %min3A_1312 = arith.minimumf %min3A_1311, %min3A_1252 : vector<16xf32>
        %min3A_1313 = arith.minimumf %get3A_1288, %add3A_1306 : vector<16xf32>
        %sub3A_1314 = arith.constant 3.000000e+00 : f32
        %sub3A_1315 = vector.broadcast %sub3A_1314 : f32 to vector<16xf32>
        %sub3A_1316 = arith.subf %gather3A_1294, %sub3A_1315 : vector<16xf32>
        %min3A_1317 = arith.minimumf %min3A_1313, %sub3A_1316 : vector<16xf32>
        %min3A_1318 = arith.minimumf %min3A_1317, %min3A_1258 : vector<16xf32>
        %add3A_1319 = arith.constant 208 : i32
        %add3A_1320 = arith.addi %mul3A_1094, %add3A_1319 : i32
        %add3A_1321 = arith.constant 80 : i32
        %add3A_1322 = arith.addi %add3A_1320, %add3A_1321 : i32
        %swap3A_1323 = arith.index_cast %add3A_1322 : i32 to index
        %swap3A_1324 = tpu.vector_load %arg10[%swap3A_1323] {strides = array<i32>} : memref<2704xf32, #tpu.memory_space<vmem>>, vector<16xf32>,
        tpu.vector_store %arg10[%swap3A_1323], %min3A_1312 {strides = array<i32>} : memref<2704xf32, #tpu.memory_space<vmem>>, vector<16xf32>,
        %add3A_1325 = arith.constant 208 : i32
        %add3A_1326 = arith.addi %mul3A_1094, %add3A_1325 : i32
        %add3A_1327 = arith.constant 80 : i32
        %add3A_1328 = arith.addi %add3A_1326, %add3A_1327 : i32
        %swap3A_1329 = arith.index_cast %add3A_1328 : i32 to index
        %swap3A_1330 = tpu.vector_load %arg11[%swap3A_1329] {strides = array<i32>} : memref<2704xf32, #tpu.memory_space<vmem>>, vector<16xf32>,
        tpu.vector_store %arg11[%swap3A_1329], %min3A_1318 {strides = array<i32>} : memref<2704xf32, #tpu.memory_space<vmem>>, vector<16xf32>,
        %select_n3A_1331 = arith.select %eq3A_1289, %broadcast_in_dim3A_1095, %while3A_1071 : vector<16xi1>, vector<16xi32>
        %select_n3A_1332 = arith.select %eq3A_1290, %broadcast_in_dim3A_1095, %while3A_1082 : vector<16xi1>, vector<16xi32>
        %select_n3A_1333 = arith.select %eq3A_1289, %add3A_22, %select_n3A_1273 : vector<16xi1>, vector<16xi32>
        %select_n3A_1334 = arith.select %eq3A_1290, %add3A_22, %select_n3A_1274 : vector<16xi1>, vector<16xi32>
        %broadcast_in_dim3A_1335 = arith.constant 4 : i32
        %broadcast_in_dim3A_1336 = vector.broadcast %broadcast_in_dim3A_1335 : i32 to vector<16xi32>
        %add3A_1337 = arith.addi %mul3A_601, %broadcast_in_dim3A_1336 : vector<16xi32>
        %gather3A_1338 = tpu.vector_load_idx %arg7[%add3A_1337] : memref<352xi32, #tpu.memory_space<vmem>>[vector<16xi32>], vector<16xi32>,
        %add3A_1339 = arith.addi %mul3A_800, %broadcast_in_dim3A_1336 : vector<16xi32>
        %gather3A_1340 = tpu.vector_load_idx %arg7[%add3A_1339] : memref<352xi32, #tpu.memory_space<vmem>>[vector<16xi32>], vector<16xi32>,
        %add3A_1341 = arith.constant 96 : i32
        %add3A_1342 = arith.addi %mul3A_1094, %add3A_1341 : i32
        %get3A_1343 = arith.index_cast %add3A_1342 : i32 to index
        %get3A_1344 = tpu.vector_load %arg10[%get3A_1343] {strides = array<i32>} : memref<2704xf32, #tpu.memory_space<vmem>>, vector<16xf32>,
        %add3A_1345 = arith.constant 96 : i32
        %add3A_1346 = arith.addi %mul3A_1094, %add3A_1345 : i32
        %get3A_1347 = arith.index_cast %add3A_1346 : i32 to index
        %get3A_1348 = tpu.vector_load %arg11[%get3A_1347] {strides = array<i32>} : memref<2704xf32, #tpu.memory_space<vmem>>, vector<16xf32>,
        %eq3A_1349 = arith.cmpi eq, %gather3A_1338, %gather3A_1092 : vector<16xi32>
        %eq3A_1350 = arith.cmpi eq, %gather3A_1340, %gather3A_1092 : vector<16xi32>
        %add3A_1351 = arith.addi %while3A_1072, %select_n3A_1333 : vector<16xi32>
        %gather3A_1352 = tpu.vector_load_idx %arg10[%add3A_1351] : memref<2704xf32, #tpu.memory_space<vmem>>[vector<16xi32>], vector<16xf32>,
        %add3A_1353 = arith.addi %while3A_1083, %select_n3A_1334 : vector<16xi32>
        %gather3A_1354 = tpu.vector_load_idx %arg11[%add3A_1353] : memref<2704xf32, #tpu.memory_space<vmem>>[vector<16xi32>], vector<16xf32>,
        %jit3A_1355 = arith.constant -2.000000e+00 : f32
        %jit3A_1356 = arith.constant -1.000000e+00 : f32
        %broadcast_in_dim3A_1357 = vector.broadcast %jit3A_1355 : f32 to vector<16xf32>
        %broadcast_in_dim3A_1358 = vector.broadcast %jit3A_1356 : f32 to vector<16xf32>
        %select_n3A_1359 = arith.select %eq3A_1349, %broadcast_in_dim3A_1357, %broadcast_in_dim3A_1358 : vector<16xi1>, vector<16xf32>
        %add3A_1360 = arith.addf %get3A_1284, %select_n3A_1359 : vector<16xf32>
        %jit3A_1361 = arith.constant -2.000000e+00 : f32
        %jit3A_1362 = arith.constant -1.000000e+00 : f32
        %broadcast_in_dim3A_1363 = vector.broadcast %jit3A_1361 : f32 to vector<16xf32>
        %broadcast_in_dim3A_1364 = vector.broadcast %jit3A_1362 : f32 to vector<16xf32>
        %select_n3A_1365 = arith.select %eq3A_1350, %broadcast_in_dim3A_1363, %broadcast_in_dim3A_1364 : vector<16xi1>, vector<16xf32>
        %add3A_1366 = arith.addf %get3A_1288, %select_n3A_1365 : vector<16xf32>
        %min3A_1367 = arith.minimumf %get3A_1344, %add3A_1360 : vector<16xf32>
        %sub3A_1368 = arith.constant 3.000000e+00 : f32
        %sub3A_1369 = vector.broadcast %sub3A_1368 : f32 to vector<16xf32>
        %sub3A_1370 = arith.subf %gather3A_1352, %sub3A_1369 : vector<16xf32>
        %min3A_1371 = arith.minimumf %min3A_1367, %sub3A_1370 : vector<16xf32>
        %min3A_1372 = arith.minimumf %min3A_1371, %min3A_1312 : vector<16xf32>
        %min3A_1373 = arith.minimumf %get3A_1348, %add3A_1366 : vector<16xf32>
        %sub3A_1374 = arith.constant 3.000000e+00 : f32
        %sub3A_1375 = vector.broadcast %sub3A_1374 : f32 to vector<16xf32>
        %sub3A_1376 = arith.subf %gather3A_1354, %sub3A_1375 : vector<16xf32>
        %min3A_1377 = arith.minimumf %min3A_1373, %sub3A_1376 : vector<16xf32>
        %min3A_1378 = arith.minimumf %min3A_1377, %min3A_1318 : vector<16xf32>
        %add3A_1379 = arith.constant 208 : i32
        %add3A_1380 = arith.addi %mul3A_1094, %add3A_1379 : i32
        %add3A_1381 = arith.constant 96 : i32
        %add3A_1382 = arith.addi %add3A_1380, %add3A_1381 : i32
        %swap3A_1383 = arith.index_cast %add3A_1382 : i32 to index
        %swap3A_1384 = tpu.vector_load %arg10[%swap3A_1383] {strides = array<i32>} : memref<2704xf32, #tpu.memory_space<vmem>>, vector<16xf32>,
        tpu.vector_store %arg10[%swap3A_1383], %min3A_1372 {strides = array<i32>} : memref<2704xf32, #tpu.memory_space<vmem>>, vector<16xf32>,
        %add3A_1385 = arith.constant 208 : i32
        %add3A_1386 = arith.addi %mul3A_1094, %add3A_1385 : i32
        %add3A_1387 = arith.constant 96 : i32
        %add3A_1388 = arith.addi %add3A_1386, %add3A_1387 : i32
        %swap3A_1389 = arith.index_cast %add3A_1388 : i32 to index
        %swap3A_1390 = tpu.vector_load %arg11[%swap3A_1389] {strides = array<i32>} : memref<2704xf32, #tpu.memory_space<vmem>>, vector<16xf32>,
        tpu.vector_store %arg11[%swap3A_1389], %min3A_1378 {strides = array<i32>} : memref<2704xf32, #tpu.memory_space<vmem>>, vector<16xf32>,
        %select_n3A_1391 = arith.select %eq3A_1349, %broadcast_in_dim3A_1095, %while3A_1072 : vector<16xi1>, vector<16xi32>
        %select_n3A_1392 = arith.select %eq3A_1350, %broadcast_in_dim3A_1095, %while3A_1083 : vector<16xi1>, vector<16xi32>
        %select_n3A_1393 = arith.select %eq3A_1349, %add3A_25, %select_n3A_1333 : vector<16xi1>, vector<16xi32>
        %select_n3A_1394 = arith.select %eq3A_1350, %add3A_25, %select_n3A_1334 : vector<16xi1>, vector<16xi32>
        %broadcast_in_dim3A_1395 = arith.constant 5 : i32
        %broadcast_in_dim3A_1396 = vector.broadcast %broadcast_in_dim3A_1395 : i32 to vector<16xi32>
        %add3A_1397 = arith.addi %mul3A_601, %broadcast_in_dim3A_1396 : vector<16xi32>
        %gather3A_1398 = tpu.vector_load_idx %arg7[%add3A_1397] : memref<352xi32, #tpu.memory_space<vmem>>[vector<16xi32>], vector<16xi32>,
        %add3A_1399 = arith.addi %mul3A_800, %broadcast_in_dim3A_1396 : vector<16xi32>
        %gather3A_1400 = tpu.vector_load_idx %arg7[%add3A_1399] : memref<352xi32, #tpu.memory_space<vmem>>[vector<16xi32>], vector<16xi32>,
        %add3A_1401 = arith.constant 112 : i32
        %add3A_1402 = arith.addi %mul3A_1094, %add3A_1401 : i32
        %get3A_1403 = arith.index_cast %add3A_1402 : i32 to index
        %get3A_1404 = tpu.vector_load %arg10[%get3A_1403] {strides = array<i32>} : memref<2704xf32, #tpu.memory_space<vmem>>, vector<16xf32>,
        %add3A_1405 = arith.constant 112 : i32
        %add3A_1406 = arith.addi %mul3A_1094, %add3A_1405 : i32
        %get3A_1407 = arith.index_cast %add3A_1406 : i32 to index
        %get3A_1408 = tpu.vector_load %arg11[%get3A_1407] {strides = array<i32>} : memref<2704xf32, #tpu.memory_space<vmem>>, vector<16xf32>,
        %eq3A_1409 = arith.cmpi eq, %gather3A_1398, %gather3A_1092 : vector<16xi32>
        %eq3A_1410 = arith.cmpi eq, %gather3A_1400, %gather3A_1092 : vector<16xi32>
        %add3A_1411 = arith.addi %while3A_1073, %select_n3A_1393 : vector<16xi32>
        %gather3A_1412 = tpu.vector_load_idx %arg10[%add3A_1411] : memref<2704xf32, #tpu.memory_space<vmem>>[vector<16xi32>], vector<16xf32>,
        %add3A_1413 = arith.addi %while3A_1084, %select_n3A_1394 : vector<16xi32>
        %gather3A_1414 = tpu.vector_load_idx %arg11[%add3A_1413] : memref<2704xf32, #tpu.memory_space<vmem>>[vector<16xi32>], vector<16xf32>,
        %jit3A_1415 = arith.constant -2.000000e+00 : f32
        %jit3A_1416 = arith.constant -1.000000e+00 : f32
        %broadcast_in_dim3A_1417 = vector.broadcast %jit3A_1415 : f32 to vector<16xf32>
        %broadcast_in_dim3A_1418 = vector.broadcast %jit3A_1416 : f32 to vector<16xf32>
        %select_n3A_1419 = arith.select %eq3A_1409, %broadcast_in_dim3A_1417, %broadcast_in_dim3A_1418 : vector<16xi1>, vector<16xf32>
        %add3A_1420 = arith.addf %get3A_1344, %select_n3A_1419 : vector<16xf32>
        %jit3A_1421 = arith.constant -2.000000e+00 : f32
        %jit3A_1422 = arith.constant -1.000000e+00 : f32
        %broadcast_in_dim3A_1423 = vector.broadcast %jit3A_1421 : f32 to vector<16xf32>
        %broadcast_in_dim3A_1424 = vector.broadcast %jit3A_1422 : f32 to vector<16xf32>
        %select_n3A_1425 = arith.select %eq3A_1410, %broadcast_in_dim3A_1423, %broadcast_in_dim3A_1424 : vector<16xi1>, vector<16xf32>
        %add3A_1426 = arith.addf %get3A_1348, %select_n3A_1425 : vector<16xf32>
        %min3A_1427 = arith.minimumf %get3A_1404, %add3A_1420 : vector<16xf32>
        %sub3A_1428 = arith.constant 3.000000e+00 : f32
        %sub3A_1429 = vector.broadcast %sub3A_1428 : f32 to vector<16xf32>
        %sub3A_1430 = arith.subf %gather3A_1412, %sub3A_1429 : vector<16xf32>
        %min3A_1431 = arith.minimumf %min3A_1427, %sub3A_1430 : vector<16xf32>
        %min3A_1432 = arith.minimumf %min3A_1431, %min3A_1372 : vector<16xf32>
        %min3A_1433 = arith.minimumf %get3A_1408, %add3A_1426 : vector<16xf32>
        %sub3A_1434 = arith.constant 3.000000e+00 : f32
        %sub3A_1435 = vector.broadcast %sub3A_1434 : f32 to vector<16xf32>
        %sub3A_1436 = arith.subf %gather3A_1414, %sub3A_1435 : vector<16xf32>
        %min3A_1437 = arith.minimumf %min3A_1433, %sub3A_1436 : vector<16xf32>
        %min3A_1438 = arith.minimumf %min3A_1437, %min3A_1378 : vector<16xf32>
        %add3A_1439 = arith.constant 208 : i32
        %add3A_1440 = arith.addi %mul3A_1094, %add3A_1439 : i32
        %add3A_1441 = arith.constant 112 : i32
        %add3A_1442 = arith.addi %add3A_1440, %add3A_1441 : i32
        %swap3A_1443 = arith.index_cast %add3A_1442 : i32 to index
        %swap3A_1444 = tpu.vector_load %arg10[%swap3A_1443] {strides = array<i32>} : memref<2704xf32, #tpu.memory_space<vmem>>, vector<16xf32>,
        tpu.vector_store %arg10[%swap3A_1443], %min3A_1432 {strides = array<i32>} : memref<2704xf32, #tpu.memory_space<vmem>>, vector<16xf32>,
        %add3A_1445 = arith.constant 208 : i32
        %add3A_1446 = arith.addi %mul3A_1094, %add3A_1445 : i32
        %add3A_1447 = arith.constant 112 : i32
        %add3A_1448 = arith.addi %add3A_1446, %add3A_1447 : i32
        %swap3A_1449 = arith.index_cast %add3A_1448 : i32 to index
        %swap3A_1450 = tpu.vector_load %arg11[%swap3A_1449] {strides = array<i32>} : memref<2704xf32, #tpu.memory_space<vmem>>, vector<16xf32>,
        tpu.vector_store %arg11[%swap3A_1449], %min3A_1438 {strides = array<i32>} : memref<2704xf32, #tpu.memory_space<vmem>>, vector<16xf32>,
        %select_n3A_1451 = arith.select %eq3A_1409, %broadcast_in_dim3A_1095, %while3A_1073 : vector<16xi1>, vector<16xi32>
        %select_n3A_1452 = arith.select %eq3A_1410, %broadcast_in_dim3A_1095, %while3A_1084 : vector<16xi1>, vector<16xi32>
        %select_n3A_1453 = arith.select %eq3A_1409, %add3A_28, %select_n3A_1393 : vector<16xi1>, vector<16xi32>
        %select_n3A_1454 = arith.select %eq3A_1410, %add3A_28, %select_n3A_1394 : vector<16xi1>, vector<16xi32>
        %broadcast_in_dim3A_1455 = arith.constant 6 : i32
        %broadcast_in_dim3A_1456 = vector.broadcast %broadcast_in_dim3A_1455 : i32 to vector<16xi32>
        %add3A_1457 = arith.addi %mul3A_601, %broadcast_in_dim3A_1456 : vector<16xi32>
        %gather3A_1458 = tpu.vector_load_idx %arg7[%add3A_1457] : memref<352xi32, #tpu.memory_space<vmem>>[vector<16xi32>], vector<16xi32>,
        %add3A_1459 = arith.addi %mul3A_800, %broadcast_in_dim3A_1456 : vector<16xi32>
        %gather3A_1460 = tpu.vector_load_idx %arg7[%add3A_1459] : memref<352xi32, #tpu.memory_space<vmem>>[vector<16xi32>], vector<16xi32>,
        %add3A_1461 = arith.constant 128 : i32
        %add3A_1462 = arith.addi %mul3A_1094, %add3A_1461 : i32
        %get3A_1463 = arith.index_cast %add3A_1462 : i32 to index
        %get3A_1464 = tpu.vector_load %arg10[%get3A_1463] {strides = array<i32>} : memref<2704xf32, #tpu.memory_space<vmem>>, vector<16xf32>,
        %add3A_1465 = arith.constant 128 : i32
        %add3A_1466 = arith.addi %mul3A_1094, %add3A_1465 : i32
        %get3A_1467 = arith.index_cast %add3A_1466 : i32 to index
        %get3A_1468 = tpu.vector_load %arg11[%get3A_1467] {strides = array<i32>} : memref<2704xf32, #tpu.memory_space<vmem>>, vector<16xf32>,
        %eq3A_1469 = arith.cmpi eq, %gather3A_1458, %gather3A_1092 : vector<16xi32>
        %eq3A_1470 = arith.cmpi eq, %gather3A_1460, %gather3A_1092 : vector<16xi32>
        %add3A_1471 = arith.addi %while3A_1074, %select_n3A_1453 : vector<16xi32>
        %gather3A_1472 = tpu.vector_load_idx %arg10[%add3A_1471] : memref<2704xf32, #tpu.memory_space<vmem>>[vector<16xi32>], vector<16xf32>,
        %add3A_1473 = arith.addi %while3A_1085, %select_n3A_1454 : vector<16xi32>
        %gather3A_1474 = tpu.vector_load_idx %arg11[%add3A_1473] : memref<2704xf32, #tpu.memory_space<vmem>>[vector<16xi32>], vector<16xf32>,
        %jit3A_1475 = arith.constant -2.000000e+00 : f32
        %jit3A_1476 = arith.constant -1.000000e+00 : f32
        %broadcast_in_dim3A_1477 = vector.broadcast %jit3A_1475 : f32 to vector<16xf32>
        %broadcast_in_dim3A_1478 = vector.broadcast %jit3A_1476 : f32 to vector<16xf32>
        %select_n3A_1479 = arith.select %eq3A_1469, %broadcast_in_dim3A_1477, %broadcast_in_dim3A_1478 : vector<16xi1>, vector<16xf32>
        %add3A_1480 = arith.addf %get3A_1404, %select_n3A_1479 : vector<16xf32>
        %jit3A_1481 = arith.constant -2.000000e+00 : f32
        %jit3A_1482 = arith.constant -1.000000e+00 : f32
        %broadcast_in_dim3A_1483 = vector.broadcast %jit3A_1481 : f32 to vector<16xf32>
        %broadcast_in_dim3A_1484 = vector.broadcast %jit3A_1482 : f32 to vector<16xf32>
        %select_n3A_1485 = arith.select %eq3A_1470, %broadcast_in_dim3A_1483, %broadcast_in_dim3A_1484 : vector<16xi1>, vector<16xf32>
        %add3A_1486 = arith.addf %get3A_1408, %select_n3A_1485 : vector<16xf32>
        %min3A_1487 = arith.minimumf %get3A_1464, %add3A_1480 : vector<16xf32>
        %sub3A_1488 = arith.constant 3.000000e+00 : f32
        %sub3A_1489 = vector.broadcast %sub3A_1488 : f32 to vector<16xf32>
        %sub3A_1490 = arith.subf %gather3A_1472, %sub3A_1489 : vector<16xf32>
        %min3A_1491 = arith.minimumf %min3A_1487, %sub3A_1490 : vector<16xf32>
        %min3A_1492 = arith.minimumf %min3A_1491, %min3A_1432 : vector<16xf32>
        %min3A_1493 = arith.minimumf %get3A_1468, %add3A_1486 : vector<16xf32>
        %sub3A_1494 = arith.constant 3.000000e+00 : f32
        %sub3A_1495 = vector.broadcast %sub3A_1494 : f32 to vector<16xf32>
        %sub3A_1496 = arith.subf %gather3A_1474, %sub3A_1495 : vector<16xf32>
        %min3A_1497 = arith.minimumf %min3A_1493, %sub3A_1496 : vector<16xf32>
        %min3A_1498 = arith.minimumf %min3A_1497, %min3A_1438 : vector<16xf32>
        %add3A_1499 = arith.constant 208 : i32
        %add3A_1500 = arith.addi %mul3A_1094, %add3A_1499 : i32
        %add3A_1501 = arith.constant 128 : i32
        %add3A_1502 = arith.addi %add3A_1500, %add3A_1501 : i32
        %swap3A_1503 = arith.index_cast %add3A_1502 : i32 to index
        %swap3A_1504 = tpu.vector_load %arg10[%swap3A_1503] {strides = array<i32>} : memref<2704xf32, #tpu.memory_space<vmem>>, vector<16xf32>,
        tpu.vector_store %arg10[%swap3A_1503], %min3A_1492 {strides = array<i32>} : memref<2704xf32, #tpu.memory_space<vmem>>, vector<16xf32>,
        %add3A_1505 = arith.constant 208 : i32
        %add3A_1506 = arith.addi %mul3A_1094, %add3A_1505 : i32
        %add3A_1507 = arith.constant 128 : i32
        %add3A_1508 = arith.addi %add3A_1506, %add3A_1507 : i32
        %swap3A_1509 = arith.index_cast %add3A_1508 : i32 to index
        %swap3A_1510 = tpu.vector_load %arg11[%swap3A_1509] {strides = array<i32>} : memref<2704xf32, #tpu.memory_space<vmem>>, vector<16xf32>,
        tpu.vector_store %arg11[%swap3A_1509], %min3A_1498 {strides = array<i32>} : memref<2704xf32, #tpu.memory_space<vmem>>, vector<16xf32>,
        %select_n3A_1511 = arith.select %eq3A_1469, %broadcast_in_dim3A_1095, %while3A_1074 : vector<16xi1>, vector<16xi32>
        %select_n3A_1512 = arith.select %eq3A_1470, %broadcast_in_dim3A_1095, %while3A_1085 : vector<16xi1>, vector<16xi32>
        %select_n3A_1513 = arith.select %eq3A_1469, %add3A_31, %select_n3A_1453 : vector<16xi1>, vector<16xi32>
        %select_n3A_1514 = arith.select %eq3A_1470, %add3A_31, %select_n3A_1454 : vector<16xi1>, vector<16xi32>
        %broadcast_in_dim3A_1515 = arith.constant 7 : i32
        %broadcast_in_dim3A_1516 = vector.broadcast %broadcast_in_dim3A_1515 : i32 to vector<16xi32>
        %add3A_1517 = arith.addi %mul3A_601, %broadcast_in_dim3A_1516 : vector<16xi32>
        %gather3A_1518 = tpu.vector_load_idx %arg7[%add3A_1517] : memref<352xi32, #tpu.memory_space<vmem>>[vector<16xi32>], vector<16xi32>,
        %add3A_1519 = arith.addi %mul3A_800, %broadcast_in_dim3A_1516 : vector<16xi32>
        %gather3A_1520 = tpu.vector_load_idx %arg7[%add3A_1519] : memref<352xi32, #tpu.memory_space<vmem>>[vector<16xi32>], vector<16xi32>,
        %add3A_1521 = arith.constant 144 : i32
        %add3A_1522 = arith.addi %mul3A_1094, %add3A_1521 : i32
        %get3A_1523 = arith.index_cast %add3A_1522 : i32 to index
        %get3A_1524 = tpu.vector_load %arg10[%get3A_1523] {strides = array<i32>} : memref<2704xf32, #tpu.memory_space<vmem>>, vector<16xf32>,
        %add3A_1525 = arith.constant 144 : i32
        %add3A_1526 = arith.addi %mul3A_1094, %add3A_1525 : i32
        %get3A_1527 = arith.index_cast %add3A_1526 : i32 to index
        %get3A_1528 = tpu.vector_load %arg11[%get3A_1527] {strides = array<i32>} : memref<2704xf32, #tpu.memory_space<vmem>>, vector<16xf32>,
        %eq3A_1529 = arith.cmpi eq, %gather3A_1518, %gather3A_1092 : vector<16xi32>
        %eq3A_1530 = arith.cmpi eq, %gather3A_1520, %gather3A_1092 : vector<16xi32>
        %add3A_1531 = arith.addi %while3A_1075, %select_n3A_1513 : vector<16xi32>
        %gather3A_1532 = tpu.vector_load_idx %arg10[%add3A_1531] : memref<2704xf32, #tpu.memory_space<vmem>>[vector<16xi32>], vector<16xf32>,
        %add3A_1533 = arith.addi %while3A_1086, %select_n3A_1514 : vector<16xi32>
        %gather3A_1534 = tpu.vector_load_idx %arg11[%add3A_1533] : memref<2704xf32, #tpu.memory_space<vmem>>[vector<16xi32>], vector<16xf32>,
        %jit3A_1535 = arith.constant -2.000000e+00 : f32
        %jit3A_1536 = arith.constant -1.000000e+00 : f32
        %broadcast_in_dim3A_1537 = vector.broadcast %jit3A_1535 : f32 to vector<16xf32>
        %broadcast_in_dim3A_1538 = vector.broadcast %jit3A_1536 : f32 to vector<16xf32>
        %select_n3A_1539 = arith.select %eq3A_1529, %broadcast_in_dim3A_1537, %broadcast_in_dim3A_1538 : vector<16xi1>, vector<16xf32>
        %add3A_1540 = arith.addf %get3A_1464, %select_n3A_1539 : vector<16xf32>
        %jit3A_1541 = arith.constant -2.000000e+00 : f32
        %jit3A_1542 = arith.constant -1.000000e+00 : f32
        %broadcast_in_dim3A_1543 = vector.broadcast %jit3A_1541 : f32 to vector<16xf32>
        %broadcast_in_dim3A_1544 = vector.broadcast %jit3A_1542 : f32 to vector<16xf32>
        %select_n3A_1545 = arith.select %eq3A_1530, %broadcast_in_dim3A_1543, %broadcast_in_dim3A_1544 : vector<16xi1>, vector<16xf32>
        %add3A_1546 = arith.addf %get3A_1468, %select_n3A_1545 : vector<16xf32>
        %min3A_1547 = arith.minimumf %get3A_1524, %add3A_1540 : vector<16xf32>
        %sub3A_1548 = arith.constant 3.000000e+00 : f32
        %sub3A_1549 = vector.broadcast %sub3A_1548 : f32 to vector<16xf32>
        %sub3A_1550 = arith.subf %gather3A_1532, %sub3A_1549 : vector<16xf32>
        %min3A_1551 = arith.minimumf %min3A_1547, %sub3A_1550 : vector<16xf32>
        %min3A_1552 = arith.minimumf %min3A_1551, %min3A_1492 : vector<16xf32>
        %min3A_1553 = arith.minimumf %get3A_1528, %add3A_1546 : vector<16xf32>
        %sub3A_1554 = arith.constant 3.000000e+00 : f32
        %sub3A_1555 = vector.broadcast %sub3A_1554 : f32 to vector<16xf32>
        %sub3A_1556 = arith.subf %gather3A_1534, %sub3A_1555 : vector<16xf32>
        %min3A_1557 = arith.minimumf %min3A_1553, %sub3A_1556 : vector<16xf32>
        %min3A_1558 = arith.minimumf %min3A_1557, %min3A_1498 : vector<16xf32>
        %add3A_1559 = arith.constant 208 : i32
        %add3A_1560 = arith.addi %mul3A_1094, %add3A_1559 : i32
        %add3A_1561 = arith.constant 144 : i32
        %add3A_1562 = arith.addi %add3A_1560, %add3A_1561 : i32
        %swap3A_1563 = arith.index_cast %add3A_1562 : i32 to index
        %swap3A_1564 = tpu.vector_load %arg10[%swap3A_1563] {strides = array<i32>} : memref<2704xf32, #tpu.memory_space<vmem>>, vector<16xf32>,
        tpu.vector_store %arg10[%swap3A_1563], %min3A_1552 {strides = array<i32>} : memref<2704xf32, #tpu.memory_space<vmem>>, vector<16xf32>,
        %add3A_1565 = arith.constant 208 : i32
        %add3A_1566 = arith.addi %mul3A_1094, %add3A_1565 : i32
        %add3A_1567 = arith.constant 144 : i32
        %add3A_1568 = arith.addi %add3A_1566, %add3A_1567 : i32
        %swap3A_1569 = arith.index_cast %add3A_1568 : i32 to index
        %swap3A_1570 = tpu.vector_load %arg11[%swap3A_1569] {strides = array<i32>} : memref<2704xf32, #tpu.memory_space<vmem>>, vector<16xf32>,
        tpu.vector_store %arg11[%swap3A_1569], %min3A_1558 {strides = array<i32>} : memref<2704xf32, #tpu.memory_space<vmem>>, vector<16xf32>,
        %select_n3A_1571 = arith.select %eq3A_1529, %broadcast_in_dim3A_1095, %while3A_1075 : vector<16xi1>, vector<16xi32>
        %select_n3A_1572 = arith.select %eq3A_1530, %broadcast_in_dim3A_1095, %while3A_1086 : vector<16xi1>, vector<16xi32>
        %select_n3A_1573 = arith.select %eq3A_1529, %add3A_34, %select_n3A_1513 : vector<16xi1>, vector<16xi32>
        %select_n3A_1574 = arith.select %eq3A_1530, %add3A_34, %select_n3A_1514 : vector<16xi1>, vector<16xi32>
        %broadcast_in_dim3A_1575 = arith.constant 8 : i32
        %broadcast_in_dim3A_1576 = vector.broadcast %broadcast_in_dim3A_1575 : i32 to vector<16xi32>
        %add3A_1577 = arith.addi %mul3A_601, %broadcast_in_dim3A_1576 : vector<16xi32>
        %gather3A_1578 = tpu.vector_load_idx %arg7[%add3A_1577] : memref<352xi32, #tpu.memory_space<vmem>>[vector<16xi32>], vector<16xi32>,
        %add3A_1579 = arith.addi %mul3A_800, %broadcast_in_dim3A_1576 : vector<16xi32>
        %gather3A_1580 = tpu.vector_load_idx %arg7[%add3A_1579] : memref<352xi32, #tpu.memory_space<vmem>>[vector<16xi32>], vector<16xi32>,
        %add3A_1581 = arith.constant 160 : i32
        %add3A_1582 = arith.addi %mul3A_1094, %add3A_1581 : i32
        %get3A_1583 = arith.index_cast %add3A_1582 : i32 to index
        %get3A_1584 = tpu.vector_load %arg10[%get3A_1583] {strides = array<i32>} : memref<2704xf32, #tpu.memory_space<vmem>>, vector<16xf32>,
        %add3A_1585 = arith.constant 160 : i32
        %add3A_1586 = arith.addi %mul3A_1094, %add3A_1585 : i32
        %get3A_1587 = arith.index_cast %add3A_1586 : i32 to index
        %get3A_1588 = tpu.vector_load %arg11[%get3A_1587] {strides = array<i32>} : memref<2704xf32, #tpu.memory_space<vmem>>, vector<16xf32>,
        %eq3A_1589 = arith.cmpi eq, %gather3A_1578, %gather3A_1092 : vector<16xi32>
        %eq3A_1590 = arith.cmpi eq, %gather3A_1580, %gather3A_1092 : vector<16xi32>
        %add3A_1591 = arith.addi %while3A_1076, %select_n3A_1573 : vector<16xi32>
        %gather3A_1592 = tpu.vector_load_idx %arg10[%add3A_1591] : memref<2704xf32, #tpu.memory_space<vmem>>[vector<16xi32>], vector<16xf32>,
        %add3A_1593 = arith.addi %while3A_1087, %select_n3A_1574 : vector<16xi32>
        %gather3A_1594 = tpu.vector_load_idx %arg11[%add3A_1593] : memref<2704xf32, #tpu.memory_space<vmem>>[vector<16xi32>], vector<16xf32>,
        %jit3A_1595 = arith.constant -2.000000e+00 : f32
        %jit3A_1596 = arith.constant -1.000000e+00 : f32
        %broadcast_in_dim3A_1597 = vector.broadcast %jit3A_1595 : f32 to vector<16xf32>
        %broadcast_in_dim3A_1598 = vector.broadcast %jit3A_1596 : f32 to vector<16xf32>
        %select_n3A_1599 = arith.select %eq3A_1589, %broadcast_in_dim3A_1597, %broadcast_in_dim3A_1598 : vector<16xi1>, vector<16xf32>
        %add3A_1600 = arith.addf %get3A_1524, %select_n3A_1599 : vector<16xf32>
        %jit3A_1601 = arith.constant -2.000000e+00 : f32
        %jit3A_1602 = arith.constant -1.000000e+00 : f32
        %broadcast_in_dim3A_1603 = vector.broadcast %jit3A_1601 : f32 to vector<16xf32>
        %broadcast_in_dim3A_1604 = vector.broadcast %jit3A_1602 : f32 to vector<16xf32>
        %select_n3A_1605 = arith.select %eq3A_1590, %broadcast_in_dim3A_1603, %broadcast_in_dim3A_1604 : vector<16xi1>, vector<16xf32>
        %add3A_1606 = arith.addf %get3A_1528, %select_n3A_1605 : vector<16xf32>
        %min3A_1607 = arith.minimumf %get3A_1584, %add3A_1600 : vector<16xf32>
        %sub3A_1608 = arith.constant 3.000000e+00 : f32
        %sub3A_1609 = vector.broadcast %sub3A_1608 : f32 to vector<16xf32>
        %sub3A_1610 = arith.subf %gather3A_1592, %sub3A_1609 : vector<16xf32>
        %min3A_1611 = arith.minimumf %min3A_1607, %sub3A_1610 : vector<16xf32>
        %min3A_1612 = arith.minimumf %min3A_1611, %min3A_1552 : vector<16xf32>
        %min3A_1613 = arith.minimumf %get3A_1588, %add3A_1606 : vector<16xf32>
        %sub3A_1614 = arith.constant 3.000000e+00 : f32
        %sub3A_1615 = vector.broadcast %sub3A_1614 : f32 to vector<16xf32>
        %sub3A_1616 = arith.subf %gather3A_1594, %sub3A_1615 : vector<16xf32>
        %min3A_1617 = arith.minimumf %min3A_1613, %sub3A_1616 : vector<16xf32>
        %min3A_1618 = arith.minimumf %min3A_1617, %min3A_1558 : vector<16xf32>
        %add3A_1619 = arith.constant 208 : i32
        %add3A_1620 = arith.addi %mul3A_1094, %add3A_1619 : i32
        %add3A_1621 = arith.constant 160 : i32
        %add3A_1622 = arith.addi %add3A_1620, %add3A_1621 : i32
        %swap3A_1623 = arith.index_cast %add3A_1622 : i32 to index
        %swap3A_1624 = tpu.vector_load %arg10[%swap3A_1623] {strides = array<i32>} : memref<2704xf32, #tpu.memory_space<vmem>>, vector<16xf32>,
        tpu.vector_store %arg10[%swap3A_1623], %min3A_1612 {strides = array<i32>} : memref<2704xf32, #tpu.memory_space<vmem>>, vector<16xf32>,
        %add3A_1625 = arith.constant 208 : i32
        %add3A_1626 = arith.addi %mul3A_1094, %add3A_1625 : i32
        %add3A_1627 = arith.constant 160 : i32
        %add3A_1628 = arith.addi %add3A_1626, %add3A_1627 : i32
        %swap3A_1629 = arith.index_cast %add3A_1628 : i32 to index
        %swap3A_1630 = tpu.vector_load %arg11[%swap3A_1629] {strides = array<i32>} : memref<2704xf32, #tpu.memory_space<vmem>>, vector<16xf32>,
        tpu.vector_store %arg11[%swap3A_1629], %min3A_1618 {strides = array<i32>} : memref<2704xf32, #tpu.memory_space<vmem>>, vector<16xf32>,
        %select_n3A_1631 = arith.select %eq3A_1589, %broadcast_in_dim3A_1095, %while3A_1076 : vector<16xi1>, vector<16xi32>
        %select_n3A_1632 = arith.select %eq3A_1590, %broadcast_in_dim3A_1095, %while3A_1087 : vector<16xi1>, vector<16xi32>
        %select_n3A_1633 = arith.select %eq3A_1589, %add3A_37, %select_n3A_1573 : vector<16xi1>, vector<16xi32>
        %select_n3A_1634 = arith.select %eq3A_1590, %add3A_37, %select_n3A_1574 : vector<16xi1>, vector<16xi32>
        %broadcast_in_dim3A_1635 = arith.constant 9 : i32
        %broadcast_in_dim3A_1636 = vector.broadcast %broadcast_in_dim3A_1635 : i32 to vector<16xi32>
        %add3A_1637 = arith.addi %mul3A_601, %broadcast_in_dim3A_1636 : vector<16xi32>
        %gather3A_1638 = tpu.vector_load_idx %arg7[%add3A_1637] : memref<352xi32, #tpu.memory_space<vmem>>[vector<16xi32>], vector<16xi32>,
        %add3A_1639 = arith.addi %mul3A_800, %broadcast_in_dim3A_1636 : vector<16xi32>
        %gather3A_1640 = tpu.vector_load_idx %arg7[%add3A_1639] : memref<352xi32, #tpu.memory_space<vmem>>[vector<16xi32>], vector<16xi32>,
        %add3A_1641 = arith.constant 176 : i32
        %add3A_1642 = arith.addi %mul3A_1094, %add3A_1641 : i32
        %get3A_1643 = arith.index_cast %add3A_1642 : i32 to index
        %get3A_1644 = tpu.vector_load %arg10[%get3A_1643] {strides = array<i32>} : memref<2704xf32, #tpu.memory_space<vmem>>, vector<16xf32>,
        %add3A_1645 = arith.constant 176 : i32
        %add3A_1646 = arith.addi %mul3A_1094, %add3A_1645 : i32
        %get3A_1647 = arith.index_cast %add3A_1646 : i32 to index
        %get3A_1648 = tpu.vector_load %arg11[%get3A_1647] {strides = array<i32>} : memref<2704xf32, #tpu.memory_space<vmem>>, vector<16xf32>,
        %eq3A_1649 = arith.cmpi eq, %gather3A_1638, %gather3A_1092 : vector<16xi32>
        %eq3A_1650 = arith.cmpi eq, %gather3A_1640, %gather3A_1092 : vector<16xi32>
        %add3A_1651 = arith.addi %while3A_1077, %select_n3A_1633 : vector<16xi32>
        %gather3A_1652 = tpu.vector_load_idx %arg10[%add3A_1651] : memref<2704xf32, #tpu.memory_space<vmem>>[vector<16xi32>], vector<16xf32>,
        %add3A_1653 = arith.addi %while3A_1088, %select_n3A_1634 : vector<16xi32>
        %gather3A_1654 = tpu.vector_load_idx %arg11[%add3A_1653] : memref<2704xf32, #tpu.memory_space<vmem>>[vector<16xi32>], vector<16xf32>,
        %jit3A_1655 = arith.constant -2.000000e+00 : f32
        %jit3A_1656 = arith.constant -1.000000e+00 : f32
        %broadcast_in_dim3A_1657 = vector.broadcast %jit3A_1655 : f32 to vector<16xf32>
        %broadcast_in_dim3A_1658 = vector.broadcast %jit3A_1656 : f32 to vector<16xf32>
        %select_n3A_1659 = arith.select %eq3A_1649, %broadcast_in_dim3A_1657, %broadcast_in_dim3A_1658 : vector<16xi1>, vector<16xf32>
        %add3A_1660 = arith.addf %get3A_1584, %select_n3A_1659 : vector<16xf32>
        %jit3A_1661 = arith.constant -2.000000e+00 : f32
        %jit3A_1662 = arith.constant -1.000000e+00 : f32
        %broadcast_in_dim3A_1663 = vector.broadcast %jit3A_1661 : f32 to vector<16xf32>
        %broadcast_in_dim3A_1664 = vector.broadcast %jit3A_1662 : f32 to vector<16xf32>
        %select_n3A_1665 = arith.select %eq3A_1650, %broadcast_in_dim3A_1663, %broadcast_in_dim3A_1664 : vector<16xi1>, vector<16xf32>
        %add3A_1666 = arith.addf %get3A_1588, %select_n3A_1665 : vector<16xf32>
        %min3A_1667 = arith.minimumf %get3A_1644, %add3A_1660 : vector<16xf32>
        %sub3A_1668 = arith.constant 3.000000e+00 : f32
        %sub3A_1669 = vector.broadcast %sub3A_1668 : f32 to vector<16xf32>
        %sub3A_1670 = arith.subf %gather3A_1652, %sub3A_1669 : vector<16xf32>
        %min3A_1671 = arith.minimumf %min3A_1667, %sub3A_1670 : vector<16xf32>
        %min3A_1672 = arith.minimumf %min3A_1671, %min3A_1612 : vector<16xf32>
        %min3A_1673 = arith.minimumf %get3A_1648, %add3A_1666 : vector<16xf32>
        %sub3A_1674 = arith.constant 3.000000e+00 : f32
        %sub3A_1675 = vector.broadcast %sub3A_1674 : f32 to vector<16xf32>
        %sub3A_1676 = arith.subf %gather3A_1654, %sub3A_1675 : vector<16xf32>
        %min3A_1677 = arith.minimumf %min3A_1673, %sub3A_1676 : vector<16xf32>
        %min3A_1678 = arith.minimumf %min3A_1677, %min3A_1618 : vector<16xf32>
        %add3A_1679 = arith.constant 208 : i32
        %add3A_1680 = arith.addi %mul3A_1094, %add3A_1679 : i32
        %add3A_1681 = arith.constant 176 : i32
        %add3A_1682 = arith.addi %add3A_1680, %add3A_1681 : i32
        %swap3A_1683 = arith.index_cast %add3A_1682 : i32 to index
        %swap3A_1684 = tpu.vector_load %arg10[%swap3A_1683] {strides = array<i32>} : memref<2704xf32, #tpu.memory_space<vmem>>, vector<16xf32>,
        tpu.vector_store %arg10[%swap3A_1683], %min3A_1672 {strides = array<i32>} : memref<2704xf32, #tpu.memory_space<vmem>>, vector<16xf32>,
        %add3A_1685 = arith.constant 208 : i32
        %add3A_1686 = arith.addi %mul3A_1094, %add3A_1685 : i32
        %add3A_1687 = arith.constant 176 : i32
        %add3A_1688 = arith.addi %add3A_1686, %add3A_1687 : i32
        %swap3A_1689 = arith.index_cast %add3A_1688 : i32 to index
        %swap3A_1690 = tpu.vector_load %arg11[%swap3A_1689] {strides = array<i32>} : memref<2704xf32, #tpu.memory_space<vmem>>, vector<16xf32>,
        tpu.vector_store %arg11[%swap3A_1689], %min3A_1678 {strides = array<i32>} : memref<2704xf32, #tpu.memory_space<vmem>>, vector<16xf32>,
        %select_n3A_1691 = arith.select %eq3A_1649, %broadcast_in_dim3A_1095, %while3A_1077 : vector<16xi1>, vector<16xi32>
        %select_n3A_1692 = arith.select %eq3A_1650, %broadcast_in_dim3A_1095, %while3A_1088 : vector<16xi1>, vector<16xi32>
        %select_n3A_1693 = arith.select %eq3A_1649, %add3A_40, %select_n3A_1633 : vector<16xi1>, vector<16xi32>
        %select_n3A_1694 = arith.select %eq3A_1650, %add3A_40, %select_n3A_1634 : vector<16xi1>, vector<16xi32>
        %broadcast_in_dim3A_1695 = arith.constant 10 : i32
        %broadcast_in_dim3A_1696 = vector.broadcast %broadcast_in_dim3A_1695 : i32 to vector<16xi32>
        %add3A_1697 = arith.addi %mul3A_601, %broadcast_in_dim3A_1696 : vector<16xi32>
        %gather3A_1698 = tpu.vector_load_idx %arg7[%add3A_1697] : memref<352xi32, #tpu.memory_space<vmem>>[vector<16xi32>], vector<16xi32>,
        %add3A_1699 = arith.addi %mul3A_800, %broadcast_in_dim3A_1696 : vector<16xi32>
        %gather3A_1700 = tpu.vector_load_idx %arg7[%add3A_1699] : memref<352xi32, #tpu.memory_space<vmem>>[vector<16xi32>], vector<16xi32>,
        %add3A_1701 = arith.constant 192 : i32
        %add3A_1702 = arith.addi %mul3A_1094, %add3A_1701 : i32
        %get3A_1703 = arith.index_cast %add3A_1702 : i32 to index
        %get3A_1704 = tpu.vector_load %arg10[%get3A_1703] {strides = array<i32>} : memref<2704xf32, #tpu.memory_space<vmem>>, vector<16xf32>,
        %add3A_1705 = arith.constant 192 : i32
        %add3A_1706 = arith.addi %mul3A_1094, %add3A_1705 : i32
        %get3A_1707 = arith.index_cast %add3A_1706 : i32 to index
        %get3A_1708 = tpu.vector_load %arg11[%get3A_1707] {strides = array<i32>} : memref<2704xf32, #tpu.memory_space<vmem>>, vector<16xf32>,
        %eq3A_1709 = arith.cmpi eq, %gather3A_1698, %gather3A_1092 : vector<16xi32>
        %eq3A_1710 = arith.cmpi eq, %gather3A_1700, %gather3A_1092 : vector<16xi32>
        %add3A_1711 = arith.addi %while3A_1078, %select_n3A_1693 : vector<16xi32>
        %gather3A_1712 = tpu.vector_load_idx %arg10[%add3A_1711] : memref<2704xf32, #tpu.memory_space<vmem>>[vector<16xi32>], vector<16xf32>,
        %add3A_1713 = arith.addi %while3A_1089, %select_n3A_1694 : vector<16xi32>
        %gather3A_1714 = tpu.vector_load_idx %arg11[%add3A_1713] : memref<2704xf32, #tpu.memory_space<vmem>>[vector<16xi32>], vector<16xf32>,
        %jit3A_1715 = arith.constant -2.000000e+00 : f32
        %jit3A_1716 = arith.constant -1.000000e+00 : f32
        %broadcast_in_dim3A_1717 = vector.broadcast %jit3A_1715 : f32 to vector<16xf32>
        %broadcast_in_dim3A_1718 = vector.broadcast %jit3A_1716 : f32 to vector<16xf32>
        %select_n3A_1719 = arith.select %eq3A_1709, %broadcast_in_dim3A_1717, %broadcast_in_dim3A_1718 : vector<16xi1>, vector<16xf32>
        %add3A_1720 = arith.addf %get3A_1644, %select_n3A_1719 : vector<16xf32>
        %jit3A_1721 = arith.constant -2.000000e+00 : f32
        %jit3A_1722 = arith.constant -1.000000e+00 : f32
        %broadcast_in_dim3A_1723 = vector.broadcast %jit3A_1721 : f32 to vector<16xf32>
        %broadcast_in_dim3A_1724 = vector.broadcast %jit3A_1722 : f32 to vector<16xf32>
        %select_n3A_1725 = arith.select %eq3A_1710, %broadcast_in_dim3A_1723, %broadcast_in_dim3A_1724 : vector<16xi1>, vector<16xf32>
        %add3A_1726 = arith.addf %get3A_1648, %select_n3A_1725 : vector<16xf32>
        %min3A_1727 = arith.minimumf %get3A_1704, %add3A_1720 : vector<16xf32>
        %sub3A_1728 = arith.constant 3.000000e+00 : f32
        %sub3A_1729 = vector.broadcast %sub3A_1728 : f32 to vector<16xf32>
        %sub3A_1730 = arith.subf %gather3A_1712, %sub3A_1729 : vector<16xf32>
        %min3A_1731 = arith.minimumf %min3A_1727, %sub3A_1730 : vector<16xf32>
        %min3A_1732 = arith.minimumf %min3A_1731, %min3A_1672 : vector<16xf32>
        %min3A_1733 = arith.minimumf %get3A_1708, %add3A_1726 : vector<16xf32>
        %sub3A_1734 = arith.constant 3.000000e+00 : f32
        %sub3A_1735 = vector.broadcast %sub3A_1734 : f32 to vector<16xf32>
        %sub3A_1736 = arith.subf %gather3A_1714, %sub3A_1735 : vector<16xf32>
        %min3A_1737 = arith.minimumf %min3A_1733, %sub3A_1736 : vector<16xf32>
        %min3A_1738 = arith.minimumf %min3A_1737, %min3A_1678 : vector<16xf32>
        %add3A_1739 = arith.constant 208 : i32
        %add3A_1740 = arith.addi %mul3A_1094, %add3A_1739 : i32
        %add3A_1741 = arith.constant 192 : i32
        %add3A_1742 = arith.addi %add3A_1740, %add3A_1741 : i32
        %swap3A_1743 = arith.index_cast %add3A_1742 : i32 to index
        %swap3A_1744 = tpu.vector_load %arg10[%swap3A_1743] {strides = array<i32>} : memref<2704xf32, #tpu.memory_space<vmem>>, vector<16xf32>,
        tpu.vector_store %arg10[%swap3A_1743], %min3A_1732 {strides = array<i32>} : memref<2704xf32, #tpu.memory_space<vmem>>, vector<16xf32>,
        %add3A_1745 = arith.constant 208 : i32
        %add3A_1746 = arith.addi %mul3A_1094, %add3A_1745 : i32
        %add3A_1747 = arith.constant 192 : i32
        %add3A_1748 = arith.addi %add3A_1746, %add3A_1747 : i32
        %swap3A_1749 = arith.index_cast %add3A_1748 : i32 to index
        %swap3A_1750 = tpu.vector_load %arg11[%swap3A_1749] {strides = array<i32>} : memref<2704xf32, #tpu.memory_space<vmem>>, vector<16xf32>,
        tpu.vector_store %arg11[%swap3A_1749], %min3A_1738 {strides = array<i32>} : memref<2704xf32, #tpu.memory_space<vmem>>, vector<16xf32>,
        %select_n3A_1751 = arith.select %eq3A_1709, %broadcast_in_dim3A_1095, %while3A_1078 : vector<16xi1>, vector<16xi32>
        %select_n3A_1752 = arith.select %eq3A_1710, %broadcast_in_dim3A_1095, %while3A_1089 : vector<16xi1>, vector<16xi32>
        %select_n3A_1753 = arith.select %eq3A_1709, %add3A_43, %select_n3A_1693 : vector<16xi1>, vector<16xi32>
        %select_n3A_1754 = arith.select %eq3A_1710, %add3A_43, %select_n3A_1694 : vector<16xi1>, vector<16xi32>
        scf.yield %select_n3A_1151, %select_n3A_1211, %select_n3A_1271, %select_n3A_1331, %select_n3A_1391, %select_n3A_1451, %select_n3A_1511, %select_n3A_1571, %select_n3A_1631, %select_n3A_1691, %select_n3A_1751, %select_n3A_1152, %select_n3A_1212, %select_n3A_1272, %select_n3A_1332, %select_n3A_1392, %select_n3A_1452, %select_n3A_1512, %select_n3A_1572, %select_n3A_1632, %select_n3A_1692, %select_n3A_1752 : vector<16xi32>, vector<16xi32>, vector<16xi32>, vector<16xi32>, vector<16xi32>, vector<16xi32>, vector<16xi32>, vector<16xi32>, vector<16xi32>, vector<16xi32>, vector<16xi32>, vector<16xi32>, vector<16xi32>, vector<16xi32>, vector<16xi32>, vector<16xi32>, vector<16xi32>, vector<16xi32>, vector<16xi32>, vector<16xi32>, vector<16xi32>, vector<16xi32>
      }
      %while3A_1010 = arith.constant 1 : i32
      %while3A_1011:22 = scf.for %while3A_1067 = %while3A_1007 to %while3A_1003 step %while3A_1010 iter_args(%while3A_1068 = %while3A_1009#0, %while3A_1069 = %while3A_1009#1, %while3A_1070 = %while3A_1009#2, %while3A_1071 = %while3A_1009#3, %while3A_1072 = %while3A_1009#4, %while3A_1073 = %while3A_1009#5, %while3A_1074 = %while3A_1009#6, %while3A_1075 = %while3A_1009#7, %while3A_1076 = %while3A_1009#8, %while3A_1077 = %while3A_1009#9, %while3A_1078 = %while3A_1009#10, %while3A_1079 = %while3A_1009#11, %while3A_1080 = %while3A_1009#12, %while3A_1081 = %while3A_1009#13, %while3A_1082 = %while3A_1009#14, %while3A_1083 = %while3A_1009#15, %while3A_1084 = %while3A_1009#16, %while3A_1085 = %while3A_1009#17, %while3A_1086 = %while3A_1009#18, %while3A_1087 = %while3A_1009#19, %while3A_1088 = %while3A_1009#20, %while3A_1089 = %while3A_1009#21) -> (vector<16xi32>, vector<16xi32>, vector<16xi32>, vector<16xi32>, vector<16xi32>, vector<16xi32>, vector<16xi32>, vector<16xi32>, vector<16xi32>, vector<16xi32>, vector<16xi32>, vector<16xi32>, vector<16xi32>, vector<16xi32>, vector<16xi32>, vector<16xi32>, vector<16xi32>, vector<16xi32>, vector<16xi32>, vector<16xi32>, vector<16xi32>, vector<16xi32>)  : i32 {
        %add3A_1090 = arith.addi %sub3A_999, %while3A_1067 : i32
        %broadcast_in_dim3A_1091 = vector.broadcast %add3A_1090 : i32 to vector<16xi32>
        %gather3A_1092 = tpu.vector_load_idx %arg6[%broadcast_in_dim3A_1091] : memref<400xi32, #tpu.memory_space<vmem>>[vector<16xi32>], vector<16xi32>,
        %mul3A_1093 = arith.constant 208 : i32
        %mul3A_1094 = arith.muli %while3A_1067, %mul3A_1093 : i32
        %broadcast_in_dim3A_1095 = vector.broadcast %mul3A_1094 : i32 to vector<16xi32>
        %broadcast_in_dim3A_1096 = arith.constant 0 : i32
        %broadcast_in_dim3A_1097 = vector.broadcast %broadcast_in_dim3A_1096 : i32 to vector<16xi32>
        %add3A_1098 = arith.addi %mul3A_601, %broadcast_in_dim3A_1097 : vector<16xi32>
        %gather3A_1099 = tpu.vector_load_idx %arg7[%add3A_1098] : memref<352xi32, #tpu.memory_space<vmem>>[vector<16xi32>], vector<16xi32>,
        %add3A_1100 = arith.addi %mul3A_800, %broadcast_in_dim3A_1097 : vector<16xi32>
        %gather3A_1101 = tpu.vector_load_idx %arg7[%add3A_1100] : memref<352xi32, #tpu.memory_space<vmem>>[vector<16xi32>], vector<16xi32>,
        %add3A_1102 = arith.constant 32 : i32
        %add3A_1103 = arith.addi %mul3A_1094, %add3A_1102 : i32
        %get3A_1104 = arith.index_cast %add3A_1103 : i32 to index
        %get3A_1105 = tpu.vector_load %arg10[%get3A_1104] {strides = array<i32>} : memref<2704xf32, #tpu.memory_space<vmem>>, vector<16xf32>,
        %add3A_1106 = arith.constant 32 : i32
        %add3A_1107 = arith.addi %mul3A_1094, %add3A_1106 : i32
        %get3A_1108 = arith.index_cast %add3A_1107 : i32 to index
        %get3A_1109 = tpu.vector_load %arg11[%get3A_1108] {strides = array<i32>} : memref<2704xf32, #tpu.memory_space<vmem>>, vector<16xf32>,
        %eq3A_1110 = arith.cmpi eq, %gather3A_1099, %gather3A_1092 : vector<16xi32>
        %eq3A_1111 = arith.cmpi eq, %gather3A_1101, %gather3A_1092 : vector<16xi32>
        %add3A_1112 = arith.addi %while3A_1068, %iota3A : vector<16xi32>
        %gather3A_1113 = tpu.vector_load_idx %arg10[%add3A_1112] : memref<2704xf32, #tpu.memory_space<vmem>>[vector<16xi32>], vector<16xf32>,
        %add3A_1114 = arith.addi %while3A_1079, %iota3A : vector<16xi32>
        %gather3A_1115 = tpu.vector_load_idx %arg11[%add3A_1114] : memref<2704xf32, #tpu.memory_space<vmem>>[vector<16xi32>], vector<16xf32>,
        %jit3A_1116 = arith.constant -2.000000e+00 : f32
        %jit3A_1117 = arith.constant -1.000000e+00 : f32
        %broadcast_in_dim3A_1118 = vector.broadcast %jit3A_1116 : f32 to vector<16xf32>
        %broadcast_in_dim3A_1119 = vector.broadcast %jit3A_1117 : f32 to vector<16xf32>
        %select_n3A_1120 = arith.select %eq3A_1110, %broadcast_in_dim3A_1118, %broadcast_in_dim3A_1119 : vector<16xi1>, vector<16xf32>
        %add3A_1121 = arith.addf %broadcast_in_dim3A_585, %select_n3A_1120 : vector<16xf32>
        %jit3A_1122 = arith.constant -2.000000e+00 : f32
        %jit3A_1123 = arith.constant -1.000000e+00 : f32
        %broadcast_in_dim3A_1124 = vector.broadcast %jit3A_1122 : f32 to vector<16xf32>
        %broadcast_in_dim3A_1125 = vector.broadcast %jit3A_1123 : f32 to vector<16xf32>
        %select_n3A_1126 = arith.select %eq3A_1111, %broadcast_in_dim3A_1124, %broadcast_in_dim3A_1125 : vector<16xi1>, vector<16xf32>
        %add3A_1127 = arith.addf %broadcast_in_dim3A_585, %select_n3A_1126 : vector<16xf32>
        %min3A = arith.minimumf %get3A_1105, %add3A_1121 : vector<16xf32>
        %sub3A_1128 = arith.constant 3.000000e+00 : f32
        %sub3A_1129 = vector.broadcast %sub3A_1128 : f32 to vector<16xf32>
        %sub3A_1130 = arith.subf %gather3A_1113, %sub3A_1129 : vector<16xf32>
        %min3A_1131 = arith.minimumf %min3A, %sub3A_1130 : vector<16xf32>
        %min3A_1132 = arith.minimumf %min3A_1131, %broadcast_in_dim3A_585 : vector<16xf32>
        %min3A_1133 = arith.minimumf %get3A_1109, %add3A_1127 : vector<16xf32>
        %sub3A_1134 = arith.constant 3.000000e+00 : f32
        %sub3A_1135 = vector.broadcast %sub3A_1134 : f32 to vector<16xf32>
        %sub3A_1136 = arith.subf %gather3A_1115, %sub3A_1135 : vector<16xf32>
        %min3A_1137 = arith.minimumf %min3A_1133, %sub3A_1136 : vector<16xf32>
        %min3A_1138 = arith.minimumf %min3A_1137, %broadcast_in_dim3A_585 : vector<16xf32>
        %add3A_1139 = arith.constant 208 : i32
        %add3A_1140 = arith.addi %mul3A_1094, %add3A_1139 : i32
        %add3A_1141 = arith.constant 32 : i32
        %add3A_1142 = arith.addi %add3A_1140, %add3A_1141 : i32
        %swap3A_1143 = arith.index_cast %add3A_1142 : i32 to index
        %swap3A_1144 = tpu.vector_load %arg10[%swap3A_1143] {strides = array<i32>} : memref<2704xf32, #tpu.memory_space<vmem>>, vector<16xf32>,
        tpu.vector_store %arg10[%swap3A_1143], %min3A_1132 {strides = array<i32>} : memref<2704xf32, #tpu.memory_space<vmem>>, vector<16xf32>,
        %add3A_1145 = arith.constant 208 : i32
        %add3A_1146 = arith.addi %mul3A_1094, %add3A_1145 : i32
        %add3A_1147 = arith.constant 32 : i32
        %add3A_1148 = arith.addi %add3A_1146, %add3A_1147 : i32
        %swap3A_1149 = arith.index_cast %add3A_1148 : i32 to index
        %swap3A_1150 = tpu.vector_load %arg11[%swap3A_1149] {strides = array<i32>} : memref<2704xf32, #tpu.memory_space<vmem>>, vector<16xf32>,
        tpu.vector_store %arg11[%swap3A_1149], %min3A_1138 {strides = array<i32>} : memref<2704xf32, #tpu.memory_space<vmem>>, vector<16xf32>,
        %select_n3A_1151 = arith.select %eq3A_1110, %broadcast_in_dim3A_1095, %while3A_1068 : vector<16xi1>, vector<16xi32>
        %select_n3A_1152 = arith.select %eq3A_1111, %broadcast_in_dim3A_1095, %while3A_1079 : vector<16xi1>, vector<16xi32>
        %select_n3A_1153 = arith.select %eq3A_1110, %add3A_13, %iota3A : vector<16xi1>, vector<16xi32>
        %select_n3A_1154 = arith.select %eq3A_1111, %add3A_13, %iota3A : vector<16xi1>, vector<16xi32>
        %broadcast_in_dim3A_1155 = arith.constant 1 : i32
        %broadcast_in_dim3A_1156 = vector.broadcast %broadcast_in_dim3A_1155 : i32 to vector<16xi32>
        %add3A_1157 = arith.addi %mul3A_601, %broadcast_in_dim3A_1156 : vector<16xi32>
        %gather3A_1158 = tpu.vector_load_idx %arg7[%add3A_1157] : memref<352xi32, #tpu.memory_space<vmem>>[vector<16xi32>], vector<16xi32>,
        %add3A_1159 = arith.addi %mul3A_800, %broadcast_in_dim3A_1156 : vector<16xi32>
        %gather3A_1160 = tpu.vector_load_idx %arg7[%add3A_1159] : memref<352xi32, #tpu.memory_space<vmem>>[vector<16xi32>], vector<16xi32>,
        %add3A_1161 = arith.constant 48 : i32
        %add3A_1162 = arith.addi %mul3A_1094, %add3A_1161 : i32
        %get3A_1163 = arith.index_cast %add3A_1162 : i32 to index
        %get3A_1164 = tpu.vector_load %arg10[%get3A_1163] {strides = array<i32>} : memref<2704xf32, #tpu.memory_space<vmem>>, vector<16xf32>,
        %add3A_1165 = arith.constant 48 : i32
        %add3A_1166 = arith.addi %mul3A_1094, %add3A_1165 : i32
        %get3A_1167 = arith.index_cast %add3A_1166 : i32 to index
        %get3A_1168 = tpu.vector_load %arg11[%get3A_1167] {strides = array<i32>} : memref<2704xf32, #tpu.memory_space<vmem>>, vector<16xf32>,
        %eq3A_1169 = arith.cmpi eq, %gather3A_1158, %gather3A_1092 : vector<16xi32>
        %eq3A_1170 = arith.cmpi eq, %gather3A_1160, %gather3A_1092 : vector<16xi32>
        %add3A_1171 = arith.addi %while3A_1069, %select_n3A_1153 : vector<16xi32>
        %gather3A_1172 = tpu.vector_load_idx %arg10[%add3A_1171] : memref<2704xf32, #tpu.memory_space<vmem>>[vector<16xi32>], vector<16xf32>,
        %add3A_1173 = arith.addi %while3A_1080, %select_n3A_1154 : vector<16xi32>
        %gather3A_1174 = tpu.vector_load_idx %arg11[%add3A_1173] : memref<2704xf32, #tpu.memory_space<vmem>>[vector<16xi32>], vector<16xf32>,
        %jit3A_1175 = arith.constant -2.000000e+00 : f32
        %jit3A_1176 = arith.constant -1.000000e+00 : f32
        %broadcast_in_dim3A_1177 = vector.broadcast %jit3A_1175 : f32 to vector<16xf32>
        %broadcast_in_dim3A_1178 = vector.broadcast %jit3A_1176 : f32 to vector<16xf32>
        %select_n3A_1179 = arith.select %eq3A_1169, %broadcast_in_dim3A_1177, %broadcast_in_dim3A_1178 : vector<16xi1>, vector<16xf32>
        %add3A_1180 = arith.addf %get3A_1105, %select_n3A_1179 : vector<16xf32>
        %jit3A_1181 = arith.constant -2.000000e+00 : f32
        %jit3A_1182 = arith.constant -1.000000e+00 : f32
        %broadcast_in_dim3A_1183 = vector.broadcast %jit3A_1181 : f32 to vector<16xf32>
        %broadcast_in_dim3A_1184 = vector.broadcast %jit3A_1182 : f32 to vector<16xf32>
        %select_n3A_1185 = arith.select %eq3A_1170, %broadcast_in_dim3A_1183, %broadcast_in_dim3A_1184 : vector<16xi1>, vector<16xf32>
        %add3A_1186 = arith.addf %get3A_1109, %select_n3A_1185 : vector<16xf32>
        %min3A_1187 = arith.minimumf %get3A_1164, %add3A_1180 : vector<16xf32>
        %sub3A_1188 = arith.constant 3.000000e+00 : f32
        %sub3A_1189 = vector.broadcast %sub3A_1188 : f32 to vector<16xf32>
        %sub3A_1190 = arith.subf %gather3A_1172, %sub3A_1189 : vector<16xf32>
        %min3A_1191 = arith.minimumf %min3A_1187, %sub3A_1190 : vector<16xf32>
        %min3A_1192 = arith.minimumf %min3A_1191, %min3A_1132 : vector<16xf32>
        %min3A_1193 = arith.minimumf %get3A_1168, %add3A_1186 : vector<16xf32>
        %sub3A_1194 = arith.constant 3.000000e+00 : f32
        %sub3A_1195 = vector.broadcast %sub3A_1194 : f32 to vector<16xf32>
        %sub3A_1196 = arith.subf %gather3A_1174, %sub3A_1195 : vector<16xf32>
        %min3A_1197 = arith.minimumf %min3A_1193, %sub3A_1196 : vector<16xf32>
        %min3A_1198 = arith.minimumf %min3A_1197, %min3A_1138 : vector<16xf32>
        %add3A_1199 = arith.constant 208 : i32
        %add3A_1200 = arith.addi %mul3A_1094, %add3A_1199 : i32
        %add3A_1201 = arith.constant 48 : i32
        %add3A_1202 = arith.addi %add3A_1200, %add3A_1201 : i32
        %swap3A_1203 = arith.index_cast %add3A_1202 : i32 to index
        %swap3A_1204 = tpu.vector_load %arg10[%swap3A_1203] {strides = array<i32>} : memref<2704xf32, #tpu.memory_space<vmem>>, vector<16xf32>,
        tpu.vector_store %arg10[%swap3A_1203], %min3A_1192 {strides = array<i32>} : memref<2704xf32, #tpu.memory_space<vmem>>, vector<16xf32>,
        %add3A_1205 = arith.constant 208 : i32
        %add3A_1206 = arith.addi %mul3A_1094, %add3A_1205 : i32
        %add3A_1207 = arith.constant 48 : i32
        %add3A_1208 = arith.addi %add3A_1206, %add3A_1207 : i32
        %swap3A_1209 = arith.index_cast %add3A_1208 : i32 to index
        %swap3A_1210 = tpu.vector_load %arg11[%swap3A_1209] {strides = array<i32>} : memref<2704xf32, #tpu.memory_space<vmem>>, vector<16xf32>,
        tpu.vector_store %arg11[%swap3A_1209], %min3A_1198 {strides = array<i32>} : memref<2704xf32, #tpu.memory_space<vmem>>, vector<16xf32>,
        %select_n3A_1211 = arith.select %eq3A_1169, %broadcast_in_dim3A_1095, %while3A_1069 : vector<16xi1>, vector<16xi32>
        %select_n3A_1212 = arith.select %eq3A_1170, %broadcast_in_dim3A_1095, %while3A_1080 : vector<16xi1>, vector<16xi32>
        %select_n3A_1213 = arith.select %eq3A_1169, %add3A_16, %select_n3A_1153 : vector<16xi1>, vector<16xi32>
        %select_n3A_1214 = arith.select %eq3A_1170, %add3A_16, %select_n3A_1154 : vector<16xi1>, vector<16xi32>
        %broadcast_in_dim3A_1215 = arith.constant 2 : i32
        %broadcast_in_dim3A_1216 = vector.broadcast %broadcast_in_dim3A_1215 : i32 to vector<16xi32>
        %add3A_1217 = arith.addi %mul3A_601, %broadcast_in_dim3A_1216 : vector<16xi32>
        %gather3A_1218 = tpu.vector_load_idx %arg7[%add3A_1217] : memref<352xi32, #tpu.memory_space<vmem>>[vector<16xi32>], vector<16xi32>,
        %add3A_1219 = arith.addi %mul3A_800, %broadcast_in_dim3A_1216 : vector<16xi32>
        %gather3A_1220 = tpu.vector_load_idx %arg7[%add3A_1219] : memref<352xi32, #tpu.memory_space<vmem>>[vector<16xi32>], vector<16xi32>,
        %add3A_1221 = arith.constant 64 : i32
        %add3A_1222 = arith.addi %mul3A_1094, %add3A_1221 : i32
        %get3A_1223 = arith.index_cast %add3A_1222 : i32 to index
        %get3A_1224 = tpu.vector_load %arg10[%get3A_1223] {strides = array<i32>} : memref<2704xf32, #tpu.memory_space<vmem>>, vector<16xf32>,
        %add3A_1225 = arith.constant 64 : i32
        %add3A_1226 = arith.addi %mul3A_1094, %add3A_1225 : i32
        %get3A_1227 = arith.index_cast %add3A_1226 : i32 to index
        %get3A_1228 = tpu.vector_load %arg11[%get3A_1227] {strides = array<i32>} : memref<2704xf32, #tpu.memory_space<vmem>>, vector<16xf32>,
        %eq3A_1229 = arith.cmpi eq, %gather3A_1218, %gather3A_1092 : vector<16xi32>
        %eq3A_1230 = arith.cmpi eq, %gather3A_1220, %gather3A_1092 : vector<16xi32>
        %add3A_1231 = arith.addi %while3A_1070, %select_n3A_1213 : vector<16xi32>
        %gather3A_1232 = tpu.vector_load_idx %arg10[%add3A_1231] : memref<2704xf32, #tpu.memory_space<vmem>>[vector<16xi32>], vector<16xf32>,
        %add3A_1233 = arith.addi %while3A_1081, %select_n3A_1214 : vector<16xi32>
        %gather3A_1234 = tpu.vector_load_idx %arg11[%add3A_1233] : memref<2704xf32, #tpu.memory_space<vmem>>[vector<16xi32>], vector<16xf32>,
        %jit3A_1235 = arith.constant -2.000000e+00 : f32
        %jit3A_1236 = arith.constant -1.000000e+00 : f32
        %broadcast_in_dim3A_1237 = vector.broadcast %jit3A_1235 : f32 to vector<16xf32>
        %broadcast_in_dim3A_1238 = vector.broadcast %jit3A_1236 : f32 to vector<16xf32>
        %select_n3A_1239 = arith.select %eq3A_1229, %broadcast_in_dim3A_1237, %broadcast_in_dim3A_1238 : vector<16xi1>, vector<16xf32>
        %add3A_1240 = arith.addf %get3A_1164, %select_n3A_1239 : vector<16xf32>
        %jit3A_1241 = arith.constant -2.000000e+00 : f32
        %jit3A_1242 = arith.constant -1.000000e+00 : f32
        %broadcast_in_dim3A_1243 = vector.broadcast %jit3A_1241 : f32 to vector<16xf32>
        %broadcast_in_dim3A_1244 = vector.broadcast %jit3A_1242 : f32 to vector<16xf32>
        %select_n3A_1245 = arith.select %eq3A_1230, %broadcast_in_dim3A_1243, %broadcast_in_dim3A_1244 : vector<16xi1>, vector<16xf32>
        %add3A_1246 = arith.addf %get3A_1168, %select_n3A_1245 : vector<16xf32>
        %min3A_1247 = arith.minimumf %get3A_1224, %add3A_1240 : vector<16xf32>
        %sub3A_1248 = arith.constant 3.000000e+00 : f32
        %sub3A_1249 = vector.broadcast %sub3A_1248 : f32 to vector<16xf32>
        %sub3A_1250 = arith.subf %gather3A_1232, %sub3A_1249 : vector<16xf32>
        %min3A_1251 = arith.minimumf %min3A_1247, %sub3A_1250 : vector<16xf32>
        %min3A_1252 = arith.minimumf %min3A_1251, %min3A_1192 : vector<16xf32>
        %min3A_1253 = arith.minimumf %get3A_1228, %add3A_1246 : vector<16xf32>
        %sub3A_1254 = arith.constant 3.000000e+00 : f32
        %sub3A_1255 = vector.broadcast %sub3A_1254 : f32 to vector<16xf32>
        %sub3A_1256 = arith.subf %gather3A_1234, %sub3A_1255 : vector<16xf32>
        %min3A_1257 = arith.minimumf %min3A_1253, %sub3A_1256 : vector<16xf32>
        %min3A_1258 = arith.minimumf %min3A_1257, %min3A_1198 : vector<16xf32>
        %add3A_1259 = arith.constant 208 : i32
        %add3A_1260 = arith.addi %mul3A_1094, %add3A_1259 : i32
        %add3A_1261 = arith.constant 64 : i32
        %add3A_1262 = arith.addi %add3A_1260, %add3A_1261 : i32
        %swap3A_1263 = arith.index_cast %add3A_1262 : i32 to index
        %swap3A_1264 = tpu.vector_load %arg10[%swap3A_1263] {strides = array<i32>} : memref<2704xf32, #tpu.memory_space<vmem>>, vector<16xf32>,
        tpu.vector_store %arg10[%swap3A_1263], %min3A_1252 {strides = array<i32>} : memref<2704xf32, #tpu.memory_space<vmem>>, vector<16xf32>,
        %add3A_1265 = arith.constant 208 : i32
        %add3A_1266 = arith.addi %mul3A_1094, %add3A_1265 : i32
        %add3A_1267 = arith.constant 64 : i32
        %add3A_1268 = arith.addi %add3A_1266, %add3A_1267 : i32
        %swap3A_1269 = arith.index_cast %add3A_1268 : i32 to index
        %swap3A_1270 = tpu.vector_load %arg11[%swap3A_1269] {strides = array<i32>} : memref<2704xf32, #tpu.memory_space<vmem>>, vector<16xf32>,
        tpu.vector_store %arg11[%swap3A_1269], %min3A_1258 {strides = array<i32>} : memref<2704xf32, #tpu.memory_space<vmem>>, vector<16xf32>,
        %select_n3A_1271 = arith.select %eq3A_1229, %broadcast_in_dim3A_1095, %while3A_1070 : vector<16xi1>, vector<16xi32>
        %select_n3A_1272 = arith.select %eq3A_1230, %broadcast_in_dim3A_1095, %while3A_1081 : vector<16xi1>, vector<16xi32>
        %select_n3A_1273 = arith.select %eq3A_1229, %add3A_19, %select_n3A_1213 : vector<16xi1>, vector<16xi32>
        %select_n3A_1274 = arith.select %eq3A_1230, %add3A_19, %select_n3A_1214 : vector<16xi1>, vector<16xi32>
        %broadcast_in_dim3A_1275 = arith.constant 3 : i32
        %broadcast_in_dim3A_1276 = vector.broadcast %broadcast_in_dim3A_1275 : i32 to vector<16xi32>
        %add3A_1277 = arith.addi %mul3A_601, %broadcast_in_dim3A_1276 : vector<16xi32>
        %gather3A_1278 = tpu.vector_load_idx %arg7[%add3A_1277] : memref<352xi32, #tpu.memory_space<vmem>>[vector<16xi32>], vector<16xi32>,
        %add3A_1279 = arith.addi %mul3A_800, %broadcast_in_dim3A_1276 : vector<16xi32>
        %gather3A_1280 = tpu.vector_load_idx %arg7[%add3A_1279] : memref<352xi32, #tpu.memory_space<vmem>>[vector<16xi32>], vector<16xi32>,
        %add3A_1281 = arith.constant 80 : i32
        %add3A_1282 = arith.addi %mul3A_1094, %add3A_1281 : i32
        %get3A_1283 = arith.index_cast %add3A_1282 : i32 to index
        %get3A_1284 = tpu.vector_load %arg10[%get3A_1283] {strides = array<i32>} : memref<2704xf32, #tpu.memory_space<vmem>>, vector<16xf32>,
        %add3A_1285 = arith.constant 80 : i32
        %add3A_1286 = arith.addi %mul3A_1094, %add3A_1285 : i32
        %get3A_1287 = arith.index_cast %add3A_1286 : i32 to index
        %get3A_1288 = tpu.vector_load %arg11[%get3A_1287] {strides = array<i32>} : memref<2704xf32, #tpu.memory_space<vmem>>, vector<16xf32>,
        %eq3A_1289 = arith.cmpi eq, %gather3A_1278, %gather3A_1092 : vector<16xi32>
        %eq3A_1290 = arith.cmpi eq, %gather3A_1280, %gather3A_1092 : vector<16xi32>
        %add3A_1291 = arith.addi %while3A_1071, %select_n3A_1273 : vector<16xi32>
        %gather3A_1292 = tpu.vector_load_idx %arg10[%add3A_1291] : memref<2704xf32, #tpu.memory_space<vmem>>[vector<16xi32>], vector<16xf32>,
        %add3A_1293 = arith.addi %while3A_1082, %select_n3A_1274 : vector<16xi32>
        %gather3A_1294 = tpu.vector_load_idx %arg11[%add3A_1293] : memref<2704xf32, #tpu.memory_space<vmem>>[vector<16xi32>], vector<16xf32>,
        %jit3A_1295 = arith.constant -2.000000e+00 : f32
        %jit3A_1296 = arith.constant -1.000000e+00 : f32
        %broadcast_in_dim3A_1297 = vector.broadcast %jit3A_1295 : f32 to vector<16xf32>
        %broadcast_in_dim3A_1298 = vector.broadcast %jit3A_1296 : f32 to vector<16xf32>
        %select_n3A_1299 = arith.select %eq3A_1289, %broadcast_in_dim3A_1297, %broadcast_in_dim3A_1298 : vector<16xi1>, vector<16xf32>
        %add3A_1300 = arith.addf %get3A_1224, %select_n3A_1299 : vector<16xf32>
        %jit3A_1301 = arith.constant -2.000000e+00 : f32
        %jit3A_1302 = arith.constant -1.000000e+00 : f32
        %broadcast_in_dim3A_1303 = vector.broadcast %jit3A_1301 : f32 to vector<16xf32>
        %broadcast_in_dim3A_1304 = vector.broadcast %jit3A_1302 : f32 to vector<16xf32>
        %select_n3A_1305 = arith.select %eq3A_1290, %broadcast_in_dim3A_1303, %broadcast_in_dim3A_1304 : vector<16xi1>, vector<16xf32>
        %add3A_1306 = arith.addf %get3A_1228, %select_n3A_1305 : vector<16xf32>
        %min3A_1307 = arith.minimumf %get3A_1284, %add3A_1300 : vector<16xf32>
        %sub3A_1308 = arith.constant 3.000000e+00 : f32
        %sub3A_1309 = vector.broadcast %sub3A_1308 : f32 to vector<16xf32>
        %sub3A_1310 = arith.subf %gather3A_1292, %sub3A_1309 : vector<16xf32>
        %min3A_1311 = arith.minimumf %min3A_1307, %sub3A_1310 : vector<16xf32>
        %min3A_1312 = arith.minimumf %min3A_1311, %min3A_1252 : vector<16xf32>
        %min3A_1313 = arith.minimumf %get3A_1288, %add3A_1306 : vector<16xf32>
        %sub3A_1314 = arith.constant 3.000000e+00 : f32
        %sub3A_1315 = vector.broadcast %sub3A_1314 : f32 to vector<16xf32>
        %sub3A_1316 = arith.subf %gather3A_1294, %sub3A_1315 : vector<16xf32>
        %min3A_1317 = arith.minimumf %min3A_1313, %sub3A_1316 : vector<16xf32>
        %min3A_1318 = arith.minimumf %min3A_1317, %min3A_1258 : vector<16xf32>
        %add3A_1319 = arith.constant 208 : i32
        %add3A_1320 = arith.addi %mul3A_1094, %add3A_1319 : i32
        %add3A_1321 = arith.constant 80 : i32
        %add3A_1322 = arith.addi %add3A_1320, %add3A_1321 : i32
        %swap3A_1323 = arith.index_cast %add3A_1322 : i32 to index
        %swap3A_1324 = tpu.vector_load %arg10[%swap3A_1323] {strides = array<i32>} : memref<2704xf32, #tpu.memory_space<vmem>>, vector<16xf32>,
        tpu.vector_store %arg10[%swap3A_1323], %min3A_1312 {strides = array<i32>} : memref<2704xf32, #tpu.memory_space<vmem>>, vector<16xf32>,
        %add3A_1325 = arith.constant 208 : i32
        %add3A_1326 = arith.addi %mul3A_1094, %add3A_1325 : i32
        %add3A_1327 = arith.constant 80 : i32
        %add3A_1328 = arith.addi %add3A_1326, %add3A_1327 : i32
        %swap3A_1329 = arith.index_cast %add3A_1328 : i32 to index
        %swap3A_1330 = tpu.vector_load %arg11[%swap3A_1329] {strides = array<i32>} : memref<2704xf32, #tpu.memory_space<vmem>>, vector<16xf32>,
        tpu.vector_store %arg11[%swap3A_1329], %min3A_1318 {strides = array<i32>} : memref<2704xf32, #tpu.memory_space<vmem>>, vector<16xf32>,
        %select_n3A_1331 = arith.select %eq3A_1289, %broadcast_in_dim3A_1095, %while3A_1071 : vector<16xi1>, vector<16xi32>
        %select_n3A_1332 = arith.select %eq3A_1290, %broadcast_in_dim3A_1095, %while3A_1082 : vector<16xi1>, vector<16xi32>
        %select_n3A_1333 = arith.select %eq3A_1289, %add3A_22, %select_n3A_1273 : vector<16xi1>, vector<16xi32>
        %select_n3A_1334 = arith.select %eq3A_1290, %add3A_22, %select_n3A_1274 : vector<16xi1>, vector<16xi32>
        %broadcast_in_dim3A_1335 = arith.constant 4 : i32
        %broadcast_in_dim3A_1336 = vector.broadcast %broadcast_in_dim3A_1335 : i32 to vector<16xi32>
        %add3A_1337 = arith.addi %mul3A_601, %broadcast_in_dim3A_1336 : vector<16xi32>
        %gather3A_1338 = tpu.vector_load_idx %arg7[%add3A_1337] : memref<352xi32, #tpu.memory_space<vmem>>[vector<16xi32>], vector<16xi32>,
        %add3A_1339 = arith.addi %mul3A_800, %broadcast_in_dim3A_1336 : vector<16xi32>
        %gather3A_1340 = tpu.vector_load_idx %arg7[%add3A_1339] : memref<352xi32, #tpu.memory_space<vmem>>[vector<16xi32>], vector<16xi32>,
        %add3A_1341 = arith.constant 96 : i32
        %add3A_1342 = arith.addi %mul3A_1094, %add3A_1341 : i32
        %get3A_1343 = arith.index_cast %add3A_1342 : i32 to index
        %get3A_1344 = tpu.vector_load %arg10[%get3A_1343] {strides = array<i32>} : memref<2704xf32, #tpu.memory_space<vmem>>, vector<16xf32>,
        %add3A_1345 = arith.constant 96 : i32
        %add3A_1346 = arith.addi %mul3A_1094, %add3A_1345 : i32
        %get3A_1347 = arith.index_cast %add3A_1346 : i32 to index
        %get3A_1348 = tpu.vector_load %arg11[%get3A_1347] {strides = array<i32>} : memref<2704xf32, #tpu.memory_space<vmem>>, vector<16xf32>,
        %eq3A_1349 = arith.cmpi eq, %gather3A_1338, %gather3A_1092 : vector<16xi32>
        %eq3A_1350 = arith.cmpi eq, %gather3A_1340, %gather3A_1092 : vector<16xi32>
        %add3A_1351 = arith.addi %while3A_1072, %select_n3A_1333 : vector<16xi32>
        %gather3A_1352 = tpu.vector_load_idx %arg10[%add3A_1351] : memref<2704xf32, #tpu.memory_space<vmem>>[vector<16xi32>], vector<16xf32>,
        %add3A_1353 = arith.addi %while3A_1083, %select_n3A_1334 : vector<16xi32>
        %gather3A_1354 = tpu.vector_load_idx %arg11[%add3A_1353] : memref<2704xf32, #tpu.memory_space<vmem>>[vector<16xi32>], vector<16xf32>,
        %jit3A_1355 = arith.constant -2.000000e+00 : f32
        %jit3A_1356 = arith.constant -1.000000e+00 : f32
        %broadcast_in_dim3A_1357 = vector.broadcast %jit3A_1355 : f32 to vector<16xf32>
        %broadcast_in_dim3A_1358 = vector.broadcast %jit3A_1356 : f32 to vector<16xf32>
        %select_n3A_1359 = arith.select %eq3A_1349, %broadcast_in_dim3A_1357, %broadcast_in_dim3A_1358 : vector<16xi1>, vector<16xf32>
        %add3A_1360 = arith.addf %get3A_1284, %select_n3A_1359 : vector<16xf32>
        %jit3A_1361 = arith.constant -2.000000e+00 : f32
        %jit3A_1362 = arith.constant -1.000000e+00 : f32
        %broadcast_in_dim3A_1363 = vector.broadcast %jit3A_1361 : f32 to vector<16xf32>
        %broadcast_in_dim3A_1364 = vector.broadcast %jit3A_1362 : f32 to vector<16xf32>
        %select_n3A_1365 = arith.select %eq3A_1350, %broadcast_in_dim3A_1363, %broadcast_in_dim3A_1364 : vector<16xi1>, vector<16xf32>
        %add3A_1366 = arith.addf %get3A_1288, %select_n3A_1365 : vector<16xf32>
        %min3A_1367 = arith.minimumf %get3A_1344, %add3A_1360 : vector<16xf32>
        %sub3A_1368 = arith.constant 3.000000e+00 : f32
        %sub3A_1369 = vector.broadcast %sub3A_1368 : f32 to vector<16xf32>
        %sub3A_1370 = arith.subf %gather3A_1352, %sub3A_1369 : vector<16xf32>
        %min3A_1371 = arith.minimumf %min3A_1367, %sub3A_1370 : vector<16xf32>
        %min3A_1372 = arith.minimumf %min3A_1371, %min3A_1312 : vector<16xf32>
        %min3A_1373 = arith.minimumf %get3A_1348, %add3A_1366 : vector<16xf32>
        %sub3A_1374 = arith.constant 3.000000e+00 : f32
        %sub3A_1375 = vector.broadcast %sub3A_1374 : f32 to vector<16xf32>
        %sub3A_1376 = arith.subf %gather3A_1354, %sub3A_1375 : vector<16xf32>
        %min3A_1377 = arith.minimumf %min3A_1373, %sub3A_1376 : vector<16xf32>
        %min3A_1378 = arith.minimumf %min3A_1377, %min3A_1318 : vector<16xf32>
        %add3A_1379 = arith.constant 208 : i32
        %add3A_1380 = arith.addi %mul3A_1094, %add3A_1379 : i32
        %add3A_1381 = arith.constant 96 : i32
        %add3A_1382 = arith.addi %add3A_1380, %add3A_1381 : i32
        %swap3A_1383 = arith.index_cast %add3A_1382 : i32 to index
        %swap3A_1384 = tpu.vector_load %arg10[%swap3A_1383] {strides = array<i32>} : memref<2704xf32, #tpu.memory_space<vmem>>, vector<16xf32>,
        tpu.vector_store %arg10[%swap3A_1383], %min3A_1372 {strides = array<i32>} : memref<2704xf32, #tpu.memory_space<vmem>>, vector<16xf32>,
        %add3A_1385 = arith.constant 208 : i32
        %add3A_1386 = arith.addi %mul3A_1094, %add3A_1385 : i32
        %add3A_1387 = arith.constant 96 : i32
        %add3A_1388 = arith.addi %add3A_1386, %add3A_1387 : i32
        %swap3A_1389 = arith.index_cast %add3A_1388 : i32 to index
        %swap3A_1390 = tpu.vector_load %arg11[%swap3A_1389] {strides = array<i32>} : memref<2704xf32, #tpu.memory_space<vmem>>, vector<16xf32>,
        tpu.vector_store %arg11[%swap3A_1389], %min3A_1378 {strides = array<i32>} : memref<2704xf32, #tpu.memory_space<vmem>>, vector<16xf32>,
        %select_n3A_1391 = arith.select %eq3A_1349, %broadcast_in_dim3A_1095, %while3A_1072 : vector<16xi1>, vector<16xi32>
        %select_n3A_1392 = arith.select %eq3A_1350, %broadcast_in_dim3A_1095, %while3A_1083 : vector<16xi1>, vector<16xi32>
        %select_n3A_1393 = arith.select %eq3A_1349, %add3A_25, %select_n3A_1333 : vector<16xi1>, vector<16xi32>
        %select_n3A_1394 = arith.select %eq3A_1350, %add3A_25, %select_n3A_1334 : vector<16xi1>, vector<16xi32>
        %broadcast_in_dim3A_1395 = arith.constant 5 : i32
        %broadcast_in_dim3A_1396 = vector.broadcast %broadcast_in_dim3A_1395 : i32 to vector<16xi32>
        %add3A_1397 = arith.addi %mul3A_601, %broadcast_in_dim3A_1396 : vector<16xi32>
        %gather3A_1398 = tpu.vector_load_idx %arg7[%add3A_1397] : memref<352xi32, #tpu.memory_space<vmem>>[vector<16xi32>], vector<16xi32>,
        %add3A_1399 = arith.addi %mul3A_800, %broadcast_in_dim3A_1396 : vector<16xi32>
        %gather3A_1400 = tpu.vector_load_idx %arg7[%add3A_1399] : memref<352xi32, #tpu.memory_space<vmem>>[vector<16xi32>], vector<16xi32>,
        %add3A_1401 = arith.constant 112 : i32
        %add3A_1402 = arith.addi %mul3A_1094, %add3A_1401 : i32
        %get3A_1403 = arith.index_cast %add3A_1402 : i32 to index
        %get3A_1404 = tpu.vector_load %arg10[%get3A_1403] {strides = array<i32>} : memref<2704xf32, #tpu.memory_space<vmem>>, vector<16xf32>,
        %add3A_1405 = arith.constant 112 : i32
        %add3A_1406 = arith.addi %mul3A_1094, %add3A_1405 : i32
        %get3A_1407 = arith.index_cast %add3A_1406 : i32 to index
        %get3A_1408 = tpu.vector_load %arg11[%get3A_1407] {strides = array<i32>} : memref<2704xf32, #tpu.memory_space<vmem>>, vector<16xf32>,
        %eq3A_1409 = arith.cmpi eq, %gather3A_1398, %gather3A_1092 : vector<16xi32>
        %eq3A_1410 = arith.cmpi eq, %gather3A_1400, %gather3A_1092 : vector<16xi32>
        %add3A_1411 = arith.addi %while3A_1073, %select_n3A_1393 : vector<16xi32>
        %gather3A_1412 = tpu.vector_load_idx %arg10[%add3A_1411] : memref<2704xf32, #tpu.memory_space<vmem>>[vector<16xi32>], vector<16xf32>,
        %add3A_1413 = arith.addi %while3A_1084, %select_n3A_1394 : vector<16xi32>
        %gather3A_1414 = tpu.vector_load_idx %arg11[%add3A_1413] : memref<2704xf32, #tpu.memory_space<vmem>>[vector<16xi32>], vector<16xf32>,
        %jit3A_1415 = arith.constant -2.000000e+00 : f32
        %jit3A_1416 = arith.constant -1.000000e+00 : f32
        %broadcast_in_dim3A_1417 = vector.broadcast %jit3A_1415 : f32 to vector<16xf32>
        %broadcast_in_dim3A_1418 = vector.broadcast %jit3A_1416 : f32 to vector<16xf32>
        %select_n3A_1419 = arith.select %eq3A_1409, %broadcast_in_dim3A_1417, %broadcast_in_dim3A_1418 : vector<16xi1>, vector<16xf32>
        %add3A_1420 = arith.addf %get3A_1344, %select_n3A_1419 : vector<16xf32>
        %jit3A_1421 = arith.constant -2.000000e+00 : f32
        %jit3A_1422 = arith.constant -1.000000e+00 : f32
        %broadcast_in_dim3A_1423 = vector.broadcast %jit3A_1421 : f32 to vector<16xf32>
        %broadcast_in_dim3A_1424 = vector.broadcast %jit3A_1422 : f32 to vector<16xf32>
        %select_n3A_1425 = arith.select %eq3A_1410, %broadcast_in_dim3A_1423, %broadcast_in_dim3A_1424 : vector<16xi1>, vector<16xf32>
        %add3A_1426 = arith.addf %get3A_1348, %select_n3A_1425 : vector<16xf32>
        %min3A_1427 = arith.minimumf %get3A_1404, %add3A_1420 : vector<16xf32>
        %sub3A_1428 = arith.constant 3.000000e+00 : f32
        %sub3A_1429 = vector.broadcast %sub3A_1428 : f32 to vector<16xf32>
        %sub3A_1430 = arith.subf %gather3A_1412, %sub3A_1429 : vector<16xf32>
        %min3A_1431 = arith.minimumf %min3A_1427, %sub3A_1430 : vector<16xf32>
        %min3A_1432 = arith.minimumf %min3A_1431, %min3A_1372 : vector<16xf32>
        %min3A_1433 = arith.minimumf %get3A_1408, %add3A_1426 : vector<16xf32>
        %sub3A_1434 = arith.constant 3.000000e+00 : f32
        %sub3A_1435 = vector.broadcast %sub3A_1434 : f32 to vector<16xf32>
        %sub3A_1436 = arith.subf %gather3A_1414, %sub3A_1435 : vector<16xf32>
        %min3A_1437 = arith.minimumf %min3A_1433, %sub3A_1436 : vector<16xf32>
        %min3A_1438 = arith.minimumf %min3A_1437, %min3A_1378 : vector<16xf32>
        %add3A_1439 = arith.constant 208 : i32
        %add3A_1440 = arith.addi %mul3A_1094, %add3A_1439 : i32
        %add3A_1441 = arith.constant 112 : i32
        %add3A_1442 = arith.addi %add3A_1440, %add3A_1441 : i32
        %swap3A_1443 = arith.index_cast %add3A_1442 : i32 to index
        %swap3A_1444 = tpu.vector_load %arg10[%swap3A_1443] {strides = array<i32>} : memref<2704xf32, #tpu.memory_space<vmem>>, vector<16xf32>,
        tpu.vector_store %arg10[%swap3A_1443], %min3A_1432 {strides = array<i32>} : memref<2704xf32, #tpu.memory_space<vmem>>, vector<16xf32>,
        %add3A_1445 = arith.constant 208 : i32
        %add3A_1446 = arith.addi %mul3A_1094, %add3A_1445 : i32
        %add3A_1447 = arith.constant 112 : i32
        %add3A_1448 = arith.addi %add3A_1446, %add3A_1447 : i32
        %swap3A_1449 = arith.index_cast %add3A_1448 : i32 to index
        %swap3A_1450 = tpu.vector_load %arg11[%swap3A_1449] {strides = array<i32>} : memref<2704xf32, #tpu.memory_space<vmem>>, vector<16xf32>,
        tpu.vector_store %arg11[%swap3A_1449], %min3A_1438 {strides = array<i32>} : memref<2704xf32, #tpu.memory_space<vmem>>, vector<16xf32>,
        %select_n3A_1451 = arith.select %eq3A_1409, %broadcast_in_dim3A_1095, %while3A_1073 : vector<16xi1>, vector<16xi32>
        %select_n3A_1452 = arith.select %eq3A_1410, %broadcast_in_dim3A_1095, %while3A_1084 : vector<16xi1>, vector<16xi32>
        %select_n3A_1453 = arith.select %eq3A_1409, %add3A_28, %select_n3A_1393 : vector<16xi1>, vector<16xi32>
        %select_n3A_1454 = arith.select %eq3A_1410, %add3A_28, %select_n3A_1394 : vector<16xi1>, vector<16xi32>
        %broadcast_in_dim3A_1455 = arith.constant 6 : i32
        %broadcast_in_dim3A_1456 = vector.broadcast %broadcast_in_dim3A_1455 : i32 to vector<16xi32>
        %add3A_1457 = arith.addi %mul3A_601, %broadcast_in_dim3A_1456 : vector<16xi32>
        %gather3A_1458 = tpu.vector_load_idx %arg7[%add3A_1457] : memref<352xi32, #tpu.memory_space<vmem>>[vector<16xi32>], vector<16xi32>,
        %add3A_1459 = arith.addi %mul3A_800, %broadcast_in_dim3A_1456 : vector<16xi32>
        %gather3A_1460 = tpu.vector_load_idx %arg7[%add3A_1459] : memref<352xi32, #tpu.memory_space<vmem>>[vector<16xi32>], vector<16xi32>,
        %add3A_1461 = arith.constant 128 : i32
        %add3A_1462 = arith.addi %mul3A_1094, %add3A_1461 : i32
        %get3A_1463 = arith.index_cast %add3A_1462 : i32 to index
        %get3A_1464 = tpu.vector_load %arg10[%get3A_1463] {strides = array<i32>} : memref<2704xf32, #tpu.memory_space<vmem>>, vector<16xf32>,
        %add3A_1465 = arith.constant 128 : i32
        %add3A_1466 = arith.addi %mul3A_1094, %add3A_1465 : i32
        %get3A_1467 = arith.index_cast %add3A_1466 : i32 to index
        %get3A_1468 = tpu.vector_load %arg11[%get3A_1467] {strides = array<i32>} : memref<2704xf32, #tpu.memory_space<vmem>>, vector<16xf32>,
        %eq3A_1469 = arith.cmpi eq, %gather3A_1458, %gather3A_1092 : vector<16xi32>
        %eq3A_1470 = arith.cmpi eq, %gather3A_1460, %gather3A_1092 : vector<16xi32>
        %add3A_1471 = arith.addi %while3A_1074, %select_n3A_1453 : vector<16xi32>
        %gather3A_1472 = tpu.vector_load_idx %arg10[%add3A_1471] : memref<2704xf32, #tpu.memory_space<vmem>>[vector<16xi32>], vector<16xf32>,
        %add3A_1473 = arith.addi %while3A_1085, %select_n3A_1454 : vector<16xi32>
        %gather3A_1474 = tpu.vector_load_idx %arg11[%add3A_1473] : memref<2704xf32, #tpu.memory_space<vmem>>[vector<16xi32>], vector<16xf32>,
        %jit3A_1475 = arith.constant -2.000000e+00 : f32
        %jit3A_1476 = arith.constant -1.000000e+00 : f32
        %broadcast_in_dim3A_1477 = vector.broadcast %jit3A_1475 : f32 to vector<16xf32>
        %broadcast_in_dim3A_1478 = vector.broadcast %jit3A_1476 : f32 to vector<16xf32>
        %select_n3A_1479 = arith.select %eq3A_1469, %broadcast_in_dim3A_1477, %broadcast_in_dim3A_1478 : vector<16xi1>, vector<16xf32>
        %add3A_1480 = arith.addf %get3A_1404, %select_n3A_1479 : vector<16xf32>
        %jit3A_1481 = arith.constant -2.000000e+00 : f32
        %jit3A_1482 = arith.constant -1.000000e+00 : f32
        %broadcast_in_dim3A_1483 = vector.broadcast %jit3A_1481 : f32 to vector<16xf32>
        %broadcast_in_dim3A_1484 = vector.broadcast %jit3A_1482 : f32 to vector<16xf32>
        %select_n3A_1485 = arith.select %eq3A_1470, %broadcast_in_dim3A_1483, %broadcast_in_dim3A_1484 : vector<16xi1>, vector<16xf32>
        %add3A_1486 = arith.addf %get3A_1408, %select_n3A_1485 : vector<16xf32>
        %min3A_1487 = arith.minimumf %get3A_1464, %add3A_1480 : vector<16xf32>
        %sub3A_1488 = arith.constant 3.000000e+00 : f32
        %sub3A_1489 = vector.broadcast %sub3A_1488 : f32 to vector<16xf32>
        %sub3A_1490 = arith.subf %gather3A_1472, %sub3A_1489 : vector<16xf32>
        %min3A_1491 = arith.minimumf %min3A_1487, %sub3A_1490 : vector<16xf32>
        %min3A_1492 = arith.minimumf %min3A_1491, %min3A_1432 : vector<16xf32>
        %min3A_1493 = arith.minimumf %get3A_1468, %add3A_1486 : vector<16xf32>
        %sub3A_1494 = arith.constant 3.000000e+00 : f32
        %sub3A_1495 = vector.broadcast %sub3A_1494 : f32 to vector<16xf32>
        %sub3A_1496 = arith.subf %gather3A_1474, %sub3A_1495 : vector<16xf32>
        %min3A_1497 = arith.minimumf %min3A_1493, %sub3A_1496 : vector<16xf32>
        %min3A_1498 = arith.minimumf %min3A_1497, %min3A_1438 : vector<16xf32>
        %add3A_1499 = arith.constant 208 : i32
        %add3A_1500 = arith.addi %mul3A_1094, %add3A_1499 : i32
        %add3A_1501 = arith.constant 128 : i32
        %add3A_1502 = arith.addi %add3A_1500, %add3A_1501 : i32
        %swap3A_1503 = arith.index_cast %add3A_1502 : i32 to index
        %swap3A_1504 = tpu.vector_load %arg10[%swap3A_1503] {strides = array<i32>} : memref<2704xf32, #tpu.memory_space<vmem>>, vector<16xf32>,
        tpu.vector_store %arg10[%swap3A_1503], %min3A_1492 {strides = array<i32>} : memref<2704xf32, #tpu.memory_space<vmem>>, vector<16xf32>,
        %add3A_1505 = arith.constant 208 : i32
        %add3A_1506 = arith.addi %mul3A_1094, %add3A_1505 : i32
        %add3A_1507 = arith.constant 128 : i32
        %add3A_1508 = arith.addi %add3A_1506, %add3A_1507 : i32
        %swap3A_1509 = arith.index_cast %add3A_1508 : i32 to index
        %swap3A_1510 = tpu.vector_load %arg11[%swap3A_1509] {strides = array<i32>} : memref<2704xf32, #tpu.memory_space<vmem>>, vector<16xf32>,
        tpu.vector_store %arg11[%swap3A_1509], %min3A_1498 {strides = array<i32>} : memref<2704xf32, #tpu.memory_space<vmem>>, vector<16xf32>,
        %select_n3A_1511 = arith.select %eq3A_1469, %broadcast_in_dim3A_1095, %while3A_1074 : vector<16xi1>, vector<16xi32>
        %select_n3A_1512 = arith.select %eq3A_1470, %broadcast_in_dim3A_1095, %while3A_1085 : vector<16xi1>, vector<16xi32>
        %select_n3A_1513 = arith.select %eq3A_1469, %add3A_31, %select_n3A_1453 : vector<16xi1>, vector<16xi32>
        %select_n3A_1514 = arith.select %eq3A_1470, %add3A_31, %select_n3A_1454 : vector<16xi1>, vector<16xi32>
        %broadcast_in_dim3A_1515 = arith.constant 7 : i32
        %broadcast_in_dim3A_1516 = vector.broadcast %broadcast_in_dim3A_1515 : i32 to vector<16xi32>
        %add3A_1517 = arith.addi %mul3A_601, %broadcast_in_dim3A_1516 : vector<16xi32>
        %gather3A_1518 = tpu.vector_load_idx %arg7[%add3A_1517] : memref<352xi32, #tpu.memory_space<vmem>>[vector<16xi32>], vector<16xi32>,
        %add3A_1519 = arith.addi %mul3A_800, %broadcast_in_dim3A_1516 : vector<16xi32>
        %gather3A_1520 = tpu.vector_load_idx %arg7[%add3A_1519] : memref<352xi32, #tpu.memory_space<vmem>>[vector<16xi32>], vector<16xi32>,
        %add3A_1521 = arith.constant 144 : i32
        %add3A_1522 = arith.addi %mul3A_1094, %add3A_1521 : i32
        %get3A_1523 = arith.index_cast %add3A_1522 : i32 to index
        %get3A_1524 = tpu.vector_load %arg10[%get3A_1523] {strides = array<i32>} : memref<2704xf32, #tpu.memory_space<vmem>>, vector<16xf32>,
        %add3A_1525 = arith.constant 144 : i32
        %add3A_1526 = arith.addi %mul3A_1094, %add3A_1525 : i32
        %get3A_1527 = arith.index_cast %add3A_1526 : i32 to index
        %get3A_1528 = tpu.vector_load %arg11[%get3A_1527] {strides = array<i32>} : memref<2704xf32, #tpu.memory_space<vmem>>, vector<16xf32>,
        %eq3A_1529 = arith.cmpi eq, %gather3A_1518, %gather3A_1092 : vector<16xi32>
        %eq3A_1530 = arith.cmpi eq, %gather3A_1520, %gather3A_1092 : vector<16xi32>
        %add3A_1531 = arith.addi %while3A_1075, %select_n3A_1513 : vector<16xi32>
        %gather3A_1532 = tpu.vector_load_idx %arg10[%add3A_1531] : memref<2704xf32, #tpu.memory_space<vmem>>[vector<16xi32>], vector<16xf32>,
        %add3A_1533 = arith.addi %while3A_1086, %select_n3A_1514 : vector<16xi32>
        %gather3A_1534 = tpu.vector_load_idx %arg11[%add3A_1533] : memref<2704xf32, #tpu.memory_space<vmem>>[vector<16xi32>], vector<16xf32>,
        %jit3A_1535 = arith.constant -2.000000e+00 : f32
        %jit3A_1536 = arith.constant -1.000000e+00 : f32
        %broadcast_in_dim3A_1537 = vector.broadcast %jit3A_1535 : f32 to vector<16xf32>
        %broadcast_in_dim3A_1538 = vector.broadcast %jit3A_1536 : f32 to vector<16xf32>
        %select_n3A_1539 = arith.select %eq3A_1529, %broadcast_in_dim3A_1537, %broadcast_in_dim3A_1538 : vector<16xi1>, vector<16xf32>
        %add3A_1540 = arith.addf %get3A_1464, %select_n3A_1539 : vector<16xf32>
        %jit3A_1541 = arith.constant -2.000000e+00 : f32
        %jit3A_1542 = arith.constant -1.000000e+00 : f32
        %broadcast_in_dim3A_1543 = vector.broadcast %jit3A_1541 : f32 to vector<16xf32>
        %broadcast_in_dim3A_1544 = vector.broadcast %jit3A_1542 : f32 to vector<16xf32>
        %select_n3A_1545 = arith.select %eq3A_1530, %broadcast_in_dim3A_1543, %broadcast_in_dim3A_1544 : vector<16xi1>, vector<16xf32>
        %add3A_1546 = arith.addf %get3A_1468, %select_n3A_1545 : vector<16xf32>
        %min3A_1547 = arith.minimumf %get3A_1524, %add3A_1540 : vector<16xf32>
        %sub3A_1548 = arith.constant 3.000000e+00 : f32
        %sub3A_1549 = vector.broadcast %sub3A_1548 : f32 to vector<16xf32>
        %sub3A_1550 = arith.subf %gather3A_1532, %sub3A_1549 : vector<16xf32>
        %min3A_1551 = arith.minimumf %min3A_1547, %sub3A_1550 : vector<16xf32>
        %min3A_1552 = arith.minimumf %min3A_1551, %min3A_1492 : vector<16xf32>
        %min3A_1553 = arith.minimumf %get3A_1528, %add3A_1546 : vector<16xf32>
        %sub3A_1554 = arith.constant 3.000000e+00 : f32
        %sub3A_1555 = vector.broadcast %sub3A_1554 : f32 to vector<16xf32>
        %sub3A_1556 = arith.subf %gather3A_1534, %sub3A_1555 : vector<16xf32>
        %min3A_1557 = arith.minimumf %min3A_1553, %sub3A_1556 : vector<16xf32>
        %min3A_1558 = arith.minimumf %min3A_1557, %min3A_1498 : vector<16xf32>
        %add3A_1559 = arith.constant 208 : i32
        %add3A_1560 = arith.addi %mul3A_1094, %add3A_1559 : i32
        %add3A_1561 = arith.constant 144 : i32
        %add3A_1562 = arith.addi %add3A_1560, %add3A_1561 : i32
        %swap3A_1563 = arith.index_cast %add3A_1562 : i32 to index
        %swap3A_1564 = tpu.vector_load %arg10[%swap3A_1563] {strides = array<i32>} : memref<2704xf32, #tpu.memory_space<vmem>>, vector<16xf32>,
        tpu.vector_store %arg10[%swap3A_1563], %min3A_1552 {strides = array<i32>} : memref<2704xf32, #tpu.memory_space<vmem>>, vector<16xf32>,
        %add3A_1565 = arith.constant 208 : i32
        %add3A_1566 = arith.addi %mul3A_1094, %add3A_1565 : i32
        %add3A_1567 = arith.constant 144 : i32
        %add3A_1568 = arith.addi %add3A_1566, %add3A_1567 : i32
        %swap3A_1569 = arith.index_cast %add3A_1568 : i32 to index
        %swap3A_1570 = tpu.vector_load %arg11[%swap3A_1569] {strides = array<i32>} : memref<2704xf32, #tpu.memory_space<vmem>>, vector<16xf32>,
        tpu.vector_store %arg11[%swap3A_1569], %min3A_1558 {strides = array<i32>} : memref<2704xf32, #tpu.memory_space<vmem>>, vector<16xf32>,
        %select_n3A_1571 = arith.select %eq3A_1529, %broadcast_in_dim3A_1095, %while3A_1075 : vector<16xi1>, vector<16xi32>
        %select_n3A_1572 = arith.select %eq3A_1530, %broadcast_in_dim3A_1095, %while3A_1086 : vector<16xi1>, vector<16xi32>
        %select_n3A_1573 = arith.select %eq3A_1529, %add3A_34, %select_n3A_1513 : vector<16xi1>, vector<16xi32>
        %select_n3A_1574 = arith.select %eq3A_1530, %add3A_34, %select_n3A_1514 : vector<16xi1>, vector<16xi32>
        %broadcast_in_dim3A_1575 = arith.constant 8 : i32
        %broadcast_in_dim3A_1576 = vector.broadcast %broadcast_in_dim3A_1575 : i32 to vector<16xi32>
        %add3A_1577 = arith.addi %mul3A_601, %broadcast_in_dim3A_1576 : vector<16xi32>
        %gather3A_1578 = tpu.vector_load_idx %arg7[%add3A_1577] : memref<352xi32, #tpu.memory_space<vmem>>[vector<16xi32>], vector<16xi32>,
        %add3A_1579 = arith.addi %mul3A_800, %broadcast_in_dim3A_1576 : vector<16xi32>
        %gather3A_1580 = tpu.vector_load_idx %arg7[%add3A_1579] : memref<352xi32, #tpu.memory_space<vmem>>[vector<16xi32>], vector<16xi32>,
        %add3A_1581 = arith.constant 160 : i32
        %add3A_1582 = arith.addi %mul3A_1094, %add3A_1581 : i32
        %get3A_1583 = arith.index_cast %add3A_1582 : i32 to index
        %get3A_1584 = tpu.vector_load %arg10[%get3A_1583] {strides = array<i32>} : memref<2704xf32, #tpu.memory_space<vmem>>, vector<16xf32>,
        %add3A_1585 = arith.constant 160 : i32
        %add3A_1586 = arith.addi %mul3A_1094, %add3A_1585 : i32
        %get3A_1587 = arith.index_cast %add3A_1586 : i32 to index
        %get3A_1588 = tpu.vector_load %arg11[%get3A_1587] {strides = array<i32>} : memref<2704xf32, #tpu.memory_space<vmem>>, vector<16xf32>,
        %eq3A_1589 = arith.cmpi eq, %gather3A_1578, %gather3A_1092 : vector<16xi32>
        %eq3A_1590 = arith.cmpi eq, %gather3A_1580, %gather3A_1092 : vector<16xi32>
        %add3A_1591 = arith.addi %while3A_1076, %select_n3A_1573 : vector<16xi32>
        %gather3A_1592 = tpu.vector_load_idx %arg10[%add3A_1591] : memref<2704xf32, #tpu.memory_space<vmem>>[vector<16xi32>], vector<16xf32>,
        %add3A_1593 = arith.addi %while3A_1087, %select_n3A_1574 : vector<16xi32>
        %gather3A_1594 = tpu.vector_load_idx %arg11[%add3A_1593] : memref<2704xf32, #tpu.memory_space<vmem>>[vector<16xi32>], vector<16xf32>,
        %jit3A_1595 = arith.constant -2.000000e+00 : f32
        %jit3A_1596 = arith.constant -1.000000e+00 : f32
        %broadcast_in_dim3A_1597 = vector.broadcast %jit3A_1595 : f32 to vector<16xf32>
        %broadcast_in_dim3A_1598 = vector.broadcast %jit3A_1596 : f32 to vector<16xf32>
        %select_n3A_1599 = arith.select %eq3A_1589, %broadcast_in_dim3A_1597, %broadcast_in_dim3A_1598 : vector<16xi1>, vector<16xf32>
        %add3A_1600 = arith.addf %get3A_1524, %select_n3A_1599 : vector<16xf32>
        %jit3A_1601 = arith.constant -2.000000e+00 : f32
        %jit3A_1602 = arith.constant -1.000000e+00 : f32
        %broadcast_in_dim3A_1603 = vector.broadcast %jit3A_1601 : f32 to vector<16xf32>
        %broadcast_in_dim3A_1604 = vector.broadcast %jit3A_1602 : f32 to vector<16xf32>
        %select_n3A_1605 = arith.select %eq3A_1590, %broadcast_in_dim3A_1603, %broadcast_in_dim3A_1604 : vector<16xi1>, vector<16xf32>
        %add3A_1606 = arith.addf %get3A_1528, %select_n3A_1605 : vector<16xf32>
        %min3A_1607 = arith.minimumf %get3A_1584, %add3A_1600 : vector<16xf32>
        %sub3A_1608 = arith.constant 3.000000e+00 : f32
        %sub3A_1609 = vector.broadcast %sub3A_1608 : f32 to vector<16xf32>
        %sub3A_1610 = arith.subf %gather3A_1592, %sub3A_1609 : vector<16xf32>
        %min3A_1611 = arith.minimumf %min3A_1607, %sub3A_1610 : vector<16xf32>
        %min3A_1612 = arith.minimumf %min3A_1611, %min3A_1552 : vector<16xf32>
        %min3A_1613 = arith.minimumf %get3A_1588, %add3A_1606 : vector<16xf32>
        %sub3A_1614 = arith.constant 3.000000e+00 : f32
        %sub3A_1615 = vector.broadcast %sub3A_1614 : f32 to vector<16xf32>
        %sub3A_1616 = arith.subf %gather3A_1594, %sub3A_1615 : vector<16xf32>
        %min3A_1617 = arith.minimumf %min3A_1613, %sub3A_1616 : vector<16xf32>
        %min3A_1618 = arith.minimumf %min3A_1617, %min3A_1558 : vector<16xf32>
        %add3A_1619 = arith.constant 208 : i32
        %add3A_1620 = arith.addi %mul3A_1094, %add3A_1619 : i32
        %add3A_1621 = arith.constant 160 : i32
        %add3A_1622 = arith.addi %add3A_1620, %add3A_1621 : i32
        %swap3A_1623 = arith.index_cast %add3A_1622 : i32 to index
        %swap3A_1624 = tpu.vector_load %arg10[%swap3A_1623] {strides = array<i32>} : memref<2704xf32, #tpu.memory_space<vmem>>, vector<16xf32>,
        tpu.vector_store %arg10[%swap3A_1623], %min3A_1612 {strides = array<i32>} : memref<2704xf32, #tpu.memory_space<vmem>>, vector<16xf32>,
        %add3A_1625 = arith.constant 208 : i32
        %add3A_1626 = arith.addi %mul3A_1094, %add3A_1625 : i32
        %add3A_1627 = arith.constant 160 : i32
        %add3A_1628 = arith.addi %add3A_1626, %add3A_1627 : i32
        %swap3A_1629 = arith.index_cast %add3A_1628 : i32 to index
        %swap3A_1630 = tpu.vector_load %arg11[%swap3A_1629] {strides = array<i32>} : memref<2704xf32, #tpu.memory_space<vmem>>, vector<16xf32>,
        tpu.vector_store %arg11[%swap3A_1629], %min3A_1618 {strides = array<i32>} : memref<2704xf32, #tpu.memory_space<vmem>>, vector<16xf32>,
        %select_n3A_1631 = arith.select %eq3A_1589, %broadcast_in_dim3A_1095, %while3A_1076 : vector<16xi1>, vector<16xi32>
        %select_n3A_1632 = arith.select %eq3A_1590, %broadcast_in_dim3A_1095, %while3A_1087 : vector<16xi1>, vector<16xi32>
        %select_n3A_1633 = arith.select %eq3A_1589, %add3A_37, %select_n3A_1573 : vector<16xi1>, vector<16xi32>
        %select_n3A_1634 = arith.select %eq3A_1590, %add3A_37, %select_n3A_1574 : vector<16xi1>, vector<16xi32>
        %broadcast_in_dim3A_1635 = arith.constant 9 : i32
        %broadcast_in_dim3A_1636 = vector.broadcast %broadcast_in_dim3A_1635 : i32 to vector<16xi32>
        %add3A_1637 = arith.addi %mul3A_601, %broadcast_in_dim3A_1636 : vector<16xi32>
        %gather3A_1638 = tpu.vector_load_idx %arg7[%add3A_1637] : memref<352xi32, #tpu.memory_space<vmem>>[vector<16xi32>], vector<16xi32>,
        %add3A_1639 = arith.addi %mul3A_800, %broadcast_in_dim3A_1636 : vector<16xi32>
        %gather3A_1640 = tpu.vector_load_idx %arg7[%add3A_1639] : memref<352xi32, #tpu.memory_space<vmem>>[vector<16xi32>], vector<16xi32>,
        %add3A_1641 = arith.constant 176 : i32
        %add3A_1642 = arith.addi %mul3A_1094, %add3A_1641 : i32
        %get3A_1643 = arith.index_cast %add3A_1642 : i32 to index
        %get3A_1644 = tpu.vector_load %arg10[%get3A_1643] {strides = array<i32>} : memref<2704xf32, #tpu.memory_space<vmem>>, vector<16xf32>,
        %add3A_1645 = arith.constant 176 : i32
        %add3A_1646 = arith.addi %mul3A_1094, %add3A_1645 : i32
        %get3A_1647 = arith.index_cast %add3A_1646 : i32 to index
        %get3A_1648 = tpu.vector_load %arg11[%get3A_1647] {strides = array<i32>} : memref<2704xf32, #tpu.memory_space<vmem>>, vector<16xf32>,
        %eq3A_1649 = arith.cmpi eq, %gather3A_1638, %gather3A_1092 : vector<16xi32>
        %eq3A_1650 = arith.cmpi eq, %gather3A_1640, %gather3A_1092 : vector<16xi32>
        %add3A_1651 = arith.addi %while3A_1077, %select_n3A_1633 : vector<16xi32>
        %gather3A_1652 = tpu.vector_load_idx %arg10[%add3A_1651] : memref<2704xf32, #tpu.memory_space<vmem>>[vector<16xi32>], vector<16xf32>,
        %add3A_1653 = arith.addi %while3A_1088, %select_n3A_1634 : vector<16xi32>
        %gather3A_1654 = tpu.vector_load_idx %arg11[%add3A_1653] : memref<2704xf32, #tpu.memory_space<vmem>>[vector<16xi32>], vector<16xf32>,
        %jit3A_1655 = arith.constant -2.000000e+00 : f32
        %jit3A_1656 = arith.constant -1.000000e+00 : f32
        %broadcast_in_dim3A_1657 = vector.broadcast %jit3A_1655 : f32 to vector<16xf32>
        %broadcast_in_dim3A_1658 = vector.broadcast %jit3A_1656 : f32 to vector<16xf32>
        %select_n3A_1659 = arith.select %eq3A_1649, %broadcast_in_dim3A_1657, %broadcast_in_dim3A_1658 : vector<16xi1>, vector<16xf32>
        %add3A_1660 = arith.addf %get3A_1584, %select_n3A_1659 : vector<16xf32>
        %jit3A_1661 = arith.constant -2.000000e+00 : f32
        %jit3A_1662 = arith.constant -1.000000e+00 : f32
        %broadcast_in_dim3A_1663 = vector.broadcast %jit3A_1661 : f32 to vector<16xf32>
        %broadcast_in_dim3A_1664 = vector.broadcast %jit3A_1662 : f32 to vector<16xf32>
        %select_n3A_1665 = arith.select %eq3A_1650, %broadcast_in_dim3A_1663, %broadcast_in_dim3A_1664 : vector<16xi1>, vector<16xf32>
        %add3A_1666 = arith.addf %get3A_1588, %select_n3A_1665 : vector<16xf32>
        %min3A_1667 = arith.minimumf %get3A_1644, %add3A_1660 : vector<16xf32>
        %sub3A_1668 = arith.constant 3.000000e+00 : f32
        %sub3A_1669 = vector.broadcast %sub3A_1668 : f32 to vector<16xf32>
        %sub3A_1670 = arith.subf %gather3A_1652, %sub3A_1669 : vector<16xf32>
        %min3A_1671 = arith.minimumf %min3A_1667, %sub3A_1670 : vector<16xf32>
        %min3A_1672 = arith.minimumf %min3A_1671, %min3A_1612 : vector<16xf32>
        %min3A_1673 = arith.minimumf %get3A_1648, %add3A_1666 : vector<16xf32>
        %sub3A_1674 = arith.constant 3.000000e+00 : f32
        %sub3A_1675 = vector.broadcast %sub3A_1674 : f32 to vector<16xf32>
        %sub3A_1676 = arith.subf %gather3A_1654, %sub3A_1675 : vector<16xf32>
        %min3A_1677 = arith.minimumf %min3A_1673, %sub3A_1676 : vector<16xf32>
        %min3A_1678 = arith.minimumf %min3A_1677, %min3A_1618 : vector<16xf32>
        %add3A_1679 = arith.constant 208 : i32
        %add3A_1680 = arith.addi %mul3A_1094, %add3A_1679 : i32
        %add3A_1681 = arith.constant 176 : i32
        %add3A_1682 = arith.addi %add3A_1680, %add3A_1681 : i32
        %swap3A_1683 = arith.index_cast %add3A_1682 : i32 to index
        %swap3A_1684 = tpu.vector_load %arg10[%swap3A_1683] {strides = array<i32>} : memref<2704xf32, #tpu.memory_space<vmem>>, vector<16xf32>,
        tpu.vector_store %arg10[%swap3A_1683], %min3A_1672 {strides = array<i32>} : memref<2704xf32, #tpu.memory_space<vmem>>, vector<16xf32>,
        %add3A_1685 = arith.constant 208 : i32
        %add3A_1686 = arith.addi %mul3A_1094, %add3A_1685 : i32
        %add3A_1687 = arith.constant 176 : i32
        %add3A_1688 = arith.addi %add3A_1686, %add3A_1687 : i32
        %swap3A_1689 = arith.index_cast %add3A_1688 : i32 to index
        %swap3A_1690 = tpu.vector_load %arg11[%swap3A_1689] {strides = array<i32>} : memref<2704xf32, #tpu.memory_space<vmem>>, vector<16xf32>,
        tpu.vector_store %arg11[%swap3A_1689], %min3A_1678 {strides = array<i32>} : memref<2704xf32, #tpu.memory_space<vmem>>, vector<16xf32>,
        %select_n3A_1691 = arith.select %eq3A_1649, %broadcast_in_dim3A_1095, %while3A_1077 : vector<16xi1>, vector<16xi32>
        %select_n3A_1692 = arith.select %eq3A_1650, %broadcast_in_dim3A_1095, %while3A_1088 : vector<16xi1>, vector<16xi32>
        %select_n3A_1693 = arith.select %eq3A_1649, %add3A_40, %select_n3A_1633 : vector<16xi1>, vector<16xi32>
        %select_n3A_1694 = arith.select %eq3A_1650, %add3A_40, %select_n3A_1634 : vector<16xi1>, vector<16xi32>
        %broadcast_in_dim3A_1695 = arith.constant 10 : i32
        %broadcast_in_dim3A_1696 = vector.broadcast %broadcast_in_dim3A_1695 : i32 to vector<16xi32>
        %add3A_1697 = arith.addi %mul3A_601, %broadcast_in_dim3A_1696 : vector<16xi32>
        %gather3A_1698 = tpu.vector_load_idx %arg7[%add3A_1697] : memref<352xi32, #tpu.memory_space<vmem>>[vector<16xi32>], vector<16xi32>,
        %add3A_1699 = arith.addi %mul3A_800, %broadcast_in_dim3A_1696 : vector<16xi32>
        %gather3A_1700 = tpu.vector_load_idx %arg7[%add3A_1699] : memref<352xi32, #tpu.memory_space<vmem>>[vector<16xi32>], vector<16xi32>,
        %add3A_1701 = arith.constant 192 : i32
        %add3A_1702 = arith.addi %mul3A_1094, %add3A_1701 : i32
        %get3A_1703 = arith.index_cast %add3A_1702 : i32 to index
        %get3A_1704 = tpu.vector_load %arg10[%get3A_1703] {strides = array<i32>} : memref<2704xf32, #tpu.memory_space<vmem>>, vector<16xf32>,
        %add3A_1705 = arith.constant 192 : i32
        %add3A_1706 = arith.addi %mul3A_1094, %add3A_1705 : i32
        %get3A_1707 = arith.index_cast %add3A_1706 : i32 to index
        %get3A_1708 = tpu.vector_load %arg11[%get3A_1707] {strides = array<i32>} : memref<2704xf32, #tpu.memory_space<vmem>>, vector<16xf32>,
        %eq3A_1709 = arith.cmpi eq, %gather3A_1698, %gather3A_1092 : vector<16xi32>
        %eq3A_1710 = arith.cmpi eq, %gather3A_1700, %gather3A_1092 : vector<16xi32>
        %add3A_1711 = arith.addi %while3A_1078, %select_n3A_1693 : vector<16xi32>
        %gather3A_1712 = tpu.vector_load_idx %arg10[%add3A_1711] : memref<2704xf32, #tpu.memory_space<vmem>>[vector<16xi32>], vector<16xf32>,
        %add3A_1713 = arith.addi %while3A_1089, %select_n3A_1694 : vector<16xi32>
        %gather3A_1714 = tpu.vector_load_idx %arg11[%add3A_1713] : memref<2704xf32, #tpu.memory_space<vmem>>[vector<16xi32>], vector<16xf32>,
        %jit3A_1715 = arith.constant -2.000000e+00 : f32
        %jit3A_1716 = arith.constant -1.000000e+00 : f32
        %broadcast_in_dim3A_1717 = vector.broadcast %jit3A_1715 : f32 to vector<16xf32>
        %broadcast_in_dim3A_1718 = vector.broadcast %jit3A_1716 : f32 to vector<16xf32>
        %select_n3A_1719 = arith.select %eq3A_1709, %broadcast_in_dim3A_1717, %broadcast_in_dim3A_1718 : vector<16xi1>, vector<16xf32>
        %add3A_1720 = arith.addf %get3A_1644, %select_n3A_1719 : vector<16xf32>
        %jit3A_1721 = arith.constant -2.000000e+00 : f32
        %jit3A_1722 = arith.constant -1.000000e+00 : f32
        %broadcast_in_dim3A_1723 = vector.broadcast %jit3A_1721 : f32 to vector<16xf32>
        %broadcast_in_dim3A_1724 = vector.broadcast %jit3A_1722 : f32 to vector<16xf32>
        %select_n3A_1725 = arith.select %eq3A_1710, %broadcast_in_dim3A_1723, %broadcast_in_dim3A_1724 : vector<16xi1>, vector<16xf32>
        %add3A_1726 = arith.addf %get3A_1648, %select_n3A_1725 : vector<16xf32>
        %min3A_1727 = arith.minimumf %get3A_1704, %add3A_1720 : vector<16xf32>
        %sub3A_1728 = arith.constant 3.000000e+00 : f32
        %sub3A_1729 = vector.broadcast %sub3A_1728 : f32 to vector<16xf32>
        %sub3A_1730 = arith.subf %gather3A_1712, %sub3A_1729 : vector<16xf32>
        %min3A_1731 = arith.minimumf %min3A_1727, %sub3A_1730 : vector<16xf32>
        %min3A_1732 = arith.minimumf %min3A_1731, %min3A_1672 : vector<16xf32>
        %min3A_1733 = arith.minimumf %get3A_1708, %add3A_1726 : vector<16xf32>
        %sub3A_1734 = arith.constant 3.000000e+00 : f32
        %sub3A_1735 = vector.broadcast %sub3A_1734 : f32 to vector<16xf32>
        %sub3A_1736 = arith.subf %gather3A_1714, %sub3A_1735 : vector<16xf32>
        %min3A_1737 = arith.minimumf %min3A_1733, %sub3A_1736 : vector<16xf32>
        %min3A_1738 = arith.minimumf %min3A_1737, %min3A_1678 : vector<16xf32>
        %add3A_1739 = arith.constant 208 : i32
        %add3A_1740 = arith.addi %mul3A_1094, %add3A_1739 : i32
        %add3A_1741 = arith.constant 192 : i32
        %add3A_1742 = arith.addi %add3A_1740, %add3A_1741 : i32
        %swap3A_1743 = arith.index_cast %add3A_1742 : i32 to index
        %swap3A_1744 = tpu.vector_load %arg10[%swap3A_1743] {strides = array<i32>} : memref<2704xf32, #tpu.memory_space<vmem>>, vector<16xf32>,
        tpu.vector_store %arg10[%swap3A_1743], %min3A_1732 {strides = array<i32>} : memref<2704xf32, #tpu.memory_space<vmem>>, vector<16xf32>,
        %add3A_1745 = arith.constant 208 : i32
        %add3A_1746 = arith.addi %mul3A_1094, %add3A_1745 : i32
        %add3A_1747 = arith.constant 192 : i32
        %add3A_1748 = arith.addi %add3A_1746, %add3A_1747 : i32
        %swap3A_1749 = arith.index_cast %add3A_1748 : i32 to index
        %swap3A_1750 = tpu.vector_load %arg11[%swap3A_1749] {strides = array<i32>} : memref<2704xf32, #tpu.memory_space<vmem>>, vector<16xf32>,
        tpu.vector_store %arg11[%swap3A_1749], %min3A_1738 {strides = array<i32>} : memref<2704xf32, #tpu.memory_space<vmem>>, vector<16xf32>,
        %select_n3A_1751 = arith.select %eq3A_1709, %broadcast_in_dim3A_1095, %while3A_1078 : vector<16xi1>, vector<16xi32>
        %select_n3A_1752 = arith.select %eq3A_1710, %broadcast_in_dim3A_1095, %while3A_1089 : vector<16xi1>, vector<16xi32>
        %select_n3A_1753 = arith.select %eq3A_1709, %add3A_43, %select_n3A_1693 : vector<16xi1>, vector<16xi32>
        %select_n3A_1754 = arith.select %eq3A_1710, %add3A_43, %select_n3A_1694 : vector<16xi1>, vector<16xi32>
        scf.yield %select_n3A_1151, %select_n3A_1211, %select_n3A_1271, %select_n3A_1331, %select_n3A_1391, %select_n3A_1451, %select_n3A_1511, %select_n3A_1571, %select_n3A_1631, %select_n3A_1691, %select_n3A_1751, %select_n3A_1152, %select_n3A_1212, %select_n3A_1272, %select_n3A_1332, %select_n3A_1392, %select_n3A_1452, %select_n3A_1512, %select_n3A_1572, %select_n3A_1632, %select_n3A_1692, %select_n3A_1752 : vector<16xi32>, vector<16xi32>, vector<16xi32>, vector<16xi32>, vector<16xi32>, vector<16xi32>, vector<16xi32>, vector<16xi32>, vector<16xi32>, vector<16xi32>, vector<16xi32>, vector<16xi32>, vector<16xi32>, vector<16xi32>, vector<16xi32>, vector<16xi32>, vector<16xi32>, vector<16xi32>, vector<16xi32>, vector<16xi32>, vector<16xi32>, vector<16xi32>
      }
      %add3A_1012 = arith.constant 1 : i32
      %add3A_1013 = vector.broadcast %add3A_1012 : i32 to vector<16xi32>
      %add3A_1014 = arith.addi %get3A_995, %add3A_1013 : vector<16xi32>
      %mul3A_1015 = arith.constant 208 : i32
      %mul3A_1016 = vector.broadcast %mul3A_1015 : i32 to vector<16xi32>
      %mul3A_1017 = arith.muli %add3A_1014, %mul3A_1016 : vector<16xi32>
      %add3A_1018 = arith.addi %mul3A_1017, %add3A_595 : vector<16xi32>
      %gather3A = tpu.vector_load_idx %arg10[%add3A_1018] : memref<2704xf32, #tpu.memory_space<vmem>>[vector<16xi32>], vector<16xf32>,
      %add3A_1019 = arith.constant 1 : i32
      %add3A_1020 = vector.broadcast %add3A_1019 : i32 to vector<16xi32>
      %add3A_1021 = arith.addi %get3A_995, %add3A_1020 : vector<16xi32>
      %mul3A_1022 = arith.constant 208 : i32
      %mul3A_1023 = vector.broadcast %mul3A_1022 : i32 to vector<16xi32>
      %mul3A_1024 = arith.muli %add3A_1021, %mul3A_1023 : vector<16xi32>
      %add3A_1025 = arith.addi %mul3A_1024, %add3A_794 : vector<16xi32>
      %gather3A_1026 = tpu.vector_load_idx %arg11[%add3A_1025] : memref<2704xf32, #tpu.memory_space<vmem>>[vector<16xi32>], vector<16xf32>,
      %jit3A_1027 = arith.constant 8 : i32
      %div3A = arith.divsi %scan3A_992, %jit3A_1027 : i32
      %sign3A = arith.constant 0 : i32
      %sign3A_1028 = arith.cmpi sgt, %scan3A_992, %sign3A : i32
      %sign3A_1029 = arith.extui %sign3A_1028 : i1 to i32
      %sign3A_1030 = arith.constant 0 : i32
      %sign3A_1031 = arith.cmpi slt, %scan3A_992, %sign3A_1030 : i32
      %sign3A_1032 = arith.extui %sign3A_1031 : i1 to i32
      %sign3A_1033 = arith.subi %sign3A_1029, %sign3A_1032 : i32
      %sign3A_1034 = arith.constant 0 : i32
      %sign3A_1035 = arith.cmpi sgt, %jit3A_1027, %sign3A_1034 : i32
      %sign3A_1036 = arith.extui %sign3A_1035 : i1 to i32
      %sign3A_1037 = arith.constant 0 : i32
      %sign3A_1038 = arith.cmpi slt, %jit3A_1027, %sign3A_1037 : i32
      %sign3A_1039 = arith.extui %sign3A_1038 : i1 to i32
      %sign3A_1040 = arith.subi %sign3A_1036, %sign3A_1039 : i32
      %ne3A = arith.cmpi ne, %sign3A_1033, %sign3A_1040 : i32
      %rem3A = arith.remsi %scan3A_992, %jit3A_1027 : i32
      %ne3A_1041 = arith.constant 0 : i32
      %ne3A_1042 = arith.cmpi ne, %rem3A, %ne3A_1041 : i32
      %and3A = arith.andi %ne3A, %ne3A_1042 : i1
      %sub3A_1043 = arith.constant 1 : i32
      %sub3A_1044 = arith.subi %div3A, %sub3A_1043 : i32
      %select_n3A_1045 = arith.select %and3A, %sub3A_1044, %div3A : i32
      %mul3A_1046 = arith.constant 8 : i32
      %mul3A_1047 = arith.muli %select_n3A_1045, %mul3A_1046 : i32
      %sub3A_1048 = arith.subi %scan3A_992, %mul3A_1047 : i32
      %add3A_1049 = arith.addf %gather3A, %convert_element_type3A_588 : vector<16xf32>
      %add3A_1050 = arith.addf %add3A_1049, %convert_element_type3A_996 : vector<16xf32>
      %add3A_1051 = arith.constant 2.000000e+00 : f32
      %add3A_1052 = vector.broadcast %add3A_1051 : f32 to vector<16xf32>
      %add3A_1053 = arith.addf %add3A_1050, %add3A_1052 : vector<16xf32>
      %swap3A_1054 = arith.index_cast %select_n3A_1045 : i32 to index
      %swap3A_1055 = arith.index_cast %sub3A_1048 : i32 to index
      %swap3A_1056 = arith.constant 0 : index
      %swap3A_1057 = tpu.vector_load %arg12[%swap3A_1054, %swap3A_1055, %swap3A_1056] {strides = array<i32>} : memref<4x8x32xf32, #tpu.memory_space<vmem>>, vector<16xf32>,
      tpu.vector_store %arg12[%swap3A_1054, %swap3A_1055, %swap3A_1056], %add3A_1053 {strides = array<i32>} : memref<4x8x32xf32, #tpu.memory_space<vmem>>, vector<16xf32>,
      %add3A_1058 = arith.addf %gather3A_1026, %convert_element_type3A_787 : vector<16xf32>
      %add3A_1059 = arith.addf %add3A_1058, %convert_element_type3A_996 : vector<16xf32>
      %add3A_1060 = arith.constant 2.000000e+00 : f32
      %add3A_1061 = vector.broadcast %add3A_1060 : f32 to vector<16xf32>
      %add3A_1062 = arith.addf %add3A_1059, %add3A_1061 : vector<16xf32>
      %swap3A_1063 = arith.index_cast %select_n3A_1045 : i32 to index
      %swap3A_1064 = arith.index_cast %sub3A_1048 : i32 to index
      %swap3A_1065 = arith.constant 16 : index
      %swap3A_1066 = tpu.vector_load %arg12[%swap3A_1063, %swap3A_1064, %swap3A_1065] {strides = array<i32>} : memref<4x8x32xf32, #tpu.memory_space<vmem>>, vector<16xf32>,
      tpu.vector_store %arg12[%swap3A_1063, %swap3A_1064, %swap3A_1065], %add3A_1062 {strides = array<i32>} : memref<4x8x32xf32, #tpu.memory_space<vmem>>, vector<16xf32>,
    }
    %scan3A_989 = arith.constant 32 : i32
    %mul3A_990 = arith.constant 32 : i32
    %mul3A_991 = arith.muli %add3A, %mul3A_990 : i32
    "tpu.region"() ({
      %run_scoped3A = tpu.sem_alloc : memref<!tpu.dma_semaphore, #tpu.memory_space<semaphore_mem>>
      %dma_start3A = arith.constant 0 : i32
      %dma_start3A_992 = arith.constant 0 : i32
      %dma_start3A_993 = tpu.memref_slice %arg5[%dma_start3A, %dma_start3A_992, %mul3A_991] : memref<4x8x1024xf32, #tpu.memory_space<hbm>> -> memref<4x8x32xf32, #tpu.memory_space<hbm>>
      %dma_start3A_994 = arith.constant 0 : i32
      %dma_start3A_995 = arith.constant 0 : i32
      %dma_start3A_996 = tpu.memref_slice %arg5[%dma_start3A_994, %dma_start3A_995, %mul3A_991] : memref<4x8x1024xf32, #tpu.memory_space<hbm>> -> memref<4x8x32xf32, #tpu.memory_space<hbm>>
      tpu.enqueue_dma source(%arg12 : memref<4x8x32xf32, #tpu.memory_space<vmem>>) target(%dma_start3A_996 : memref<4x8x32xf32, #tpu.memory_space<hbm>>) target_semaphore(%run_scoped3A : memref<!tpu.dma_semaphore, #tpu.memory_space<semaphore_mem>>)
      %dma_wait3A = arith.constant 0 : i32
      %dma_wait3A_997 = arith.constant 0 : i32
      %dma_wait3A_998 = tpu.memref_slice %arg5[%dma_wait3A, %dma_wait3A_997, %mul3A_991] : memref<4x8x1024xf32, #tpu.memory_space<hbm>> -> memref<4x8x32xf32, #tpu.memory_space<hbm>>
      %dma_wait3A_999 = arith.constant 0 : i32
      %dma_wait3A_1000 = arith.constant 0 : i32
      %dma_wait3A_1001 = tpu.memref_slice %arg5[%dma_wait3A_999, %dma_wait3A_1000, %mul3A_991] : memref<4x8x1024xf32, #tpu.memory_space<hbm>> -> memref<4x8x32xf32, #tpu.memory_space<hbm>>
      tpu.wait_dma2 semaphore(%run_scoped3A : memref<!tpu.dma_semaphore, #tpu.memory_space<semaphore_mem>>) src(%arg12 : memref<4x8x32xf32, #tpu.memory_space<vmem>>) dst(%dma_wait3A_1001 : memref<4x8x32xf32, #tpu.memory_space<hbm>>)
      tpu.yield
    }) : () -> ()
    return
  }
}

</mosaic_0001>

<sc_bundles>
// kernel: kernel.3.cloned.1.call-start
scs
__scs_entry_jumppad:
0x0: {  	(pc) =	sbr.rel $0x88, $3  }
0x1: {  	(tag) =	ssettag $0x0;
	lr =	simm.s32 $0x1  }
0x2: {  	[smem:$0x3F9E] =	sst lr;
	_ =	strace $0xD0000000  }
0x3: {  	_ = 	snop  }
0x4: {  	_ = 	snop  }
0x5: {  	_ = 	snop  }
0x6: {  	_ = 	snop  }
0x7: {  	_ = 	snop  }
__scs_overlays_trampoline_lowered:
0x8: {  	[smem:$0x3FAD] =	sst s0  }
0x9: {  	[smem:$0x3FAE] =	sst s1  }
0xa: {  	[smem:$0x3FAF] =	sst s2  }
0xb: {  	[smem:$0x3FB0] =	sst s3  }
0xc: {  	[smem:$0x3FB1] =	sst s4  }
0xd: {  	[smem:$0x3FB2] =	sst s5  }
0xe: {  	[smem:$0x3FB3] =	sst s6  }
0xf: {  	[smem:$0x3FB4] =	sst s7  }
0x10: {  	[smem:$0x3FB5] =	sst s8  }
0x11: {  	[smem:$0x3FB6] =	sst s9;
	s0 =	simm.s32 @!p0 $0x0  }
0x12: {  	s1 =	sld [smem:$0x3F9C];
	s0 =	simm.s32 @p0 $0x1  }
0x13: {  	[smem:$0x3FB7] =	sst s0;
	s0 =	simm.s32 @!p1 $0x0  }
0x14: {  	s2 =	sld [smem:$0x3F9B];
	s0 =	simm.s32 @p1 $0x1  }
0x15: {  	[smem:$0x3FB8] =	sst s0;
	s0 =	simm.s32 @!p2 $0x0  }
0x16: {  	s3 =	sld [smem:$0x3FDB];
	s0 =	simm.s32 @p2 $0x1  }
0x17: {  	s4 =	simm.s32 $0x1BF5;
	[smem:$0x3FBA] =	sst s0  }
0x18: {  	s0 =	sld [smem:$0x3F9D];
	_ =	swait.ge [sflag:s4], $0x0  }
0x19: {  	s7 =	sld [smem:$0x3F9E]  }
0x1a: {  	s8 =	sadd.s32 $0xFFFFE003, lr  }
0x1b: {  	s9 =	sadd.s32 $0xFFFFFEF7, lr;
	s5 =	simm.s32 $0xFFFFFFFF;
	p2 =	slt.u32 s8, $0xFFFFF086  }
0x1c: {  	p1 =	slt.u32 s9, $0xF7A;
	s5 =	simm.s32 @!p2 $0x0  }
0x1d: {  	s5 =	simm.s32 @p1 $0x1;
	p0 =	seq.s32 s7, s2  }
0x1e: {  	s7 =	smul.u32 @!p0 $0xF7A, s2;
	p2 =	seq.s32 @!p0 s5, $0x0  }
0x1f: {  	s9 =	smul.u32 $0xF7A, s1;
	s8 =	simm.s32 @!p0 $0x1BF5;
	p2 =	por !p2, p0  }
0x20: {  	[sflag:s8] =	ssyncset.s32 @!p0 $0xFFFFF086;
	s6 =	sadd.s32 @!p0 s3, s7;
	s7 =	simm.s32 @!p0 $0x108  }
0x21: {  	s3 =	sadd.s32 s3, s9;
	s6 =	sadd.s32 @!p0 $0x88, s6;
	s7 =	simm.s32 @p2 $0x1082  }
0x22: {  	[simem:s7], [sflag:s8] =	dma.local @!p0 [hbm:s6], $0xF7A  }
0x23: {  	s9 =	sor.u32 $0xD0000000, s2;
	s6 =	simm.s32 $0x108;
	_ =	swait.ge @!p0 [sflag:s8], $0x0  }
0x24: {  	s3 =	sadd.s32 $0x88, s3;
	s6 =	simm.s32 @!p1 $0x1082;
	[sflag:s4] =	ssyncset.s32 $0xFFFFF086  }
0x25: {  	[simem:s6], [sflag:s4] =	dma.local [hbm:s3], $0xF7A  }
0x26: {  	[smem:$0x3F9E] =	sst s1;
	(tag) =	ssettag s2;
	_ =	strace s9  }
0x27: {  	s1 =	sld [smem:$0x3FAE]  }
0x28: {  	s2 =	sld [smem:$0x3FAF]  }
0x29: {  	s4 =	sld [smem:$0x3FB1]  }
0x2a: {  	p0 =	seq.s32 s5, $0x0;
	s5 =	sld [smem:$0x3FB2]  }
0x2b: {  	s6 =	sld [smem:$0x3FB3]  }
0x2c: {  	s7 =	sld [smem:$0x3FB4]  }
0x2d: {  	s3 =	simm.s32 $0x108;
	s8 =	sld [smem:$0x3FB5]  }
0x2e: {  	s3 =	simm.s32 @!p0 $0x1082;
	s9 =	sld [smem:$0x3FB6]  }
0x2f: {  	lr =	sadd.s32 s0, s3;
	s0 =	sld [smem:$0x3FAD]  }
0x30: {  	s3 =	sld [smem:$0x3FB0]  }
0x31: {  	[smem:$0x3FB9] =	sst s10  }
0x32: {  	s10 =	sld [smem:$0x3FB7];
	_ =	sdelay $0x3  }
0x33: {  	p0 =	seq.s32 s10, $0x1;
	s10 =	sld [smem:$0x3FB9];
	_ =	sdelay $0x3  }
0x34: {  	[smem:$0x3FB9] =	sst s10  }
0x35: {  	s10 =	sld [smem:$0x3FB8];
	_ =	sdelay $0x3  }
0x36: {  	p1 =	seq.s32 s10, $0x1;
	s10 =	sld [smem:$0x3FB9];
	_ =	sdelay $0x3  }
0x37: {  	[smem:$0x3FB9] =	sst s10  }
0x38: {  	s10 =	sld [smem:$0x3FBA]  }
0x39: {  	_ = 	snop;
	(pc) =	sbr.ind lr, $3  }
0x3a: {  	_ = 	snop  }
0x3b: {  	_ = 	snop  }
0x3c: {  	p2 =	seq.s32 s10, $0x1;
	s10 =	sld [smem:$0x3FB9]  }
0x3d: {  	_ =	shalt  }
0x3e: {  	_ =	shalt  }
0x3f: {  	_ =	shalt  }
0x40: {  	_ =	shalt  }
0x41: {  	_ =	shalt  }
0x42: {  	_ =	shalt  }
0x43: {  	_ =	shalt  }
0x44: {  	_ =	shalt  }
0x45: {  	_ =	shalt  }
0x46: {  	_ =	shalt  }
0x47: {  	_ =	shalt  }
0x48: {  	_ =	shalt  }
0x49: {  	_ =	shalt  }
0x4a: {  	_ =	shalt  }
0x4b: {  	_ =	shalt  }
0x4c: {  	_ =	shalt  }
0x4d: {  	_ =	shalt  }
0x4e: {  	_ =	shalt  }
0x4f: {  	_ =	shalt  }
0x50: {  	_ =	shalt  }
0x51: {  	_ =	shalt  }
0x52: {  	_ =	shalt  }
0x53: {  	_ =	shalt  }
0x54: {  	_ =	shalt  }
0x55: {  	_ =	shalt  }
0x56: {  	_ =	shalt  }
0x57: {  	_ =	shalt  }
0x58: {  	_ =	shalt  }
0x59: {  	_ =	shalt  }
0x5a: {  	_ =	shalt  }
0x5b: {  	_ =	shalt  }
0x5c: {  	_ =	shalt  }
0x5d: {  	_ =	shalt  }
0x5e: {  	_ =	shalt  }
0x5f: {  	_ =	shalt  }
0x60: {  	_ =	shalt  }
0x61: {  	_ =	shalt  }
0x62: {  	_ =	shalt  }
0x63: {  	_ =	shalt  }
0x64: {  	_ =	shalt  }
0x65: {  	_ =	shalt  }
0x66: {  	_ =	shalt  }
0x67: {  	_ =	shalt  }
0x68: {  	_ =	shalt  }
0x69: {  	_ =	shalt  }
0x6a: {  	_ =	shalt  }
0x6b: {  	_ =	shalt  }
0x6c: {  	_ =	shalt  }
0x6d: {  	_ =	shalt  }
0x6e: {  	_ =	shalt  }
0x6f: {  	_ =	shalt  }
0x70: {  	_ =	shalt  }
0x71: {  	_ =	shalt  }
0x72: {  	_ =	shalt  }
0x73: {  	_ =	shalt  }
0x74: {  	_ =	shalt  }
0x75: {  	_ =	shalt  }
0x76: {  	_ =	shalt  }
0x77: {  	_ =	shalt  }
0x78: {  	_ =	shalt  }
0x79: {  	_ =	shalt  }
0x7a: {  	_ =	shalt  }
0x7b: {  	_ =	shalt  }
0x7c: {  	_ =	shalt  }
0x7d: {  	_ =	shalt  }
0x7e: {  	_ =	shalt  }
0x7f: {  	_ =	shalt  }
0x80: {  	_ =	shalt  }
0x81: {  	_ =	shalt  }
0x82: {  	_ =	shalt  }
0x83: {  	_ =	shalt  }
0x84: {  	_ =	shalt  }
0x85: {  	_ =	shalt  }
0x86: {  	_ =	shalt  }
0x87: {  	_ =	shalt  }
.Lfunc_end0:
.L_simem_size_0:
called_computation_lowered:
.L_overlay_start_0:
0x88: {  	s2 =	sld [smem:$0x3FD9]  }
0x89: {  	s3 =	sld [smem:$0x3FFE];
	_ =	sdelay $0x1  }
0x8a: {  	s1 =	srdreg.scid  }
0x8b: {  	s0 =	sand.u32 $0x1, s1  }
0x8c: {  	s17 =	sshll.u32 s0, $0xA;
	s2 =	sadd.s32 s3, s2  }
0x8d: {  	s2 =	sadd.s32 s2, s17  }
0x8e: {  	[smem:$0x3FC5] =	sst s2  }
0x8f: {  	_ = 	snop  }
0x90: {  	s2 =	sld [smem:$0x3FC7]  }
0x91: {  	s18 =	sld [smem:$0x3FD0];
	(tm) =	ssettm $0x1  }
0x92: {  	s4 =	sld [smem:$0x3FFB];
	_ =	sdelay $0x3  }
0x93: {  	_ =	strace s4  }
0x94: {  	s4 =	sld [smem:$0x3FFC];
	_ =	sdelay $0x3  }
0x95: {  	_ =	strace s4  }
0x96: {  	s4 =	sld [smem:$0x3FFD];
	_ =	sdelay $0x3  }
0x97: {  	_ =	strace s4  }
0x98: {  	_ =	strace $0x8FFFFFFF  }
0x99: {  	s19 =	sld [smem:$0x3FDB];
	_ =	sdelay $0x1  }
0x9a: {  	s5 =	simm.s32 $_scs_section_size  }
0x9b: {  	s6 =	simm.s32 $_size__tile_overlayer_lowered;
	s7 =	simm.s32 $_tile_overlayer_lowered  }
0x9c: {  	s22 =	simm.s32 $0x1BFF;
	s21 =	sshll.u32 s7, $0x1;
	s4 =	sadd.s32 s5, s19  }
0x9d: {  	s8 =	simm.s32 $0x0;
	s20 =	sshll.u32 s6, $0x1;
	s6 =	sadd.s32 s21, s4  }
0x9e: {  	[timem:s8], [sflag:s22] =	dma.local [hbm:s6], s20  }
0x9f: {  	_ =	swait.ge [sflag:s22], s20  }
0xa0: {  	s5 =	ssub.s32 $0x0, s20;
	[sflag:s22] =	ssyncset.done $0x0  }
0xa1: {  	[sflag:s22] =	ssyncadd.s32 s5;
	_ =	sdelay $0x1  }
0xa2: {  	s23 =	simm.s32 $0x1B8B  }
0xa3: {  	_ =	swait.ge [sflag:s23], $0x1  }
0xa4: {  	[sflag:s23] =	ssyncset.done $0x0  }
0xa5: {  	s25 =	simm.s32 $0x1B8E;
	s24 =	sld [smem:$0x3FFE];
	[sflag:s23] =	ssyncadd.s32 $0xFFFFFFFF  }
0xa6: {  	s26 =	simm.s32 $execute0_lowered;
	[smem:$0x3FD2] =	sst s25  }
0xa7: {  	s6 =	sshll.u32 s26, $0x1;
	_ =	strace $0x80000046;
	[dreg:$0x1] =	wrdreg $0xFFFFFFFF  }
0xa8: {  	s28 =	simm.s32 $_size_execute0_lowered;
	s4 =	sadd.s32 s4, s6;
	[dreg:$0x0] =	wrdreg $0x0  }
0xa9: {  	s6 =	sshll.u32 s28, $0x1;
	[dreg:$0x2] =	wrdreg s4  }
0xaa: {  	[dreg:$0x3] =	wrdreg s6  }
0xab: {  	[dreg:$0x4] =	wrdreg $0xC0  }
0xac: {  	_ =	task [dreg:s8], $0x5FFFF  }
0xad: {  	[dreg:$0x1] =	wrdreg $0xFFFFFFFF  }
0xae: {  	[dreg:$0x0] =	wrdreg $0x60  }
0xaf: {  	[dreg:$0x2] =	wrdreg s24  }
0xb0: {  	[dreg:$0x3] =	wrdreg s18  }
0xb1: {  	[dreg:$0x4] =	wrdreg s2  }
0xb2: {  	[dreg:$0x5] =	wrdreg $0x9  }
0xb3: {  	_ =	task.clear_ibuf [dreg:s8], $0x6FFFF;
	_ =	strace $0x90000046  }
0xb4: {  	s29 =	simm.s32 $0x9;
	_ =	strace $0x80000048  }
0xb5: {  	_ =	swait.ge [sflag:s29], $0x1  }
0xb6: {  	[sflag:s29] =	ssyncadd.s32 $0xFFFFFFFF  }
0xb7: {  	_ =	strace $0x90000048  }
0xb8: {  	_ =	sfence  }
0xb9: {  	s30 =	sld [smem:$0x0];
	_ =	sdelay $0x2  }
0xba: {  	s31 =	sshll.u32 s1, $0xD;
	s1 =	sshrl.u32 s1, $0x2  }
0xbb: {  	s3 =	sand.u32 $0x4000, s31;
	s1 =	sadd.s32 s1, s30  }
0xbc: {  	s0 =	sor.u32 s3, s0;
	s1 =	sshll.u32 s1, $0x11  }
0xbd: {  	s0 =	sor.u32 s1, s0  }
0xbe: {  	s0 =	sadd.s32 $0x8F2B, s0  }
0xbf: {  	[sflag:s0] =	ssyncadd.remote.s32 $0x1  }
0xc0: {  	_ =	sfence.sel $0xFFFF  }
0xc1: {  	[dreg:$0x0] =	wrdreg $0xFFFFFFFF;
	(pc) =	sbr.abs _section_cstart, $3  }
0xc2: {  	[dreg:$0x1] =	wrdreg $0xFFFFFFFF  }
0xc3: {  	_ =	task.clear_ibuf [dreg:s8], $0x2FFFF;
	_ =	strace $0x9FFFFFFF  }
0xc4: {  	(tm) =	ssettm $0x7FFFFFFF  }
0xc5: {  	_ =	shalt  }
tec
execute0_lowered:
.L_overlay_start_1:
0x0: {  	(tag) =	ssettag $0x1  }
0x1: {  	s4 =	rddreg [dreg:$0x0]  }
0x2: {  	s5 =	rddreg [dreg:$0x1]  }
0x3: {  	s6 =	rddreg [dreg:$0x2]  }
0x4: {  	s0 =	rddreg [dreg:$0x3]  }
0x5: {  	s3 =	srdreg.scid;
	s1 =	stileid.u32  }
0x6: {  	s2 =	simm.s32 $0x0;
	s12 =	simm.s32 $0xFA0;
	s13 =	simm.s32 $0x20  }
0x7: {  	s14 =	simm.s32 $0x400;
	s3 =	sand.u32 $0x1, s3;
	s7 =	sshll.u32 s1, $0x1  }
0x8: {  	s15 =	simm.s32 $0x1A30;
	[smem:$0x7FF] =	sst s2;
	s7 =	sor.u32 s3, s7  }
0x9: {  	vm0 =	vmmov $0xfff;
	s16 =	simm.s32 $0x0;
	_ =	strace $0x80000047;
	s9 =	smul.u32 $0x2C, s7  }
.Ltmp0:
0xa: {  	v0 =	vimm.s32 $0x0;
	v1 =	vimm.f32 $-2.000000000e+00;
	v2 =	vimm.f32 $-3.000000000e+00;
	s8 =	ssub.s32 $0x2, s3;
	s7 =	sshll.u32 s7, $0x2;
	(pc) =	sbr.rel .LBB2_1-.Ltmp0, $4  }
0xb: {  	v6 =	vimm.f32 $-7.000000000e+00;
	v7 =	vimm.f32 $-8.000000000e+00;
	v8 =	vimm.f32 $-9.000000000e+00;
	s3 =	sadd.s32 $0x600, s4;
	s10 =	sshrl.u32 s8, $0x1;
	s11 =	sadd.s32 s7, s4  }
0xc: {  	v9 =	vimm.f32 $-1.000000000e+01;
	v10 =	vimm.f32 $-1.100000000e+01;
	v11 =	vimm.f32 $-1.200000000e+01;
	s8 =	ssub.s32 s8, s10;
	s10 =	simm.s32 $0x2F0;
	s4 =	sadd.s32 s5, s9  }
0xd: {  	v12 =	vlaneseq.u32;
	v13 =	vimm.f32 $-1.300000000e+01;
	v0 =	vsel vm0, $0xFFFFFFFF, v0;
	s5 =	sadd.s32 s6, s7;
	s6 =	sadd.s32 $0x800, s11;
	s7 =	smax.u32 s8, $0x1  }
0xe: {  	v15 =	vimm.f32 $-1.000000000e+00;
	v14 =	vor.u32 $0xE0, v12;
	[tilespmem:$0x1FFF0] =	vst v0;
	v0 =	vimm.f32 $1.000000000e+09;
	s8 =	simm.s32 $0x1;
	s9 =	simm.s32 $0x190;
	s11 =	simm.s32 $0x510  }
.LBB2_10:
0xf: {  	s16 =	sadd.s32 $0x1, s16  }
0x10: {  	p0 =	sne.s32 s16, s7  }
.Ltmp1:
0x11: {  	_ = 	snop;
	(pc) =	sbr.rel @!p0 .LBB2_11-.Ltmp1, $4  }
0x12: {  	[hbm4b:s6+s13] =	stream.strided.scatter [tilespmem:s15], [sflag:$0x1], $0x400, s14, s13, $0x38;
	[tilespmem:$0x1E30] =	vst v63  }
0x13: {  	_ =	swait.ge [sflag:s8], $0x400  }
0x14: {  	[sflag:s8] =	ssyncset.done $0x0  }
0x15: {  	[sflag:s8] =	ssyncadd.s32 $0xFFFFFC00  }
.LBB2_1:
0x16: {  	[tilespmem:s2], [sflag:$0x1] =	stream.linear.gather [hbm4b:s3+s2], $0x180, $0x38;
	[tilespmem:$0x1E30] =	vst v63  }
0x17: {  	_ =	swait.ge [sflag:s8], $0x180  }
0x18: {  	[sflag:s8] =	ssyncset.done $0x0  }
0x19: {  	[sflag:s8] =	ssyncadd.s32 $0xFFFFFE80  }
0x1a: {  	[tilespmem:s9], [sflag:$0x1] =	stream.linear.gather [hbm4b:s4+s2], $0x160, $0x38;
	[tilespmem:$0x1E30] =	vst v63  }
0x1b: {  	_ =	swait.ge [sflag:s8], $0x160  }
0x1c: {  	[sflag:s8] =	ssyncset.done $0x0  }
0x1d: {  	[sflag:s8] =	ssyncadd.s32 $0xFFFFFEA0  }
0x1e: {  	[tilespmem:s10], [sflag:$0x1] =	stream.linear.gather [hbm4b:s5+s2], $0x20, $0x38;
	[tilespmem:$0x1E30] =	vst v63  }
0x1f: {  	_ =	swait.ge [sflag:s8], $0x20  }
0x20: {  	[sflag:s8] =	ssyncset.done $0x0  }
0x21: {  	[sflag:s8] =	ssyncadd.s32 $0xFFFFFFE0  }
0x22: {  	[tilespmem:$0x510] =	vst v0  }
0x23: {  	[tilespmem:$0x5E0] =	vst v0  }
0x24: {  	[tilespmem:$0x6B0] =	vst v0  }
0x25: {  	[tilespmem:$0x780] =	vst v0  }
0x26: {  	[tilespmem:$0x850] =	vst v0  }
0x27: {  	[tilespmem:$0x920] =	vst v0  }
0x28: {  	[tilespmem:$0x9F0] =	vst v0  }
0x29: {  	[tilespmem:$0xAC0] =	vst v0  }
0x2a: {  	[tilespmem:$0xB90] =	vst v0  }
0x2b: {  	[tilespmem:$0xC60] =	vst v0  }
0x2c: {  	[tilespmem:$0xD30] =	vst v0  }
0x2d: {  	[tilespmem:$0xE00] =	vst v0  }
0x2e: {  	[tilespmem:$0xED0] =	vst v0  }
0x2f: {  	[tilespmem:$0x520] =	vst v0  }
0x30: {  	[tilespmem:$0x530] =	vst v0  }
0x31: {  	[tilespmem:$0x540] =	vst v0  }
0x32: {  	[tilespmem:$0x550] =	vst v0  }
0x33: {  	[tilespmem:$0x560] =	vst v0  }
0x34: {  	[tilespmem:$0x570] =	vst v0  }
0x35: {  	[tilespmem:$0x580] =	vst v0  }
0x36: {  	[tilespmem:$0x590] =	vst v0  }
0x37: {  	[tilespmem:$0x5A0] =	vst v0  }
0x38: {  	[tilespmem:$0x5B0] =	vst v0  }
0x39: {  	[tilespmem:$0x5C0] =	vst v0  }
0x3a: {  	[tilespmem:$0x5D0] =	vst v0  }
0x3b: {  	[tilespmem:$0x5F0] =	vst v1  }
0x3c: {  	[tilespmem:$0x6C0] =	vst v1  }
0x3d: {  	[tilespmem:$0x790] =	vst v1  }
0x3e: {  	[tilespmem:$0x860] =	vst v1  }
0x3f: {  	[tilespmem:$0x930] =	vst v1  }
0x40: {  	[tilespmem:$0xA00] =	vst v1  }
0x41: {  	[tilespmem:$0xAD0] =	vst v1  }
0x42: {  	[tilespmem:$0xBA0] =	vst v1  }
0x43: {  	[tilespmem:$0xC70] =	vst v1  }
0x44: {  	[tilespmem:$0xD40] =	vst v1  }
0x45: {  	[tilespmem:$0xE10] =	vst v1  }
0x46: {  	[tilespmem:$0xEE0] =	vst v1  }
0x47: {  	[tilespmem:$0xFA0] =	vst v0  }
0x48: {  	v16 =	vld [tilespmem:$0x0];
	[tilespmem:$0x1070] =	vst v0  }
0x49: {  	v3 =	vld [tilespmem:$0x1FFF0];
	[tilespmem:$0x1140] =	vst v0  }
0x4a: {  	v17 =	vld [tilespmem:$0xC];
	[tilespmem:$0x1210] =	vst v0  }
0x4b: {  	[tilespmem:$0x12E0] =	vst v0  }
0x4c: {  	[tilespmem:$0x13B0] =	vst v0  }
0x4d: {  	[tilespmem:$0x1480] =	vst v0;
	v16 =	vcvt.s32.f32 v16  }
0x4e: {  	v18 =	vld [tilespmem:$0x18];
	[tilespmem:$0x1550] =	vst v0;
	vm2 =	vnez.u8 v3  }
0x4f: {  	v19 =	vld [tilespmem:$0x24];
	[tilespmem:$0x1620] =	vst v0;
	v17 =	vcvt.s32.f32 v17;
	v16 =	vnsel vm2, $0xBF800000, v16  }
0x50: {  	v20 =	vld [tilespmem:$0x30];
	[tilespmem:$0x16F0] =	vst v0;
	(xrf0) =	vmax.scan.msk.f32 $0xffff, v16  }
0x51: {  	v21 =	vld [tilespmem:$0x3C];
	[tilespmem:$0x17C0] =	vst v0;
	v17 =	vnsel vm2, $0xBF800000, v17  }
0x52: {  	v22 =	vld [tilespmem:$0x48];
	[tilespmem:$0x1890] =	vst v0;
	(xrf0) =	vmax.scan.msk.f32 $0xffff, v17  }
0x53: {  	[tilespmem:$0x1960] =	vst v0;
	v18 =	vcvt.s32.f32 v18  }
0x54: {  	[tilespmem:$0xFB0] =	vst v0;
	v19 =	vcvt.s32.f32 v19  }
0x55: {  	v23 =	vld [tilespmem:$0x54];
	[tilespmem:$0xFC0] =	vst v0;
	v20 =	vcvt.s32.f32 v20;
	v18 =	vnsel vm2, $0xBF800000, v18  }
0x56: {  	v25 =	vld [tilespmem:$0x60];
	[tilespmem:$0xFD0] =	vst v0;
	v21 =	vcvt.s32.f32 v21;
	v19 =	vnsel vm2, $0xBF800000, v19;
	(xrf0) =	vmax.scan.msk.f32 $0xffff, v18;
	v24, _, _ =	vpop (xrf0)  }
0x57: {  	v22 =	vcvt.s32.f32 v22;
	v20 =	vnsel vm2, $0xBF800000, v20;
	(xrf0) =	vmax.scan.msk.f32 $0xffff, v19;
	v24 =	vbroadcast v24, $0xF  }
0x58: {  	v28 =	vld [tilespmem:$0x6C];
	[tilespmem:$0xFE0] =	vst v0;
	v21 =	vnsel vm2, $0xBF800000, v21;
	v26, _, _ =	vpop (xrf0);
	(xrf0) =	vmax.scan.msk.f32 $0xffff, v20  }
0x59: {  	v33 =	vld [tilespmem:$0x78];
	v22 =	vnsel vm2, $0xBF800000, v22;
	(xrf0) =	vmax.scan.msk.f32 $0xffff, v21;
	vm0 =	veq.f32 v16, v24;
	v16 =	vbroadcast v26, $0xF  }
0x5a: {  	[tilespmem:$0xFF0] =	vst v0;
	v23 =	vcvt.s32.f32 v23;
	(xrf0) =	vmax.scan.msk.f32 $0xffff, v22  }
0x5b: {  	[tilespmem:$0x1000] =	vst v0;
	vm12 =	veq.f32 v17, v16;
	v16 =	vcvt.s32.f32 v25  }
0x5c: {  	[tilespmem:$0x1010] =	vst v0;
	v23 =	vnsel vm2, $0xBF800000, v23;
	v27, _, _ =	vpop (xrf0)  }
0x5d: {  	v31 =	vld [tilespmem:$0x90];
	[tilespmem:$0x1020] =	vst v0;
	v28 =	vcvt.s32.f32 v28;
	(xrf0) =	vmax.scan.msk.f32 $0xffff, v23;
	v35, _, _ =	vpop (xrf0);
	v16 =	vnsel vm2, $0xBF800000, v16  }
0x5e: {  	v36 =	vld [tilespmem:$0x84];
	[tilespmem:$0x1030] =	vst v0;
	v26 =	vcvt.s32.f32 v33;
	v29, _, _ =	vpop (xrf0);
	(xrf0) =	vmax.scan.msk.f32 $0xffff, v16  }
0x5f: {  	v39 =	vld [tilespmem:$0x9C];
	[tilespmem:$0x1040] =	vst v0;
	v38 =	vnsel vm2, $0xBF800000, v28;
	v24 =	vbroadcast v35, $0xF;
	v30, _, _ =	vpop (xrf0)  }
0x60: {  	[tilespmem:$0x1050] =	vst v0;
	v40 =	vnsel vm2, $0xBF800000, v26;
	v29 =	vbroadcast v29, $0xF;
	v37, _, _ =	vpop (xrf0);
	(xrf0) =	vmax.scan.msk.f32 $0xffff, v38  }
0x61: {  	v41 =	vld [tilespmem:$0xA8];
	v17 =	vmctz.xlane vm12;
	vm13 =	veq.f32 v19, v24;
	v19 =	vbroadcast v30, $0xF;
	(xrf0) =	vmax.scan.msk.f32 $0xffff, v40  }
0x62: {  	v43 =	vld [tilespmem:$0xB4];
	[tilespmem:$0x1060] =	vst v0;
	v46 =	vcvt.s32.f32 v31;
	vm14 =	veq.f32 v20, v29  }
0x63: {  	[tilespmem:$0x320] =	vst v17;
	v45, _, _ =	vpop (xrf0);
	vm15 =	veq.f32 v21, v19;
	v19 =	vcvt.s32.f32 v36;
	v17 =	vmctz.xlane vm14  }
0x64: {  	[tilespmem:$0x1080] =	vst v1;
	v28 =	vcvt.s32.f32 v39;
	v20 =	vbroadcast v37, $0xF;
	v47, _, _ =	vpop (xrf0)  }
0x65: {  	v49 =	vnsel vm2, $0xBF800000, v46;
	v19 =	vnsel vm2, $0xBF800000, v19;
	[tilespmem:$0x350] =	vst v17;
	v17 =	vbroadcast v47, $0xF  }
0x66: {  	v51 =	vnsel vm2, $0xBF800000, v28;
	v32 =	vbroadcast v27, $0xF;
	vm4 =	veq.f32 v22, v20;
	v20 =	vld [tilespmem:$0xC0];
	(xrf0) =	vmax.scan.msk.f32 $0xffff, v19;
	v50, _, _ =	vpop (xrf0)  }
0x67: {  	v48 =	vld [tilespmem:$0xCC];
	[tilespmem:$0x1150] =	vst v1;
	v26 =	vcvt.s32.f32 v41;
	v21 =	vcvt.s32.f32 v43;
	vm6 =	veq.f32 v16, v17;
	v16, _, _ =	vpop (xrf0)  }
0x68: {  	vm1 =	veq.f32 v18, v32;
	v22 =	vbroadcast v45, $0xF;
	(xrf0) =	vmax.scan.msk.f32 $0xffff, v49;
	v16 =	vbroadcast v16, $0xF  }
0x69: {  	[tilespmem:$0x1220] =	vst v1;
	v18 =	vmctz.xlane vm1;
	(xrf0) =	vmax.scan.msk.f32 $0xffff, v51;
	v17 =	vnsel vm2, $0xBF800000, v26  }
0x6a: {  	v52 =	vld [tilespmem:$0xD8];
	v21 =	vnsel vm2, $0xBF800000, v21;
	vm5 =	veq.f32 v23, v22;
	v22 =	vbroadcast v50, $0xF;
	(xrf0) =	vmax.scan.msk.f32 $0xffff, v17  }
0x6b: {  	[tilespmem:$0x330] =	vst v18;
	v18 =	vmctz.xlane vm4;
	v20 =	vcvt.s32.f32 v20;
	(xrf0) =	vmax.scan.msk.f32 $0xffff, v21  }
0x6c: {  	[tilespmem:$0x12F0] =	vst v1;
	v54 =	vcvt.s32.f32 v48;
	vm7 =	veq.f32 v38, v22;
	vm8 =	veq.f32 v40, v16;
	v16, _, _ =	vpop (xrf0)  }
0x6d: {  	[tilespmem:$0x370] =	vst v18;
	v20 =	vnsel vm2, $0xBF800000, v20;
	v18 =	vmctz.xlane vm7;
	v16 =	vbroadcast v16, $0xF  }
0x6e: {  	v56 =	vld [tilespmem:$0xE4];
	[tilespmem:$0x13C0] =	vst v1;
	(xrf0) =	vmax.scan.msk.f32 $0xffff, v20;
	v60, _, _ =	vpop (xrf0)  }
0x6f: {  	[tilespmem:$0x1490] =	vst v1;
	v58 =	vcvt.s32.f32 v52;
	v57 =	vnsel vm2, $0xBF800000, v54;
	vm9 =	veq.f32 v19, v16;
	v19, _, _ =	vpop (xrf0)  }
0x70: {  	[tilespmem:$0x1560] =	vst v1;
	(xrf0) =	vmax.scan.msk.f32 $0xffff, v57;
	v19 =	vbroadcast v19, $0xF;
	v62, _, _ =	vpop (xrf0)  }
0x71: {  	v52 =	vld [tilespmem:$0x174];
	v25 =	vnsel vm2, $0xBF800000, v58;
	[tilespmem:$0x3A0] =	vst v18;
	v16 =	vbroadcast v60, $0xF;
	v18, _, _ =	vpop (xrf0)  }
0x72: {  	v63 =	vld [tilespmem:$0xF0];
	[tilespmem:$0x1630] =	vst v1;
	(xrf0) =	vmax.scan.msk.f32 $0xffff, v25;
	v18 =	vbroadcast v18, $0xF  }
0x73: {  	[tilespmem:$0x1700] =	vst v1;
	v48 =	vld [tilespmem:$0x15C];
	v22 =	vcvt.s32.f32 v56;
	vm10 =	veq.f32 v49, v16;
	v16 =	vbroadcast v62, $0xF  }
0x74: {  	[tilespmem:$0x17D0] =	vst v1;
	v34 =	vmctz.xlane vm0;
	v42 =	vmctz.xlane vm13;
	v36 =	vld [tilespmem:$0x108];
	vm11 =	veq.f32 v51, v19;
	v19, _, _ =	vpop (xrf0)  }
0x75: {  	[tilespmem:$0x18A0] =	vst v1;
	vm12 =	veq.f32 v17, v16;
	v17 =	vnsel vm2, $0xBF800000, v22;
	v16 =	vbroadcast v19, $0xF;
	v19 =	vld [tilespmem:$0xFC]  }
0x76: {  	v44 =	vmctz.xlane vm15;
	v26 =	vcvt.s32.f32 v52;
	v40 =	vld [tilespmem:$0x120];
	vm13 =	veq.f32 v21, v18;
	(xrf0) =	vmax.scan.msk.f32 $0xffff, v17;
	v18, _, _ =	vpop (xrf0)  }
0x77: {  	[tilespmem:$0x1970] =	vst v1;
	vm14 =	veq.f32 v20, v16;
	v16 =	vbroadcast v18, $0xF;
	v18 =	vcvt.s32.f32 v63;
	v20 =	vld [tilespmem:$0x114]  }
0x78: {  	v41 =	vld [tilespmem:$0x12C];
	[tilespmem:$0x310] =	vst v34;
	v53 =	vmctz.xlane vm5;
	v55 =	vmctz.xlane vm6;
	v26 =	vnsel vm2, $0xBF800000, v26;
	v39, _, _ =	vpop (xrf0)  }
0x79: {  	v43 =	vld [tilespmem:$0x144];
	[tilespmem:$0x340] =	vst v42;
	vm15 =	veq.f32 v57, v16;
	v16 =	vbroadcast v39, $0xF;
	v18 =	vnsel vm2, $0xBF800000, v18  }
0x7a: {  	v42 =	vld [tilespmem:$0x138];
	[tilespmem:$0x390] =	vst v55;
	v55 =	vcvt.s32.f32 v48;
	(xrf0) =	vmax.scan.msk.f32 $0xffff, v18;
	v19 =	vcvt.s32.f32 v19  }
0x7b: {  	[tilespmem:$0x360] =	vst v44;
	v50 =	vld [tilespmem:$0x168];
	v24 =	vmctz.xlane vm15;
	vm4 =	veq.f32 v25, v16;
	v16 =	vcvt.s32.f32 v36  }
0x7c: {  	v46 =	vld [tilespmem:$0x150];
	[tilespmem:$0x380] =	vst v53;
	v47 =	vcvt.s32.f32 v40;
	v45, _, _ =	vpop (xrf0);
	v19 =	vnsel vm2, $0xBF800000, v19;
	v20 =	vcvt.s32.f32 v20  }
0x7d: {  	[tilespmem:$0x420] =	vst v24;
	v24 =	vbroadcast v45, $0xF;
	(xrf0) =	vmax.scan.msk.f32 $0xffff, v19;
	v16 =	vnsel vm2, $0xBF800000, v16  }
0x7e: {  	v59 =	vmctz.xlane vm8;
	v49 =	vcvt.s32.f32 v41;
	(xrf0) =	vmax.scan.msk.f32 $0xffff, v16;
	v20 =	vnsel vm2, $0xBF800000, v20  }
0x7f: {  	v51 =	vcvt.s32.f32 v42;
	vm5 =	veq.f32 v17, v24;
	v17 =	vnsel vm2, $0xBF800000, v47;
	(xrf0) =	vmax.scan.msk.f32 $0xffff, v20  }
0x80: {  	v23 =	vcvt.s32.f32 v50;
	v22 =	vnsel vm2, $0xBF800000, v49;
	v21 =	vcvt.s32.f32 v43;
	v54, _, _ =	vpop (xrf0);
	(xrf0) =	vmax.scan.msk.f32 $0xffff, v17  }
0x81: {  	v25 =	vcvt.s32.f32 v46;
	v24 =	vnsel vm2, $0xBF800000, v51;
	v29 =	vbroadcast v54, $0xF;
	(xrf0) =	vmax.scan.msk.f32 $0xffff, v22  }
0x82: {  	v27 =	vnsel vm2, $0xBF800000, v55;
	[tilespmem:$0x3B0] =	vst v59;
	v21 =	vnsel vm2, $0xBF800000, v21;
	(xrf0) =	vmax.scan.msk.f32 $0xffff, v24  }
0x83: {  	v61 =	vmctz.xlane vm9;
	v25 =	vnsel vm2, $0xBF800000, v25;
	vm6 =	veq.f32 v18, v29;
	v18, _, _ =	vpop (xrf0);
	(xrf0) =	vmax.scan.msk.f32 $0xffff, v21  }
0x84: {  	v23 =	vnsel vm2, $0xBF800000, v23;
	v33 =	vmctz.xlane vm10;
	v18 =	vbroadcast v18, $0xF;
	v56, _, _ =	vpop (xrf0);
	(xrf0) =	vmax.scan.msk.f32 $0xffff, v25  }
0x85: {  	[tilespmem:$0x3C0] =	vst v61;
	v34 =	vmctz.xlane vm11;
	v28 =	vbroadcast v56, $0xF;
	v57, _, _ =	vpop (xrf0);
	(xrf0) =	vmax.scan.msk.f32 $0xffff, v27  }
0x86: {  	v35 =	vmctz.xlane vm12;
	vm7 =	veq.f32 v19, v18;
	v18 =	vbroadcast v57, $0xF;
	v19, _, _ =	vpop (xrf0);
	(xrf0) =	vmax.scan.msk.f32 $0xffff, v23  }
0x87: {  	[tilespmem:$0x3D0] =	vst v33;
	vm8 =	veq.f32 v16, v28;
	v16 =	vbroadcast v19, $0xF;
	v19, _, _ =	vpop (xrf0);
	(xrf0) =	vmax.scan.msk.f32 $0xffff, v26  }
0x88: {  	v37 =	vmctz.xlane vm13;
	[tilespmem:$0x3E0] =	vst v34;
	v59, _, _ =	vpop (xrf0);
	vm9 =	veq.f32 v20, v18;
	v18 =	vbroadcast v19, $0xF  }
0x89: {  	[tilespmem:$0x3F0] =	vst v35;
	v38 =	vmctz.xlane vm14;
	v19, _, _ =	vpop (xrf0);
	vm10 =	veq.f32 v17, v16;
	v16 =	vbroadcast v59, $0xF  }
0x8a: {  	[tilespmem:$0x400] =	vst v37;
	v44 =	vmctz.xlane vm4;
	v53 =	vmctz.xlane vm5;
	v17, _, _ =	vpop (xrf0);
	vm11 =	veq.f32 v22, v18  }
0x8b: {  	[tilespmem:$0x410] =	vst v38;
	v18 =	vbroadcast v19, $0xF;
	v19, _, _ =	vpop (xrf0);
	vm12 =	veq.f32 v24, v16;
	v16 =	vbroadcast v17, $0xF  }
0x8c: {  	[tilespmem:$0x430] =	vst v44;
	v29 =	vmctz.xlane vm6;
	v17, _, _ =	vpop (xrf0)  }
0x8d: {  	[tilespmem:$0x440] =	vst v53;
	v58 =	vmctz.xlane vm7;
	vm14 =	veq.f32 v25, v16;
	v16 =	vbroadcast v17, $0xF;
	v17, _, _ =	vpop (xrf0)  }
0x8e: {  	[tilespmem:$0x450] =	vst v29;
	v60 =	vmctz.xlane vm8;
	v17 =	vbroadcast v17, $0xF  }
0x8f: {  	[tilespmem:$0x460] =	vst v58;
	v20 =	vmctz.xlane vm9  }
0x90: {  	v61 =	vmctz.xlane vm10;
	[tilespmem:$0x470] =	vst v60;
	vm5 =	veq.f32 v26, v17  }
0x91: {  	[tilespmem:$0x480] =	vst v20;
	v17 =	vmctz.xlane vm5  }
0x92: {  	v20 =	vmctz.xlane vm11;
	[tilespmem:$0x490] =	vst v61  }
0x93: {  	v62 =	vmctz.xlane vm12;
	vm13 =	veq.f32 v21, v18;
	v18 =	vbroadcast v19, $0xF;
	[tilespmem:$0x500] =	vst v17;
	v17 =	vld [tilespmem:$0x2F0]  }
0x94: {  	[tilespmem:$0x4A0] =	vst v20;
	v19 =	vmctz.xlane vm13  }
0x95: {  	v20 =	vmctz.xlane vm14;
	vm15 =	veq.f32 v27, v18;
	[tilespmem:$0x4B0] =	vst v62  }
0x96: {  	[tilespmem:$0x4C0] =	vst v19;
	v18 =	vmctz.xlane vm15;
	vm4 =	veq.f32 v23, v16  }
0x97: {  	[tilespmem:$0x4D0] =	vst v20;
	v16 =	vmctz.xlane vm4  }
0x98: {  	[tilespmem:$0x4E0] =	vst v18;
	vm6 =	vgt.s32 v17, $0x0  }
0x99: {  	v3 =	vimm.f32 $-4.000000000e+00;
	[tilespmem:$0x4F0] =	vst v16;
	vm7 =	vgt.s32 v17, $0x1;
	v16 =	vsel vm6, $0xC0000000, v2  }
0x9a: {  	v4 =	vimm.f32 $-5.000000000e+00;
	vm8 =	vgt.s32 v17, $0x2;
	[tilespmem:$0x600] =	vst v16;
	v16 =	vsel vm7, $0xC0000000, v3  }
0x9b: {  	v5 =	vimm.f32 $-6.000000000e+00;
	vm9 =	vgt.s32 v17, $0x3;
	[tilespmem:$0x610] =	vst v16;
	v16 =	vsel vm8, $0xC0000000, v4  }
0x9c: {  	v18 =	vld [tilespmem:$0x300];
	vm10 =	vgt.s32 v17, $0x4;
	[tilespmem:$0x620] =	vst v16;
	v16 =	vsel vm9, $0xC0000000, v5  }
0x9d: {  	vm11 =	vgt.s32 v17, $0x5;
	[tilespmem:$0x630] =	vst v16;
	v16 =	vsel vm10, $0xC0000000, v6  }
0x9e: {  	vm12 =	vgt.s32 v17, $0x6;
	[tilespmem:$0x640] =	vst v16;
	v16 =	vsel vm11, $0xC0000000, v7  }
0x9f: {  	vm13 =	vgt.s32 v17, $0x7;
	[tilespmem:$0x650] =	vst v16;
	v16 =	vsel vm12, $0xC0000000, v8  }
0xa0: {  	vm14 =	vgt.s32 v17, $0x8;
	[tilespmem:$0x660] =	vst v16;
	v16 =	vsel vm13, $0xC0000000, v9  }
0xa1: {  	vm13 =	vgt.s32 v18, $0x8;
	[tilespmem:$0x670] =	vst v16;
	v16 =	vsel vm14, $0xC0000000, v10  }
0xa2: {  	vm15 =	vgt.s32 v17, $0x9;
	v19 =	vsel vm13, $0xC0000000, v10;
	[tilespmem:$0x680] =	vst v16  }
0xa3: {  	vm14 =	vgt.s32 v18, $0x9;
	v16 =	vsel vm15, $0xC0000000, v11;
	[tilespmem:$0x1110] =	vst v19  }
0xa4: {  	vm4 =	vgt.s32 v17, $0xA;
	v19 =	vsel vm14, $0xC0000000, v11;
	[tilespmem:$0x690] =	vst v16  }
0xa5: {  	vm15 =	vgt.s32 v18, $0xA;
	v16 =	vsel vm4, $0xC0000000, v13;
	[tilespmem:$0x1120] =	vst v19  }
0xa6: {  	vm5 =	vgt.s32 v18, $0x0;
	v19 =	vsel vm15, $0xC0000000, v13;
	[tilespmem:$0x6A0] =	vst v16  }
0xa7: {  	vm6 =	vgt.s32 v18, $0x1;
	v16 =	vsel vm5, $0xC0000000, v2;
	[tilespmem:$0x1130] =	vst v19  }
0xa8: {  	vm7 =	vgt.s32 v18, $0x2;
	[tilespmem:$0x1090] =	vst v16;
	v16 =	vsel vm6, $0xC0000000, v3  }
0xa9: {  	vm8 =	vgt.s32 v18, $0x3;
	[tilespmem:$0x10A0] =	vst v16;
	v16 =	vsel vm7, $0xC0000000, v4  }
0xaa: {  	vm9 =	vgt.s32 v18, $0x4;
	[tilespmem:$0x10B0] =	vst v16;
	v16 =	vsel vm8, $0xC0000000, v5  }
.Ltmp2:
0xab: {  	vm10 =	vgt.s32 v18, $0x5;
	[tilespmem:$0x10C0] =	vst v16;
	v16 =	vsel vm9, $0xC0000000, v6;
	(pc) =	sbr.rel .LBB2_2-.Ltmp2, $4  }
0xac: {  	vm11 =	vgt.s32 v18, $0x6;
	[tilespmem:$0x10D0] =	vst v16;
	v16 =	vsel vm10, $0xC0000000, v7  }
0xad: {  	v63 =	vshll.u32 v18, $0x4;
	vm12 =	vgt.s32 v18, $0x7;
	[tilespmem:$0x10E0] =	vst v16;
	v16 =	vsel vm11, $0xC0000000, v8  }
0xae: {  	v20 =	vshll.u32 v17, $0x4;
	v19 =	vadd.s32 v14, v63;
	[tilespmem:$0x10F0] =	vst v16;
	v16 =	vsel vm12, $0xC0000000, v9  }
0xaf: {  	s17 =	simm.s32 $0x0;
	s18 =	simm.s32 $0x0;
	[tilespmem:$0x1100] =	vst v16;
	v16 =	vcvt.s32.f32 v17;
	v17 =	vcvt.s32.f32 v18;
	v18 =	vadd.s32 v14, v20  }
.LBB2_4:
0xb0: {  	v51 =	vimm.s32 $0x0;
	v48 =	vimm.s32 $0x0  }
0xb1: {  	v49 =	vimm.s32 $0x0;
	v46 =	vimm.s32 $0x0;
	v45 =	vimm.s32 $0x0  }
0xb2: {  	v43 =	vimm.s32 $0x0;
	v42 =	vimm.s32 $0x0;
	v41 =	vimm.s32 $0x0  }
0xb3: {  	v40 =	vimm.s32 $0x0;
	v38 =	vimm.s32 $0x0;
	v37 =	vimm.s32 $0x0  }
0xb4: {  	v35 =	vimm.s32 $0x0;
	v34 =	vimm.s32 $0x0;
	v32 =	vimm.s32 $0x0  }
0xb5: {  	v31 =	vimm.s32 $0x0;
	v29 =	vimm.s32 $0x0;
	v28 =	vimm.s32 $0x0  }
0xb6: {  	s22 =	simm.s32 $0x640;
	s23 =	simm.s32 $0x10D0;
	v26 =	vimm.s32 $0x0;
	v27 =	vimm.s32 $0x0;
	v24 =	vimm.s32 $0x0  }
.LBB2_8:
0xb7: {  	_ =	sdelay $0x1  }
0xb8: {  	v4 =	vmin.f32 @p0 v58, v55;
	[tilespmem:s22+$0x130] =	vst @p0 v57  }
0xb9: {  	v3 =	vadd.s32 $0xB0, v22;
	[tilespmem:s25+$0x130] =	vst @p0 v4  }
0xba: {  	v5 =	vadd.s32 v12, v51;
	v4 =	vld.idx.msk [tilespmem:v56+s11+$0x0], $0xffff  }
0xbb: {  	s21 =	sadd.s32 @p0 $0xD0, s22;
	v23 =	vld.idx.msk [tilespmem:v54+s2+$0x0], $0xffff  }
0xbc: {  	s20 =	smov.u32 @p0 s21;
	v25 =	vld.idx.msk [tilespmem:v22+s9+$0x0], $0xffff  }
0xbd: {  	v30 =	vld [tilespmem:s20+$0xFFFFFFC0]  }
0xbe: {  	s22 =	sadd.s32 @p0 $0xD0, s23;
	v3 =	vld.idx.msk [tilespmem:v3+s9+$0x0], $0xffff  }
0xbf: {  	s19 =	smov.u32 @p0 s22;
	v5 =	vld.idx.msk [tilespmem:v5+s12+$0x0], $0xffff  }
0xc0: {  	v33 =	vld [tilespmem:s19+$0xFFFFFFC0];
	_ =	sdelay $0x1  }
0xc1: {  	v36 =	vor.u32 $0x10, v12;
	v59 =	vadd.s32 $0x1, v22;
	vm0 =	veq.s32 v25, v23  }
0xc2: {  	v4 =	vadd.f32 $-3.000000000e+00, v4;
	vm1 =	veq.s32 v3, v23;
	v3 =	vsel vm0, $0xC0800000, v2  }
0xc3: {  	v5 =	vadd.f32 $-3.000000000e+00, v5;
	v44 =	vsel vm1, $0xC0800000, v2;
	v3 =	vmin.f32 v30, v3  }
0xc4: {  	v60 =	vadd.s32 $0xB1, v22;
	v3 =	vmin.f32 v3, v4;
	v4 =	vmin.f32 v33, v44  }
0xc5: {  	v39 =	vsel vm0, v36, v12;
	v3 =	vmin.f32 v3, $-2.000000000e+00;
	v4 =	vmin.f32 v4, v5  }
0xc6: {  	v36 =	vsel vm1, v36, v12;
	v5 =	vadd.s32 v49, v39;
	[tilespmem:s20+$0x90] =	vst v3;
	v4 =	vmin.f32 v4, $-2.000000000e+00  }
0xc7: {  	v47 =	vadd.s32 v48, v36;
	[tilespmem:s19+$0x90] =	vst v4  }
0xc8: {  	v25 =	vld.idx.msk [tilespmem:v59+s9+$0x0], $0xffff  }
0xc9: {  	v44 =	vld.idx.msk [tilespmem:v60+s9+$0x0], $0xffff  }
0xca: {  	v61 =	vld [tilespmem:s20+$0xFFFFFFD0]  }
0xcb: {  	v5 =	vld.idx.msk [tilespmem:v5+s11+$0x0], $0xffff  }
0xcc: {  	v47 =	vld.idx.msk [tilespmem:v47+s12+$0x0], $0xffff  }
0xcd: {  	v49 =	vld [tilespmem:s19+$0xFFFFFFD0];
	vm8 =	veq.s32 v25, v23  }
0xce: {  	vm9 =	veq.s32 v44, v23;
	v63 =	vsel vm8, $0xC0000000, v15  }
0xcf: {  	v62 =	vor.u32 $0x20, v12;
	v50 =	vsel vm9, $0xC0000000, v15;
	v30 =	vadd.f32 v63, v30  }
0xd0: {  	v52 =	vadd.s32 $0x2, v22;
	v33 =	vadd.f32 v50, v33;
	v5 =	vadd.f32 $-3.000000000e+00, v5  }
0xd1: {  	v54 =	vadd.s32 $0xB2, v22;
	v51 =	vadd.f32 $-3.000000000e+00, v47;
	v30 =	vmin.f32 v61, v30  }
0xd2: {  	v39 =	vsel vm8, v62, v39;
	v53 =	vmin.f32 v49, v33;
	v5 =	vmin.f32 v30, v5  }
0xd3: {  	v55 =	vadd.s32 v46, v39;
	v3 =	vmin.f32 v5, v3;
	v5 =	vmin.f32 v53, v51  }
0xd4: {  	v25 =	vsel vm9, v62, v36;
	v4 =	vmin.f32 v5, v4;
	[tilespmem:s20+$0xA0] =	vst v3  }
0xd5: {  	v5 =	vadd.s32 v45, v25;
	[tilespmem:s19+$0xA0] =	vst v4  }
0xd6: {  	v56 =	vld.idx.msk [tilespmem:v52+s9+$0x0], $0xffff  }
0xd7: {  	v33 =	vld.idx.msk [tilespmem:v54+s9+$0x0], $0xffff  }
0xd8: {  	v30 =	vld.idx.msk [tilespmem:v55+s11+$0x0], $0xffff  }
0xd9: {  	v57 =	vld [tilespmem:s20+$0xFFFFFFE0]  }
0xda: {  	v5 =	vld.idx.msk [tilespmem:v5+s12+$0x0], $0xffff  }
0xdb: {  	v58 =	vld [tilespmem:s19+$0xFFFFFFE0];
	vm10 =	veq.s32 v56, v23  }
0xdc: {  	vm11 =	veq.s32 v33, v23;
	v60 =	vsel vm10, $0xC0000000, v15  }
0xdd: {  	v48 =	vadd.s32 $0xB3, v22;
	v33 =	vadd.f32 v60, v61;
	v61 =	vsel vm11, $0xC0000000, v15  }
0xde: {  	v59 =	vor.u32 $0x30, v12;
	v30 =	vadd.f32 $-3.000000000e+00, v30;
	v62 =	vadd.f32 v61, v49  }
0xdf: {  	v63 =	vadd.s32 $0x3, v22;
	v5 =	vadd.f32 $-3.000000000e+00, v5;
	v33 =	vmin.f32 v57, v33  }
0xe0: {  	v39 =	vsel vm10, v59, v39;
	v30 =	vmin.f32 v33, v30;
	v47 =	vmin.f32 v58, v62  }
0xe1: {  	v49 =	vadd.s32 v43, v39;
	v3 =	vmin.f32 v30, v3;
	v5 =	vmin.f32 v47, v5  }
0xe2: {  	v25 =	vsel vm11, v59, v25;
	v4 =	vmin.f32 v5, v4;
	[tilespmem:s20+$0xB0] =	vst v3  }
0xe3: {  	v5 =	vadd.s32 v42, v25;
	[tilespmem:s19+$0xB0] =	vst v4  }
0xe4: {  	v50 =	vld.idx.msk [tilespmem:v63+s9+$0x0], $0xffff  }
0xe5: {  	v36 =	vld.idx.msk [tilespmem:v48+s9+$0x0], $0xffff  }
0xe6: {  	v30 =	vld.idx.msk [tilespmem:v49+s11+$0x0], $0xffff  }
0xe7: {  	v51 =	vld [tilespmem:s20+$0xFFFFFFF0]  }
0xe8: {  	v5 =	vld.idx.msk [tilespmem:v5+s12+$0x0], $0xffff  }
0xe9: {  	v52 =	vld [tilespmem:s19+$0xFFFFFFF0];
	vm12 =	veq.s32 v50, v23  }
0xea: {  	vm13 =	veq.s32 v36, v23;
	v54 =	vsel vm12, $0xC0000000, v15  }
0xeb: {  	v53 =	vor.u32 $0x40, v12;
	v55 =	vsel vm13, $0xC0000000, v15;
	v36 =	vadd.f32 v54, v57  }
0xec: {  	v30 =	vadd.f32 $-3.000000000e+00, v30;
	v39 =	vsel vm12, v53, v39;
	v56 =	vadd.f32 v55, v58  }
0xed: {  	v57 =	vadd.s32 $0x4, v22;
	v5 =	vadd.f32 $-3.000000000e+00, v5;
	v36 =	vmin.f32 v51, v36  }
0xee: {  	v58 =	vadd.s32 $0xB4, v22;
	v33 =	vmin.f32 v52, v56;
	v30 =	vmin.f32 v36, v30  }
0xef: {  	v59 =	vadd.s32 v41, v39;
	v5 =	vmin.f32 v33, v5;
	v3 =	vmin.f32 v30, v3  }
0xf0: {  	v25 =	vsel vm13, v53, v25;
	v4 =	vmin.f32 v5, v4;
	[tilespmem:s20+$0xC0] =	vst v3  }
0xf1: {  	v5 =	vadd.s32 v40, v25;
	[tilespmem:s19+$0xC0] =	vst v4  }
0xf2: {  	v60 =	vld.idx.msk [tilespmem:v57+s9+$0x0], $0xffff  }
0xf3: {  	v36 =	vld.idx.msk [tilespmem:v58+s9+$0x0], $0xffff  }
0xf4: {  	v30 =	vld.idx.msk [tilespmem:v59+s11+$0x0], $0xffff  }
0xf5: {  	v61 =	vld [tilespmem:s20+$0x0]  }
0xf6: {  	v5 =	vld.idx.msk [tilespmem:v5+s12+$0x0], $0xffff  }
0xf7: {  	v62 =	vld [tilespmem:s19+$0x0];
	vm14 =	veq.s32 v60, v23  }
0xf8: {  	vm15 =	veq.s32 v36, v23;
	v44 =	vsel vm14, $0xC0000000, v15  }
0xf9: {  	v47 =	vadd.s32 $0x5, v22;
	v45 =	vsel vm15, $0xC0000000, v15;
	v36 =	vadd.f32 v44, v51  }
0xfa: {  	v63 =	vor.u32 $0x50, v12;
	v30 =	vadd.f32 $-3.000000000e+00, v30;
	v46 =	vadd.f32 v45, v52  }
0xfb: {  	v48 =	vadd.s32 $0xB5, v22;
	v5 =	vadd.f32 $-3.000000000e+00, v5;
	v36 =	vmin.f32 v61, v36  }
0xfc: {  	v39 =	vsel vm14, v63, v39;
	v33 =	vmin.f32 v62, v46;
	v30 =	vmin.f32 v36, v30  }
0xfd: {  	v49 =	vadd.s32 v38, v39;
	v5 =	vmin.f32 v33, v5;
	v3 =	vmin.f32 v30, v3  }
0xfe: {  	v25 =	vsel vm15, v63, v25;
	v4 =	vmin.f32 v5, v4;
	[tilespmem:s20+$0xD0] =	vst v3  }
0xff: {  	v5 =	vadd.s32 v37, v25;
	[tilespmem:s19+$0xD0] =	vst v4  }
0x100: {  	v50 =	vld.idx.msk [tilespmem:v47+s9+$0x0], $0xffff  }
0x101: {  	v36 =	vld.idx.msk [tilespmem:v48+s9+$0x0], $0xffff  }
0x102: {  	v30 =	vld.idx.msk [tilespmem:v49+s11+$0x0], $0xffff  }
0x103: {  	v51 =	vld [tilespmem:s20+$0x10]  }
0x104: {  	v5 =	vld.idx.msk [tilespmem:v5+s12+$0x0], $0xffff  }
0x105: {  	v52 =	vld [tilespmem:s19+$0x10];
	vm4 =	veq.s32 v50, v23  }
0x106: {  	vm5 =	veq.s32 v36, v23;
	v54 =	vsel vm4, $0xC0000000, v15  }
0x107: {  	v53 =	vor.u32 $0x60, v12;
	v56 =	vsel vm5, $0xC0000000, v15;
	v36 =	vadd.f32 v54, v61  }
0x108: {  	v55 =	vadd.s32 $0x6, v22;
	v30 =	vadd.f32 $-3.000000000e+00, v30;
	v40 =	vadd.f32 v56, v62  }
0x109: {  	v59 =	vadd.s32 $0xB6, v22;
	v5 =	vadd.f32 $-3.000000000e+00, v5;
	v57 =	vmin.f32 v51, v36  }
0x10a: {  	v39 =	vsel vm4, v53, v39;
	v58 =	vmin.f32 v52, v40;
	v30 =	vmin.f32 v57, v30  }
0x10b: {  	v60 =	vadd.s32 v35, v39;
	v5 =	vmin.f32 v58, v5;
	v3 =	vmin.f32 v30, v3  }
0x10c: {  	v25 =	vsel vm5, v53, v25;
	v4 =	vmin.f32 v5, v4;
	[tilespmem:s20+$0xE0] =	vst v3  }
0x10d: {  	v5 =	vadd.s32 v34, v25;
	[tilespmem:s19+$0xE0] =	vst v4  }
0x10e: {  	v61 =	vld.idx.msk [tilespmem:v55+s9+$0x0], $0xffff  }
0x10f: {  	v62 =	vld.idx.msk [tilespmem:v59+s9+$0x0], $0xffff  }
0x110: {  	v30 =	vld.idx.msk [tilespmem:v60+s11+$0x0], $0xffff  }
0x111: {  	v63 =	vld [tilespmem:s20+$0x20]  }
0x112: {  	v5 =	vld.idx.msk [tilespmem:v5+s12+$0x0], $0xffff  }
0x113: {  	v44 =	vld [tilespmem:s19+$0x20];
	vm6 =	veq.s32 v61, v23  }
0x114: {  	vm7 =	veq.s32 v62, v23;
	v46 =	vsel vm6, $0xC0000000, v15  }
0x115: {  	v45 =	vor.u32 $0x70, v12;
	v48 =	vsel vm7, $0xC0000000, v15;
	v34 =	vadd.f32 v46, v51  }
0x116: {  	v47 =	vadd.s32 $0x7, v22;
	v30 =	vadd.f32 $-3.000000000e+00, v30;
	v37 =	vadd.f32 v48, v52  }
0x117: {  	v39 =	vsel vm6, v45, v39;
	v5 =	vadd.f32 $-3.000000000e+00, v5;
	v49 =	vmin.f32 v63, v34  }
0x118: {  	v51 =	vadd.s32 $0xB7, v22;
	v50 =	vmin.f32 v44, v37;
	v30 =	vmin.f32 v49, v30  }
0x119: {  	v52 =	vadd.s32 v32, v39;
	v5 =	vmin.f32 v50, v5;
	v3 =	vmin.f32 v30, v3  }
0x11a: {  	v25 =	vsel vm7, v45, v25;
	v4 =	vmin.f32 v5, v4;
	[tilespmem:s20+$0xF0] =	vst v3  }
0x11b: {  	v5 =	vadd.s32 v31, v25;
	[tilespmem:s19+$0xF0] =	vst v4  }
0x11c: {  	v53 =	vld.idx.msk [tilespmem:v47+s9+$0x0], $0xffff  }
0x11d: {  	v54 =	vld.idx.msk [tilespmem:v51+s9+$0x0], $0xffff  }
0x11e: {  	v30 =	vld.idx.msk [tilespmem:v52+s11+$0x0], $0xffff  }
0x11f: {  	v55 =	vld [tilespmem:s20+$0x30]  }
0x120: {  	v5 =	vld.idx.msk [tilespmem:v5+s12+$0x0], $0xffff  }
0x121: {  	v56 =	vld [tilespmem:s19+$0x30];
	vm8 =	veq.s32 v53, v23  }
0x122: {  	vm9 =	veq.s32 v54, v23;
	v58 =	vsel vm8, $0xC0000000, v15  }
0x123: {  	v57 =	vor.u32 $0x80, v12;
	v60 =	vsel vm9, $0xC0000000, v15;
	v32 =	vadd.f32 v58, v63  }
0x124: {  	v59 =	vadd.s32 $0xB8, v22;
	v30 =	vadd.f32 $-3.000000000e+00, v30;
	v35 =	vadd.f32 v60, v44  }
0x125: {  	v62 =	vadd.s32 $0x8, v22;
	v5 =	vadd.f32 $-3.000000000e+00, v5;
	v32 =	vmin.f32 v55, v32  }
0x126: {  	v61 =	vsel vm8, v57, v39;
	v63 =	vmin.f32 v56, v35;
	v30 =	vmin.f32 v32, v30  }
0x127: {  	v29 =	vadd.s32 v29, v61;
	v5 =	vmin.f32 v63, v5;
	v3 =	vmin.f32 v30, v3  }
0x128: {  	v25 =	vsel vm9, v57, v25;
	v4 =	vmin.f32 v5, v4;
	[tilespmem:s20+$0x100] =	vst v3  }
0x129: {  	v5 =	vadd.s32 v28, v25;
	[tilespmem:s19+$0x100] =	vst v4  }
0x12a: {  	v39 =	vld.idx.msk [tilespmem:v62+s9+$0x0], $0xffff  }
0x12b: {  	v40 =	vld.idx.msk [tilespmem:v59+s9+$0x0], $0xffff  }
0x12c: {  	v29 =	vld.idx.msk [tilespmem:v29+s11+$0x0], $0xffff  }
0x12d: {  	v41 =	vld [tilespmem:s20+$0x40]  }
0x12e: {  	v5 =	vld.idx.msk [tilespmem:v5+s12+$0x0], $0xffff  }
0x12f: {  	v42 =	vld [tilespmem:s19+$0x40];
	vm10 =	veq.s32 v39, v23  }
0x130: {  	vm11 =	veq.s32 v40, v23;
	v44 =	vsel vm10, $0xC0000000, v15  }
0x131: {  	v43 =	vor.u32 $0x90, v12;
	v46 =	vsel vm11, $0xC0000000, v15;
	v30 =	vadd.f32 v44, v55  }
0x132: {  	v45 =	vadd.s32 $0x9, v22;
	v29 =	vadd.f32 $-3.000000000e+00, v29;
	v33 =	vadd.f32 v46, v56  }
0x133: {  	v50 =	vadd.s32 $0xB9, v22;
	v5 =	vadd.f32 $-3.000000000e+00, v5;
	v48 =	vmin.f32 v41, v30  }
0x134: {  	v47 =	vsel vm10, v43, v61;
	v49 =	vmin.f32 v42, v33;
	v28 =	vmin.f32 v48, v29  }
0x135: {  	v26 =	vadd.s32 v26, v47;
	v5 =	vmin.f32 v49, v5;
	v3 =	vmin.f32 v28, v3  }
0x136: {  	v25 =	vsel vm11, v43, v25;
	v4 =	vmin.f32 v5, v4;
	[tilespmem:s20+$0x110] =	vst v3  }
0x137: {  	v5 =	vadd.s32 v27, v25;
	[tilespmem:s19+$0x110] =	vst v4  }
0x138: {  	v51 =	vld.idx.msk [tilespmem:v45+s9+$0x0], $0xffff  }
0x139: {  	v52 =	vld.idx.msk [tilespmem:v50+s9+$0x0], $0xffff  }
0x13a: {  	v26 =	vld.idx.msk [tilespmem:v26+s11+$0x0], $0xffff  }
0x13b: {  	v53 =	vld [tilespmem:s20+$0x50]  }
0x13c: {  	v5 =	vld.idx.msk [tilespmem:v5+s12+$0x0], $0xffff  }
0x13d: {  	v54 =	vld [tilespmem:s19+$0x50];
	vm12 =	veq.s32 v51, v23  }
0x13e: {  	vm13 =	veq.s32 v52, v23;
	v56 =	vsel vm12, $0xC0000000, v15  }
0x13f: {  	v57 =	vadd.s32 $0xA, v22;
	v58 =	vsel vm13, $0xC0000000, v15;
	v28 =	vadd.f32 v56, v41  }
0x140: {  	v22 =	vadd.s32 $0xBA, v22;
	v26 =	vadd.f32 $-3.000000000e+00, v26;
	v31 =	vadd.f32 v58, v42  }
0x141: {  	v55 =	vor.u32 $0xA0, v12;
	v5 =	vadd.f32 $-3.000000000e+00, v5;
	v60 =	vmin.f32 v53, v28  }
0x142: {  	v59 =	vsel vm12, v55, v47;
	v61 =	vmin.f32 v54, v31;
	v26 =	vmin.f32 v60, v26  }
0x143: {  	v24 =	vadd.s32 v24, v59;
	v5 =	vmin.f32 v61, v5;
	v3 =	vmin.f32 v26, v3  }
0x144: {  	v25 =	vsel vm13, v55, v25;
	v4 =	vmin.f32 v5, v4;
	[tilespmem:s20+$0x120] =	vst v3  }
0x145: {  	v5 =	vadd.s32 v21, v25;
	[tilespmem:s19+$0x120] =	vst v4  }
0x146: {  	v21 =	vld.idx.msk [tilespmem:v57+s9+$0x0], $0xffff  }
0x147: {  	v22 =	vld.idx.msk [tilespmem:v22+s9+$0x0], $0xffff  }
0x148: {  	v24 =	vld.idx.msk [tilespmem:v24+s11+$0x0], $0xffff  }
0x149: {  	v62 =	vld [tilespmem:s20+$0x60]  }
0x14a: {  	v5 =	vld.idx.msk [tilespmem:v5+s12+$0x0], $0xffff  }
0x14b: {  	v63 =	vld [tilespmem:s19+$0x60];
	vm14 =	veq.s32 v21, v23  }
0x14c: {  	vm15 =	veq.s32 v22, v23;
	v21 =	vsel vm14, $0xC0000000, v15  }
0x14d: {  	v22 =	vsel vm15, $0xC0000000, v15;
	v21 =	vadd.f32 v21, v53  }
0x14e: {  	v23 =	vadd.f32 $-3.000000000e+00, v24;
	v22 =	vadd.f32 v22, v54  }
0x14f: {  	v5 =	vadd.f32 $-3.000000000e+00, v5;
	v21 =	vmin.f32 v62, v21  }
0x150: {  	v22 =	vmin.f32 v63, v22;
	v21 =	vmin.f32 v21, v23  }
0x151: {  	v5 =	vmin.f32 v22, v5;
	v3 =	vmin.f32 v21, v3  }
0x152: {  	v4 =	vmin.f32 v5, v4;
	[tilespmem:s20+$0x130] =	vst v3  }
0x153: {  	[tilespmem:s19+$0x130] =	vst v4  }
.LBB2_9:
0x154: {  	v3 =	vmul.u32 $0xD0, v20;
	_ =	sdelay $0x1  }
0x155: {  	v4 =	vadd.s32 v18, v3  }
0x156: {  	v5 =	vand.u32 $0x7, v12;
	v3 =	vadd.s32 v19, v3;
	v4 =	vand.u32 $0xFFFFFFF8, v4  }
0x157: {  	v3 =	vand.u32 $0xFFFFFFF8, v3;
	v4 =	vor.u32 v5, v4  }
0x158: {  	v3 =	vor.u32 v5, v3;
	_ =	sdelay $0x3  }
0x159: {  	v4 =	vld.idx.msk [tilespmem:v4+s11+$0x0], $0xffff  }
0x15a: {  	v3 =	vld.idx.msk [tilespmem:v3+s12+$0x0], $0xffff;
	_ =	sdelay $0x3  }
0x15b: {  	v5 =	vcvt.s32.f32 v20;
	v4 =	vadd.f32 v16, v4  }
0x15c: {  	s19 =	sshll.u32 s18, $0x5;
	s18 =	sadd.s32 $0x1, s18;
	v3 =	vadd.f32 v17, v3  }
0x15d: {  	p0 =	sne.s32 s18, $0x20;
	v4 =	vadd.f32 v5, v4  }
.Ltmp3:
0x15e: {  	v3 =	vadd.f32 v5, v3;
	(pc) =	sbr.rel @!p0 .LBB2_10-.Ltmp3, $4  }
0x15f: {  	v4 =	vadd.f32 $2.000000000e+00, v4  }
0x160: {  	s19 =	sand.u32 $0x3FFFFFE0, s19;
	v3 =	vadd.f32 $2.000000000e+00, v3  }
0x161: {  	[tilespmem:s19+$0x1A30] =	vst v4  }
0x162: {  	s17 =	sadd.s32 $0xC, s17;
	[tilespmem:s19+$0x1A40] =	vst v3  }
.LBB2_2:
0x163: {  	s19 =	sshll.u32 s18, $0x4  }
0x164: {  	s19 =	sand.u32 $0x3FFFFFF0, s19  }
0x165: {  	v20 =	vld [tilespmem:s19+$0x310];
	_ =	sdelay $0x4  }
0x166: {  	(v2sf) =	vpush v20, $0x0;
	_ =	sdelay $0xe  }
0x167: {  	s22 =	spop (v2sf)  }
0x168: {  	s31 =	sadd.s32 $0x1, s22  }
0x169: {  	p0 =	slt.s32 s31, $0x2  }
.Ltmp4:
0x16a: {  	_ = 	snop;
	(pc) =	sbr.rel @p0 .LBB2_9-.Ltmp4, $1  }
0x16b: {  	_ =	sdelay $0x3  }
0x16c: {  	p1 =	sne.s32 s22, $0x1  }
.Ltmp5:
0x16d: {  	_ = 	snop;
	(pc) =	sbr.rel @!p1 .LBB2_4-.Ltmp5, $3  }
0x16e: {  	_ =	sdelay $0x1  }
0x16f: {  	v21 =	vimm.s32 $0x0;
	s21 =	simm.s32 $0xD0;
	s19 =	simm.s32 $0x10D0;
	v22 =	vmul.u32 $0xB, v12  }
0x170: {  	s20 =	simm.s32 $0x640;
	s22 =	sadd.s32 $0xFFFFFFFF, s22;
	v54 =	vmov s17;
	p0 =	por $0x0, $0x0;
	v56 =	vadd.s32 v12, v21  }
0x171: {  	_ =	sdelay $0x2  }
0x172: {  	v23 =	vadd.s32 $0xB0, v22  }
0x173: {  	v25 =	vld.idx.msk [tilespmem:v56+s11+$0x0], $0xffff  }
0x174: {  	v24 =	vld.idx.msk [tilespmem:v54+s2+$0x0], $0xffff  }
0x175: {  	v26 =	vld.idx.msk [tilespmem:v22+s9+$0x0], $0xffff  }
0x176: {  	v28 =	vld.idx.msk [tilespmem:v56+s12+$0x0], $0xffff  }
0x177: {  	v27 =	vld.idx.msk [tilespmem:v23+s9+$0x0], $0xffff  }
0x178: {  	v29 =	vld [tilespmem:s20+$0xFFFFFFC0]  }
0x179: {  	v30 =	vld [tilespmem:s19+$0xFFFFFFC0];
	_ =	sdelay $0x1  }
0x17a: {  	v54 =	vadd.s32 $0xB1, v22;
	vm0 =	veq.s32 v26, v24;
	v25 =	vadd.f32 $-3.000000000e+00, v25  }
0x17b: {  	v26 =	vadd.s32 $0x1, v22;
	vm1 =	veq.s32 v27, v24;
	v27 =	vsel vm0, $0xC0800000, v2  }
0x17c: {  	v28 =	vadd.f32 $-3.000000000e+00, v28;
	v32 =	vsel vm1, $0xC0800000, v2;
	v27 =	vmin.f32 v29, v27  }
0x17d: {  	v23 =	vor.u32 $0x10, v12;
	v25 =	vmin.f32 v27, v25;
	v27 =	vmin.f32 v30, v32  }
0x17e: {  	v31 =	vsel vm0, v23, v12;
	v34 =	vmin.f32 v25, $-2.000000000e+00;
	v25 =	vmin.f32 v27, v28  }
0x17f: {  	v33 =	vsel vm1, v23, v12;
	v27 =	vadd.s32 v21, v31;
	[tilespmem:s20+$0x90] =	vst v34;
	v35 =	vmin.f32 v25, $-2.000000000e+00  }
0x180: {  	v28 =	vadd.s32 v21, v33;
	[tilespmem:s19+$0x90] =	vst v35  }
0x181: {  	v25 =	vld.idx.msk [tilespmem:v26+s9+$0x0], $0xffff  }
0x182: {  	v26 =	vld.idx.msk [tilespmem:v54+s9+$0x0], $0xffff  }
0x183: {  	v55 =	vld [tilespmem:s20+$0xFFFFFFD0]  }
0x184: {  	v27 =	vld.idx.msk [tilespmem:v27+s11+$0x0], $0xffff  }
0x185: {  	v28 =	vld.idx.msk [tilespmem:v28+s12+$0x0], $0xffff  }
0x186: {  	v36 =	vld [tilespmem:s19+$0xFFFFFFD0];
	vm11 =	veq.s32 v25, v24  }
0x187: {  	v25 =	vor.u32 $0x20, v12;
	vm12 =	veq.s32 v26, v24;
	v26 =	vsel vm11, $0xC0000000, v15  }
0x188: {  	v31 =	vsel vm11, v25, v31;
	v26 =	vadd.f32 v26, v29;
	v29 =	vsel vm12, $0xC0000000, v15  }
0x189: {  	v33 =	vsel vm12, v25, v33;
	v27 =	vadd.f32 $-3.000000000e+00, v27;
	v29 =	vadd.f32 v29, v30  }
0x18a: {  	v28 =	vadd.f32 $-3.000000000e+00, v28;
	v30 =	vadd.s32 $0x2, v22;
	v26 =	vmin.f32 v55, v26  }
0x18b: {  	v26 =	vmin.f32 v26, v27;
	v27 =	vmin.f32 v36, v29;
	v29 =	vadd.s32 $0xB2, v22  }
0x18c: {  	v56 =	vadd.s32 v21, v33;
	v26 =	vmin.f32 v26, v34;
	v27 =	vmin.f32 v27, v28  }
0x18d: {  	v28 =	vadd.s32 v21, v31;
	v27 =	vmin.f32 v27, v35;
	[tilespmem:s20+$0xA0] =	vst v26  }
0x18e: {  	[tilespmem:s19+$0xA0] =	vst v27  }
0x18f: {  	v30 =	vld.idx.msk [tilespmem:v30+s9+$0x0], $0xffff  }
0x190: {  	v29 =	vld.idx.msk [tilespmem:v29+s9+$0x0], $0xffff  }
0x191: {  	v34 =	vld.idx.msk [tilespmem:v56+s12+$0x0], $0xffff  }
0x192: {  	v28 =	vld.idx.msk [tilespmem:v28+s11+$0x0], $0xffff  }
0x193: {  	v57 =	vld [tilespmem:s20+$0xFFFFFFE0]  }
0x194: {  	v37 =	vld [tilespmem:s19+$0xFFFFFFE0];
	vm13 =	veq.s32 v30, v24  }
0x195: {  	vm6 =	veq.s32 v29, v24;
	v29 =	vsel vm13, $0xC0000000, v15  }
0x196: {  	v29 =	vadd.f32 v29, v55;
	v58 =	vsel vm6, $0xC0000000, v15  }
0x197: {  	v60 =	vadd.s32 $0x3, v22;
	v28 =	vadd.f32 $-3.000000000e+00, v28;
	v32 =	vadd.f32 v58, v36  }
0x198: {  	v61 =	vadd.s32 $0xB3, v22;
	v59 =	vadd.f32 $-3.000000000e+00, v34;
	v29 =	vmin.f32 v57, v29  }
0x199: {  	v30 =	vor.u32 $0x30, v12;
	v28 =	vmin.f32 v29, v28;
	v29 =	vmin.f32 v37, v32  }
0x19a: {  	v31 =	vsel vm13, v30, v31;
	v26 =	vmin.f32 v28, v26;
	v28 =	vmin.f32 v29, v59  }
0x19b: {  	v38 =	vsel vm6, v30, v33;
	v29 =	vadd.s32 v21, v31;
	v27 =	vmin.f32 v28, v27;
	[tilespmem:s20+$0xB0] =	vst v26  }
0x19c: {  	v28 =	vadd.s32 v21, v38;
	[tilespmem:s19+$0xB0] =	vst v27  }
0x19d: {  	v62 =	vld.idx.msk [tilespmem:v60+s9+$0x0], $0xffff  }
0x19e: {  	v32 =	vld.idx.msk [tilespmem:v61+s9+$0x0], $0xffff  }
0x19f: {  	v63 =	vld [tilespmem:s20+$0xFFFFFFF0]  }
0x1a0: {  	v29 =	vld.idx.msk [tilespmem:v29+s11+$0x0], $0xffff  }
0x1a1: {  	v28 =	vld.idx.msk [tilespmem:v28+s12+$0x0], $0xffff  }
0x1a2: {  	v39 =	vld [tilespmem:s19+$0xFFFFFFF0];
	vm7 =	veq.s32 v62, v24  }
0x1a3: {  	vm8 =	veq.s32 v32, v24;
	v43 =	vsel vm7, $0xC0000000, v15  }
0x1a4: {  	v44 =	vsel vm8, $0xC0000000, v15;
	v32 =	vadd.f32 v43, v57  }
0x1a5: {  	v45 =	vadd.s32 $0x4, v22;
	v35 =	vadd.f32 v44, v37;
	v29 =	vadd.f32 $-3.000000000e+00, v29  }
0x1a6: {  	v47 =	vadd.s32 $0xB4, v22;
	v28 =	vadd.f32 $-3.000000000e+00, v28;
	v32 =	vmin.f32 v63, v32  }
0x1a7: {  	v33 =	vor.u32 $0x40, v12;
	v46 =	vmin.f32 v39, v35;
	v29 =	vmin.f32 v32, v29  }
0x1a8: {  	v31 =	vsel vm7, v33, v31;
	v28 =	vmin.f32 v46, v28;
	v26 =	vmin.f32 v29, v26  }
0x1a9: {  	v38 =	vsel vm8, v33, v38;
	v29 =	vadd.s32 v21, v31;
	v27 =	vmin.f32 v28, v27;
	[tilespmem:s20+$0xC0] =	vst v26  }
0x1aa: {  	v28 =	vadd.s32 v21, v38;
	[tilespmem:s19+$0xC0] =	vst v27  }
0x1ab: {  	v48 =	vld.idx.msk [tilespmem:v45+s9+$0x0], $0xffff  }
0x1ac: {  	v35 =	vld.idx.msk [tilespmem:v47+s9+$0x0], $0xffff  }
0x1ad: {  	v49 =	vld [tilespmem:s20+$0x0]  }
0x1ae: {  	v29 =	vld.idx.msk [tilespmem:v29+s11+$0x0], $0xffff  }
0x1af: {  	v28 =	vld.idx.msk [tilespmem:v28+s12+$0x0], $0xffff  }
0x1b0: {  	v40 =	vld [tilespmem:s19+$0x0];
	vm9 =	veq.s32 v48, v24  }
0x1b1: {  	vm10 =	veq.s32 v35, v24;
	v32 =	vsel vm9, $0xC0000000, v15  }
0x1b2: {  	v50 =	vsel vm10, $0xC0000000, v15;
	v32 =	vadd.f32 v32, v63  }
0x1b3: {  	v51 =	vadd.s32 $0x5, v22;
	v34 =	vadd.f32 v50, v39;
	v29 =	vadd.f32 $-3.000000000e+00, v29  }
0x1b4: {  	v53 =	vadd.s32 $0xB5, v22;
	v28 =	vadd.f32 $-3.000000000e+00, v28;
	v32 =	vmin.f32 v49, v32  }
0x1b5: {  	v36 =	vor.u32 $0x50, v12;
	v52 =	vmin.f32 v40, v34;
	v29 =	vmin.f32 v32, v29  }
0x1b6: {  	v31 =	vsel vm9, v36, v31;
	v28 =	vmin.f32 v52, v28;
	v26 =	vmin.f32 v29, v26  }
0x1b7: {  	v35 =	vsel vm10, v36, v38;
	v29 =	vadd.s32 v21, v31;
	v27 =	vmin.f32 v28, v27;
	[tilespmem:s20+$0xD0] =	vst v26  }
0x1b8: {  	v3 =	vimm.s32 $0x0;
	v28 =	vadd.s32 v21, v35;
	[tilespmem:s19+$0xD0] =	vst v27  }
0x1b9: {  	v3 =	vsel vm0, $0xFFFFFFFF, v3;
	v54 =	vld.idx.msk [tilespmem:v51+s9+$0x0], $0xffff  }
0x1ba: {  	[tilespmem:$0x1FFA0] =	vst v3;
	v3 =	vimm.s32 $0x0;
	v34 =	vld.idx.msk [tilespmem:v53+s9+$0x0], $0xffff  }
0x1bb: {  	v3 =	vsel vm1, $0xFFFFFFFF, v3;
	v55 =	vld [tilespmem:s20+$0x10]  }
0x1bc: {  	[tilespmem:$0x1FFB0] =	vst v3;
	v3 =	vimm.s32 $0x0;
	v29 =	vld.idx.msk [tilespmem:v29+s11+$0x0], $0xffff  }
0x1bd: {  	v3 =	vsel vm11, $0xFFFFFFFF, v3;
	v28 =	vld.idx.msk [tilespmem:v28+s12+$0x0], $0xffff  }
0x1be: {  	[tilespmem:$0x1FFD0] =	vst v3;
	v3 =	vimm.s32 $0x0;
	v41 =	vld [tilespmem:s19+$0x10];
	vm11 =	veq.s32 v54, v24  }
0x1bf: {  	v3 =	vsel vm12, $0xFFFFFFFF, v3;
	vm12 =	veq.s32 v34, v24;
	v32 =	vsel vm11, $0xC0000000, v15  }
0x1c0: {  	v57 =	vsel vm12, $0xC0000000, v15;
	v32 =	vadd.f32 v32, v49  }
0x1c1: {  	v56 =	vadd.s32 $0x6, v22;
	v37 =	vadd.f32 v57, v40;
	v29 =	vadd.f32 $-3.000000000e+00, v29  }
0x1c2: {  	v59 =	vadd.s32 $0xB6, v22;
	v28 =	vadd.f32 $-3.000000000e+00, v28;
	v32 =	vmin.f32 v55, v32  }
0x1c3: {  	v39 =	vor.u32 $0x60, v12;
	v58 =	vmin.f32 v41, v37;
	v29 =	vmin.f32 v32, v29  }
0x1c4: {  	v31 =	vsel vm11, v39, v31;
	v28 =	vmin.f32 v58, v28;
	v26 =	vmin.f32 v29, v26  }
0x1c5: {  	v35 =	vsel vm12, v39, v35;
	v29 =	vadd.s32 v21, v31;
	v27 =	vmin.f32 v28, v27;
	[tilespmem:s20+$0xE0] =	vst v26  }
0x1c6: {  	v28 =	vadd.s32 v21, v35;
	[tilespmem:s19+$0xE0] =	vst v27  }
0x1c7: {  	v60 =	vld.idx.msk [tilespmem:v56+s9+$0x0], $0xffff  }
0x1c8: {  	v61 =	vld.idx.msk [tilespmem:v59+s9+$0x0], $0xffff  }
0x1c9: {  	v62 =	vld [tilespmem:s20+$0x20]  }
0x1ca: {  	v29 =	vld.idx.msk [tilespmem:v29+s11+$0x0], $0xffff  }
0x1cb: {  	[tilespmem:$0x1FFC0] =	vst v3;
	v3 =	vimm.s32 $0x0;
	v28 =	vld.idx.msk [tilespmem:v28+s12+$0x0], $0xffff  }
0x1cc: {  	v3 =	vsel vm13, $0xFFFFFFFF, v3;
	v63 =	vld [tilespmem:s19+$0x20];
	vm13 =	veq.s32 v60, v24  }
0x1cd: {  	vm14 =	veq.s32 v61, v24;
	v32 =	vsel vm13, $0xC0000000, v15  }
0x1ce: {  	v48 =	vsel vm14, $0xC0000000, v15;
	v32 =	vadd.f32 v32, v55  }
0x1cf: {  	v44 =	vor.u32 $0x70, v12;
	v38 =	vadd.f32 v48, v41;
	v29 =	vadd.f32 $-3.000000000e+00, v29  }
0x1d0: {  	v47 =	vadd.s32 $0x7, v22;
	v28 =	vadd.f32 $-3.000000000e+00, v28;
	v32 =	vmin.f32 v62, v32  }
0x1d1: {  	v50 =	vadd.s32 $0xB7, v22;
	v49 =	vmin.f32 v63, v38;
	v29 =	vmin.f32 v32, v29  }
0x1d2: {  	v31 =	vsel vm13, v44, v31;
	v28 =	vmin.f32 v49, v28;
	v26 =	vmin.f32 v29, v26  }
0x1d3: {  	v35 =	vsel vm14, v44, v35;
	v29 =	vadd.s32 v21, v31;
	v27 =	vmin.f32 v28, v27;
	[tilespmem:s20+$0xF0] =	vst v26  }
0x1d4: {  	v28 =	vadd.s32 v21, v35;
	[tilespmem:s19+$0xF0] =	vst v27  }
0x1d5: {  	v51 =	vld.idx.msk [tilespmem:v47+s9+$0x0], $0xffff  }
0x1d6: {  	v52 =	vld.idx.msk [tilespmem:v50+s9+$0x0], $0xffff  }
0x1d7: {  	v53 =	vld [tilespmem:s20+$0x30]  }
0x1d8: {  	v29 =	vld.idx.msk [tilespmem:v29+s11+$0x0], $0xffff  }
0x1d9: {  	v28 =	vld.idx.msk [tilespmem:v28+s12+$0x0], $0xffff  }
0x1da: {  	v54 =	vld [tilespmem:s19+$0x30];
	vm15 =	veq.s32 v51, v24  }
0x1db: {  	vm4 =	veq.s32 v52, v24;
	v32 =	vsel vm15, $0xC0000000, v15  }
0x1dc: {  	v57 =	vadd.s32 $0x8, v22;
	v56 =	vsel vm4, $0xC0000000, v15;
	v32 =	vadd.f32 v32, v62  }
0x1dd: {  	[tilespmem:$0x1FFE0] =	vst v3;
	v3 =	vld [tilespmem:$0x1FFA0];
	v55 =	vadd.s32 $0xB8, v22;
	v37 =	vadd.f32 v56, v63;
	v29 =	vadd.f32 $-3.000000000e+00, v29  }
0x1de: {  	v47 =	vor.u32 $0x80, v12;
	v28 =	vadd.f32 $-3.000000000e+00, v28;
	v32 =	vmin.f32 v53, v32  }
0x1df: {  	v31 =	vsel vm15, v47, v31;
	v58 =	vmin.f32 v54, v37;
	v29 =	vmin.f32 v32, v29  }
0x1e0: {  	v59 =	vadd.s32 v21, v31;
	v28 =	vmin.f32 v58, v28;
	v26 =	vmin.f32 v29, v26  }
0x1e1: {  	v29 =	vsel vm4, v47, v35;
	v27 =	vmin.f32 v28, v27;
	[tilespmem:s20+$0x100] =	vst v26  }
0x1e2: {  	vm5 =	vnez.u8 v3;
	v3 =	vld [tilespmem:$0x1FFB0];
	v28 =	vadd.s32 v21, v29;
	[tilespmem:s19+$0x100] =	vst v27  }
0x1e3: {  	v60 =	vld.idx.msk [tilespmem:v57+s9+$0x0], $0xffff  }
0x1e4: {  	v34 =	vld.idx.msk [tilespmem:v55+s9+$0x0], $0xffff  }
0x1e5: {  	v61 =	vld.idx.msk [tilespmem:v59+s11+$0x0], $0xffff  }
0x1e6: {  	v62 =	vld [tilespmem:s20+$0x40]  }
0x1e7: {  	v28 =	vld.idx.msk [tilespmem:v28+s12+$0x0], $0xffff  }
0x1e8: {  	v42 =	vadd.s32 $0x9, v22;
	v63 =	vld [tilespmem:s19+$0x40];
	vm3 =	veq.s32 v60, v24  }
0x1e9: {  	v46 =	vadd.s32 $0xB9, v22;
	vm2 =	veq.s32 v34, v24;
	v32 =	vsel vm3, $0xC0000000, v15  }
0x1ea: {  	v35 =	vadd.f32 $-3.000000000e+00, v61;
	v43 =	vsel vm2, $0xC0000000, v15;
	v32 =	vadd.f32 v32, v53  }
0x1eb: {  	v38 =	vadd.f32 v43, v54;
	v53 =	vsel vm5, s21, v21;
	vm5 =	vnez.u8 v3;
	v3 =	vld [tilespmem:$0x1FFC0]  }
0x1ec: {  	v50 =	vor.u32 $0x90, v12;
	v28 =	vadd.f32 $-3.000000000e+00, v28;
	v32 =	vmin.f32 v62, v32  }
0x1ed: {  	v31 =	vsel vm3, v50, v31;
	v45 =	vmin.f32 v63, v38;
	v32 =	vmin.f32 v32, v35  }
0x1ee: {  	v48 =	vadd.s32 v21, v31;
	v28 =	vmin.f32 v45, v28;
	v26 =	vmin.f32 v32, v26  }
0x1ef: {  	v29 =	vsel vm2, v50, v29;
	v27 =	vmin.f32 v28, v27;
	[tilespmem:s20+$0x110] =	vst v26  }
0x1f0: {  	v51 =	vsel vm5, s21, v21;
	v28 =	vadd.s32 v21, v29;
	vm5 =	vnez.u8 v3;
	v3 =	vld [tilespmem:$0x1FFD0];
	[tilespmem:s19+$0x110] =	vst v27  }
0x1f1: {  	v34 =	vld.idx.msk [tilespmem:v42+s9+$0x0], $0xffff  }
0x1f2: {  	v49 =	vld.idx.msk [tilespmem:v46+s9+$0x0], $0xffff  }
0x1f3: {  	v32 =	vld.idx.msk [tilespmem:v48+s11+$0x0], $0xffff  }
0x1f4: {  	v54 =	vld [tilespmem:s20+$0x50]  }
0x1f5: {  	v28 =	vld.idx.msk [tilespmem:v28+s12+$0x0], $0xffff  }
0x1f6: {  	v56 =	vld [tilespmem:s19+$0x50];
	vm0 =	veq.s32 v34, v24  }
0x1f7: {  	v52 =	vor.u32 $0xA0, v12;
	vm1 =	veq.s32 v49, v24;
	v34 =	vsel vm0, $0xC0000000, v15  }
0x1f8: {  	v60 =	vadd.s32 $0xA, v22;
	v61 =	vsel vm1, $0xC0000000, v15;
	v34 =	vadd.f32 v34, v62  }
0x1f9: {  	v48 =	vsel vm5, s21, v21;
	v32 =	vadd.f32 $-3.000000000e+00, v32;
	v37 =	vadd.f32 v61, v63  }
0x1fa: {  	vm5 =	vnez.u8 v3;
	v28 =	vadd.f32 $-3.000000000e+00, v28;
	v34 =	vmin.f32 v54, v34  }
0x1fb: {  	v63 =	vadd.s32 $0xBA, v22;
	v62 =	vmin.f32 v56, v37;
	v32 =	vmin.f32 v34, v32  }
0x1fc: {  	v31 =	vsel vm0, v52, v31;
	v57 =	vmin.f32 v32, v26;
	v26 =	vmin.f32 v62, v28  }
0x1fd: {  	v3 =	vld [tilespmem:$0x1FFE0];
	v29 =	vsel vm1, v52, v29;
	v28 =	vadd.s32 v21, v31;
	v55 =	vmin.f32 v26, v27;
	[tilespmem:s20+$0x120] =	vst v57  }
0x1fe: {  	v26 =	vadd.s32 v21, v29;
	[tilespmem:s19+$0x120] =	vst v55  }
0x1ff: {  	v27 =	vld.idx.msk [tilespmem:v60+s9+$0x0], $0xffff  }
0x200: {  	v40 =	vsel vm10, s21, v21;
	v41 =	vsel vm9, s21, v21;
	v58 =	vld.idx.msk [tilespmem:v63+s9+$0x0], $0xffff  }
0x201: {  	v43 =	vsel vm7, s21, v21;
	v38 =	vsel vm11, s21, v21;
	v45 =	vsel vm6, s21, v21;
	v61 =	vld [tilespmem:s20+$0x60]  }
0x202: {  	v35 =	vsel vm13, s21, v21;
	v49 =	vsel vm5, s21, v21;
	vm5 =	vnez.u8 v3;
	v59 =	vld.idx.msk [tilespmem:v28+s11+$0x0], $0xffff  }
0x203: {  	v42 =	vsel vm8, s21, v21;
	v46 =	vsel vm5, s21, v21;
	v37 =	vsel vm12, s21, v21;
	v60 =	vld.idx.msk [tilespmem:v26+s12+$0x0], $0xffff  }
0x204: {  	v34 =	vsel vm14, s21, v21;
	v31 =	vsel vm4, s21, v21;
	v62 =	vld [tilespmem:s19+$0x60];
	vm14 =	veq.s32 v27, v24  }
0x205: {  	v32 =	vsel vm15, s21, v21;
	vm15 =	veq.s32 v58, v24;
	v24 =	vsel vm14, $0xC0000000, v15  }
0x206: {  	p1 =	sne.s32 s22, $0x1;
	v29 =	vsel vm3, s21, v21;
	v58 =	vsel vm15, $0xC0000000, v15;
	v54 =	vadd.f32 v24, v54  }
.Ltmp6:
0x207: {  	v28 =	vsel vm2, s21, v21;
	v59 =	vadd.f32 $-3.000000000e+00, v59;
	v56 =	vadd.f32 v58, v56;
	(pc) =	sbr.rel @!p1 .LBB2_6-.Ltmp6, $4  }
0x208: {  	v26 =	vsel vm0, s21, v21;
	v58 =	vadd.f32 $-3.000000000e+00, v60;
	v60 =	vmin.f32 v61, v54  }
0x209: {  	s24 =	sadd.s32 $0x1, s17;
	v59 =	vmin.f32 v60, v59;
	v60 =	vmin.f32 v62, v56;
	v56 =	vadd.s32 v12, v53  }
0x20a: {  	s26 =	sadd.s32 $0xFFFFFFFF, s22;
	p0 =	por $0x1, $0x1;
	v27 =	vsel vm1, s21, v21;
	v24 =	vsel vm14, s21, v21;
	v54 =	vmov s24  }
0x20b: {  	s22 =	simm.s32 $0x640;
	s23 =	simm.s32 $0x10D0;
	s25 =	simm.s32 $0x10D0;
	v21 =	vsel vm15, s21, v21;
	v57 =	vmin.f32 v59, v57;
	v58 =	vmin.f32 v60, v58  }
.LBB2_7:
0x20c: {  	v59 =	vadd.s32 $0xB0, v22;
	s23 =	sadd.s32 $0xD0, s23;
	v55 =	vmin.f32 v58, v55;
	[tilespmem:s22+$0x130] =	vst v57;
	s22 =	sadd.s32 $0xD0, s22;
	s21 =	sadd.s32 $0xD0, s21  }
0x20d: {  	p1 =	sne.s32 s26, $0x1;
	s26 =	sadd.s32 $0xFFFFFFFF, s26;
	v57 =	vadd.s32 v12, v51;
	[tilespmem:s25+$0x130] =	vst v55;
	s25 =	smov.u32 s23  }
0x20e: {  	v55 =	vld.idx.msk [tilespmem:v56+s11+$0x0], $0xffff  }
0x20f: {  	v54 =	vld.idx.msk [tilespmem:v54+s2+$0x0], $0xffff  }
0x210: {  	v56 =	vld.idx.msk [tilespmem:v22+s9+$0x0], $0xffff  }
0x211: {  	v58 =	vld.idx.msk [tilespmem:v59+s9+$0x0], $0xffff  }
0x212: {  	v57 =	vld.idx.msk [tilespmem:v57+s12+$0x0], $0xffff  }
0x213: {  	v59 =	vld [tilespmem:s22+$0xFFFFFFC0]  }
0x214: {  	v60 =	vld [tilespmem:s23+$0xFFFFFFC0];
	_ =	sdelay $0x1  }
0x215: {  	v55 =	vadd.f32 $-3.000000000e+00, v55;
	vm0 =	veq.s32 v56, v54;
	v56 =	vadd.s32 $0x1, v22  }
0x216: {  	vm1 =	veq.s32 v58, v54;
	v58 =	vsel vm0, $0xC0800000, v2;
	v61 =	vsel vm0, v23, v12  }
0x217: {  	v62 =	vsel vm1, $0xC0800000, v2;
	v63 =	vsel vm1, v23, v12;
	v58 =	vmin.f32 v59, v58  }
0x218: {  	v57 =	vadd.f32 $-3.000000000e+00, v57;
	v55 =	vmin.f32 v58, v55;
	v58 =	vmin.f32 v60, v62  }
0x219: {  	v3 =	vadd.s32 v48, v63;
	v62 =	vadd.s32 $0xB1, v22;
	v55 =	vmin.f32 v55, $-2.000000000e+00  }
0x21a: {  	v53 =	vsel vm0, s21, v53;
	v51 =	vsel vm1, s21, v51;
	v57 =	vmin.f32 v58, v57;
	[tilespmem:s22+$0x90] =	vst v55  }
0x21b: {  	v58 =	vadd.s32 v49, v61;
	v57 =	vmin.f32 v57, $-2.000000000e+00  }
0x21c: {  	[tilespmem:s23+$0x90] =	vst v57  }
0x21d: {  	v56 =	vld.idx.msk [tilespmem:v56+s9+$0x0], $0xffff  }
0x21e: {  	v62 =	vld.idx.msk [tilespmem:v62+s9+$0x0], $0xffff;
	_ =	sdelay $0x1  }
0x21f: {  	v58 =	vld.idx.msk [tilespmem:v58+s11+$0x0], $0xffff  }
0x220: {  	v3 =	vld.idx.msk [tilespmem:v3+s12+$0x0], $0xffff  }
0x221: {  	v4 =	vld [tilespmem:s22+$0xFFFFFFD0]  }
0x222: {  	vm0 =	veq.s32 v56, v54;
	v5 =	vld [tilespmem:s23+$0xFFFFFFD0]  }
0x223: {  	vm1 =	veq.s32 v62, v54;
	v56 =	vsel vm0, $0xC0000000, v15;
	v61 =	vsel vm0, v25, v61  }
0x224: {  	v56 =	vadd.f32 v56, v59;
	v59 =	vsel vm1, $0xC0000000, v15;
	v62 =	vsel vm1, v25, v63  }
0x225: {  	v48 =	vsel vm1, s21, v48;
	v59 =	vadd.f32 v59, v60;
	v58 =	vadd.f32 $-3.000000000e+00, v58  }
0x226: {  	v60 =	vadd.s32 $0x2, v22;
	v3 =	vadd.f32 $-3.000000000e+00, v3;
	v56 =	vmin.f32 v4, v56  }
0x227: {  	v56 =	vmin.f32 v56, v58;
	v58 =	vmin.f32 v5, v59;
	v59 =	vadd.s32 $0xB2, v22  }
0x228: {  	v49 =	vsel vm0, s21, v49;
	v55 =	vmin.f32 v56, v55;
	v3 =	vmin.f32 v58, v3  }
0x229: {  	v56 =	vadd.s32 v46, v61;
	v3 =	vmin.f32 v3, v57;
	[tilespmem:s22+$0xA0] =	vst v55  }
0x22a: {  	v57 =	vadd.s32 v45, v62;
	[tilespmem:s23+$0xA0] =	vst v3  }
0x22b: {  	v58 =	vld.idx.msk [tilespmem:v60+s9+$0x0], $0xffff  }
0x22c: {  	v59 =	vld.idx.msk [tilespmem:v59+s9+$0x0], $0xffff;
	_ =	sdelay $0x1  }
0x22d: {  	v56 =	vld.idx.msk [tilespmem:v56+s11+$0x0], $0xffff  }
0x22e: {  	v57 =	vld.idx.msk [tilespmem:v57+s12+$0x0], $0xffff  }
0x22f: {  	v60 =	vld [tilespmem:s22+$0xFFFFFFE0]  }
0x230: {  	vm0 =	veq.s32 v58, v54;
	v63 =	vld [tilespmem:s23+$0xFFFFFFE0]  }
0x231: {  	vm1 =	veq.s32 v59, v54;
	v58 =	vsel vm0, $0xC0000000, v15;
	v59 =	vsel vm0, v30, v61  }
0x232: {  	v4 =	vadd.f32 v58, v4;
	v58 =	vsel vm1, $0xC0000000, v15;
	v61 =	vsel vm1, v30, v62  }
0x233: {  	v45 =	vsel vm1, s21, v45;
	v5 =	vadd.f32 v58, v5;
	v56 =	vadd.f32 $-3.000000000e+00, v56  }
0x234: {  	v58 =	vadd.s32 $0x3, v22;
	v57 =	vadd.f32 $-3.000000000e+00, v57;
	v4 =	vmin.f32 v60, v4  }
0x235: {  	v4 =	vmin.f32 v4, v56;
	v5 =	vmin.f32 v63, v5;
	v56 =	vadd.s32 $0xB3, v22  }
0x236: {  	v46 =	vsel vm0, s21, v46;
	v4 =	vmin.f32 v4, v55;
	v5 =	vmin.f32 v5, v57  }
0x237: {  	v3 =	vmin.f32 v5, v3;
	[tilespmem:s22+$0xB0] =	vst v4;
	v5 =	vadd.s32 v43, v59  }
0x238: {  	v55 =	vadd.s32 v42, v61;
	[tilespmem:s23+$0xB0] =	vst v3  }
0x239: {  	v57 =	vld.idx.msk [tilespmem:v58+s9+$0x0], $0xffff  }
0x23a: {  	v56 =	vld.idx.msk [tilespmem:v56+s9+$0x0], $0xffff;
	_ =	sdelay $0x1  }
0x23b: {  	v5 =	vld.idx.msk [tilespmem:v5+s11+$0x0], $0xffff  }
0x23c: {  	v55 =	vld.idx.msk [tilespmem:v55+s12+$0x0], $0xffff  }
0x23d: {  	v58 =	vld [tilespmem:s22+$0xFFFFFFF0]  }
0x23e: {  	vm0 =	veq.s32 v57, v54;
	v62 =	vld [tilespmem:s23+$0xFFFFFFF0]  }
0x23f: {  	vm1 =	veq.s32 v56, v54;
	v56 =	vsel vm0, $0xC0000000, v15;
	v57 =	vsel vm0, v33, v59  }
0x240: {  	v56 =	vadd.f32 v56, v60;
	v59 =	vsel vm1, $0xC0000000, v15;
	v60 =	vsel vm1, v33, v61  }
0x241: {  	v42 =	vsel vm1, s21, v42;
	v59 =	vadd.f32 v59, v63;
	v5 =	vadd.f32 $-3.000000000e+00, v5  }
0x242: {  	v61 =	vadd.s32 $0x4, v22;
	v55 =	vadd.f32 $-3.000000000e+00, v55;
	v56 =	vmin.f32 v58, v56  }
0x243: {  	v5 =	vmin.f32 v56, v5;
	v56 =	vmin.f32 v62, v59;
	v59 =	vadd.s32 $0xB4, v22  }
0x244: {  	v43 =	vsel vm0, s21, v43;
	v4 =	vmin.f32 v5, v4;
	v5 =	vmin.f32 v56, v55  }
0x245: {  	v3 =	vmin.f32 v5, v3;
	[tilespmem:s22+$0xC0] =	vst v4;
	v5 =	vadd.s32 v41, v57  }
0x246: {  	v55 =	vadd.s32 v40, v60;
	[tilespmem:s23+$0xC0] =	vst v3  }
0x247: {  	v56 =	vld.idx.msk [tilespmem:v61+s9+$0x0], $0xffff  }
0x248: {  	v59 =	vld.idx.msk [tilespmem:v59+s9+$0x0], $0xffff;
	_ =	sdelay $0x1  }
0x249: {  	v5 =	vld.idx.msk [tilespmem:v5+s11+$0x0], $0xffff  }
0x24a: {  	v55 =	vld.idx.msk [tilespmem:v55+s12+$0x0], $0xffff  }
0x24b: {  	v61 =	vld [tilespmem:s22+$0x0]  }
0x24c: {  	vm0 =	veq.s32 v56, v54;
	v63 =	vld [tilespmem:s23+$0x0]  }
0x24d: {  	vm1 =	veq.s32 v59, v54;
	v56 =	vsel vm0, $0xC0000000, v15;
	v57 =	vsel vm0, v36, v57  }
0x24e: {  	v56 =	vadd.f32 v56, v58;
	v58 =	vsel vm1, $0xC0000000, v15;
	v59 =	vsel vm1, v36, v60  }
0x24f: {  	v40 =	vsel vm1, s21, v40;
	v58 =	vadd.f32 v58, v62;
	v5 =	vadd.f32 $-3.000000000e+00, v5  }
0x250: {  	v60 =	vadd.s32 $0x5, v22;
	v55 =	vadd.f32 $-3.000000000e+00, v55;
	v56 =	vmin.f32 v61, v56  }
0x251: {  	v5 =	vmin.f32 v56, v5;
	v56 =	vmin.f32 v63, v58;
	v58 =	vadd.s32 $0xB5, v22  }
0x252: {  	v41 =	vsel vm0, s21, v41;
	v4 =	vmin.f32 v5, v4;
	v5 =	vmin.f32 v56, v55  }
0x253: {  	v3 =	vmin.f32 v5, v3;
	[tilespmem:s22+$0xD0] =	vst v4;
	v5 =	vadd.s32 v38, v57  }
0x254: {  	v55 =	vadd.s32 v37, v59;
	[tilespmem:s23+$0xD0] =	vst v3  }
0x255: {  	v56 =	vld.idx.msk [tilespmem:v60+s9+$0x0], $0xffff  }
0x256: {  	v58 =	vld.idx.msk [tilespmem:v58+s9+$0x0], $0xffff;
	_ =	sdelay $0x1  }
0x257: {  	v5 =	vld.idx.msk [tilespmem:v5+s11+$0x0], $0xffff  }
0x258: {  	v55 =	vld.idx.msk [tilespmem:v55+s12+$0x0], $0xffff  }
0x259: {  	v60 =	vld [tilespmem:s22+$0x10]  }
0x25a: {  	vm0 =	veq.s32 v56, v54;
	v56 =	vadd.s32 $0x6, v22;
	v62 =	vld [tilespmem:s23+$0x10]  }
0x25b: {  	vm1 =	veq.s32 v58, v54;
	v58 =	vsel vm0, $0xC0000000, v15;
	v57 =	vsel vm0, v39, v57  }
0x25c: {  	v58 =	vadd.f32 v58, v61;
	v61 =	vsel vm1, $0xC0000000, v15;
	v59 =	vsel vm1, v39, v59  }
0x25d: {  	v37 =	vsel vm1, s21, v37;
	v61 =	vadd.f32 v61, v63;
	v5 =	vadd.f32 $-3.000000000e+00, v5  }
0x25e: {  	v38 =	vsel vm0, s21, v38;
	v55 =	vadd.f32 $-3.000000000e+00, v55;
	v58 =	vmin.f32 v60, v58  }
0x25f: {  	v5 =	vmin.f32 v58, v5;
	v58 =	vmin.f32 v62, v61;
	v61 =	vadd.s32 $0xB6, v22  }
0x260: {  	v4 =	vmin.f32 v5, v4;
	v5 =	vmin.f32 v58, v55;
	v55 =	vadd.s32 v35, v57  }
0x261: {  	v3 =	vmin.f32 v5, v3;
	[tilespmem:s22+$0xE0] =	vst v4;
	v5 =	vadd.s32 v34, v59  }
0x262: {  	[tilespmem:s23+$0xE0] =	vst v3  }
0x263: {  	v56 =	vld.idx.msk [tilespmem:v56+s9+$0x0], $0xffff  }
0x264: {  	v58 =	vld.idx.msk [tilespmem:v61+s9+$0x0], $0xffff  }
0x265: {  	v55 =	vld.idx.msk [tilespmem:v55+s11+$0x0], $0xffff  }
0x266: {  	v5 =	vld.idx.msk [tilespmem:v5+s12+$0x0], $0xffff;
	_ =	sdelay $0x1  }
0x267: {  	v61 =	vld [tilespmem:s22+$0x20]  }
0x268: {  	vm0 =	veq.s32 v56, v54;
	v56 =	vadd.s32 $0x7, v22;
	v63 =	vld [tilespmem:s23+$0x20]  }
0x269: {  	vm1 =	veq.s32 v58, v54;
	v58 =	vsel vm0, $0xC0000000, v15;
	v57 =	vsel vm0, v44, v57  }
0x26a: {  	v58 =	vadd.f32 v58, v60;
	v60 =	vsel vm1, $0xC0000000, v15;
	v59 =	vsel vm1, v44, v59  }
0x26b: {  	v55 =	vadd.f32 $-3.000000000e+00, v55;
	v34 =	vsel vm1, s21, v34;
	v60 =	vadd.f32 v60, v62  }
0x26c: {  	v35 =	vsel vm0, s21, v35;
	v5 =	vadd.f32 $-3.000000000e+00, v5;
	v58 =	vmin.f32 v61, v58  }
0x26d: {  	v55 =	vmin.f32 v58, v55;
	v58 =	vmin.f32 v63, v60;
	v60 =	vadd.s32 $0xB7, v22  }
0x26e: {  	v4 =	vmin.f32 v55, v4;
	v5 =	vmin.f32 v58, v5;
	v55 =	vadd.s32 v32, v57  }
0x26f: {  	v3 =	vmin.f32 v5, v3;
	[tilespmem:s22+$0xF0] =	vst v4;
	v5 =	vadd.s32 v31, v59  }
0x270: {  	[tilespmem:s23+$0xF0] =	vst v3;
	v58 =	vld [tilespmem:s23+$0x30]  }
0x271: {  	v56 =	vld.idx.msk [tilespmem:v56+s9+$0x0], $0xffff  }
0x272: {  	v60 =	vld.idx.msk [tilespmem:v60+s9+$0x0], $0xffff  }
0x273: {  	v55 =	vld.idx.msk [tilespmem:v55+s11+$0x0], $0xffff  }
0x274: {  	v5 =	vld.idx.msk [tilespmem:v5+s12+$0x0], $0xffff  }
0x275: {  	v62 =	vld [tilespmem:s22+$0x30];
	_ =	sdelay $0x1  }
0x276: {  	vm0 =	veq.s32 v56, v54;
	v56 =	vadd.s32 $0xB8, v22  }
0x277: {  	vm1 =	veq.s32 v60, v54;
	v60 =	vsel vm0, $0xC0000000, v15;
	v57 =	vsel vm0, v47, v57  }
0x278: {  	v60 =	vadd.f32 v60, v61;
	v61 =	vsel vm1, $0xC0000000, v15;
	v31 =	vsel vm1, s21, v31  }
0x279: {  	v32 =	vsel vm0, s21, v32;
	v55 =	vadd.f32 $-3.000000000e+00, v55;
	v61 =	vadd.f32 v61, v63  }
0x27a: {  	v5 =	vadd.f32 $-3.000000000e+00, v5;
	v63 =	vadd.s32 $0x8, v22;
	v60 =	vmin.f32 v62, v60  }
0x27b: {  	v55 =	vmin.f32 v60, v55;
	v60 =	vmin.f32 v58, v61;
	v61 =	vadd.s32 v29, v57  }
0x27c: {  	v4 =	vmin.f32 v55, v4;
	v5 =	vmin.f32 v60, v5;
	v55 =	vsel vm1, v47, v59  }
0x27d: {  	v3 =	vmin.f32 v5, v3;
	v5 =	vadd.s32 v28, v55;
	[tilespmem:s22+$0x100] =	vst v4  }
0x27e: {  	[tilespmem:s23+$0x100] =	vst v3;
	v59 =	vld [tilespmem:s23+$0x40]  }
0x27f: {  	v60 =	vld.idx.msk [tilespmem:v63+s9+$0x0], $0xffff  }
0x280: {  	v56 =	vld.idx.msk [tilespmem:v56+s9+$0x0], $0xffff  }
0x281: {  	v61 =	vld.idx.msk [tilespmem:v61+s11+$0x0], $0xffff  }
0x282: {  	v5 =	vld.idx.msk [tilespmem:v5+s12+$0x0], $0xffff  }
0x283: {  	v63 =	vld [tilespmem:s22+$0x40];
	_ =	sdelay $0x1  }
0x284: {  	vm0 =	veq.s32 v60, v54;
	v60 =	vadd.s32 $0x9, v22  }
0x285: {  	vm1 =	veq.s32 v56, v54;
	v56 =	vsel vm0, $0xC0000000, v15;
	v57 =	vsel vm0, v50, v57  }
0x286: {  	v56 =	vadd.f32 v56, v62;
	v62 =	vsel vm1, $0xC0000000, v15;
	v55 =	vsel vm1, v50, v55  }
0x287: {  	v61 =	vadd.f32 $-3.000000000e+00, v61;
	v28 =	vsel vm1, s21, v28;
	v58 =	vadd.f32 v62, v58  }
0x288: {  	v29 =	vsel vm0, s21, v29;
	v5 =	vadd.f32 $-3.000000000e+00, v5;
	v56 =	vmin.f32 v63, v56  }
0x289: {  	v56 =	vmin.f32 v56, v61;
	v58 =	vmin.f32 v59, v58;
	v61 =	vadd.s32 $0xB9, v22  }
0x28a: {  	v4 =	vmin.f32 v56, v4;
	v5 =	vmin.f32 v58, v5;
	v56 =	vadd.s32 v26, v57  }
0x28b: {  	v3 =	vmin.f32 v5, v3;
	v5 =	vadd.s32 v27, v55;
	[tilespmem:s22+$0x110] =	vst v4  }
0x28c: {  	[tilespmem:s23+$0x110] =	vst v3;
	v58 =	vld [tilespmem:s23+$0x50]  }
0x28d: {  	v60 =	vld.idx.msk [tilespmem:v60+s9+$0x0], $0xffff  }
0x28e: {  	v61 =	vld.idx.msk [tilespmem:v61+s9+$0x0], $0xffff  }
0x28f: {  	v56 =	vld.idx.msk [tilespmem:v56+s11+$0x0], $0xffff  }
0x290: {  	v5 =	vld.idx.msk [tilespmem:v5+s12+$0x0], $0xffff  }
0x291: {  	v62 =	vld [tilespmem:s22+$0x50];
	_ =	sdelay $0x1  }
0x292: {  	vm0 =	veq.s32 v60, v54;
	v60 =	vadd.s32 $0xA, v22  }
0x293: {  	vm1 =	veq.s32 v61, v54;
	v61 =	vsel vm0, $0xC0000000, v15;
	v57 =	vsel vm0, v52, v57  }
0x294: {  	v61 =	vadd.f32 v61, v63;
	v63 =	vsel vm1, $0xC0000000, v15;
	v56 =	vadd.f32 $-3.000000000e+00, v56  }
0x295: {  	v59 =	vadd.f32 v63, v59;
	v5 =	vadd.f32 $-3.000000000e+00, v5;
	v63 =	vsel vm1, v52, v55  }
0x296: {  	v26 =	vsel vm0, s21, v26;
	v27 =	vsel vm1, s21, v27;
	v55 =	vmin.f32 v62, v61  }
0x297: {  	v55 =	vmin.f32 v55, v56;
	v56 =	vmin.f32 v58, v59;
	v59 =	vadd.s32 $0xBA, v22  }
0x298: {  	v4 =	vmin.f32 v55, v4;
	v5 =	vmin.f32 v56, v5;
	v56 =	vadd.s32 v24, v57  }
0x299: {  	v55 =	vmin.f32 v5, v3;
	v3 =	vadd.s32 v21, v63;
	[tilespmem:s22+$0x120] =	vst v4  }
0x29a: {  	[tilespmem:s23+$0x120] =	vst v55;
	v5 =	vld [tilespmem:s23+$0x60]  }
0x29b: {  	v57 =	vld.idx.msk [tilespmem:v60+s9+$0x0], $0xffff  }
0x29c: {  	v59 =	vld.idx.msk [tilespmem:v59+s9+$0x0], $0xffff  }
0x29d: {  	v56 =	vld.idx.msk [tilespmem:v56+s11+$0x0], $0xffff  }
0x29e: {  	v3 =	vld.idx.msk [tilespmem:v3+s12+$0x0], $0xffff  }
0x29f: {  	v60 =	vld [tilespmem:s22+$0x60];
	_ =	sdelay $0x1  }
0x2a0: {  	vm0 =	veq.s32 v57, v54  }
0x2a1: {  	vm1 =	veq.s32 v59, v54;
	v54 =	vsel vm0, $0xC0000000, v15;
	v24 =	vsel vm0, s21, v24  }
.Ltmp7:
0x2a2: {  	v57 =	vadd.f32 v54, v62;
	v54 =	vsel vm1, $0xC0000000, v15;
	v59 =	vadd.f32 $-3.000000000e+00, v56;
	(pc) =	sbr.rel @p1 .LBB2_7-.Ltmp7, $4  }
0x2a3: {  	s24 =	sadd.s32 $0x1, s24;
	v21 =	vsel vm1, s21, v21;
	v58 =	vadd.f32 v54, v58;
	v3 =	vadd.f32 $-3.000000000e+00, v3  }
0x2a4: {  	v56 =	vadd.s32 v12, v53;
	v54 =	vmov s24;
	v57 =	vmin.f32 v60, v57  }
0x2a5: {  	v57 =	vmin.f32 v57, v59;
	v5 =	vmin.f32 v5, v58  }
0x2a6: {  	v57 =	vmin.f32 v57, v4;
	v58 =	vmin.f32 v5, v3  }
.Ltmp8:
0x2a7: {  	_ = 	snop;
	(pc) =	sbr.rel .LBB2_8-.Ltmp8, $1  }
0x2a8: {  	_ =	sdelay $0x3  }
.LBB2_6:
.Ltmp9:
0x2a9: {  	(pc) =	sbr.rel .LBB2_8-.Ltmp9, $2  }
0x2aa: {  	_ =	sdelay $0x2  }
0x2ab: {  	s22 =	simm.s32 $0x640;
	s23 =	simm.s32 $0x10D0;
	s25 =	simm.s32 $0x10D0  }
.LBB2_11:
0x2ac: {  	_ =	sfence.sel $0x180000  }
0x2ad: {  	[bflag:$0x0] =	sbarrier.arrive $0xFFFF  }
0x2ae: {  	p0 =	sne.s32 s1, $0x0;
	_ =	strace $0x90000047  }
0x2af: {  	s0 =	sadd.s32 @!p0 $0x100000, s0;
	[bflag:$0x2] =	sbarrier.arrive $0xFFFF  }
0x2b0: {  	[sflag:s0] =	ssyncadd.tile.s32 @!p0 $0x1;
	_ =	shalt  }
.Lfunc_end2:
_tile_overlayer_lowered:
.L_overlay_start_2:
0x2b1: {  	(tag) =	ssettag $0x2  }
0x2b2: {  	s0 =	rddreg [dreg:$0x0];
	s2 =	stileid.u32  }
0x2b3: {  	s1 =	rddreg [dreg:$0x1];
	p0 =	sne.s32 s2, $0x0  }
0x2b4: {  	s3 =	rddreg [dreg:$0x2];
	[bflag:$0x3] =	sbarrier.arrive $0xFFFF;
	s2 =	simm.s32 @!p0 $0x1C01  }
0x2b5: {  	[timem:s3], [sflag:s2] =	dma.local @!p0 [hbm:s0], s1  }
0x2b6: {  	s0 =	simm.s32 @!p0 $0x1  }
0x2b7: {  	_ =	swait.ge @!p0 [sflag:s0], s1  }
0x2b8: {  	s1 =	ssub.s32 @!p0 $0x0, s1;
	[sflag:s0] =	ssyncset.done @!p0 $0x0  }
0x2b9: {  	[sflag:s0] =	ssyncadd.s32 @!p0 s1  }
0x2ba: {  	[bflag:$0x3] =	sbarrier.arrive $0xFFFF  }
0x2bb: {  	_ =	shalt  }

</sc_bundles>
